<compile_context>
chip_gen: v7x
topology: tpu7x:2x2x1
jax: 0.10.2.dev20260603
libtpu: 0.0.44.dev20260713+nightly
codegen_flags: <defaults>
</compile_context>

<pallas_src>
import functools

import jax
import jax.numpy as jnp
from jax import lax
from jax.experimental import pallas as pl
from jax.experimental.pallas import tpu as pltpu
from jax.experimental.pallas import tpu_sc as plsc

_NC, _NS = 2, 16
_NW = _NC * _NS
_CHUNK = 128
_CW = 8

_SC_PARAMS = dict(
    compiler_params=pltpu.CompilerParams(use_tc_tiling_on_sc=False))


def _sc_mesh():
    return plsc.VectorSubcoreMesh(
        core_axis_name="c", subcore_axis_name="s",
        num_cores=_NC, num_subcores=_NS)


def _make_counts(n_pad, e_pad):
    eps = e_pad // _NS
    ch = eps // _CHUNK
    chc = ch // _NC
    rpt = n_pad // _NS

    @functools.partial(
        pl.kernel,
        out_type=jax.ShapeDtypeStruct((2 * n_pad, _CW), jnp.float32),
        mesh=_sc_mesh(),
        scratch_types=[
            pltpu.VMEM((chc, _CHUNK), jnp.int32),
            pltpu.VMEM((_CHUNK, _CW), jnp.float32),
            pltpu.VMEM_SHARED((n_pad, _CW), jnp.float32),
            pltpu.SemaphoreType.DMA,
        ],
        **_SC_PARAMS,
    )
    def ck(dst_hbm, ones_hbm, zeros_hbm, out_hbm, idx_v, ones_v, acc_sh, sem):
        c = lax.axis_index("c")
        s = lax.axis_index("s")
        pltpu.sync_copy(
            zeros_hbm.at[pl.ds(s * rpt, rpt), pl.ds(0, _CW)],
            acc_sh.at[pl.ds(s * rpt, rpt)],
        )
        pltpu.sync_copy(dst_hbm.at[s].at[pl.ds(c * chc, chc)], idx_v)
        pltpu.sync_copy(ones_hbm, ones_v)
        plsc.subcore_barrier()
        adds = [
            pltpu.async_copy(ones_v, acc_sh.at[idx_v.at[j]], sem, add=True)
            for j in range(chc)
        ]
        for cp in adds:
            cp.wait()
        plsc.subcore_barrier()
        pltpu.sync_copy(
            acc_sh.at[pl.ds(s * rpt, rpt)],
            out_hbm.at[pl.ds(c * n_pad + s * rpt, rpt)],
        )

    return ck


def _make_gather(n_nodes, d, e_pad):
    epw = e_pad // _NW
    ch = epw // _CHUNK

    @functools.partial(
        pl.kernel,
        out_type=jax.ShapeDtypeStruct((e_pad, d), jnp.float32),
        mesh=_sc_mesh(),
        scratch_types=[
            pltpu.VMEM((ch, _CHUNK), jnp.int32),
            pltpu.VMEM((epw, d), jnp.float32),
            pltpu.SemaphoreType.DMA,
            pltpu.SemaphoreType.DMA,
        ],
        **_SC_PARAMS,
    )
    def gk(x_hbm, src_hbm, out_hbm, idx_v, rows_v, sem, wsem):
        wid = lax.axis_index("s") * _NC + lax.axis_index("c")
        pltpu.sync_copy(src_hbm.at[wid], idx_v)
        cps = [
            pltpu.async_copy(
                x_hbm.at[idx_v.at[j]],
                rows_v.at[pl.ds(j * _CHUNK, _CHUNK)],
                sem,
            )
            for j in range(ch)
        ]
        wcps = []
        for j in range(ch):
            cps[j].wait()
            wcps.append(pltpu.async_copy(
                rows_v.at[pl.ds(j * _CHUNK, _CHUNK)],
                out_hbm.at[pl.ds(wid * epw + j * _CHUNK, _CHUNK)],
                wsem,
            ))
        for cp in wcps:
            cp.wait()

    return gk


def _make_scatter(n_pad, d, e_pad):
    hw = d // 2
    eps = e_pad // _NS
    ch = eps // _CHUNK
    rpt = n_pad // _NS

    @functools.partial(
        pl.kernel,
        out_type=jax.ShapeDtypeStruct((n_pad, d), jnp.float32),
        mesh=_sc_mesh(),
        scratch_types=[
            pltpu.VMEM((ch, _CHUNK), jnp.int32),
            pltpu.VMEM((eps, hw), jnp.float32),
            pltpu.VMEM_SHARED((n_pad, hw), jnp.float32),
            pltpu.SemaphoreType.DMA,
        ],
        **_SC_PARAMS,
    )
    def sk(msg_hbm, dst_hbm, zeros_hbm, out_hbm, idx_v, msg_v, acc_sh, sem):
        c = lax.axis_index("c")
        s = lax.axis_index("s")
        pltpu.sync_copy(
            zeros_hbm.at[pl.ds(s * rpt, rpt)], acc_sh.at[pl.ds(s * rpt, rpt)]
        )
        pltpu.sync_copy(dst_hbm.at[s], idx_v)
        pltpu.sync_copy(
            msg_hbm.at[pl.ds(s * eps, eps), pl.ds(c * hw, hw)], msg_v
        )
        plsc.subcore_barrier()
        adds = [
            pltpu.async_copy(
                msg_v.at[pl.ds(j * _CHUNK, _CHUNK)],
                acc_sh.at[idx_v.at[j]],
                sem,
                add=True,
            )
            for j in range(ch)
        ]
        for cp in adds:
            cp.wait()
        plsc.subcore_barrier()
        pltpu.sync_copy(
            acc_sh.at[pl.ds(s * rpt, rpt)],
            out_hbm.at[pl.ds(s * rpt, rpt), pl.ds(c * hw, hw)],
        )

    return sk


def _make_edge_matmul(e_pad, d, f, bs):
    k = f * d + d

    def body(xj_ref, ea_ref, w2_ref, exp_ref, o_ref, u_ref, eexp_ref):
        eexp_ref[...] = jnp.dot(
            ea_ref[...], exp_ref[...],
            preferred_element_type=jnp.float32,
            precision=lax.Precision.DEFAULT,
        )
        xj = xj_ref[...]
        for j in range(f):
            u_ref[:, j * d:(j + 1) * d] = (
                eexp_ref[:, j * d:(j + 1) * d] * xj
            ).astype(jnp.bfloat16)
        u_ref[:, f * d:] = xj.astype(jnp.bfloat16)
        o_ref[...] = jnp.dot(
            u_ref[...], w2_ref[...],
            preferred_element_type=jnp.float32,
            precision=lax.Precision.DEFAULT,
        )

    return pl.pallas_call(
        body,
        grid=(e_pad // bs,),
        in_specs=[
            pl.BlockSpec((bs, d), lambda i: (i, 0)),
            pl.BlockSpec((bs, f), lambda i: (i, 0)),
            pl.BlockSpec((k, d), lambda i: (0, 0)),
            pl.BlockSpec((f, f * d), lambda i: (0, 0)),
        ],
        out_specs=pl.BlockSpec((bs, d), lambda i: (i, 0)),
        out_shape=jax.ShapeDtypeStruct((e_pad, d), jnp.float32),
        scratch_shapes=[
            pltpu.VMEM((bs, k), jnp.bfloat16),
            pltpu.VMEM((bs, f * d), jnp.float32),
        ],
    )


def _make_combine(n_nodes, n_pad, d, blk):

    def body(p_ref, inv_ref, x_ref, rt_ref, bs_ref, a_ref, o_ref):
        y = p_ref[...] * inv_ref[:, :1]
        y = y + jnp.dot(
            x_ref[...], rt_ref[...],
            preferred_element_type=jnp.float32,
            precision=lax.Precision.DEFAULT,
        )
        y = y + bs_ref[...]
        a = a_ref[0, 0]
        o_ref[...] = jnp.where(y >= 0, y, a * y)

    return pl.pallas_call(
        body,
        grid=(n_nodes // blk,),
        in_specs=[
            pl.BlockSpec((blk, d), lambda i: (i, 0)),
            pl.BlockSpec((blk, _CW), lambda i: (i, 0)),
            pl.BlockSpec((blk, d), lambda i: (i, 0)),
            pl.BlockSpec((d, d), lambda i: (0, 0)),
            pl.BlockSpec((1, d), lambda i: (0, 0)),
            pl.BlockSpec((1, 1), lambda i: (0, 0)),
        ],
        out_specs=pl.BlockSpec((blk, d), lambda i: (i, 0)),
        out_shape=jax.ShapeDtypeStruct((n_nodes, d), jnp.float32),
    )


def kernel(x, edge_index, edge_attr, num_hops,
           nn_W0, nn_b0, root0, bias0, nn_W1, nn_b1, root1, bias1, prelu_a):
    n, d = x.shape
    e = edge_index.shape[1]
    f = edge_attr.shape[1]
    bs = 4096
    blk = 1000
    e_pad = -(-e // (_NW * _CHUNK)) * (_NW * _CHUNK)
    n_pad = n + 400

    src = edge_index[0]
    dst = edge_index[1]
    pad_e = e_pad - e
    src_r = jnp.concatenate(
        [src, jnp.zeros((pad_e,), jnp.int32)]).reshape(_NW, -1, _CHUNK)
    dst_r = jnp.concatenate(
        [dst, jnp.full((pad_e,), n, jnp.int32)]).reshape(_NS, -1, _CHUNK)
    ea_p = jnp.concatenate(
        [edge_attr, jnp.zeros((pad_e, f), jnp.float32)], axis=0)
    zeros = jnp.zeros((n_pad, d // 2), jnp.float32)
    ones = jnp.ones((_CHUNK, _CW), jnp.float32)
    expm = jnp.kron(jnp.eye(f, dtype=jnp.float32),
                    jnp.ones((1, d), jnp.float32))

    counts_k = _make_counts(n_pad, e_pad)
    gather = _make_gather(n, d, e_pad)
    edge_mm = _make_edge_matmul(e_pad, d, f, bs)
    scatter = _make_scatter(n_pad, d, e_pad)
    combine = _make_combine(n, n_pad, d, blk)

    cnts = counts_k(dst_r, ones, zeros)
    inv = 1.0 / jnp.maximum(cnts[:n] + cnts[n_pad:n_pad + n], 1.0)
    a_r = prelu_a.reshape(1, 1).astype(jnp.float32)

    def make_hop(w2cat, rt, bs_r):
        def hop(_, xc):
            xj = gather(xc, src_r)
            msg = edge_mm(xj, ea_p, w2cat, expm)
            pcat = scatter(msg, dst_r, zeros)
            return combine(pcat, inv, xc, rt, bs_r, a_r)
        return hop

    for (nW, nb, rt, bv) in ((nn_W0, nn_b0, root0, bias0),
                             (nn_W1, nn_b1, root1, bias1)):
        w2cat = jnp.concatenate(
            [nW.reshape(f * d, d), nb.reshape(d, d)], axis=0
        ).astype(jnp.bfloat16)
        x = lax.fori_loop(0, num_hops, make_hop(w2cat, rt, bv.reshape(1, d)), x)
    return x

# --- scband reference (transcript-rebuilt; emitter-appended) ---
"""Pipeline reference for scband-dy-mpnn-56349970923733 (READ-ONLY COPY).

The authoritative reference and input builder live on the scoring server;
editing this copy changes nothing except your own understanding.
"""

import jax, jax.numpy as jnp
import numpy as np

N = 20000
E = 40000
D = 64
F_BOND = 16


def setup_inputs(seed: int = 0) -> dict:
    key = jax.random.key(seed)
    ks = jax.random.split(key, 16)
    inp = {}
    inp["x"] = jax.random.normal(ks[0], (N, D), dtype=jnp.float32)
    inp["edge_index"] = jax.random.randint(ks[1], (2, E), 0, N, dtype=jnp.int32)
    inp["edge_attr"] = jax.random.normal(ks[2], (E, F_BOND), dtype=jnp.float32)
    inp["num_hops"] = 1
    # learned params: per-layer edge-network Linear(F_BOND -> D*D), NNConv root weight and bias
    s_nn = 1.0 / np.sqrt(F_BOND)
    s_rt = 1.0 / np.sqrt(D)
    inp["nn_W0"] = jax.random.normal(ks[3], (F_BOND, D * D), dtype=jnp.float32) * s_nn * 0.1
    inp["nn_b0"] = jnp.zeros((D * D,), dtype=jnp.float32)
    inp["root0"] = jax.random.normal(ks[4], (D, D), dtype=jnp.float32) * s_rt
    inp["bias0"] = jnp.zeros((D,), dtype=jnp.float32)
    inp["nn_W1"] = jax.random.normal(ks[5], (F_BOND, D * D), dtype=jnp.float32) * s_nn * 0.1
    inp["nn_b1"] = jnp.zeros((D * D,), dtype=jnp.float32)
    inp["root1"] = jax.random.normal(ks[6], (D, D), dtype=jnp.float32) * s_rt
    inp["bias1"] = jnp.zeros((D,), dtype=jnp.float32)
    inp["prelu_a"] = jnp.asarray(0.25, dtype=jnp.float32)
    return inp


def reference(x, edge_index, edge_attr, num_hops, nn_W0, nn_b0, root0, bias0, nn_W1, nn_b1, root1, bias1, prelu_a):
    # dyMPNN forward: for each NNConv layer, repeat num_hops times:
    #   x = Dropout(PReLU(NNConv(x, edge_index, edge_attr)))  (dropout p=0.0 -> identity)
    # NNConv (aggr='mean'): per-edge weight W_e = nn(edge_attr).reshape(in, out);
    #   msg_e = x[src_e] @ W_e; aggr_i = mean_{e: dst_e = i} msg_e; out = aggr + x @ root + bias
    src = edge_index[0]
    dst = edge_index[1]
    n = x.shape[0]
    ones = jnp.ones((edge_index.shape[1],), dtype=x.dtype)
    counts = jax.ops.segment_sum(ones, dst, num_segments=n)
    denom = jnp.clip(counts, 1.0, None)[:, None]
    layers = [(nn_W0, nn_b0, root0, bias0), (nn_W1, nn_b1, root1, bias1)]
    for (nW, nb, rt, bs) in layers:
        def hop_body(_, xc):
            W = (edge_attr @ nW + nb).reshape(-1, xc.shape[1], rt.shape[1])
            x_j = xc[src]
            msg = jnp.einsum('ei,eio->eo', x_j, W)
            aggr = jax.ops.segment_sum(msg, dst, num_segments=n) / denom
            out = aggr + xc @ rt + bs
            return jnp.where(out >= 0, out, prelu_a * out)  # PReLU (shared param)
        x = jax.lax.fori_loop(0, num_hops, hop_body, x)
    return x

if __name__ == "__main__":
    import jax
    _d = setup_inputs()
    print(jax.jit(kernel)(*tuple(_d.values())))

</pallas_src>

<mosaic_0001>
#map = affine_map<(d0, d1) -> (0, 0, 0)>
#map1 = affine_map<(d0, d1) -> (0, 0)>
module attributes {stable_mosaic.version = 14 : i64} {
  func.func @ck(%arg0: i32, %arg1: i32, %arg2: memref<16x20x128xi32, #tpu.memory_space<hbm>>, %arg3: memref<128x8xf32, #tpu.memory_space<hbm>>, %arg4: memref<20400x32xf32, #tpu.memory_space<hbm>>, %arg5: memref<40800x8xf32, #tpu.memory_space<hbm>>, %arg6: memref<10x128xi32, #tpu.memory_space<vmem>>, %arg7: memref<128x8xf32, #tpu.memory_space<vmem>>, %arg8: memref<20400x8xf32, #tpu.memory_space<vmem_shared>>, %arg9: memref<!tpu.dma_semaphore, #tpu.memory_space<semaphore_mem>>) attributes {dimension_semantics = [#tpu.dimension_semantics<core_parallel>, #tpu.dimension_semantics<subcore_parallel>], iteration_bounds = array<i64: 2, 16>, scalar_prefetch = 0 : i64, scratch_operands = 4 : i64, tpu.core_type = #tpu.core_type<sc_vector_subcore>, window_params = [{transform_indices = #map}, {transform_indices = #map1}, {transform_indices = #map1}, {transform_indices = #map1}]} {
    %mul3A = arith.constant 1275 : i32
    %mul3A_0 = arith.muli %arg1, %mul3A : i32
    %mul3A_1 = arith.constant 1275 : i32
    %mul3A_2 = arith.muli %arg1, %mul3A_1 : i32
    "tpu.region"() ({
      %run_scoped3A = tpu.sem_alloc : memref<!tpu.dma_semaphore, #tpu.memory_space<semaphore_mem>>
      %dma_start3A_150 = arith.constant 0 : i32
      %dma_start3A_151 = tpu.memref_slice %arg8[%mul3A_2, %dma_start3A_150] : memref<20400x8xf32, #tpu.memory_space<vmem_shared>> -> memref<1275x8xf32, #tpu.memory_space<vmem_shared>>
      %dma_start3A_152 = arith.constant 0 : i32
      %dma_start3A_153 = tpu.memref_slice %arg4[%mul3A_0, %dma_start3A_152] : memref<20400x32xf32, #tpu.memory_space<hbm>> -> memref<1275x8xf32, #tpu.memory_space<hbm>>
      tpu.enqueue_dma source(%dma_start3A_153 : memref<1275x8xf32, #tpu.memory_space<hbm>>) target(%dma_start3A_151 : memref<1275x8xf32, #tpu.memory_space<vmem_shared>>) target_semaphore(%run_scoped3A : memref<!tpu.dma_semaphore, #tpu.memory_space<semaphore_mem>>)
      %dma_wait3A_154 = arith.constant 0 : i32
      %dma_wait3A_155 = tpu.memref_slice %arg8[%mul3A_2, %dma_wait3A_154] : memref<20400x8xf32, #tpu.memory_space<vmem_shared>> -> memref<1275x8xf32, #tpu.memory_space<vmem_shared>>
      %dma_wait3A_156 = arith.constant 0 : i32
      %dma_wait3A_157 = tpu.memref_slice %arg4[%mul3A_0, %dma_wait3A_156] : memref<20400x32xf32, #tpu.memory_space<hbm>> -> memref<1275x8xf32, #tpu.memory_space<hbm>>
      tpu.wait_dma2 semaphore(%run_scoped3A : memref<!tpu.dma_semaphore, #tpu.memory_space<semaphore_mem>>) src(%dma_wait3A_157 : memref<1275x8xf32, #tpu.memory_space<hbm>>) dst(%dma_wait3A_155 : memref<1275x8xf32, #tpu.memory_space<vmem_shared>>)
      tpu.yield
    }) : () -> ()
    %mul3A_3 = arith.constant 10 : i32
    %mul3A_4 = arith.muli %arg0, %mul3A_3 : i32
    "tpu.region"() ({
      %run_scoped3A = tpu.sem_alloc : memref<!tpu.dma_semaphore, #tpu.memory_space<semaphore_mem>>
      %dma_start3A_150 = arith.constant 0 : i32
      %dma_start3A_151 = arith.constant 0 : i32
      %dma_start3A_152 = tpu.memref_slice %arg2[%arg1, %dma_start3A_150, %dma_start3A_151] : memref<16x20x128xi32, #tpu.memory_space<hbm>> -> memref<1x20x128xi32, #tpu.memory_space<hbm>>
      %dma_start3A_153 = tpu.memref_squeeze %dma_start3A_152 : memref<1x20x128xi32, #tpu.memory_space<hbm>> -> memref<20x128xi32, #tpu.memory_space<hbm>>
      %dma_start3A_154 = arith.constant 0 : i32
      %dma_start3A_155 = tpu.memref_slice %dma_start3A_153[%mul3A_4, %dma_start3A_154] : memref<20x128xi32, #tpu.memory_space<hbm>> -> memref<10x128xi32, #tpu.memory_space<hbm>>
      %dma_start3A_156 = arith.constant 0 : i32
      %dma_start3A_157 = arith.constant 0 : i32
      %dma_start3A_158 = tpu.memref_slice %arg2[%arg1, %dma_start3A_156, %dma_start3A_157] : memref<16x20x128xi32, #tpu.memory_space<hbm>> -> memref<1x20x128xi32, #tpu.memory_space<hbm>>
      %dma_start3A_159 = tpu.memref_squeeze %dma_start3A_158 : memref<1x20x128xi32, #tpu.memory_space<hbm>> -> memref<20x128xi32, #tpu.memory_space<hbm>>
      %dma_start3A_160 = arith.constant 0 : i32
      %dma_start3A_161 = tpu.memref_slice %dma_start3A_159[%mul3A_4, %dma_start3A_160] : memref<20x128xi32, #tpu.memory_space<hbm>> -> memref<10x128xi32, #tpu.memory_space<hbm>>
      tpu.enqueue_dma source(%dma_start3A_161 : memref<10x128xi32, #tpu.memory_space<hbm>>) target(%arg6 : memref<10x128xi32, #tpu.memory_space<vmem>>) target_semaphore(%run_scoped3A : memref<!tpu.dma_semaphore, #tpu.memory_space<semaphore_mem>>)
      %dma_wait3A_162 = arith.constant 0 : i32
      %dma_wait3A_163 = arith.constant 0 : i32
      %dma_wait3A_164 = tpu.memref_slice %arg2[%arg1, %dma_wait3A_162, %dma_wait3A_163] : memref<16x20x128xi32, #tpu.memory_space<hbm>> -> memref<1x20x128xi32, #tpu.memory_space<hbm>>
      %dma_wait3A_165 = tpu.memref_squeeze %dma_wait3A_164 : memref<1x20x128xi32, #tpu.memory_space<hbm>> -> memref<20x128xi32, #tpu.memory_space<hbm>>
      %dma_wait3A_166 = arith.constant 0 : i32
      %dma_wait3A_167 = tpu.memref_slice %dma_wait3A_165[%mul3A_4, %dma_wait3A_166] : memref<20x128xi32, #tpu.memory_space<hbm>> -> memref<10x128xi32, #tpu.memory_space<hbm>>
      %dma_wait3A_168 = arith.constant 0 : i32
      %dma_wait3A_169 = arith.constant 0 : i32
      %dma_wait3A_170 = tpu.memref_slice %arg2[%arg1, %dma_wait3A_168, %dma_wait3A_169] : memref<16x20x128xi32, #tpu.memory_space<hbm>> -> memref<1x20x128xi32, #tpu.memory_space<hbm>>
      %dma_wait3A_171 = tpu.memref_squeeze %dma_wait3A_170 : memref<1x20x128xi32, #tpu.memory_space<hbm>> -> memref<20x128xi32, #tpu.memory_space<hbm>>
      %dma_wait3A_172 = arith.constant 0 : i32
      %dma_wait3A_173 = tpu.memref_slice %dma_wait3A_171[%mul3A_4, %dma_wait3A_172] : memref<20x128xi32, #tpu.memory_space<hbm>> -> memref<10x128xi32, #tpu.memory_space<hbm>>
      tpu.wait_dma2 semaphore(%run_scoped3A : memref<!tpu.dma_semaphore, #tpu.memory_space<semaphore_mem>>) src(%dma_wait3A_173 : memref<10x128xi32, #tpu.memory_space<hbm>>) dst(%arg6 : memref<10x128xi32, #tpu.memory_space<vmem>>)
      tpu.yield
    }) : () -> ()
    "tpu.region"() ({
      %run_scoped3A = tpu.sem_alloc : memref<!tpu.dma_semaphore, #tpu.memory_space<semaphore_mem>>
      tpu.enqueue_dma source(%arg3 : memref<128x8xf32, #tpu.memory_space<hbm>>) target(%arg7 : memref<128x8xf32, #tpu.memory_space<vmem>>) target_semaphore(%run_scoped3A : memref<!tpu.dma_semaphore, #tpu.memory_space<semaphore_mem>>)
      tpu.wait_dma2 semaphore(%run_scoped3A : memref<!tpu.dma_semaphore, #tpu.memory_space<semaphore_mem>>) src(%arg3 : memref<128x8xf32, #tpu.memory_space<hbm>>) dst(%arg7 : memref<128x8xf32, #tpu.memory_space<vmem>>)
      tpu.yield
    }) : () -> ()
    %barrier3A = arith.constant 0 : index
    tpu.barrier barrier_id(%barrier3A)
    %dma_start3A = arith.constant 0 : i32
    %dma_start3A_5 = arith.constant 0 : i32
    %dma_start3A_6 = tpu.memref_slice %arg6[%dma_start3A, %dma_start3A_5] : memref<10x128xi32, #tpu.memory_space<vmem>> -> memref<1x128xi32, #tpu.memory_space<vmem>>
    %dma_start3A_7 = tpu.memref_squeeze %dma_start3A_6 : memref<1x128xi32, #tpu.memory_space<vmem>> -> memref<128xi32, #tpu.memory_space<vmem>>
    %dma_start3A_8 = arith.constant 0 : i32
    %dma_start3A_9 = arith.constant 0 : i32
    %dma_start3A_10 = tpu.memref_slice %arg8[%dma_start3A_8, %dma_start3A_9] : memref<20400x8xf32, #tpu.memory_space<vmem_shared>> -> memref<20400x8xf32, #tpu.memory_space<vmem_shared>>
    tpu.enqueue_indirect_dma source(%arg7 : memref<128x8xf32, #tpu.memory_space<vmem>>) target(%dma_start3A_10 : memref<20400x8xf32, #tpu.memory_space<vmem_shared>>) offsets(%dma_start3A_7 : memref<128xi32, #tpu.memory_space<vmem>>) semaphore(%arg9 : memref<!tpu.dma_semaphore, #tpu.memory_space<semaphore_mem>>) {add = true}
    %dma_start3A_11 = arith.constant 1 : i32
    %dma_start3A_12 = arith.constant 0 : i32
    %dma_start3A_13 = tpu.memref_slice %arg6[%dma_start3A_11, %dma_start3A_12] : memref<10x128xi32, #tpu.memory_space<vmem>> -> memref<1x128xi32, #tpu.memory_space<vmem>>
    %dma_start3A_14 = tpu.memref_squeeze %dma_start3A_13 : memref<1x128xi32, #tpu.memory_space<vmem>> -> memref<128xi32, #tpu.memory_space<vmem>>
    %dma_start3A_15 = arith.constant 0 : i32
    %dma_start3A_16 = arith.constant 0 : i32
    %dma_start3A_17 = tpu.memref_slice %arg8[%dma_start3A_15, %dma_start3A_16] : memref<20400x8xf32, #tpu.memory_space<vmem_shared>> -> memref<20400x8xf32, #tpu.memory_space<vmem_shared>>
    tpu.enqueue_indirect_dma source(%arg7 : memref<128x8xf32, #tpu.memory_space<vmem>>) target(%dma_start3A_17 : memref<20400x8xf32, #tpu.memory_space<vmem_shared>>) offsets(%dma_start3A_14 : memref<128xi32, #tpu.memory_space<vmem>>) semaphore(%arg9 : memref<!tpu.dma_semaphore, #tpu.memory_space<semaphore_mem>>) {add = true}
    %dma_start3A_18 = arith.constant 2 : i32
    %dma_start3A_19 = arith.constant 0 : i32
    %dma_start3A_20 = tpu.memref_slice %arg6[%dma_start3A_18, %dma_start3A_19] : memref<10x128xi32, #tpu.memory_space<vmem>> -> memref<1x128xi32, #tpu.memory_space<vmem>>
    %dma_start3A_21 = tpu.memref_squeeze %dma_start3A_20 : memref<1x128xi32, #tpu.memory_space<vmem>> -> memref<128xi32, #tpu.memory_space<vmem>>
    %dma_start3A_22 = arith.constant 0 : i32
    %dma_start3A_23 = arith.constant 0 : i32
    %dma_start3A_24 = tpu.memref_slice %arg8[%dma_start3A_22, %dma_start3A_23] : memref<20400x8xf32, #tpu.memory_space<vmem_shared>> -> memref<20400x8xf32, #tpu.memory_space<vmem_shared>>
    tpu.enqueue_indirect_dma source(%arg7 : memref<128x8xf32, #tpu.memory_space<vmem>>) target(%dma_start3A_24 : memref<20400x8xf32, #tpu.memory_space<vmem_shared>>) offsets(%dma_start3A_21 : memref<128xi32, #tpu.memory_space<vmem>>) semaphore(%arg9 : memref<!tpu.dma_semaphore, #tpu.memory_space<semaphore_mem>>) {add = true}
    %dma_start3A_25 = arith.constant 3 : i32
    %dma_start3A_26 = arith.constant 0 : i32
    %dma_start3A_27 = tpu.memref_slice %arg6[%dma_start3A_25, %dma_start3A_26] : memref<10x128xi32, #tpu.memory_space<vmem>> -> memref<1x128xi32, #tpu.memory_space<vmem>>
    %dma_start3A_28 = tpu.memref_squeeze %dma_start3A_27 : memref<1x128xi32, #tpu.memory_space<vmem>> -> memref<128xi32, #tpu.memory_space<vmem>>
    %dma_start3A_29 = arith.constant 0 : i32
    %dma_start3A_30 = arith.constant 0 : i32
    %dma_start3A_31 = tpu.memref_slice %arg8[%dma_start3A_29, %dma_start3A_30] : memref<20400x8xf32, #tpu.memory_space<vmem_shared>> -> memref<20400x8xf32, #tpu.memory_space<vmem_shared>>
    tpu.enqueue_indirect_dma source(%arg7 : memref<128x8xf32, #tpu.memory_space<vmem>>) target(%dma_start3A_31 : memref<20400x8xf32, #tpu.memory_space<vmem_shared>>) offsets(%dma_start3A_28 : memref<128xi32, #tpu.memory_space<vmem>>) semaphore(%arg9 : memref<!tpu.dma_semaphore, #tpu.memory_space<semaphore_mem>>) {add = true}
    %dma_start3A_32 = arith.constant 4 : i32
    %dma_start3A_33 = arith.constant 0 : i32
    %dma_start3A_34 = tpu.memref_slice %arg6[%dma_start3A_32, %dma_start3A_33] : memref<10x128xi32, #tpu.memory_space<vmem>> -> memref<1x128xi32, #tpu.memory_space<vmem>>
    %dma_start3A_35 = tpu.memref_squeeze %dma_start3A_34 : memref<1x128xi32, #tpu.memory_space<vmem>> -> memref<128xi32, #tpu.memory_space<vmem>>
    %dma_start3A_36 = arith.constant 0 : i32
    %dma_start3A_37 = arith.constant 0 : i32
    %dma_start3A_38 = tpu.memref_slice %arg8[%dma_start3A_36, %dma_start3A_37] : memref<20400x8xf32, #tpu.memory_space<vmem_shared>> -> memref<20400x8xf32, #tpu.memory_space<vmem_shared>>
    tpu.enqueue_indirect_dma source(%arg7 : memref<128x8xf32, #tpu.memory_space<vmem>>) target(%dma_start3A_38 : memref<20400x8xf32, #tpu.memory_space<vmem_shared>>) offsets(%dma_start3A_35 : memref<128xi32, #tpu.memory_space<vmem>>) semaphore(%arg9 : memref<!tpu.dma_semaphore, #tpu.memory_space<semaphore_mem>>) {add = true}
    %dma_start3A_39 = arith.constant 5 : i32
    %dma_start3A_40 = arith.constant 0 : i32
    %dma_start3A_41 = tpu.memref_slice %arg6[%dma_start3A_39, %dma_start3A_40] : memref<10x128xi32, #tpu.memory_space<vmem>> -> memref<1x128xi32, #tpu.memory_space<vmem>>
    %dma_start3A_42 = tpu.memref_squeeze %dma_start3A_41 : memref<1x128xi32, #tpu.memory_space<vmem>> -> memref<128xi32, #tpu.memory_space<vmem>>
    %dma_start3A_43 = arith.constant 0 : i32
    %dma_start3A_44 = arith.constant 0 : i32
    %dma_start3A_45 = tpu.memref_slice %arg8[%dma_start3A_43, %dma_start3A_44] : memref<20400x8xf32, #tpu.memory_space<vmem_shared>> -> memref<20400x8xf32, #tpu.memory_space<vmem_shared>>
    tpu.enqueue_indirect_dma source(%arg7 : memref<128x8xf32, #tpu.memory_space<vmem>>) target(%dma_start3A_45 : memref<20400x8xf32, #tpu.memory_space<vmem_shared>>) offsets(%dma_start3A_42 : memref<128xi32, #tpu.memory_space<vmem>>) semaphore(%arg9 : memref<!tpu.dma_semaphore, #tpu.memory_space<semaphore_mem>>) {add = true}
    %dma_start3A_46 = arith.constant 6 : i32
    %dma_start3A_47 = arith.constant 0 : i32
    %dma_start3A_48 = tpu.memref_slice %arg6[%dma_start3A_46, %dma_start3A_47] : memref<10x128xi32, #tpu.memory_space<vmem>> -> memref<1x128xi32, #tpu.memory_space<vmem>>
    %dma_start3A_49 = tpu.memref_squeeze %dma_start3A_48 : memref<1x128xi32, #tpu.memory_space<vmem>> -> memref<128xi32, #tpu.memory_space<vmem>>
    %dma_start3A_50 = arith.constant 0 : i32
    %dma_start3A_51 = arith.constant 0 : i32
    %dma_start3A_52 = tpu.memref_slice %arg8[%dma_start3A_50, %dma_start3A_51] : memref<20400x8xf32, #tpu.memory_space<vmem_shared>> -> memref<20400x8xf32, #tpu.memory_space<vmem_shared>>
    tpu.enqueue_indirect_dma source(%arg7 : memref<128x8xf32, #tpu.memory_space<vmem>>) target(%dma_start3A_52 : memref<20400x8xf32, #tpu.memory_space<vmem_shared>>) offsets(%dma_start3A_49 : memref<128xi32, #tpu.memory_space<vmem>>) semaphore(%arg9 : memref<!tpu.dma_semaphore, #tpu.memory_space<semaphore_mem>>) {add = true}
    %dma_start3A_53 = arith.constant 7 : i32
    %dma_start3A_54 = arith.constant 0 : i32
    %dma_start3A_55 = tpu.memref_slice %arg6[%dma_start3A_53, %dma_start3A_54] : memref<10x128xi32, #tpu.memory_space<vmem>> -> memref<1x128xi32, #tpu.memory_space<vmem>>
    %dma_start3A_56 = tpu.memref_squeeze %dma_start3A_55 : memref<1x128xi32, #tpu.memory_space<vmem>> -> memref<128xi32, #tpu.memory_space<vmem>>
    %dma_start3A_57 = arith.constant 0 : i32
    %dma_start3A_58 = arith.constant 0 : i32
    %dma_start3A_59 = tpu.memref_slice %arg8[%dma_start3A_57, %dma_start3A_58] : memref<20400x8xf32, #tpu.memory_space<vmem_shared>> -> memref<20400x8xf32, #tpu.memory_space<vmem_shared>>
    tpu.enqueue_indirect_dma source(%arg7 : memref<128x8xf32, #tpu.memory_space<vmem>>) target(%dma_start3A_59 : memref<20400x8xf32, #tpu.memory_space<vmem_shared>>) offsets(%dma_start3A_56 : memref<128xi32, #tpu.memory_space<vmem>>) semaphore(%arg9 : memref<!tpu.dma_semaphore, #tpu.memory_space<semaphore_mem>>) {add = true}
    %dma_start3A_60 = arith.constant 8 : i32
    %dma_start3A_61 = arith.constant 0 : i32
    %dma_start3A_62 = tpu.memref_slice %arg6[%dma_start3A_60, %dma_start3A_61] : memref<10x128xi32, #tpu.memory_space<vmem>> -> memref<1x128xi32, #tpu.memory_space<vmem>>
    %dma_start3A_63 = tpu.memref_squeeze %dma_start3A_62 : memref<1x128xi32, #tpu.memory_space<vmem>> -> memref<128xi32, #tpu.memory_space<vmem>>
    %dma_start3A_64 = arith.constant 0 : i32
    %dma_start3A_65 = arith.constant 0 : i32
    %dma_start3A_66 = tpu.memref_slice %arg8[%dma_start3A_64, %dma_start3A_65] : memref<20400x8xf32, #tpu.memory_space<vmem_shared>> -> memref<20400x8xf32, #tpu.memory_space<vmem_shared>>
    tpu.enqueue_indirect_dma source(%arg7 : memref<128x8xf32, #tpu.memory_space<vmem>>) target(%dma_start3A_66 : memref<20400x8xf32, #tpu.memory_space<vmem_shared>>) offsets(%dma_start3A_63 : memref<128xi32, #tpu.memory_space<vmem>>) semaphore(%arg9 : memref<!tpu.dma_semaphore, #tpu.memory_space<semaphore_mem>>) {add = true}
    %dma_start3A_67 = arith.constant 9 : i32
    %dma_start3A_68 = arith.constant 0 : i32
    %dma_start3A_69 = tpu.memref_slice %arg6[%dma_start3A_67, %dma_start3A_68] : memref<10x128xi32, #tpu.memory_space<vmem>> -> memref<1x128xi32, #tpu.memory_space<vmem>>
    %dma_start3A_70 = tpu.memref_squeeze %dma_start3A_69 : memref<1x128xi32, #tpu.memory_space<vmem>> -> memref<128xi32, #tpu.memory_space<vmem>>
    %dma_start3A_71 = arith.constant 0 : i32
    %dma_start3A_72 = arith.constant 0 : i32
    %dma_start3A_73 = tpu.memref_slice %arg8[%dma_start3A_71, %dma_start3A_72] : memref<20400x8xf32, #tpu.memory_space<vmem_shared>> -> memref<20400x8xf32, #tpu.memory_space<vmem_shared>>
    tpu.enqueue_indirect_dma source(%arg7 : memref<128x8xf32, #tpu.memory_space<vmem>>) target(%dma_start3A_73 : memref<20400x8xf32, #tpu.memory_space<vmem_shared>>) offsets(%dma_start3A_70 : memref<128xi32, #tpu.memory_space<vmem>>) semaphore(%arg9 : memref<!tpu.dma_semaphore, #tpu.memory_space<semaphore_mem>>) {add = true}
    %dma_wait3A = arith.constant 0 : i32
    %dma_wait3A_74 = arith.constant 0 : i32
    %dma_wait3A_75 = tpu.memref_slice %arg6[%dma_wait3A, %dma_wait3A_74] : memref<10x128xi32, #tpu.memory_space<vmem>> -> memref<1x128xi32, #tpu.memory_space<vmem>>
    %dma_wait3A_76 = tpu.memref_squeeze %dma_wait3A_75 : memref<1x128xi32, #tpu.memory_space<vmem>> -> memref<128xi32, #tpu.memory_space<vmem>>
    %dma_wait3A_77 = arith.constant 0 : i32
    %dma_wait3A_78 = arith.constant 0 : i32
    %dma_wait3A_79 = tpu.memref_slice %arg8[%dma_wait3A_77, %dma_wait3A_78] : memref<20400x8xf32, #tpu.memory_space<vmem_shared>> -> memref<20400x8xf32, #tpu.memory_space<vmem_shared>>
    tpu.wait_indirect_dma semaphore(%arg9 : memref<!tpu.dma_semaphore, #tpu.memory_space<semaphore_mem>>) src(%arg7 : memref<128x8xf32, #tpu.memory_space<vmem>>) dst(%dma_wait3A_79 : memref<20400x8xf32, #tpu.memory_space<vmem_shared>>)
    %dma_wait3A_80 = arith.constant 1 : i32
    %dma_wait3A_81 = arith.constant 0 : i32
    %dma_wait3A_82 = tpu.memref_slice %arg6[%dma_wait3A_80, %dma_wait3A_81] : memref<10x128xi32, #tpu.memory_space<vmem>> -> memref<1x128xi32, #tpu.memory_space<vmem>>
    %dma_wait3A_83 = tpu.memref_squeeze %dma_wait3A_82 : memref<1x128xi32, #tpu.memory_space<vmem>> -> memref<128xi32, #tpu.memory_space<vmem>>
    %dma_wait3A_84 = arith.constant 0 : i32
    %dma_wait3A_85 = arith.constant 0 : i32
    %dma_wait3A_86 = tpu.memref_slice %arg8[%dma_wait3A_84, %dma_wait3A_85] : memref<20400x8xf32, #tpu.memory_space<vmem_shared>> -> memref<20400x8xf32, #tpu.memory_space<vmem_shared>>
    tpu.wait_indirect_dma semaphore(%arg9 : memref<!tpu.dma_semaphore, #tpu.memory_space<semaphore_mem>>) src(%arg7 : memref<128x8xf32, #tpu.memory_space<vmem>>) dst(%dma_wait3A_86 : memref<20400x8xf32, #tpu.memory_space<vmem_shared>>)
    %dma_wait3A_87 = arith.constant 2 : i32
    %dma_wait3A_88 = arith.constant 0 : i32
    %dma_wait3A_89 = tpu.memref_slice %arg6[%dma_wait3A_87, %dma_wait3A_88] : memref<10x128xi32, #tpu.memory_space<vmem>> -> memref<1x128xi32, #tpu.memory_space<vmem>>
    %dma_wait3A_90 = tpu.memref_squeeze %dma_wait3A_89 : memref<1x128xi32, #tpu.memory_space<vmem>> -> memref<128xi32, #tpu.memory_space<vmem>>
    %dma_wait3A_91 = arith.constant 0 : i32
    %dma_wait3A_92 = arith.constant 0 : i32
    %dma_wait3A_93 = tpu.memref_slice %arg8[%dma_wait3A_91, %dma_wait3A_92] : memref<20400x8xf32, #tpu.memory_space<vmem_shared>> -> memref<20400x8xf32, #tpu.memory_space<vmem_shared>>
    tpu.wait_indirect_dma semaphore(%arg9 : memref<!tpu.dma_semaphore, #tpu.memory_space<semaphore_mem>>) src(%arg7 : memref<128x8xf32, #tpu.memory_space<vmem>>) dst(%dma_wait3A_93 : memref<20400x8xf32, #tpu.memory_space<vmem_shared>>)
    %dma_wait3A_94 = arith.constant 3 : i32
    %dma_wait3A_95 = arith.constant 0 : i32
    %dma_wait3A_96 = tpu.memref_slice %arg6[%dma_wait3A_94, %dma_wait3A_95] : memref<10x128xi32, #tpu.memory_space<vmem>> -> memref<1x128xi32, #tpu.memory_space<vmem>>
    %dma_wait3A_97 = tpu.memref_squeeze %dma_wait3A_96 : memref<1x128xi32, #tpu.memory_space<vmem>> -> memref<128xi32, #tpu.memory_space<vmem>>
    %dma_wait3A_98 = arith.constant 0 : i32
    %dma_wait3A_99 = arith.constant 0 : i32
    %dma_wait3A_100 = tpu.memref_slice %arg8[%dma_wait3A_98, %dma_wait3A_99] : memref<20400x8xf32, #tpu.memory_space<vmem_shared>> -> memref<20400x8xf32, #tpu.memory_space<vmem_shared>>
    tpu.wait_indirect_dma semaphore(%arg9 : memref<!tpu.dma_semaphore, #tpu.memory_space<semaphore_mem>>) src(%arg7 : memref<128x8xf32, #tpu.memory_space<vmem>>) dst(%dma_wait3A_100 : memref<20400x8xf32, #tpu.memory_space<vmem_shared>>)
    %dma_wait3A_101 = arith.constant 4 : i32
    %dma_wait3A_102 = arith.constant 0 : i32
    %dma_wait3A_103 = tpu.memref_slice %arg6[%dma_wait3A_101, %dma_wait3A_102] : memref<10x128xi32, #tpu.memory_space<vmem>> -> memref<1x128xi32, #tpu.memory_space<vmem>>
    %dma_wait3A_104 = tpu.memref_squeeze %dma_wait3A_103 : memref<1x128xi32, #tpu.memory_space<vmem>> -> memref<128xi32, #tpu.memory_space<vmem>>
    %dma_wait3A_105 = arith.constant 0 : i32
    %dma_wait3A_106 = arith.constant 0 : i32
    %dma_wait3A_107 = tpu.memref_slice %arg8[%dma_wait3A_105, %dma_wait3A_106] : memref<20400x8xf32, #tpu.memory_space<vmem_shared>> -> memref<20400x8xf32, #tpu.memory_space<vmem_shared>>
    tpu.wait_indirect_dma semaphore(%arg9 : memref<!tpu.dma_semaphore, #tpu.memory_space<semaphore_mem>>) src(%arg7 : memref<128x8xf32, #tpu.memory_space<vmem>>) dst(%dma_wait3A_107 : memref<20400x8xf32, #tpu.memory_space<vmem_shared>>)
    %dma_wait3A_108 = arith.constant 5 : i32
    %dma_wait3A_109 = arith.constant 0 : i32
    %dma_wait3A_110 = tpu.memref_slice %arg6[%dma_wait3A_108, %dma_wait3A_109] : memref<10x128xi32, #tpu.memory_space<vmem>> -> memref<1x128xi32, #tpu.memory_space<vmem>>
    %dma_wait3A_111 = tpu.memref_squeeze %dma_wait3A_110 : memref<1x128xi32, #tpu.memory_space<vmem>> -> memref<128xi32, #tpu.memory_space<vmem>>
    %dma_wait3A_112 = arith.constant 0 : i32
    %dma_wait3A_113 = arith.constant 0 : i32
    %dma_wait3A_114 = tpu.memref_slice %arg8[%dma_wait3A_112, %dma_wait3A_113] : memref<20400x8xf32, #tpu.memory_space<vmem_shared>> -> memref<20400x8xf32, #tpu.memory_space<vmem_shared>>
    tpu.wait_indirect_dma semaphore(%arg9 : memref<!tpu.dma_semaphore, #tpu.memory_space<semaphore_mem>>) src(%arg7 : memref<128x8xf32, #tpu.memory_space<vmem>>) dst(%dma_wait3A_114 : memref<20400x8xf32, #tpu.memory_space<vmem_shared>>)
    %dma_wait3A_115 = arith.constant 6 : i32
    %dma_wait3A_116 = arith.constant 0 : i32
    %dma_wait3A_117 = tpu.memref_slice %arg6[%dma_wait3A_115, %dma_wait3A_116] : memref<10x128xi32, #tpu.memory_space<vmem>> -> memref<1x128xi32, #tpu.memory_space<vmem>>
    %dma_wait3A_118 = tpu.memref_squeeze %dma_wait3A_117 : memref<1x128xi32, #tpu.memory_space<vmem>> -> memref<128xi32, #tpu.memory_space<vmem>>
    %dma_wait3A_119 = arith.constant 0 : i32
    %dma_wait3A_120 = arith.constant 0 : i32
    %dma_wait3A_121 = tpu.memref_slice %arg8[%dma_wait3A_119, %dma_wait3A_120] : memref<20400x8xf32, #tpu.memory_space<vmem_shared>> -> memref<20400x8xf32, #tpu.memory_space<vmem_shared>>
    tpu.wait_indirect_dma semaphore(%arg9 : memref<!tpu.dma_semaphore, #tpu.memory_space<semaphore_mem>>) src(%arg7 : memref<128x8xf32, #tpu.memory_space<vmem>>) dst(%dma_wait3A_121 : memref<20400x8xf32, #tpu.memory_space<vmem_shared>>)
    %dma_wait3A_122 = arith.constant 7 : i32
    %dma_wait3A_123 = arith.constant 0 : i32
    %dma_wait3A_124 = tpu.memref_slice %arg6[%dma_wait3A_122, %dma_wait3A_123] : memref<10x128xi32, #tpu.memory_space<vmem>> -> memref<1x128xi32, #tpu.memory_space<vmem>>
    %dma_wait3A_125 = tpu.memref_squeeze %dma_wait3A_124 : memref<1x128xi32, #tpu.memory_space<vmem>> -> memref<128xi32, #tpu.memory_space<vmem>>
    %dma_wait3A_126 = arith.constant 0 : i32
    %dma_wait3A_127 = arith.constant 0 : i32
    %dma_wait3A_128 = tpu.memref_slice %arg8[%dma_wait3A_126, %dma_wait3A_127] : memref<20400x8xf32, #tpu.memory_space<vmem_shared>> -> memref<20400x8xf32, #tpu.memory_space<vmem_shared>>
    tpu.wait_indirect_dma semaphore(%arg9 : memref<!tpu.dma_semaphore, #tpu.memory_space<semaphore_mem>>) src(%arg7 : memref<128x8xf32, #tpu.memory_space<vmem>>) dst(%dma_wait3A_128 : memref<20400x8xf32, #tpu.memory_space<vmem_shared>>)
    %dma_wait3A_129 = arith.constant 8 : i32
    %dma_wait3A_130 = arith.constant 0 : i32
    %dma_wait3A_131 = tpu.memref_slice %arg6[%dma_wait3A_129, %dma_wait3A_130] : memref<10x128xi32, #tpu.memory_space<vmem>> -> memref<1x128xi32, #tpu.memory_space<vmem>>
    %dma_wait3A_132 = tpu.memref_squeeze %dma_wait3A_131 : memref<1x128xi32, #tpu.memory_space<vmem>> -> memref<128xi32, #tpu.memory_space<vmem>>
    %dma_wait3A_133 = arith.constant 0 : i32
    %dma_wait3A_134 = arith.constant 0 : i32
    %dma_wait3A_135 = tpu.memref_slice %arg8[%dma_wait3A_133, %dma_wait3A_134] : memref<20400x8xf32, #tpu.memory_space<vmem_shared>> -> memref<20400x8xf32, #tpu.memory_space<vmem_shared>>
    tpu.wait_indirect_dma semaphore(%arg9 : memref<!tpu.dma_semaphore, #tpu.memory_space<semaphore_mem>>) src(%arg7 : memref<128x8xf32, #tpu.memory_space<vmem>>) dst(%dma_wait3A_135 : memref<20400x8xf32, #tpu.memory_space<vmem_shared>>)
    %dma_wait3A_136 = arith.constant 9 : i32
    %dma_wait3A_137 = arith.constant 0 : i32
    %dma_wait3A_138 = tpu.memref_slice %arg6[%dma_wait3A_136, %dma_wait3A_137] : memref<10x128xi32, #tpu.memory_space<vmem>> -> memref<1x128xi32, #tpu.memory_space<vmem>>
    %dma_wait3A_139 = tpu.memref_squeeze %dma_wait3A_138 : memref<1x128xi32, #tpu.memory_space<vmem>> -> memref<128xi32, #tpu.memory_space<vmem>>
    %dma_wait3A_140 = arith.constant 0 : i32
    %dma_wait3A_141 = arith.constant 0 : i32
    %dma_wait3A_142 = tpu.memref_slice %arg8[%dma_wait3A_140, %dma_wait3A_141] : memref<20400x8xf32, #tpu.memory_space<vmem_shared>> -> memref<20400x8xf32, #tpu.memory_space<vmem_shared>>
    tpu.wait_indirect_dma semaphore(%arg9 : memref<!tpu.dma_semaphore, #tpu.memory_space<semaphore_mem>>) src(%arg7 : memref<128x8xf32, #tpu.memory_space<vmem>>) dst(%dma_wait3A_142 : memref<20400x8xf32, #tpu.memory_space<vmem_shared>>)
    %barrier3A_143 = arith.constant 0 : index
    tpu.barrier barrier_id(%barrier3A_143)
    %mul3A_144 = arith.constant 1275 : i32
    %mul3A_145 = arith.muli %arg1, %mul3A_144 : i32
    %mul3A_146 = arith.constant 20400 : i32
    %mul3A_147 = arith.muli %arg0, %mul3A_146 : i32
    %mul3A_148 = arith.constant 1275 : i32
    %mul3A_149 = arith.muli %arg1, %mul3A_148 : i32
    %add3A = arith.addi %mul3A_147, %mul3A_149 : i32
    "tpu.region"() ({
      %run_scoped3A = tpu.sem_alloc : memref<!tpu.dma_semaphore, #tpu.memory_space<semaphore_mem>>
      %dma_start3A_150 = arith.constant 0 : i32
      %dma_start3A_151 = tpu.memref_slice %arg5[%add3A, %dma_start3A_150] : memref<40800x8xf32, #tpu.memory_space<hbm>> -> memref<1275x8xf32, #tpu.memory_space<hbm>>
      %dma_start3A_152 = arith.constant 0 : i32
      %dma_start3A_153 = tpu.memref_slice %arg8[%mul3A_145, %dma_start3A_152] : memref<20400x8xf32, #tpu.memory_space<vmem_shared>> -> memref<1275x8xf32, #tpu.memory_space<vmem_shared>>
      tpu.enqueue_dma source(%dma_start3A_153 : memref<1275x8xf32, #tpu.memory_space<vmem_shared>>) target(%dma_start3A_151 : memref<1275x8xf32, #tpu.memory_space<hbm>>) target_semaphore(%run_scoped3A : memref<!tpu.dma_semaphore, #tpu.memory_space<semaphore_mem>>)
      %dma_wait3A_154 = arith.constant 0 : i32
      %dma_wait3A_155 = tpu.memref_slice %arg5[%add3A, %dma_wait3A_154] : memref<40800x8xf32, #tpu.memory_space<hbm>> -> memref<1275x8xf32, #tpu.memory_space<hbm>>
      %dma_wait3A_156 = arith.constant 0 : i32
      %dma_wait3A_157 = tpu.memref_slice %arg8[%mul3A_145, %dma_wait3A_156] : memref<20400x8xf32, #tpu.memory_space<vmem_shared>> -> memref<1275x8xf32, #tpu.memory_space<vmem_shared>>
      tpu.wait_dma2 semaphore(%run_scoped3A : memref<!tpu.dma_semaphore, #tpu.memory_space<semaphore_mem>>) src(%dma_wait3A_157 : memref<1275x8xf32, #tpu.memory_space<vmem_shared>>) dst(%dma_wait3A_155 : memref<1275x8xf32, #tpu.memory_space<hbm>>)
      tpu.yield
    }) : () -> ()
    return
  }
}

#map = affine_map<(d0, d1) -> (0, 0)>
#map1 = affine_map<(d0, d1) -> (0, 0, 0)>
module attributes {stable_mosaic.version = 14 : i64} {
  func.func @sk(%arg0: i32, %arg1: i32, %arg2: memref<40960x64xf32, #tpu.memory_space<hbm>>, %arg3: memref<16x20x128xi32, #tpu.memory_space<hbm>>, %arg4: memref<20400x32xf32, #tpu.memory_space<hbm>>, %arg5: memref<20400x64xf32, #tpu.memory_space<hbm>>, %arg6: memref<20x128xi32, #tpu.memory_space<vmem>>, %arg7: memref<2560x32xf32, #tpu.memory_space<vmem>>, %arg8: memref<20400x32xf32, #tpu.memory_space<vmem_shared>>, %arg9: memref<!tpu.dma_semaphore, #tpu.memory_space<semaphore_mem>>) attributes {dimension_semantics = [#tpu.dimension_semantics<core_parallel>, #tpu.dimension_semantics<subcore_parallel>], iteration_bounds = array<i64: 2, 16>, scalar_prefetch = 0 : i64, scratch_operands = 4 : i64, tpu.core_type = #tpu.core_type<sc_vector_subcore>, window_params = [{transform_indices = #map}, {transform_indices = #map1}, {transform_indices = #map}, {transform_indices = #map}]} {
    %mul3A = arith.constant 1275 : i32
    %mul3A_0 = arith.muli %arg1, %mul3A : i32
    %mul3A_1 = arith.constant 1275 : i32
    %mul3A_2 = arith.muli %arg1, %mul3A_1 : i32
    "tpu.region"() ({
      %run_scoped3A = tpu.sem_alloc : memref<!tpu.dma_semaphore, #tpu.memory_space<semaphore_mem>>
      %dma_start3A_412 = arith.constant 0 : i32
      %dma_start3A_413 = tpu.memref_slice %arg8[%mul3A_2, %dma_start3A_412] : memref<20400x32xf32, #tpu.memory_space<vmem_shared>> -> memref<1275x32xf32, #tpu.memory_space<vmem_shared>>
      %dma_start3A_414 = arith.constant 0 : i32
      %dma_start3A_415 = tpu.memref_slice %arg4[%mul3A_0, %dma_start3A_414] : memref<20400x32xf32, #tpu.memory_space<hbm>> -> memref<1275x32xf32, #tpu.memory_space<hbm>>
      tpu.enqueue_dma source(%dma_start3A_415 : memref<1275x32xf32, #tpu.memory_space<hbm>>) target(%dma_start3A_413 : memref<1275x32xf32, #tpu.memory_space<vmem_shared>>) target_semaphore(%run_scoped3A : memref<!tpu.dma_semaphore, #tpu.memory_space<semaphore_mem>>)
      %dma_wait3A_416 = arith.constant 0 : i32
      %dma_wait3A_417 = tpu.memref_slice %arg8[%mul3A_2, %dma_wait3A_416] : memref<20400x32xf32, #tpu.memory_space<vmem_shared>> -> memref<1275x32xf32, #tpu.memory_space<vmem_shared>>
      %dma_wait3A_418 = arith.constant 0 : i32
      %dma_wait3A_419 = tpu.memref_slice %arg4[%mul3A_0, %dma_wait3A_418] : memref<20400x32xf32, #tpu.memory_space<hbm>> -> memref<1275x32xf32, #tpu.memory_space<hbm>>
      tpu.wait_dma2 semaphore(%run_scoped3A : memref<!tpu.dma_semaphore, #tpu.memory_space<semaphore_mem>>) src(%dma_wait3A_419 : memref<1275x32xf32, #tpu.memory_space<hbm>>) dst(%dma_wait3A_417 : memref<1275x32xf32, #tpu.memory_space<vmem_shared>>)
      tpu.yield
    }) : () -> ()
    "tpu.region"() ({
      %run_scoped3A = tpu.sem_alloc : memref<!tpu.dma_semaphore, #tpu.memory_space<semaphore_mem>>
      %dma_start3A_412 = arith.constant 0 : i32
      %dma_start3A_413 = arith.constant 0 : i32
      %dma_start3A_414 = tpu.memref_slice %arg3[%arg1, %dma_start3A_412, %dma_start3A_413] : memref<16x20x128xi32, #tpu.memory_space<hbm>> -> memref<1x20x128xi32, #tpu.memory_space<hbm>>
      %dma_start3A_415 = tpu.memref_squeeze %dma_start3A_414 : memref<1x20x128xi32, #tpu.memory_space<hbm>> -> memref<20x128xi32, #tpu.memory_space<hbm>>
      %dma_start3A_416 = arith.constant 0 : i32
      %dma_start3A_417 = arith.constant 0 : i32
      %dma_start3A_418 = tpu.memref_slice %arg3[%arg1, %dma_start3A_416, %dma_start3A_417] : memref<16x20x128xi32, #tpu.memory_space<hbm>> -> memref<1x20x128xi32, #tpu.memory_space<hbm>>
      %dma_start3A_419 = tpu.memref_squeeze %dma_start3A_418 : memref<1x20x128xi32, #tpu.memory_space<hbm>> -> memref<20x128xi32, #tpu.memory_space<hbm>>
      tpu.enqueue_dma source(%dma_start3A_419 : memref<20x128xi32, #tpu.memory_space<hbm>>) target(%arg6 : memref<20x128xi32, #tpu.memory_space<vmem>>) target_semaphore(%run_scoped3A : memref<!tpu.dma_semaphore, #tpu.memory_space<semaphore_mem>>)
      %dma_wait3A_420 = arith.constant 0 : i32
      %dma_wait3A_421 = arith.constant 0 : i32
      %dma_wait3A_422 = tpu.memref_slice %arg3[%arg1, %dma_wait3A_420, %dma_wait3A_421] : memref<16x20x128xi32, #tpu.memory_space<hbm>> -> memref<1x20x128xi32, #tpu.memory_space<hbm>>
      %dma_wait3A_423 = tpu.memref_squeeze %dma_wait3A_422 : memref<1x20x128xi32, #tpu.memory_space<hbm>> -> memref<20x128xi32, #tpu.memory_space<hbm>>
      %dma_wait3A_424 = arith.constant 0 : i32
      %dma_wait3A_425 = arith.constant 0 : i32
      %dma_wait3A_426 = tpu.memref_slice %arg3[%arg1, %dma_wait3A_424, %dma_wait3A_425] : memref<16x20x128xi32, #tpu.memory_space<hbm>> -> memref<1x20x128xi32, #tpu.memory_space<hbm>>
      %dma_wait3A_427 = tpu.memref_squeeze %dma_wait3A_426 : memref<1x20x128xi32, #tpu.memory_space<hbm>> -> memref<20x128xi32, #tpu.memory_space<hbm>>
      tpu.wait_dma2 semaphore(%run_scoped3A : memref<!tpu.dma_semaphore, #tpu.memory_space<semaphore_mem>>) src(%dma_wait3A_427 : memref<20x128xi32, #tpu.memory_space<hbm>>) dst(%arg6 : memref<20x128xi32, #tpu.memory_space<vmem>>)
      tpu.yield
    }) : () -> ()
    %mul3A_3 = arith.constant 2560 : i32
    %mul3A_4 = arith.muli %arg1, %mul3A_3 : i32
    %mul3A_5 = arith.constant 32 : i32
    %mul3A_6 = arith.muli %arg0, %mul3A_5 : i32
    "tpu.region"() ({
      %run_scoped3A = tpu.sem_alloc : memref<!tpu.dma_semaphore, #tpu.memory_space<semaphore_mem>>
      %dma_start3A_412 = tpu.memref_slice %arg2[%mul3A_4, %mul3A_6] : memref<40960x64xf32, #tpu.memory_space<hbm>> -> memref<2560x32xf32, #tpu.memory_space<hbm>>
      %dma_start3A_413 = tpu.memref_slice %arg2[%mul3A_4, %mul3A_6] : memref<40960x64xf32, #tpu.memory_space<hbm>> -> memref<2560x32xf32, #tpu.memory_space<hbm>>
      tpu.enqueue_dma source(%dma_start3A_413 : memref<2560x32xf32, #tpu.memory_space<hbm>>) target(%arg7 : memref<2560x32xf32, #tpu.memory_space<vmem>>) target_semaphore(%run_scoped3A : memref<!tpu.dma_semaphore, #tpu.memory_space<semaphore_mem>>)
      %dma_wait3A_414 = tpu.memref_slice %arg2[%mul3A_4, %mul3A_6] : memref<40960x64xf32, #tpu.memory_space<hbm>> -> memref<2560x32xf32, #tpu.memory_space<hbm>>
      %dma_wait3A_415 = tpu.memref_slice %arg2[%mul3A_4, %mul3A_6] : memref<40960x64xf32, #tpu.memory_space<hbm>> -> memref<2560x32xf32, #tpu.memory_space<hbm>>
      tpu.wait_dma2 semaphore(%run_scoped3A : memref<!tpu.dma_semaphore, #tpu.memory_space<semaphore_mem>>) src(%dma_wait3A_415 : memref<2560x32xf32, #tpu.memory_space<hbm>>) dst(%arg7 : memref<2560x32xf32, #tpu.memory_space<vmem>>)
      tpu.yield
    }) : () -> ()
    %barrier3A = arith.constant 0 : index
    tpu.barrier barrier_id(%barrier3A)
    %dma_start3A = arith.constant 0 : i32
    %dma_start3A_7 = arith.constant 0 : i32
    %dma_start3A_8 = arith.constant 0 : i32
    %dma_start3A_9 = tpu.memref_slice %arg7[%dma_start3A_7, %dma_start3A_8] : memref<2560x32xf32, #tpu.memory_space<vmem>> -> memref<128x32xf32, #tpu.memory_space<vmem>>
    %dma_start3A_10 = arith.constant 0 : i32
    %dma_start3A_11 = tpu.memref_slice %arg6[%dma_start3A, %dma_start3A_10] : memref<20x128xi32, #tpu.memory_space<vmem>> -> memref<1x128xi32, #tpu.memory_space<vmem>>
    %dma_start3A_12 = tpu.memref_squeeze %dma_start3A_11 : memref<1x128xi32, #tpu.memory_space<vmem>> -> memref<128xi32, #tpu.memory_space<vmem>>
    %dma_start3A_13 = arith.constant 0 : i32
    %dma_start3A_14 = arith.constant 0 : i32
    %dma_start3A_15 = tpu.memref_slice %arg8[%dma_start3A_13, %dma_start3A_14] : memref<20400x32xf32, #tpu.memory_space<vmem_shared>> -> memref<20400x32xf32, #tpu.memory_space<vmem_shared>>
    tpu.enqueue_indirect_dma source(%dma_start3A_9 : memref<128x32xf32, #tpu.memory_space<vmem>>) target(%dma_start3A_15 : memref<20400x32xf32, #tpu.memory_space<vmem_shared>>) offsets(%dma_start3A_12 : memref<128xi32, #tpu.memory_space<vmem>>) semaphore(%arg9 : memref<!tpu.dma_semaphore, #tpu.memory_space<semaphore_mem>>) {add = true}
    %dma_start3A_16 = arith.constant 1 : i32
    %dma_start3A_17 = arith.constant 128 : i32
    %dma_start3A_18 = arith.constant 0 : i32
    %dma_start3A_19 = tpu.memref_slice %arg7[%dma_start3A_17, %dma_start3A_18] : memref<2560x32xf32, #tpu.memory_space<vmem>> -> memref<128x32xf32, #tpu.memory_space<vmem>>
    %dma_start3A_20 = arith.constant 0 : i32
    %dma_start3A_21 = tpu.memref_slice %arg6[%dma_start3A_16, %dma_start3A_20] : memref<20x128xi32, #tpu.memory_space<vmem>> -> memref<1x128xi32, #tpu.memory_space<vmem>>
    %dma_start3A_22 = tpu.memref_squeeze %dma_start3A_21 : memref<1x128xi32, #tpu.memory_space<vmem>> -> memref<128xi32, #tpu.memory_space<vmem>>
    %dma_start3A_23 = arith.constant 0 : i32
    %dma_start3A_24 = arith.constant 0 : i32
    %dma_start3A_25 = tpu.memref_slice %arg8[%dma_start3A_23, %dma_start3A_24] : memref<20400x32xf32, #tpu.memory_space<vmem_shared>> -> memref<20400x32xf32, #tpu.memory_space<vmem_shared>>
    tpu.enqueue_indirect_dma source(%dma_start3A_19 : memref<128x32xf32, #tpu.memory_space<vmem>>) target(%dma_start3A_25 : memref<20400x32xf32, #tpu.memory_space<vmem_shared>>) offsets(%dma_start3A_22 : memref<128xi32, #tpu.memory_space<vmem>>) semaphore(%arg9 : memref<!tpu.dma_semaphore, #tpu.memory_space<semaphore_mem>>) {add = true}
    %dma_start3A_26 = arith.constant 2 : i32
    %dma_start3A_27 = arith.constant 256 : i32
    %dma_start3A_28 = arith.constant 0 : i32
    %dma_start3A_29 = tpu.memref_slice %arg7[%dma_start3A_27, %dma_start3A_28] : memref<2560x32xf32, #tpu.memory_space<vmem>> -> memref<128x32xf32, #tpu.memory_space<vmem>>
    %dma_start3A_30 = arith.constant 0 : i32
    %dma_start3A_31 = tpu.memref_slice %arg6[%dma_start3A_26, %dma_start3A_30] : memref<20x128xi32, #tpu.memory_space<vmem>> -> memref<1x128xi32, #tpu.memory_space<vmem>>
    %dma_start3A_32 = tpu.memref_squeeze %dma_start3A_31 : memref<1x128xi32, #tpu.memory_space<vmem>> -> memref<128xi32, #tpu.memory_space<vmem>>
    %dma_start3A_33 = arith.constant 0 : i32
    %dma_start3A_34 = arith.constant 0 : i32
    %dma_start3A_35 = tpu.memref_slice %arg8[%dma_start3A_33, %dma_start3A_34] : memref<20400x32xf32, #tpu.memory_space<vmem_shared>> -> memref<20400x32xf32, #tpu.memory_space<vmem_shared>>
    tpu.enqueue_indirect_dma source(%dma_start3A_29 : memref<128x32xf32, #tpu.memory_space<vmem>>) target(%dma_start3A_35 : memref<20400x32xf32, #tpu.memory_space<vmem_shared>>) offsets(%dma_start3A_32 : memref<128xi32, #tpu.memory_space<vmem>>) semaphore(%arg9 : memref<!tpu.dma_semaphore, #tpu.memory_space<semaphore_mem>>) {add = true}
    %dma_start3A_36 = arith.constant 3 : i32
    %dma_start3A_37 = arith.constant 384 : i32
    %dma_start3A_38 = arith.constant 0 : i32
    %dma_start3A_39 = tpu.memref_slice %arg7[%dma_start3A_37, %dma_start3A_38] : memref<2560x32xf32, #tpu.memory_space<vmem>> -> memref<128x32xf32, #tpu.memory_space<vmem>>
    %dma_start3A_40 = arith.constant 0 : i32
    %dma_start3A_41 = tpu.memref_slice %arg6[%dma_start3A_36, %dma_start3A_40] : memref<20x128xi32, #tpu.memory_space<vmem>> -> memref<1x128xi32, #tpu.memory_space<vmem>>
    %dma_start3A_42 = tpu.memref_squeeze %dma_start3A_41 : memref<1x128xi32, #tpu.memory_space<vmem>> -> memref<128xi32, #tpu.memory_space<vmem>>
    %dma_start3A_43 = arith.constant 0 : i32
    %dma_start3A_44 = arith.constant 0 : i32
    %dma_start3A_45 = tpu.memref_slice %arg8[%dma_start3A_43, %dma_start3A_44] : memref<20400x32xf32, #tpu.memory_space<vmem_shared>> -> memref<20400x32xf32, #tpu.memory_space<vmem_shared>>
    tpu.enqueue_indirect_dma source(%dma_start3A_39 : memref<128x32xf32, #tpu.memory_space<vmem>>) target(%dma_start3A_45 : memref<20400x32xf32, #tpu.memory_space<vmem_shared>>) offsets(%dma_start3A_42 : memref<128xi32, #tpu.memory_space<vmem>>) semaphore(%arg9 : memref<!tpu.dma_semaphore, #tpu.memory_space<semaphore_mem>>) {add = true}
    %dma_start3A_46 = arith.constant 4 : i32
    %dma_start3A_47 = arith.constant 512 : i32
    %dma_start3A_48 = arith.constant 0 : i32
    %dma_start3A_49 = tpu.memref_slice %arg7[%dma_start3A_47, %dma_start3A_48] : memref<2560x32xf32, #tpu.memory_space<vmem>> -> memref<128x32xf32, #tpu.memory_space<vmem>>
    %dma_start3A_50 = arith.constant 0 : i32
    %dma_start3A_51 = tpu.memref_slice %arg6[%dma_start3A_46, %dma_start3A_50] : memref<20x128xi32, #tpu.memory_space<vmem>> -> memref<1x128xi32, #tpu.memory_space<vmem>>
    %dma_start3A_52 = tpu.memref_squeeze %dma_start3A_51 : memref<1x128xi32, #tpu.memory_space<vmem>> -> memref<128xi32, #tpu.memory_space<vmem>>
    %dma_start3A_53 = arith.constant 0 : i32
    %dma_start3A_54 = arith.constant 0 : i32
    %dma_start3A_55 = tpu.memref_slice %arg8[%dma_start3A_53, %dma_start3A_54] : memref<20400x32xf32, #tpu.memory_space<vmem_shared>> -> memref<20400x32xf32, #tpu.memory_space<vmem_shared>>
    tpu.enqueue_indirect_dma source(%dma_start3A_49 : memref<128x32xf32, #tpu.memory_space<vmem>>) target(%dma_start3A_55 : memref<20400x32xf32, #tpu.memory_space<vmem_shared>>) offsets(%dma_start3A_52 : memref<128xi32, #tpu.memory_space<vmem>>) semaphore(%arg9 : memref<!tpu.dma_semaphore, #tpu.memory_space<semaphore_mem>>) {add = true}
    %dma_start3A_56 = arith.constant 5 : i32
    %dma_start3A_57 = arith.constant 640 : i32
    %dma_start3A_58 = arith.constant 0 : i32
    %dma_start3A_59 = tpu.memref_slice %arg7[%dma_start3A_57, %dma_start3A_58] : memref<2560x32xf32, #tpu.memory_space<vmem>> -> memref<128x32xf32, #tpu.memory_space<vmem>>
    %dma_start3A_60 = arith.constant 0 : i32
    %dma_start3A_61 = tpu.memref_slice %arg6[%dma_start3A_56, %dma_start3A_60] : memref<20x128xi32, #tpu.memory_space<vmem>> -> memref<1x128xi32, #tpu.memory_space<vmem>>
    %dma_start3A_62 = tpu.memref_squeeze %dma_start3A_61 : memref<1x128xi32, #tpu.memory_space<vmem>> -> memref<128xi32, #tpu.memory_space<vmem>>
    %dma_start3A_63 = arith.constant 0 : i32
    %dma_start3A_64 = arith.constant 0 : i32
    %dma_start3A_65 = tpu.memref_slice %arg8[%dma_start3A_63, %dma_start3A_64] : memref<20400x32xf32, #tpu.memory_space<vmem_shared>> -> memref<20400x32xf32, #tpu.memory_space<vmem_shared>>
    tpu.enqueue_indirect_dma source(%dma_start3A_59 : memref<128x32xf32, #tpu.memory_space<vmem>>) target(%dma_start3A_65 : memref<20400x32xf32, #tpu.memory_space<vmem_shared>>) offsets(%dma_start3A_62 : memref<128xi32, #tpu.memory_space<vmem>>) semaphore(%arg9 : memref<!tpu.dma_semaphore, #tpu.memory_space<semaphore_mem>>) {add = true}
    %dma_start3A_66 = arith.constant 6 : i32
    %dma_start3A_67 = arith.constant 768 : i32
    %dma_start3A_68 = arith.constant 0 : i32
    %dma_start3A_69 = tpu.memref_slice %arg7[%dma_start3A_67, %dma_start3A_68] : memref<2560x32xf32, #tpu.memory_space<vmem>> -> memref<128x32xf32, #tpu.memory_space<vmem>>
    %dma_start3A_70 = arith.constant 0 : i32
    %dma_start3A_71 = tpu.memref_slice %arg6[%dma_start3A_66, %dma_start3A_70] : memref<20x128xi32, #tpu.memory_space<vmem>> -> memref<1x128xi32, #tpu.memory_space<vmem>>
    %dma_start3A_72 = tpu.memref_squeeze %dma_start3A_71 : memref<1x128xi32, #tpu.memory_space<vmem>> -> memref<128xi32, #tpu.memory_space<vmem>>
    %dma_start3A_73 = arith.constant 0 : i32
    %dma_start3A_74 = arith.constant 0 : i32
    %dma_start3A_75 = tpu.memref_slice %arg8[%dma_start3A_73, %dma_start3A_74] : memref<20400x32xf32, #tpu.memory_space<vmem_shared>> -> memref<20400x32xf32, #tpu.memory_space<vmem_shared>>
    tpu.enqueue_indirect_dma source(%dma_start3A_69 : memref<128x32xf32, #tpu.memory_space<vmem>>) target(%dma_start3A_75 : memref<20400x32xf32, #tpu.memory_space<vmem_shared>>) offsets(%dma_start3A_72 : memref<128xi32, #tpu.memory_space<vmem>>) semaphore(%arg9 : memref<!tpu.dma_semaphore, #tpu.memory_space<semaphore_mem>>) {add = true}
    %dma_start3A_76 = arith.constant 7 : i32
    %dma_start3A_77 = arith.constant 896 : i32
    %dma_start3A_78 = arith.constant 0 : i32
    %dma_start3A_79 = tpu.memref_slice %arg7[%dma_start3A_77, %dma_start3A_78] : memref<2560x32xf32, #tpu.memory_space<vmem>> -> memref<128x32xf32, #tpu.memory_space<vmem>>
    %dma_start3A_80 = arith.constant 0 : i32
    %dma_start3A_81 = tpu.memref_slice %arg6[%dma_start3A_76, %dma_start3A_80] : memref<20x128xi32, #tpu.memory_space<vmem>> -> memref<1x128xi32, #tpu.memory_space<vmem>>
    %dma_start3A_82 = tpu.memref_squeeze %dma_start3A_81 : memref<1x128xi32, #tpu.memory_space<vmem>> -> memref<128xi32, #tpu.memory_space<vmem>>
    %dma_start3A_83 = arith.constant 0 : i32
    %dma_start3A_84 = arith.constant 0 : i32
    %dma_start3A_85 = tpu.memref_slice %arg8[%dma_start3A_83, %dma_start3A_84] : memref<20400x32xf32, #tpu.memory_space<vmem_shared>> -> memref<20400x32xf32, #tpu.memory_space<vmem_shared>>
    tpu.enqueue_indirect_dma source(%dma_start3A_79 : memref<128x32xf32, #tpu.memory_space<vmem>>) target(%dma_start3A_85 : memref<20400x32xf32, #tpu.memory_space<vmem_shared>>) offsets(%dma_start3A_82 : memref<128xi32, #tpu.memory_space<vmem>>) semaphore(%arg9 : memref<!tpu.dma_semaphore, #tpu.memory_space<semaphore_mem>>) {add = true}
    %dma_start3A_86 = arith.constant 8 : i32
    %dma_start3A_87 = arith.constant 1024 : i32
    %dma_start3A_88 = arith.constant 0 : i32
    %dma_start3A_89 = tpu.memref_slice %arg7[%dma_start3A_87, %dma_start3A_88] : memref<2560x32xf32, #tpu.memory_space<vmem>> -> memref<128x32xf32, #tpu.memory_space<vmem>>
    %dma_start3A_90 = arith.constant 0 : i32
    %dma_start3A_91 = tpu.memref_slice %arg6[%dma_start3A_86, %dma_start3A_90] : memref<20x128xi32, #tpu.memory_space<vmem>> -> memref<1x128xi32, #tpu.memory_space<vmem>>
    %dma_start3A_92 = tpu.memref_squeeze %dma_start3A_91 : memref<1x128xi32, #tpu.memory_space<vmem>> -> memref<128xi32, #tpu.memory_space<vmem>>
    %dma_start3A_93 = arith.constant 0 : i32
    %dma_start3A_94 = arith.constant 0 : i32
    %dma_start3A_95 = tpu.memref_slice %arg8[%dma_start3A_93, %dma_start3A_94] : memref<20400x32xf32, #tpu.memory_space<vmem_shared>> -> memref<20400x32xf32, #tpu.memory_space<vmem_shared>>
    tpu.enqueue_indirect_dma source(%dma_start3A_89 : memref<128x32xf32, #tpu.memory_space<vmem>>) target(%dma_start3A_95 : memref<20400x32xf32, #tpu.memory_space<vmem_shared>>) offsets(%dma_start3A_92 : memref<128xi32, #tpu.memory_space<vmem>>) semaphore(%arg9 : memref<!tpu.dma_semaphore, #tpu.memory_space<semaphore_mem>>) {add = true}
    %dma_start3A_96 = arith.constant 9 : i32
    %dma_start3A_97 = arith.constant 1152 : i32
    %dma_start3A_98 = arith.constant 0 : i32
    %dma_start3A_99 = tpu.memref_slice %arg7[%dma_start3A_97, %dma_start3A_98] : memref<2560x32xf32, #tpu.memory_space<vmem>> -> memref<128x32xf32, #tpu.memory_space<vmem>>
    %dma_start3A_100 = arith.constant 0 : i32
    %dma_start3A_101 = tpu.memref_slice %arg6[%dma_start3A_96, %dma_start3A_100] : memref<20x128xi32, #tpu.memory_space<vmem>> -> memref<1x128xi32, #tpu.memory_space<vmem>>
    %dma_start3A_102 = tpu.memref_squeeze %dma_start3A_101 : memref<1x128xi32, #tpu.memory_space<vmem>> -> memref<128xi32, #tpu.memory_space<vmem>>
    %dma_start3A_103 = arith.constant 0 : i32
    %dma_start3A_104 = arith.constant 0 : i32
    %dma_start3A_105 = tpu.memref_slice %arg8[%dma_start3A_103, %dma_start3A_104] : memref<20400x32xf32, #tpu.memory_space<vmem_shared>> -> memref<20400x32xf32, #tpu.memory_space<vmem_shared>>
    tpu.enqueue_indirect_dma source(%dma_start3A_99 : memref<128x32xf32, #tpu.memory_space<vmem>>) target(%dma_start3A_105 : memref<20400x32xf32, #tpu.memory_space<vmem_shared>>) offsets(%dma_start3A_102 : memref<128xi32, #tpu.memory_space<vmem>>) semaphore(%arg9 : memref<!tpu.dma_semaphore, #tpu.memory_space<semaphore_mem>>) {add = true}
    %dma_start3A_106 = arith.constant 10 : i32
    %dma_start3A_107 = arith.constant 1280 : i32
    %dma_start3A_108 = arith.constant 0 : i32
    %dma_start3A_109 = tpu.memref_slice %arg7[%dma_start3A_107, %dma_start3A_108] : memref<2560x32xf32, #tpu.memory_space<vmem>> -> memref<128x32xf32, #tpu.memory_space<vmem>>
    %dma_start3A_110 = arith.constant 0 : i32
    %dma_start3A_111 = tpu.memref_slice %arg6[%dma_start3A_106, %dma_start3A_110] : memref<20x128xi32, #tpu.memory_space<vmem>> -> memref<1x128xi32, #tpu.memory_space<vmem>>
    %dma_start3A_112 = tpu.memref_squeeze %dma_start3A_111 : memref<1x128xi32, #tpu.memory_space<vmem>> -> memref<128xi32, #tpu.memory_space<vmem>>
    %dma_start3A_113 = arith.constant 0 : i32
    %dma_start3A_114 = arith.constant 0 : i32
    %dma_start3A_115 = tpu.memref_slice %arg8[%dma_start3A_113, %dma_start3A_114] : memref<20400x32xf32, #tpu.memory_space<vmem_shared>> -> memref<20400x32xf32, #tpu.memory_space<vmem_shared>>
    tpu.enqueue_indirect_dma source(%dma_start3A_109 : memref<128x32xf32, #tpu.memory_space<vmem>>) target(%dma_start3A_115 : memref<20400x32xf32, #tpu.memory_space<vmem_shared>>) offsets(%dma_start3A_112 : memref<128xi32, #tpu.memory_space<vmem>>) semaphore(%arg9 : memref<!tpu.dma_semaphore, #tpu.memory_space<semaphore_mem>>) {add = true}
    %dma_start3A_116 = arith.constant 11 : i32
    %dma_start3A_117 = arith.constant 1408 : i32
    %dma_start3A_118 = arith.constant 0 : i32
    %dma_start3A_119 = tpu.memref_slice %arg7[%dma_start3A_117, %dma_start3A_118] : memref<2560x32xf32, #tpu.memory_space<vmem>> -> memref<128x32xf32, #tpu.memory_space<vmem>>
    %dma_start3A_120 = arith.constant 0 : i32
    %dma_start3A_121 = tpu.memref_slice %arg6[%dma_start3A_116, %dma_start3A_120] : memref<20x128xi32, #tpu.memory_space<vmem>> -> memref<1x128xi32, #tpu.memory_space<vmem>>
    %dma_start3A_122 = tpu.memref_squeeze %dma_start3A_121 : memref<1x128xi32, #tpu.memory_space<vmem>> -> memref<128xi32, #tpu.memory_space<vmem>>
    %dma_start3A_123 = arith.constant 0 : i32
    %dma_start3A_124 = arith.constant 0 : i32
    %dma_start3A_125 = tpu.memref_slice %arg8[%dma_start3A_123, %dma_start3A_124] : memref<20400x32xf32, #tpu.memory_space<vmem_shared>> -> memref<20400x32xf32, #tpu.memory_space<vmem_shared>>
    tpu.enqueue_indirect_dma source(%dma_start3A_119 : memref<128x32xf32, #tpu.memory_space<vmem>>) target(%dma_start3A_125 : memref<20400x32xf32, #tpu.memory_space<vmem_shared>>) offsets(%dma_start3A_122 : memref<128xi32, #tpu.memory_space<vmem>>) semaphore(%arg9 : memref<!tpu.dma_semaphore, #tpu.memory_space<semaphore_mem>>) {add = true}
    %dma_start3A_126 = arith.constant 12 : i32
    %dma_start3A_127 = arith.constant 1536 : i32
    %dma_start3A_128 = arith.constant 0 : i32
    %dma_start3A_129 = tpu.memref_slice %arg7[%dma_start3A_127, %dma_start3A_128] : memref<2560x32xf32, #tpu.memory_space<vmem>> -> memref<128x32xf32, #tpu.memory_space<vmem>>
    %dma_start3A_130 = arith.constant 0 : i32
    %dma_start3A_131 = tpu.memref_slice %arg6[%dma_start3A_126, %dma_start3A_130] : memref<20x128xi32, #tpu.memory_space<vmem>> -> memref<1x128xi32, #tpu.memory_space<vmem>>
    %dma_start3A_132 = tpu.memref_squeeze %dma_start3A_131 : memref<1x128xi32, #tpu.memory_space<vmem>> -> memref<128xi32, #tpu.memory_space<vmem>>
    %dma_start3A_133 = arith.constant 0 : i32
    %dma_start3A_134 = arith.constant 0 : i32
    %dma_start3A_135 = tpu.memref_slice %arg8[%dma_start3A_133, %dma_start3A_134] : memref<20400x32xf32, #tpu.memory_space<vmem_shared>> -> memref<20400x32xf32, #tpu.memory_space<vmem_shared>>
    tpu.enqueue_indirect_dma source(%dma_start3A_129 : memref<128x32xf32, #tpu.memory_space<vmem>>) target(%dma_start3A_135 : memref<20400x32xf32, #tpu.memory_space<vmem_shared>>) offsets(%dma_start3A_132 : memref<128xi32, #tpu.memory_space<vmem>>) semaphore(%arg9 : memref<!tpu.dma_semaphore, #tpu.memory_space<semaphore_mem>>) {add = true}
    %dma_start3A_136 = arith.constant 13 : i32
    %dma_start3A_137 = arith.constant 1664 : i32
    %dma_start3A_138 = arith.constant 0 : i32
    %dma_start3A_139 = tpu.memref_slice %arg7[%dma_start3A_137, %dma_start3A_138] : memref<2560x32xf32, #tpu.memory_space<vmem>> -> memref<128x32xf32, #tpu.memory_space<vmem>>
    %dma_start3A_140 = arith.constant 0 : i32
    %dma_start3A_141 = tpu.memref_slice %arg6[%dma_start3A_136, %dma_start3A_140] : memref<20x128xi32, #tpu.memory_space<vmem>> -> memref<1x128xi32, #tpu.memory_space<vmem>>
    %dma_start3A_142 = tpu.memref_squeeze %dma_start3A_141 : memref<1x128xi32, #tpu.memory_space<vmem>> -> memref<128xi32, #tpu.memory_space<vmem>>
    %dma_start3A_143 = arith.constant 0 : i32
    %dma_start3A_144 = arith.constant 0 : i32
    %dma_start3A_145 = tpu.memref_slice %arg8[%dma_start3A_143, %dma_start3A_144] : memref<20400x32xf32, #tpu.memory_space<vmem_shared>> -> memref<20400x32xf32, #tpu.memory_space<vmem_shared>>
    tpu.enqueue_indirect_dma source(%dma_start3A_139 : memref<128x32xf32, #tpu.memory_space<vmem>>) target(%dma_start3A_145 : memref<20400x32xf32, #tpu.memory_space<vmem_shared>>) offsets(%dma_start3A_142 : memref<128xi32, #tpu.memory_space<vmem>>) semaphore(%arg9 : memref<!tpu.dma_semaphore, #tpu.memory_space<semaphore_mem>>) {add = true}
    %dma_start3A_146 = arith.constant 14 : i32
    %dma_start3A_147 = arith.constant 1792 : i32
    %dma_start3A_148 = arith.constant 0 : i32
    %dma_start3A_149 = tpu.memref_slice %arg7[%dma_start3A_147, %dma_start3A_148] : memref<2560x32xf32, #tpu.memory_space<vmem>> -> memref<128x32xf32, #tpu.memory_space<vmem>>
    %dma_start3A_150 = arith.constant 0 : i32
    %dma_start3A_151 = tpu.memref_slice %arg6[%dma_start3A_146, %dma_start3A_150] : memref<20x128xi32, #tpu.memory_space<vmem>> -> memref<1x128xi32, #tpu.memory_space<vmem>>
    %dma_start3A_152 = tpu.memref_squeeze %dma_start3A_151 : memref<1x128xi32, #tpu.memory_space<vmem>> -> memref<128xi32, #tpu.memory_space<vmem>>
    %dma_start3A_153 = arith.constant 0 : i32
    %dma_start3A_154 = arith.constant 0 : i32
    %dma_start3A_155 = tpu.memref_slice %arg8[%dma_start3A_153, %dma_start3A_154] : memref<20400x32xf32, #tpu.memory_space<vmem_shared>> -> memref<20400x32xf32, #tpu.memory_space<vmem_shared>>
    tpu.enqueue_indirect_dma source(%dma_start3A_149 : memref<128x32xf32, #tpu.memory_space<vmem>>) target(%dma_start3A_155 : memref<20400x32xf32, #tpu.memory_space<vmem_shared>>) offsets(%dma_start3A_152 : memref<128xi32, #tpu.memory_space<vmem>>) semaphore(%arg9 : memref<!tpu.dma_semaphore, #tpu.memory_space<semaphore_mem>>) {add = true}
    %dma_start3A_156 = arith.constant 15 : i32
    %dma_start3A_157 = arith.constant 1920 : i32
    %dma_start3A_158 = arith.constant 0 : i32
    %dma_start3A_159 = tpu.memref_slice %arg7[%dma_start3A_157, %dma_start3A_158] : memref<2560x32xf32, #tpu.memory_space<vmem>> -> memref<128x32xf32, #tpu.memory_space<vmem>>
    %dma_start3A_160 = arith.constant 0 : i32
    %dma_start3A_161 = tpu.memref_slice %arg6[%dma_start3A_156, %dma_start3A_160] : memref<20x128xi32, #tpu.memory_space<vmem>> -> memref<1x128xi32, #tpu.memory_space<vmem>>
    %dma_start3A_162 = tpu.memref_squeeze %dma_start3A_161 : memref<1x128xi32, #tpu.memory_space<vmem>> -> memref<128xi32, #tpu.memory_space<vmem>>
    %dma_start3A_163 = arith.constant 0 : i32
    %dma_start3A_164 = arith.constant 0 : i32
    %dma_start3A_165 = tpu.memref_slice %arg8[%dma_start3A_163, %dma_start3A_164] : memref<20400x32xf32, #tpu.memory_space<vmem_shared>> -> memref<20400x32xf32, #tpu.memory_space<vmem_shared>>
    tpu.enqueue_indirect_dma source(%dma_start3A_159 : memref<128x32xf32, #tpu.memory_space<vmem>>) target(%dma_start3A_165 : memref<20400x32xf32, #tpu.memory_space<vmem_shared>>) offsets(%dma_start3A_162 : memref<128xi32, #tpu.memory_space<vmem>>) semaphore(%arg9 : memref<!tpu.dma_semaphore, #tpu.memory_space<semaphore_mem>>) {add = true}
    %dma_start3A_166 = arith.constant 16 : i32
    %dma_start3A_167 = arith.constant 2048 : i32
    %dma_start3A_168 = arith.constant 0 : i32
    %dma_start3A_169 = tpu.memref_slice %arg7[%dma_start3A_167, %dma_start3A_168] : memref<2560x32xf32, #tpu.memory_space<vmem>> -> memref<128x32xf32, #tpu.memory_space<vmem>>
    %dma_start3A_170 = arith.constant 0 : i32
    %dma_start3A_171 = tpu.memref_slice %arg6[%dma_start3A_166, %dma_start3A_170] : memref<20x128xi32, #tpu.memory_space<vmem>> -> memref<1x128xi32, #tpu.memory_space<vmem>>
    %dma_start3A_172 = tpu.memref_squeeze %dma_start3A_171 : memref<1x128xi32, #tpu.memory_space<vmem>> -> memref<128xi32, #tpu.memory_space<vmem>>
    %dma_start3A_173 = arith.constant 0 : i32
    %dma_start3A_174 = arith.constant 0 : i32
    %dma_start3A_175 = tpu.memref_slice %arg8[%dma_start3A_173, %dma_start3A_174] : memref<20400x32xf32, #tpu.memory_space<vmem_shared>> -> memref<20400x32xf32, #tpu.memory_space<vmem_shared>>
    tpu.enqueue_indirect_dma source(%dma_start3A_169 : memref<128x32xf32, #tpu.memory_space<vmem>>) target(%dma_start3A_175 : memref<20400x32xf32, #tpu.memory_space<vmem_shared>>) offsets(%dma_start3A_172 : memref<128xi32, #tpu.memory_space<vmem>>) semaphore(%arg9 : memref<!tpu.dma_semaphore, #tpu.memory_space<semaphore_mem>>) {add = true}
    %dma_start3A_176 = arith.constant 17 : i32
    %dma_start3A_177 = arith.constant 2176 : i32
    %dma_start3A_178 = arith.constant 0 : i32
    %dma_start3A_179 = tpu.memref_slice %arg7[%dma_start3A_177, %dma_start3A_178] : memref<2560x32xf32, #tpu.memory_space<vmem>> -> memref<128x32xf32, #tpu.memory_space<vmem>>
    %dma_start3A_180 = arith.constant 0 : i32
    %dma_start3A_181 = tpu.memref_slice %arg6[%dma_start3A_176, %dma_start3A_180] : memref<20x128xi32, #tpu.memory_space<vmem>> -> memref<1x128xi32, #tpu.memory_space<vmem>>
    %dma_start3A_182 = tpu.memref_squeeze %dma_start3A_181 : memref<1x128xi32, #tpu.memory_space<vmem>> -> memref<128xi32, #tpu.memory_space<vmem>>
    %dma_start3A_183 = arith.constant 0 : i32
    %dma_start3A_184 = arith.constant 0 : i32
    %dma_start3A_185 = tpu.memref_slice %arg8[%dma_start3A_183, %dma_start3A_184] : memref<20400x32xf32, #tpu.memory_space<vmem_shared>> -> memref<20400x32xf32, #tpu.memory_space<vmem_shared>>
    tpu.enqueue_indirect_dma source(%dma_start3A_179 : memref<128x32xf32, #tpu.memory_space<vmem>>) target(%dma_start3A_185 : memref<20400x32xf32, #tpu.memory_space<vmem_shared>>) offsets(%dma_start3A_182 : memref<128xi32, #tpu.memory_space<vmem>>) semaphore(%arg9 : memref<!tpu.dma_semaphore, #tpu.memory_space<semaphore_mem>>) {add = true}
    %dma_start3A_186 = arith.constant 18 : i32
    %dma_start3A_187 = arith.constant 2304 : i32
    %dma_start3A_188 = arith.constant 0 : i32
    %dma_start3A_189 = tpu.memref_slice %arg7[%dma_start3A_187, %dma_start3A_188] : memref<2560x32xf32, #tpu.memory_space<vmem>> -> memref<128x32xf32, #tpu.memory_space<vmem>>
    %dma_start3A_190 = arith.constant 0 : i32
    %dma_start3A_191 = tpu.memref_slice %arg6[%dma_start3A_186, %dma_start3A_190] : memref<20x128xi32, #tpu.memory_space<vmem>> -> memref<1x128xi32, #tpu.memory_space<vmem>>
    %dma_start3A_192 = tpu.memref_squeeze %dma_start3A_191 : memref<1x128xi32, #tpu.memory_space<vmem>> -> memref<128xi32, #tpu.memory_space<vmem>>
    %dma_start3A_193 = arith.constant 0 : i32
    %dma_start3A_194 = arith.constant 0 : i32
    %dma_start3A_195 = tpu.memref_slice %arg8[%dma_start3A_193, %dma_start3A_194] : memref<20400x32xf32, #tpu.memory_space<vmem_shared>> -> memref<20400x32xf32, #tpu.memory_space<vmem_shared>>
    tpu.enqueue_indirect_dma source(%dma_start3A_189 : memref<128x32xf32, #tpu.memory_space<vmem>>) target(%dma_start3A_195 : memref<20400x32xf32, #tpu.memory_space<vmem_shared>>) offsets(%dma_start3A_192 : memref<128xi32, #tpu.memory_space<vmem>>) semaphore(%arg9 : memref<!tpu.dma_semaphore, #tpu.memory_space<semaphore_mem>>) {add = true}
    %dma_start3A_196 = arith.constant 19 : i32
    %dma_start3A_197 = arith.constant 2432 : i32
    %dma_start3A_198 = arith.constant 0 : i32
    %dma_start3A_199 = tpu.memref_slice %arg7[%dma_start3A_197, %dma_start3A_198] : memref<2560x32xf32, #tpu.memory_space<vmem>> -> memref<128x32xf32, #tpu.memory_space<vmem>>
    %dma_start3A_200 = arith.constant 0 : i32
    %dma_start3A_201 = tpu.memref_slice %arg6[%dma_start3A_196, %dma_start3A_200] : memref<20x128xi32, #tpu.memory_space<vmem>> -> memref<1x128xi32, #tpu.memory_space<vmem>>
    %dma_start3A_202 = tpu.memref_squeeze %dma_start3A_201 : memref<1x128xi32, #tpu.memory_space<vmem>> -> memref<128xi32, #tpu.memory_space<vmem>>
    %dma_start3A_203 = arith.constant 0 : i32
    %dma_start3A_204 = arith.constant 0 : i32
    %dma_start3A_205 = tpu.memref_slice %arg8[%dma_start3A_203, %dma_start3A_204] : memref<20400x32xf32, #tpu.memory_space<vmem_shared>> -> memref<20400x32xf32, #tpu.memory_space<vmem_shared>>
    tpu.enqueue_indirect_dma source(%dma_start3A_199 : memref<128x32xf32, #tpu.memory_space<vmem>>) target(%dma_start3A_205 : memref<20400x32xf32, #tpu.memory_space<vmem_shared>>) offsets(%dma_start3A_202 : memref<128xi32, #tpu.memory_space<vmem>>) semaphore(%arg9 : memref<!tpu.dma_semaphore, #tpu.memory_space<semaphore_mem>>) {add = true}
    %dma_wait3A = arith.constant 0 : i32
    %dma_wait3A_206 = arith.constant 0 : i32
    %dma_wait3A_207 = arith.constant 0 : i32
    %dma_wait3A_208 = tpu.memref_slice %arg7[%dma_wait3A_206, %dma_wait3A_207] : memref<2560x32xf32, #tpu.memory_space<vmem>> -> memref<128x32xf32, #tpu.memory_space<vmem>>
    %dma_wait3A_209 = arith.constant 0 : i32
    %dma_wait3A_210 = tpu.memref_slice %arg6[%dma_wait3A, %dma_wait3A_209] : memref<20x128xi32, #tpu.memory_space<vmem>> -> memref<1x128xi32, #tpu.memory_space<vmem>>
    %dma_wait3A_211 = tpu.memref_squeeze %dma_wait3A_210 : memref<1x128xi32, #tpu.memory_space<vmem>> -> memref<128xi32, #tpu.memory_space<vmem>>
    %dma_wait3A_212 = arith.constant 0 : i32
    %dma_wait3A_213 = arith.constant 0 : i32
    %dma_wait3A_214 = tpu.memref_slice %arg8[%dma_wait3A_212, %dma_wait3A_213] : memref<20400x32xf32, #tpu.memory_space<vmem_shared>> -> memref<20400x32xf32, #tpu.memory_space<vmem_shared>>
    tpu.wait_indirect_dma semaphore(%arg9 : memref<!tpu.dma_semaphore, #tpu.memory_space<semaphore_mem>>) src(%dma_wait3A_208 : memref<128x32xf32, #tpu.memory_space<vmem>>) dst(%dma_wait3A_214 : memref<20400x32xf32, #tpu.memory_space<vmem_shared>>)
    %dma_wait3A_215 = arith.constant 1 : i32
    %dma_wait3A_216 = arith.constant 128 : i32
    %dma_wait3A_217 = arith.constant 0 : i32
    %dma_wait3A_218 = tpu.memref_slice %arg7[%dma_wait3A_216, %dma_wait3A_217] : memref<2560x32xf32, #tpu.memory_space<vmem>> -> memref<128x32xf32, #tpu.memory_space<vmem>>
    %dma_wait3A_219 = arith.constant 0 : i32
    %dma_wait3A_220 = tpu.memref_slice %arg6[%dma_wait3A_215, %dma_wait3A_219] : memref<20x128xi32, #tpu.memory_space<vmem>> -> memref<1x128xi32, #tpu.memory_space<vmem>>
    %dma_wait3A_221 = tpu.memref_squeeze %dma_wait3A_220 : memref<1x128xi32, #tpu.memory_space<vmem>> -> memref<128xi32, #tpu.memory_space<vmem>>
    %dma_wait3A_222 = arith.constant 0 : i32
    %dma_wait3A_223 = arith.constant 0 : i32
    %dma_wait3A_224 = tpu.memref_slice %arg8[%dma_wait3A_222, %dma_wait3A_223] : memref<20400x32xf32, #tpu.memory_space<vmem_shared>> -> memref<20400x32xf32, #tpu.memory_space<vmem_shared>>
    tpu.wait_indirect_dma semaphore(%arg9 : memref<!tpu.dma_semaphore, #tpu.memory_space<semaphore_mem>>) src(%dma_wait3A_218 : memref<128x32xf32, #tpu.memory_space<vmem>>) dst(%dma_wait3A_224 : memref<20400x32xf32, #tpu.memory_space<vmem_shared>>)
    %dma_wait3A_225 = arith.constant 2 : i32
    %dma_wait3A_226 = arith.constant 256 : i32
    %dma_wait3A_227 = arith.constant 0 : i32
    %dma_wait3A_228 = tpu.memref_slice %arg7[%dma_wait3A_226, %dma_wait3A_227] : memref<2560x32xf32, #tpu.memory_space<vmem>> -> memref<128x32xf32, #tpu.memory_space<vmem>>
    %dma_wait3A_229 = arith.constant 0 : i32
    %dma_wait3A_230 = tpu.memref_slice %arg6[%dma_wait3A_225, %dma_wait3A_229] : memref<20x128xi32, #tpu.memory_space<vmem>> -> memref<1x128xi32, #tpu.memory_space<vmem>>
    %dma_wait3A_231 = tpu.memref_squeeze %dma_wait3A_230 : memref<1x128xi32, #tpu.memory_space<vmem>> -> memref<128xi32, #tpu.memory_space<vmem>>
    %dma_wait3A_232 = arith.constant 0 : i32
    %dma_wait3A_233 = arith.constant 0 : i32
    %dma_wait3A_234 = tpu.memref_slice %arg8[%dma_wait3A_232, %dma_wait3A_233] : memref<20400x32xf32, #tpu.memory_space<vmem_shared>> -> memref<20400x32xf32, #tpu.memory_space<vmem_shared>>
    tpu.wait_indirect_dma semaphore(%arg9 : memref<!tpu.dma_semaphore, #tpu.memory_space<semaphore_mem>>) src(%dma_wait3A_228 : memref<128x32xf32, #tpu.memory_space<vmem>>) dst(%dma_wait3A_234 : memref<20400x32xf32, #tpu.memory_space<vmem_shared>>)
    %dma_wait3A_235 = arith.constant 3 : i32
    %dma_wait3A_236 = arith.constant 384 : i32
    %dma_wait3A_237 = arith.constant 0 : i32
    %dma_wait3A_238 = tpu.memref_slice %arg7[%dma_wait3A_236, %dma_wait3A_237] : memref<2560x32xf32, #tpu.memory_space<vmem>> -> memref<128x32xf32, #tpu.memory_space<vmem>>
    %dma_wait3A_239 = arith.constant 0 : i32
    %dma_wait3A_240 = tpu.memref_slice %arg6[%dma_wait3A_235, %dma_wait3A_239] : memref<20x128xi32, #tpu.memory_space<vmem>> -> memref<1x128xi32, #tpu.memory_space<vmem>>
    %dma_wait3A_241 = tpu.memref_squeeze %dma_wait3A_240 : memref<1x128xi32, #tpu.memory_space<vmem>> -> memref<128xi32, #tpu.memory_space<vmem>>
    %dma_wait3A_242 = arith.constant 0 : i32
    %dma_wait3A_243 = arith.constant 0 : i32
    %dma_wait3A_244 = tpu.memref_slice %arg8[%dma_wait3A_242, %dma_wait3A_243] : memref<20400x32xf32, #tpu.memory_space<vmem_shared>> -> memref<20400x32xf32, #tpu.memory_space<vmem_shared>>
    tpu.wait_indirect_dma semaphore(%arg9 : memref<!tpu.dma_semaphore, #tpu.memory_space<semaphore_mem>>) src(%dma_wait3A_238 : memref<128x32xf32, #tpu.memory_space<vmem>>) dst(%dma_wait3A_244 : memref<20400x32xf32, #tpu.memory_space<vmem_shared>>)
    %dma_wait3A_245 = arith.constant 4 : i32
    %dma_wait3A_246 = arith.constant 512 : i32
    %dma_wait3A_247 = arith.constant 0 : i32
    %dma_wait3A_248 = tpu.memref_slice %arg7[%dma_wait3A_246, %dma_wait3A_247] : memref<2560x32xf32, #tpu.memory_space<vmem>> -> memref<128x32xf32, #tpu.memory_space<vmem>>
    %dma_wait3A_249 = arith.constant 0 : i32
    %dma_wait3A_250 = tpu.memref_slice %arg6[%dma_wait3A_245, %dma_wait3A_249] : memref<20x128xi32, #tpu.memory_space<vmem>> -> memref<1x128xi32, #tpu.memory_space<vmem>>
    %dma_wait3A_251 = tpu.memref_squeeze %dma_wait3A_250 : memref<1x128xi32, #tpu.memory_space<vmem>> -> memref<128xi32, #tpu.memory_space<vmem>>
    %dma_wait3A_252 = arith.constant 0 : i32
    %dma_wait3A_253 = arith.constant 0 : i32
    %dma_wait3A_254 = tpu.memref_slice %arg8[%dma_wait3A_252, %dma_wait3A_253] : memref<20400x32xf32, #tpu.memory_space<vmem_shared>> -> memref<20400x32xf32, #tpu.memory_space<vmem_shared>>
    tpu.wait_indirect_dma semaphore(%arg9 : memref<!tpu.dma_semaphore, #tpu.memory_space<semaphore_mem>>) src(%dma_wait3A_248 : memref<128x32xf32, #tpu.memory_space<vmem>>) dst(%dma_wait3A_254 : memref<20400x32xf32, #tpu.memory_space<vmem_shared>>)
    %dma_wait3A_255 = arith.constant 5 : i32
    %dma_wait3A_256 = arith.constant 640 : i32
    %dma_wait3A_257 = arith.constant 0 : i32
    %dma_wait3A_258 = tpu.memref_slice %arg7[%dma_wait3A_256, %dma_wait3A_257] : memref<2560x32xf32, #tpu.memory_space<vmem>> -> memref<128x32xf32, #tpu.memory_space<vmem>>
    %dma_wait3A_259 = arith.constant 0 : i32
    %dma_wait3A_260 = tpu.memref_slice %arg6[%dma_wait3A_255, %dma_wait3A_259] : memref<20x128xi32, #tpu.memory_space<vmem>> -> memref<1x128xi32, #tpu.memory_space<vmem>>
    %dma_wait3A_261 = tpu.memref_squeeze %dma_wait3A_260 : memref<1x128xi32, #tpu.memory_space<vmem>> -> memref<128xi32, #tpu.memory_space<vmem>>
    %dma_wait3A_262 = arith.constant 0 : i32
    %dma_wait3A_263 = arith.constant 0 : i32
    %dma_wait3A_264 = tpu.memref_slice %arg8[%dma_wait3A_262, %dma_wait3A_263] : memref<20400x32xf32, #tpu.memory_space<vmem_shared>> -> memref<20400x32xf32, #tpu.memory_space<vmem_shared>>
    tpu.wait_indirect_dma semaphore(%arg9 : memref<!tpu.dma_semaphore, #tpu.memory_space<semaphore_mem>>) src(%dma_wait3A_258 : memref<128x32xf32, #tpu.memory_space<vmem>>) dst(%dma_wait3A_264 : memref<20400x32xf32, #tpu.memory_space<vmem_shared>>)
    %dma_wait3A_265 = arith.constant 6 : i32
    %dma_wait3A_266 = arith.constant 768 : i32
    %dma_wait3A_267 = arith.constant 0 : i32
    %dma_wait3A_268 = tpu.memref_slice %arg7[%dma_wait3A_266, %dma_wait3A_267] : memref<2560x32xf32, #tpu.memory_space<vmem>> -> memref<128x32xf32, #tpu.memory_space<vmem>>
    %dma_wait3A_269 = arith.constant 0 : i32
    %dma_wait3A_270 = tpu.memref_slice %arg6[%dma_wait3A_265, %dma_wait3A_269] : memref<20x128xi32, #tpu.memory_space<vmem>> -> memref<1x128xi32, #tpu.memory_space<vmem>>
    %dma_wait3A_271 = tpu.memref_squeeze %dma_wait3A_270 : memref<1x128xi32, #tpu.memory_space<vmem>> -> memref<128xi32, #tpu.memory_space<vmem>>
    %dma_wait3A_272 = arith.constant 0 : i32
    %dma_wait3A_273 = arith.constant 0 : i32
    %dma_wait3A_274 = tpu.memref_slice %arg8[%dma_wait3A_272, %dma_wait3A_273] : memref<20400x32xf32, #tpu.memory_space<vmem_shared>> -> memref<20400x32xf32, #tpu.memory_space<vmem_shared>>
    tpu.wait_indirect_dma semaphore(%arg9 : memref<!tpu.dma_semaphore, #tpu.memory_space<semaphore_mem>>) src(%dma_wait3A_268 : memref<128x32xf32, #tpu.memory_space<vmem>>) dst(%dma_wait3A_274 : memref<20400x32xf32, #tpu.memory_space<vmem_shared>>)
    %dma_wait3A_275 = arith.constant 7 : i32
    %dma_wait3A_276 = arith.constant 896 : i32
    %dma_wait3A_277 = arith.constant 0 : i32
    %dma_wait3A_278 = tpu.memref_slice %arg7[%dma_wait3A_276, %dma_wait3A_277] : memref<2560x32xf32, #tpu.memory_space<vmem>> -> memref<128x32xf32, #tpu.memory_space<vmem>>
    %dma_wait3A_279 = arith.constant 0 : i32
    %dma_wait3A_280 = tpu.memref_slice %arg6[%dma_wait3A_275, %dma_wait3A_279] : memref<20x128xi32, #tpu.memory_space<vmem>> -> memref<1x128xi32, #tpu.memory_space<vmem>>
    %dma_wait3A_281 = tpu.memref_squeeze %dma_wait3A_280 : memref<1x128xi32, #tpu.memory_space<vmem>> -> memref<128xi32, #tpu.memory_space<vmem>>
    %dma_wait3A_282 = arith.constant 0 : i32
    %dma_wait3A_283 = arith.constant 0 : i32
    %dma_wait3A_284 = tpu.memref_slice %arg8[%dma_wait3A_282, %dma_wait3A_283] : memref<20400x32xf32, #tpu.memory_space<vmem_shared>> -> memref<20400x32xf32, #tpu.memory_space<vmem_shared>>
    tpu.wait_indirect_dma semaphore(%arg9 : memref<!tpu.dma_semaphore, #tpu.memory_space<semaphore_mem>>) src(%dma_wait3A_278 : memref<128x32xf32, #tpu.memory_space<vmem>>) dst(%dma_wait3A_284 : memref<20400x32xf32, #tpu.memory_space<vmem_shared>>)
    %dma_wait3A_285 = arith.constant 8 : i32
    %dma_wait3A_286 = arith.constant 1024 : i32
    %dma_wait3A_287 = arith.constant 0 : i32
    %dma_wait3A_288 = tpu.memref_slice %arg7[%dma_wait3A_286, %dma_wait3A_287] : memref<2560x32xf32, #tpu.memory_space<vmem>> -> memref<128x32xf32, #tpu.memory_space<vmem>>
    %dma_wait3A_289 = arith.constant 0 : i32
    %dma_wait3A_290 = tpu.memref_slice %arg6[%dma_wait3A_285, %dma_wait3A_289] : memref<20x128xi32, #tpu.memory_space<vmem>> -> memref<1x128xi32, #tpu.memory_space<vmem>>
    %dma_wait3A_291 = tpu.memref_squeeze %dma_wait3A_290 : memref<1x128xi32, #tpu.memory_space<vmem>> -> memref<128xi32, #tpu.memory_space<vmem>>
    %dma_wait3A_292 = arith.constant 0 : i32
    %dma_wait3A_293 = arith.constant 0 : i32
    %dma_wait3A_294 = tpu.memref_slice %arg8[%dma_wait3A_292, %dma_wait3A_293] : memref<20400x32xf32, #tpu.memory_space<vmem_shared>> -> memref<20400x32xf32, #tpu.memory_space<vmem_shared>>
    tpu.wait_indirect_dma semaphore(%arg9 : memref<!tpu.dma_semaphore, #tpu.memory_space<semaphore_mem>>) src(%dma_wait3A_288 : memref<128x32xf32, #tpu.memory_space<vmem>>) dst(%dma_wait3A_294 : memref<20400x32xf32, #tpu.memory_space<vmem_shared>>)
    %dma_wait3A_295 = arith.constant 9 : i32
    %dma_wait3A_296 = arith.constant 1152 : i32
    %dma_wait3A_297 = arith.constant 0 : i32
    %dma_wait3A_298 = tpu.memref_slice %arg7[%dma_wait3A_296, %dma_wait3A_297] : memref<2560x32xf32, #tpu.memory_space<vmem>> -> memref<128x32xf32, #tpu.memory_space<vmem>>
    %dma_wait3A_299 = arith.constant 0 : i32
    %dma_wait3A_300 = tpu.memref_slice %arg6[%dma_wait3A_295, %dma_wait3A_299] : memref<20x128xi32, #tpu.memory_space<vmem>> -> memref<1x128xi32, #tpu.memory_space<vmem>>
    %dma_wait3A_301 = tpu.memref_squeeze %dma_wait3A_300 : memref<1x128xi32, #tpu.memory_space<vmem>> -> memref<128xi32, #tpu.memory_space<vmem>>
    %dma_wait3A_302 = arith.constant 0 : i32
    %dma_wait3A_303 = arith.constant 0 : i32
    %dma_wait3A_304 = tpu.memref_slice %arg8[%dma_wait3A_302, %dma_wait3A_303] : memref<20400x32xf32, #tpu.memory_space<vmem_shared>> -> memref<20400x32xf32, #tpu.memory_space<vmem_shared>>
    tpu.wait_indirect_dma semaphore(%arg9 : memref<!tpu.dma_semaphore, #tpu.memory_space<semaphore_mem>>) src(%dma_wait3A_298 : memref<128x32xf32, #tpu.memory_space<vmem>>) dst(%dma_wait3A_304 : memref<20400x32xf32, #tpu.memory_space<vmem_shared>>)
    %dma_wait3A_305 = arith.constant 10 : i32
    %dma_wait3A_306 = arith.constant 1280 : i32
    %dma_wait3A_307 = arith.constant 0 : i32
    %dma_wait3A_308 = tpu.memref_slice %arg7[%dma_wait3A_306, %dma_wait3A_307] : memref<2560x32xf32, #tpu.memory_space<vmem>> -> memref<128x32xf32, #tpu.memory_space<vmem>>
    %dma_wait3A_309 = arith.constant 0 : i32
    %dma_wait3A_310 = tpu.memref_slice %arg6[%dma_wait3A_305, %dma_wait3A_309] : memref<20x128xi32, #tpu.memory_space<vmem>> -> memref<1x128xi32, #tpu.memory_space<vmem>>
    %dma_wait3A_311 = tpu.memref_squeeze %dma_wait3A_310 : memref<1x128xi32, #tpu.memory_space<vmem>> -> memref<128xi32, #tpu.memory_space<vmem>>
    %dma_wait3A_312 = arith.constant 0 : i32
    %dma_wait3A_313 = arith.constant 0 : i32
    %dma_wait3A_314 = tpu.memref_slice %arg8[%dma_wait3A_312, %dma_wait3A_313] : memref<20400x32xf32, #tpu.memory_space<vmem_shared>> -> memref<20400x32xf32, #tpu.memory_space<vmem_shared>>
    tpu.wait_indirect_dma semaphore(%arg9 : memref<!tpu.dma_semaphore, #tpu.memory_space<semaphore_mem>>) src(%dma_wait3A_308 : memref<128x32xf32, #tpu.memory_space<vmem>>) dst(%dma_wait3A_314 : memref<20400x32xf32, #tpu.memory_space<vmem_shared>>)
    %dma_wait3A_315 = arith.constant 11 : i32
    %dma_wait3A_316 = arith.constant 1408 : i32
    %dma_wait3A_317 = arith.constant 0 : i32
    %dma_wait3A_318 = tpu.memref_slice %arg7[%dma_wait3A_316, %dma_wait3A_317] : memref<2560x32xf32, #tpu.memory_space<vmem>> -> memref<128x32xf32, #tpu.memory_space<vmem>>
    %dma_wait3A_319 = arith.constant 0 : i32
    %dma_wait3A_320 = tpu.memref_slice %arg6[%dma_wait3A_315, %dma_wait3A_319] : memref<20x128xi32, #tpu.memory_space<vmem>> -> memref<1x128xi32, #tpu.memory_space<vmem>>
    %dma_wait3A_321 = tpu.memref_squeeze %dma_wait3A_320 : memref<1x128xi32, #tpu.memory_space<vmem>> -> memref<128xi32, #tpu.memory_space<vmem>>
    %dma_wait3A_322 = arith.constant 0 : i32
    %dma_wait3A_323 = arith.constant 0 : i32
    %dma_wait3A_324 = tpu.memref_slice %arg8[%dma_wait3A_322, %dma_wait3A_323] : memref<20400x32xf32, #tpu.memory_space<vmem_shared>> -> memref<20400x32xf32, #tpu.memory_space<vmem_shared>>
    tpu.wait_indirect_dma semaphore(%arg9 : memref<!tpu.dma_semaphore, #tpu.memory_space<semaphore_mem>>) src(%dma_wait3A_318 : memref<128x32xf32, #tpu.memory_space<vmem>>) dst(%dma_wait3A_324 : memref<20400x32xf32, #tpu.memory_space<vmem_shared>>)
    %dma_wait3A_325 = arith.constant 12 : i32
    %dma_wait3A_326 = arith.constant 1536 : i32
    %dma_wait3A_327 = arith.constant 0 : i32
    %dma_wait3A_328 = tpu.memref_slice %arg7[%dma_wait3A_326, %dma_wait3A_327] : memref<2560x32xf32, #tpu.memory_space<vmem>> -> memref<128x32xf32, #tpu.memory_space<vmem>>
    %dma_wait3A_329 = arith.constant 0 : i32
    %dma_wait3A_330 = tpu.memref_slice %arg6[%dma_wait3A_325, %dma_wait3A_329] : memref<20x128xi32, #tpu.memory_space<vmem>> -> memref<1x128xi32, #tpu.memory_space<vmem>>
    %dma_wait3A_331 = tpu.memref_squeeze %dma_wait3A_330 : memref<1x128xi32, #tpu.memory_space<vmem>> -> memref<128xi32, #tpu.memory_space<vmem>>
    %dma_wait3A_332 = arith.constant 0 : i32
    %dma_wait3A_333 = arith.constant 0 : i32
    %dma_wait3A_334 = tpu.memref_slice %arg8[%dma_wait3A_332, %dma_wait3A_333] : memref<20400x32xf32, #tpu.memory_space<vmem_shared>> -> memref<20400x32xf32, #tpu.memory_space<vmem_shared>>
    tpu.wait_indirect_dma semaphore(%arg9 : memref<!tpu.dma_semaphore, #tpu.memory_space<semaphore_mem>>) src(%dma_wait3A_328 : memref<128x32xf32, #tpu.memory_space<vmem>>) dst(%dma_wait3A_334 : memref<20400x32xf32, #tpu.memory_space<vmem_shared>>)
    %dma_wait3A_335 = arith.constant 13 : i32
    %dma_wait3A_336 = arith.constant 1664 : i32
    %dma_wait3A_337 = arith.constant 0 : i32
    %dma_wait3A_338 = tpu.memref_slice %arg7[%dma_wait3A_336, %dma_wait3A_337] : memref<2560x32xf32, #tpu.memory_space<vmem>> -> memref<128x32xf32, #tpu.memory_space<vmem>>
    %dma_wait3A_339 = arith.constant 0 : i32
    %dma_wait3A_340 = tpu.memref_slice %arg6[%dma_wait3A_335, %dma_wait3A_339] : memref<20x128xi32, #tpu.memory_space<vmem>> -> memref<1x128xi32, #tpu.memory_space<vmem>>
    %dma_wait3A_341 = tpu.memref_squeeze %dma_wait3A_340 : memref<1x128xi32, #tpu.memory_space<vmem>> -> memref<128xi32, #tpu.memory_space<vmem>>
    %dma_wait3A_342 = arith.constant 0 : i32
    %dma_wait3A_343 = arith.constant 0 : i32
    %dma_wait3A_344 = tpu.memref_slice %arg8[%dma_wait3A_342, %dma_wait3A_343] : memref<20400x32xf32, #tpu.memory_space<vmem_shared>> -> memref<20400x32xf32, #tpu.memory_space<vmem_shared>>
    tpu.wait_indirect_dma semaphore(%arg9 : memref<!tpu.dma_semaphore, #tpu.memory_space<semaphore_mem>>) src(%dma_wait3A_338 : memref<128x32xf32, #tpu.memory_space<vmem>>) dst(%dma_wait3A_344 : memref<20400x32xf32, #tpu.memory_space<vmem_shared>>)
    %dma_wait3A_345 = arith.constant 14 : i32
    %dma_wait3A_346 = arith.constant 1792 : i32
    %dma_wait3A_347 = arith.constant 0 : i32
    %dma_wait3A_348 = tpu.memref_slice %arg7[%dma_wait3A_346, %dma_wait3A_347] : memref<2560x32xf32, #tpu.memory_space<vmem>> -> memref<128x32xf32, #tpu.memory_space<vmem>>
    %dma_wait3A_349 = arith.constant 0 : i32
    %dma_wait3A_350 = tpu.memref_slice %arg6[%dma_wait3A_345, %dma_wait3A_349] : memref<20x128xi32, #tpu.memory_space<vmem>> -> memref<1x128xi32, #tpu.memory_space<vmem>>
    %dma_wait3A_351 = tpu.memref_squeeze %dma_wait3A_350 : memref<1x128xi32, #tpu.memory_space<vmem>> -> memref<128xi32, #tpu.memory_space<vmem>>
    %dma_wait3A_352 = arith.constant 0 : i32
    %dma_wait3A_353 = arith.constant 0 : i32
    %dma_wait3A_354 = tpu.memref_slice %arg8[%dma_wait3A_352, %dma_wait3A_353] : memref<20400x32xf32, #tpu.memory_space<vmem_shared>> -> memref<20400x32xf32, #tpu.memory_space<vmem_shared>>
    tpu.wait_indirect_dma semaphore(%arg9 : memref<!tpu.dma_semaphore, #tpu.memory_space<semaphore_mem>>) src(%dma_wait3A_348 : memref<128x32xf32, #tpu.memory_space<vmem>>) dst(%dma_wait3A_354 : memref<20400x32xf32, #tpu.memory_space<vmem_shared>>)
    %dma_wait3A_355 = arith.constant 15 : i32
    %dma_wait3A_356 = arith.constant 1920 : i32
    %dma_wait3A_357 = arith.constant 0 : i32
    %dma_wait3A_358 = tpu.memref_slice %arg7[%dma_wait3A_356, %dma_wait3A_357] : memref<2560x32xf32, #tpu.memory_space<vmem>> -> memref<128x32xf32, #tpu.memory_space<vmem>>
    %dma_wait3A_359 = arith.constant 0 : i32
    %dma_wait3A_360 = tpu.memref_slice %arg6[%dma_wait3A_355, %dma_wait3A_359] : memref<20x128xi32, #tpu.memory_space<vmem>> -> memref<1x128xi32, #tpu.memory_space<vmem>>
    %dma_wait3A_361 = tpu.memref_squeeze %dma_wait3A_360 : memref<1x128xi32, #tpu.memory_space<vmem>> -> memref<128xi32, #tpu.memory_space<vmem>>
    %dma_wait3A_362 = arith.constant 0 : i32
    %dma_wait3A_363 = arith.constant 0 : i32
    %dma_wait3A_364 = tpu.memref_slice %arg8[%dma_wait3A_362, %dma_wait3A_363] : memref<20400x32xf32, #tpu.memory_space<vmem_shared>> -> memref<20400x32xf32, #tpu.memory_space<vmem_shared>>
    tpu.wait_indirect_dma semaphore(%arg9 : memref<!tpu.dma_semaphore, #tpu.memory_space<semaphore_mem>>) src(%dma_wait3A_358 : memref<128x32xf32, #tpu.memory_space<vmem>>) dst(%dma_wait3A_364 : memref<20400x32xf32, #tpu.memory_space<vmem_shared>>)
    %dma_wait3A_365 = arith.constant 16 : i32
    %dma_wait3A_366 = arith.constant 2048 : i32
    %dma_wait3A_367 = arith.constant 0 : i32
    %dma_wait3A_368 = tpu.memref_slice %arg7[%dma_wait3A_366, %dma_wait3A_367] : memref<2560x32xf32, #tpu.memory_space<vmem>> -> memref<128x32xf32, #tpu.memory_space<vmem>>
    %dma_wait3A_369 = arith.constant 0 : i32
    %dma_wait3A_370 = tpu.memref_slice %arg6[%dma_wait3A_365, %dma_wait3A_369] : memref<20x128xi32, #tpu.memory_space<vmem>> -> memref<1x128xi32, #tpu.memory_space<vmem>>
    %dma_wait3A_371 = tpu.memref_squeeze %dma_wait3A_370 : memref<1x128xi32, #tpu.memory_space<vmem>> -> memref<128xi32, #tpu.memory_space<vmem>>
    %dma_wait3A_372 = arith.constant 0 : i32
    %dma_wait3A_373 = arith.constant 0 : i32
    %dma_wait3A_374 = tpu.memref_slice %arg8[%dma_wait3A_372, %dma_wait3A_373] : memref<20400x32xf32, #tpu.memory_space<vmem_shared>> -> memref<20400x32xf32, #tpu.memory_space<vmem_shared>>
    tpu.wait_indirect_dma semaphore(%arg9 : memref<!tpu.dma_semaphore, #tpu.memory_space<semaphore_mem>>) src(%dma_wait3A_368 : memref<128x32xf32, #tpu.memory_space<vmem>>) dst(%dma_wait3A_374 : memref<20400x32xf32, #tpu.memory_space<vmem_shared>>)
    %dma_wait3A_375 = arith.constant 17 : i32
    %dma_wait3A_376 = arith.constant 2176 : i32
    %dma_wait3A_377 = arith.constant 0 : i32
    %dma_wait3A_378 = tpu.memref_slice %arg7[%dma_wait3A_376, %dma_wait3A_377] : memref<2560x32xf32, #tpu.memory_space<vmem>> -> memref<128x32xf32, #tpu.memory_space<vmem>>
    %dma_wait3A_379 = arith.constant 0 : i32
    %dma_wait3A_380 = tpu.memref_slice %arg6[%dma_wait3A_375, %dma_wait3A_379] : memref<20x128xi32, #tpu.memory_space<vmem>> -> memref<1x128xi32, #tpu.memory_space<vmem>>
    %dma_wait3A_381 = tpu.memref_squeeze %dma_wait3A_380 : memref<1x128xi32, #tpu.memory_space<vmem>> -> memref<128xi32, #tpu.memory_space<vmem>>
    %dma_wait3A_382 = arith.constant 0 : i32
    %dma_wait3A_383 = arith.constant 0 : i32
    %dma_wait3A_384 = tpu.memref_slice %arg8[%dma_wait3A_382, %dma_wait3A_383] : memref<20400x32xf32, #tpu.memory_space<vmem_shared>> -> memref<20400x32xf32, #tpu.memory_space<vmem_shared>>
    tpu.wait_indirect_dma semaphore(%arg9 : memref<!tpu.dma_semaphore, #tpu.memory_space<semaphore_mem>>) src(%dma_wait3A_378 : memref<128x32xf32, #tpu.memory_space<vmem>>) dst(%dma_wait3A_384 : memref<20400x32xf32, #tpu.memory_space<vmem_shared>>)
    %dma_wait3A_385 = arith.constant 18 : i32
    %dma_wait3A_386 = arith.constant 2304 : i32
    %dma_wait3A_387 = arith.constant 0 : i32
    %dma_wait3A_388 = tpu.memref_slice %arg7[%dma_wait3A_386, %dma_wait3A_387] : memref<2560x32xf32, #tpu.memory_space<vmem>> -> memref<128x32xf32, #tpu.memory_space<vmem>>
    %dma_wait3A_389 = arith.constant 0 : i32
    %dma_wait3A_390 = tpu.memref_slice %arg6[%dma_wait3A_385, %dma_wait3A_389] : memref<20x128xi32, #tpu.memory_space<vmem>> -> memref<1x128xi32, #tpu.memory_space<vmem>>
    %dma_wait3A_391 = tpu.memref_squeeze %dma_wait3A_390 : memref<1x128xi32, #tpu.memory_space<vmem>> -> memref<128xi32, #tpu.memory_space<vmem>>
    %dma_wait3A_392 = arith.constant 0 : i32
    %dma_wait3A_393 = arith.constant 0 : i32
    %dma_wait3A_394 = tpu.memref_slice %arg8[%dma_wait3A_392, %dma_wait3A_393] : memref<20400x32xf32, #tpu.memory_space<vmem_shared>> -> memref<20400x32xf32, #tpu.memory_space<vmem_shared>>
    tpu.wait_indirect_dma semaphore(%arg9 : memref<!tpu.dma_semaphore, #tpu.memory_space<semaphore_mem>>) src(%dma_wait3A_388 : memref<128x32xf32, #tpu.memory_space<vmem>>) dst(%dma_wait3A_394 : memref<20400x32xf32, #tpu.memory_space<vmem_shared>>)
    %dma_wait3A_395 = arith.constant 19 : i32
    %dma_wait3A_396 = arith.constant 2432 : i32
    %dma_wait3A_397 = arith.constant 0 : i32
    %dma_wait3A_398 = tpu.memref_slice %arg7[%dma_wait3A_396, %dma_wait3A_397] : memref<2560x32xf32, #tpu.memory_space<vmem>> -> memref<128x32xf32, #tpu.memory_space<vmem>>
    %dma_wait3A_399 = arith.constant 0 : i32
    %dma_wait3A_400 = tpu.memref_slice %arg6[%dma_wait3A_395, %dma_wait3A_399] : memref<20x128xi32, #tpu.memory_space<vmem>> -> memref<1x128xi32, #tpu.memory_space<vmem>>
    %dma_wait3A_401 = tpu.memref_squeeze %dma_wait3A_400 : memref<1x128xi32, #tpu.memory_space<vmem>> -> memref<128xi32, #tpu.memory_space<vmem>>
    %dma_wait3A_402 = arith.constant 0 : i32
    %dma_wait3A_403 = arith.constant 0 : i32
    %dma_wait3A_404 = tpu.memref_slice %arg8[%dma_wait3A_402, %dma_wait3A_403] : memref<20400x32xf32, #tpu.memory_space<vmem_shared>> -> memref<20400x32xf32, #tpu.memory_space<vmem_shared>>
    tpu.wait_indirect_dma semaphore(%arg9 : memref<!tpu.dma_semaphore, #tpu.memory_space<semaphore_mem>>) src(%dma_wait3A_398 : memref<128x32xf32, #tpu.memory_space<vmem>>) dst(%dma_wait3A_404 : memref<20400x32xf32, #tpu.memory_space<vmem_shared>>)
    %barrier3A_405 = arith.constant 0 : index
    tpu.barrier barrier_id(%barrier3A_405)
    %mul3A_406 = arith.constant 1275 : i32
    %mul3A_407 = arith.muli %arg1, %mul3A_406 : i32
    %mul3A_408 = arith.constant 1275 : i32
    %mul3A_409 = arith.muli %arg1, %mul3A_408 : i32
    %mul3A_410 = arith.constant 32 : i32
    %mul3A_411 = arith.muli %arg0, %mul3A_410 : i32
    "tpu.region"() ({
      %run_scoped3A = tpu.sem_alloc : memref<!tpu.dma_semaphore, #tpu.memory_space<semaphore_mem>>
      %dma_start3A_412 = tpu.memref_slice %arg5[%mul3A_409, %mul3A_411] : memref<20400x64xf32, #tpu.memory_space<hbm>> -> memref<1275x32xf32, #tpu.memory_space<hbm>>
      %dma_start3A_413 = arith.constant 0 : i32
      %dma_start3A_414 = tpu.memref_slice %arg8[%mul3A_407, %dma_start3A_413] : memref<20400x32xf32, #tpu.memory_space<vmem_shared>> -> memref<1275x32xf32, #tpu.memory_space<vmem_shared>>
      tpu.enqueue_dma source(%dma_start3A_414 : memref<1275x32xf32, #tpu.memory_space<vmem_shared>>) target(%dma_start3A_412 : memref<1275x32xf32, #tpu.memory_space<hbm>>) target_semaphore(%run_scoped3A : memref<!tpu.dma_semaphore, #tpu.memory_space<semaphore_mem>>)
      %dma_wait3A_415 = tpu.memref_slice %arg5[%mul3A_409, %mul3A_411] : memref<20400x64xf32, #tpu.memory_space<hbm>> -> memref<1275x32xf32, #tpu.memory_space<hbm>>
      %dma_wait3A_416 = arith.constant 0 : i32
      %dma_wait3A_417 = tpu.memref_slice %arg8[%mul3A_407, %dma_wait3A_416] : memref<20400x32xf32, #tpu.memory_space<vmem_shared>> -> memref<1275x32xf32, #tpu.memory_space<vmem_shared>>
      tpu.wait_dma2 semaphore(%run_scoped3A : memref<!tpu.dma_semaphore, #tpu.memory_space<semaphore_mem>>) src(%dma_wait3A_417 : memref<1275x32xf32, #tpu.memory_space<vmem_shared>>) dst(%dma_wait3A_415 : memref<1275x32xf32, #tpu.memory_space<hbm>>)
      tpu.yield
    }) : () -> ()
    return
  }
}

#map = affine_map<(d0, d1) -> (0, 0)>
#map1 = affine_map<(d0, d1) -> (0, 0, 0)>
module attributes {stable_mosaic.version = 14 : i64} {
  func.func @gk(%arg0: i32, %arg1: i32, %arg2: memref<20000x64xf32, #tpu.memory_space<hbm>>, %arg3: memref<32x10x128xi32, #tpu.memory_space<hbm>>, %arg4: memref<40960x64xf32, #tpu.memory_space<hbm>>, %arg5: memref<10x128xi32, #tpu.memory_space<vmem>>, %arg6: memref<1280x64xf32, #tpu.memory_space<vmem>>, %arg7: memref<!tpu.dma_semaphore, #tpu.memory_space<semaphore_mem>>, %arg8: memref<!tpu.dma_semaphore, #tpu.memory_space<semaphore_mem>>) attributes {dimension_semantics = [#tpu.dimension_semantics<core_parallel>, #tpu.dimension_semantics<subcore_parallel>], iteration_bounds = array<i64: 2, 16>, scalar_prefetch = 0 : i64, scratch_operands = 4 : i64, tpu.core_type = #tpu.core_type<sc_vector_subcore>, window_params = [{transform_indices = #map}, {transform_indices = #map1}, {transform_indices = #map}]} {
    %mul3A = arith.constant 2 : i32
    %mul3A_0 = arith.muli %arg1, %mul3A : i32
    %add3A = arith.addi %mul3A_0, %arg0 : i32
    "tpu.region"() ({
      %run_scoped3A = tpu.sem_alloc : memref<!tpu.dma_semaphore, #tpu.memory_space<semaphore_mem>>
      %dma_start3A_439 = arith.constant 0 : i32
      %dma_start3A_440 = arith.constant 0 : i32
      %dma_start3A_441 = tpu.memref_slice %arg3[%add3A, %dma_start3A_439, %dma_start3A_440] : memref<32x10x128xi32, #tpu.memory_space<hbm>> -> memref<1x10x128xi32, #tpu.memory_space<hbm>>
      %dma_start3A_442 = tpu.memref_squeeze %dma_start3A_441 : memref<1x10x128xi32, #tpu.memory_space<hbm>> -> memref<10x128xi32, #tpu.memory_space<hbm>>
      %dma_start3A_443 = arith.constant 0 : i32
      %dma_start3A_444 = arith.constant 0 : i32
      %dma_start3A_445 = tpu.memref_slice %arg3[%add3A, %dma_start3A_443, %dma_start3A_444] : memref<32x10x128xi32, #tpu.memory_space<hbm>> -> memref<1x10x128xi32, #tpu.memory_space<hbm>>
      %dma_start3A_446 = tpu.memref_squeeze %dma_start3A_445 : memref<1x10x128xi32, #tpu.memory_space<hbm>> -> memref<10x128xi32, #tpu.memory_space<hbm>>
      tpu.enqueue_dma source(%dma_start3A_446 : memref<10x128xi32, #tpu.memory_space<hbm>>) target(%arg5 : memref<10x128xi32, #tpu.memory_space<vmem>>) target_semaphore(%run_scoped3A : memref<!tpu.dma_semaphore, #tpu.memory_space<semaphore_mem>>)
      %dma_wait3A_447 = arith.constant 0 : i32
      %dma_wait3A_448 = arith.constant 0 : i32
      %dma_wait3A_449 = tpu.memref_slice %arg3[%add3A, %dma_wait3A_447, %dma_wait3A_448] : memref<32x10x128xi32, #tpu.memory_space<hbm>> -> memref<1x10x128xi32, #tpu.memory_space<hbm>>
      %dma_wait3A_450 = tpu.memref_squeeze %dma_wait3A_449 : memref<1x10x128xi32, #tpu.memory_space<hbm>> -> memref<10x128xi32, #tpu.memory_space<hbm>>
      %dma_wait3A_451 = arith.constant 0 : i32
      %dma_wait3A_452 = arith.constant 0 : i32
      %dma_wait3A_453 = tpu.memref_slice %arg3[%add3A, %dma_wait3A_451, %dma_wait3A_452] : memref<32x10x128xi32, #tpu.memory_space<hbm>> -> memref<1x10x128xi32, #tpu.memory_space<hbm>>
      %dma_wait3A_454 = tpu.memref_squeeze %dma_wait3A_453 : memref<1x10x128xi32, #tpu.memory_space<hbm>> -> memref<10x128xi32, #tpu.memory_space<hbm>>
      tpu.wait_dma2 semaphore(%run_scoped3A : memref<!tpu.dma_semaphore, #tpu.memory_space<semaphore_mem>>) src(%dma_wait3A_454 : memref<10x128xi32, #tpu.memory_space<hbm>>) dst(%arg5 : memref<10x128xi32, #tpu.memory_space<vmem>>)
      tpu.yield
    }) : () -> ()
    %dma_start3A = arith.constant 0 : i32
    %dma_start3A_1 = arith.constant 0 : i32
    %dma_start3A_2 = arith.constant 0 : i32
    %dma_start3A_3 = tpu.memref_slice %arg6[%dma_start3A_1, %dma_start3A_2] : memref<1280x64xf32, #tpu.memory_space<vmem>> -> memref<128x64xf32, #tpu.memory_space<vmem>>
    %dma_start3A_4 = arith.constant 0 : i32
    %dma_start3A_5 = tpu.memref_slice %arg5[%dma_start3A, %dma_start3A_4] : memref<10x128xi32, #tpu.memory_space<vmem>> -> memref<1x128xi32, #tpu.memory_space<vmem>>
    %dma_start3A_6 = tpu.memref_squeeze %dma_start3A_5 : memref<1x128xi32, #tpu.memory_space<vmem>> -> memref<128xi32, #tpu.memory_space<vmem>>
    %dma_start3A_7 = arith.constant 0 : i32
    %dma_start3A_8 = arith.constant 0 : i32
    %dma_start3A_9 = tpu.memref_slice %arg2[%dma_start3A_7, %dma_start3A_8] : memref<20000x64xf32, #tpu.memory_space<hbm>> -> memref<20000x64xf32, #tpu.memory_space<hbm>>
    tpu.enqueue_indirect_dma source(%dma_start3A_9 : memref<20000x64xf32, #tpu.memory_space<hbm>>) target(%dma_start3A_3 : memref<128x64xf32, #tpu.memory_space<vmem>>) offsets(%dma_start3A_6 : memref<128xi32, #tpu.memory_space<vmem>>) semaphore(%arg7 : memref<!tpu.dma_semaphore, #tpu.memory_space<semaphore_mem>>)
    %dma_start3A_10 = arith.constant 1 : i32
    %dma_start3A_11 = arith.constant 128 : i32
    %dma_start3A_12 = arith.constant 0 : i32
    %dma_start3A_13 = tpu.memref_slice %arg6[%dma_start3A_11, %dma_start3A_12] : memref<1280x64xf32, #tpu.memory_space<vmem>> -> memref<128x64xf32, #tpu.memory_space<vmem>>
    %dma_start3A_14 = arith.constant 0 : i32
    %dma_start3A_15 = tpu.memref_slice %arg5[%dma_start3A_10, %dma_start3A_14] : memref<10x128xi32, #tpu.memory_space<vmem>> -> memref<1x128xi32, #tpu.memory_space<vmem>>
    %dma_start3A_16 = tpu.memref_squeeze %dma_start3A_15 : memref<1x128xi32, #tpu.memory_space<vmem>> -> memref<128xi32, #tpu.memory_space<vmem>>
    %dma_start3A_17 = arith.constant 0 : i32
    %dma_start3A_18 = arith.constant 0 : i32
    %dma_start3A_19 = tpu.memref_slice %arg2[%dma_start3A_17, %dma_start3A_18] : memref<20000x64xf32, #tpu.memory_space<hbm>> -> memref<20000x64xf32, #tpu.memory_space<hbm>>
    tpu.enqueue_indirect_dma source(%dma_start3A_19 : memref<20000x64xf32, #tpu.memory_space<hbm>>) target(%dma_start3A_13 : memref<128x64xf32, #tpu.memory_space<vmem>>) offsets(%dma_start3A_16 : memref<128xi32, #tpu.memory_space<vmem>>) semaphore(%arg7 : memref<!tpu.dma_semaphore, #tpu.memory_space<semaphore_mem>>)
    %dma_start3A_20 = arith.constant 2 : i32
    %dma_start3A_21 = arith.constant 256 : i32
    %dma_start3A_22 = arith.constant 0 : i32
    %dma_start3A_23 = tpu.memref_slice %arg6[%dma_start3A_21, %dma_start3A_22] : memref<1280x64xf32, #tpu.memory_space<vmem>> -> memref<128x64xf32, #tpu.memory_space<vmem>>
    %dma_start3A_24 = arith.constant 0 : i32
    %dma_start3A_25 = tpu.memref_slice %arg5[%dma_start3A_20, %dma_start3A_24] : memref<10x128xi32, #tpu.memory_space<vmem>> -> memref<1x128xi32, #tpu.memory_space<vmem>>
    %dma_start3A_26 = tpu.memref_squeeze %dma_start3A_25 : memref<1x128xi32, #tpu.memory_space<vmem>> -> memref<128xi32, #tpu.memory_space<vmem>>
    %dma_start3A_27 = arith.constant 0 : i32
    %dma_start3A_28 = arith.constant 0 : i32
    %dma_start3A_29 = tpu.memref_slice %arg2[%dma_start3A_27, %dma_start3A_28] : memref<20000x64xf32, #tpu.memory_space<hbm>> -> memref<20000x64xf32, #tpu.memory_space<hbm>>
    tpu.enqueue_indirect_dma source(%dma_start3A_29 : memref<20000x64xf32, #tpu.memory_space<hbm>>) target(%dma_start3A_23 : memref<128x64xf32, #tpu.memory_space<vmem>>) offsets(%dma_start3A_26 : memref<128xi32, #tpu.memory_space<vmem>>) semaphore(%arg7 : memref<!tpu.dma_semaphore, #tpu.memory_space<semaphore_mem>>)
    %dma_start3A_30 = arith.constant 3 : i32
    %dma_start3A_31 = arith.constant 384 : i32
    %dma_start3A_32 = arith.constant 0 : i32
    %dma_start3A_33 = tpu.memref_slice %arg6[%dma_start3A_31, %dma_start3A_32] : memref<1280x64xf32, #tpu.memory_space<vmem>> -> memref<128x64xf32, #tpu.memory_space<vmem>>
    %dma_start3A_34 = arith.constant 0 : i32
    %dma_start3A_35 = tpu.memref_slice %arg5[%dma_start3A_30, %dma_start3A_34] : memref<10x128xi32, #tpu.memory_space<vmem>> -> memref<1x128xi32, #tpu.memory_space<vmem>>
    %dma_start3A_36 = tpu.memref_squeeze %dma_start3A_35 : memref<1x128xi32, #tpu.memory_space<vmem>> -> memref<128xi32, #tpu.memory_space<vmem>>
    %dma_start3A_37 = arith.constant 0 : i32
    %dma_start3A_38 = arith.constant 0 : i32
    %dma_start3A_39 = tpu.memref_slice %arg2[%dma_start3A_37, %dma_start3A_38] : memref<20000x64xf32, #tpu.memory_space<hbm>> -> memref<20000x64xf32, #tpu.memory_space<hbm>>
    tpu.enqueue_indirect_dma source(%dma_start3A_39 : memref<20000x64xf32, #tpu.memory_space<hbm>>) target(%dma_start3A_33 : memref<128x64xf32, #tpu.memory_space<vmem>>) offsets(%dma_start3A_36 : memref<128xi32, #tpu.memory_space<vmem>>) semaphore(%arg7 : memref<!tpu.dma_semaphore, #tpu.memory_space<semaphore_mem>>)
    %dma_start3A_40 = arith.constant 4 : i32
    %dma_start3A_41 = arith.constant 512 : i32
    %dma_start3A_42 = arith.constant 0 : i32
    %dma_start3A_43 = tpu.memref_slice %arg6[%dma_start3A_41, %dma_start3A_42] : memref<1280x64xf32, #tpu.memory_space<vmem>> -> memref<128x64xf32, #tpu.memory_space<vmem>>
    %dma_start3A_44 = arith.constant 0 : i32
    %dma_start3A_45 = tpu.memref_slice %arg5[%dma_start3A_40, %dma_start3A_44] : memref<10x128xi32, #tpu.memory_space<vmem>> -> memref<1x128xi32, #tpu.memory_space<vmem>>
    %dma_start3A_46 = tpu.memref_squeeze %dma_start3A_45 : memref<1x128xi32, #tpu.memory_space<vmem>> -> memref<128xi32, #tpu.memory_space<vmem>>
    %dma_start3A_47 = arith.constant 0 : i32
    %dma_start3A_48 = arith.constant 0 : i32
    %dma_start3A_49 = tpu.memref_slice %arg2[%dma_start3A_47, %dma_start3A_48] : memref<20000x64xf32, #tpu.memory_space<hbm>> -> memref<20000x64xf32, #tpu.memory_space<hbm>>
    tpu.enqueue_indirect_dma source(%dma_start3A_49 : memref<20000x64xf32, #tpu.memory_space<hbm>>) target(%dma_start3A_43 : memref<128x64xf32, #tpu.memory_space<vmem>>) offsets(%dma_start3A_46 : memref<128xi32, #tpu.memory_space<vmem>>) semaphore(%arg7 : memref<!tpu.dma_semaphore, #tpu.memory_space<semaphore_mem>>)
    %dma_start3A_50 = arith.constant 5 : i32
    %dma_start3A_51 = arith.constant 640 : i32
    %dma_start3A_52 = arith.constant 0 : i32
    %dma_start3A_53 = tpu.memref_slice %arg6[%dma_start3A_51, %dma_start3A_52] : memref<1280x64xf32, #tpu.memory_space<vmem>> -> memref<128x64xf32, #tpu.memory_space<vmem>>
    %dma_start3A_54 = arith.constant 0 : i32
    %dma_start3A_55 = tpu.memref_slice %arg5[%dma_start3A_50, %dma_start3A_54] : memref<10x128xi32, #tpu.memory_space<vmem>> -> memref<1x128xi32, #tpu.memory_space<vmem>>
    %dma_start3A_56 = tpu.memref_squeeze %dma_start3A_55 : memref<1x128xi32, #tpu.memory_space<vmem>> -> memref<128xi32, #tpu.memory_space<vmem>>
    %dma_start3A_57 = arith.constant 0 : i32
    %dma_start3A_58 = arith.constant 0 : i32
    %dma_start3A_59 = tpu.memref_slice %arg2[%dma_start3A_57, %dma_start3A_58] : memref<20000x64xf32, #tpu.memory_space<hbm>> -> memref<20000x64xf32, #tpu.memory_space<hbm>>
    tpu.enqueue_indirect_dma source(%dma_start3A_59 : memref<20000x64xf32, #tpu.memory_space<hbm>>) target(%dma_start3A_53 : memref<128x64xf32, #tpu.memory_space<vmem>>) offsets(%dma_start3A_56 : memref<128xi32, #tpu.memory_space<vmem>>) semaphore(%arg7 : memref<!tpu.dma_semaphore, #tpu.memory_space<semaphore_mem>>)
    %dma_start3A_60 = arith.constant 6 : i32
    %dma_start3A_61 = arith.constant 768 : i32
    %dma_start3A_62 = arith.constant 0 : i32
    %dma_start3A_63 = tpu.memref_slice %arg6[%dma_start3A_61, %dma_start3A_62] : memref<1280x64xf32, #tpu.memory_space<vmem>> -> memref<128x64xf32, #tpu.memory_space<vmem>>
    %dma_start3A_64 = arith.constant 0 : i32
    %dma_start3A_65 = tpu.memref_slice %arg5[%dma_start3A_60, %dma_start3A_64] : memref<10x128xi32, #tpu.memory_space<vmem>> -> memref<1x128xi32, #tpu.memory_space<vmem>>
    %dma_start3A_66 = tpu.memref_squeeze %dma_start3A_65 : memref<1x128xi32, #tpu.memory_space<vmem>> -> memref<128xi32, #tpu.memory_space<vmem>>
    %dma_start3A_67 = arith.constant 0 : i32
    %dma_start3A_68 = arith.constant 0 : i32
    %dma_start3A_69 = tpu.memref_slice %arg2[%dma_start3A_67, %dma_start3A_68] : memref<20000x64xf32, #tpu.memory_space<hbm>> -> memref<20000x64xf32, #tpu.memory_space<hbm>>
    tpu.enqueue_indirect_dma source(%dma_start3A_69 : memref<20000x64xf32, #tpu.memory_space<hbm>>) target(%dma_start3A_63 : memref<128x64xf32, #tpu.memory_space<vmem>>) offsets(%dma_start3A_66 : memref<128xi32, #tpu.memory_space<vmem>>) semaphore(%arg7 : memref<!tpu.dma_semaphore, #tpu.memory_space<semaphore_mem>>)
    %dma_start3A_70 = arith.constant 7 : i32
    %dma_start3A_71 = arith.constant 896 : i32
    %dma_start3A_72 = arith.constant 0 : i32
    %dma_start3A_73 = tpu.memref_slice %arg6[%dma_start3A_71, %dma_start3A_72] : memref<1280x64xf32, #tpu.memory_space<vmem>> -> memref<128x64xf32, #tpu.memory_space<vmem>>
    %dma_start3A_74 = arith.constant 0 : i32
    %dma_start3A_75 = tpu.memref_slice %arg5[%dma_start3A_70, %dma_start3A_74] : memref<10x128xi32, #tpu.memory_space<vmem>> -> memref<1x128xi32, #tpu.memory_space<vmem>>
    %dma_start3A_76 = tpu.memref_squeeze %dma_start3A_75 : memref<1x128xi32, #tpu.memory_space<vmem>> -> memref<128xi32, #tpu.memory_space<vmem>>
    %dma_start3A_77 = arith.constant 0 : i32
    %dma_start3A_78 = arith.constant 0 : i32
    %dma_start3A_79 = tpu.memref_slice %arg2[%dma_start3A_77, %dma_start3A_78] : memref<20000x64xf32, #tpu.memory_space<hbm>> -> memref<20000x64xf32, #tpu.memory_space<hbm>>
    tpu.enqueue_indirect_dma source(%dma_start3A_79 : memref<20000x64xf32, #tpu.memory_space<hbm>>) target(%dma_start3A_73 : memref<128x64xf32, #tpu.memory_space<vmem>>) offsets(%dma_start3A_76 : memref<128xi32, #tpu.memory_space<vmem>>) semaphore(%arg7 : memref<!tpu.dma_semaphore, #tpu.memory_space<semaphore_mem>>)
    %dma_start3A_80 = arith.constant 8 : i32
    %dma_start3A_81 = arith.constant 1024 : i32
    %dma_start3A_82 = arith.constant 0 : i32
    %dma_start3A_83 = tpu.memref_slice %arg6[%dma_start3A_81, %dma_start3A_82] : memref<1280x64xf32, #tpu.memory_space<vmem>> -> memref<128x64xf32, #tpu.memory_space<vmem>>
    %dma_start3A_84 = arith.constant 0 : i32
    %dma_start3A_85 = tpu.memref_slice %arg5[%dma_start3A_80, %dma_start3A_84] : memref<10x128xi32, #tpu.memory_space<vmem>> -> memref<1x128xi32, #tpu.memory_space<vmem>>
    %dma_start3A_86 = tpu.memref_squeeze %dma_start3A_85 : memref<1x128xi32, #tpu.memory_space<vmem>> -> memref<128xi32, #tpu.memory_space<vmem>>
    %dma_start3A_87 = arith.constant 0 : i32
    %dma_start3A_88 = arith.constant 0 : i32
    %dma_start3A_89 = tpu.memref_slice %arg2[%dma_start3A_87, %dma_start3A_88] : memref<20000x64xf32, #tpu.memory_space<hbm>> -> memref<20000x64xf32, #tpu.memory_space<hbm>>
    tpu.enqueue_indirect_dma source(%dma_start3A_89 : memref<20000x64xf32, #tpu.memory_space<hbm>>) target(%dma_start3A_83 : memref<128x64xf32, #tpu.memory_space<vmem>>) offsets(%dma_start3A_86 : memref<128xi32, #tpu.memory_space<vmem>>) semaphore(%arg7 : memref<!tpu.dma_semaphore, #tpu.memory_space<semaphore_mem>>)
    %dma_start3A_90 = arith.constant 9 : i32
    %dma_start3A_91 = arith.constant 1152 : i32
    %dma_start3A_92 = arith.constant 0 : i32
    %dma_start3A_93 = tpu.memref_slice %arg6[%dma_start3A_91, %dma_start3A_92] : memref<1280x64xf32, #tpu.memory_space<vmem>> -> memref<128x64xf32, #tpu.memory_space<vmem>>
    %dma_start3A_94 = arith.constant 0 : i32
    %dma_start3A_95 = tpu.memref_slice %arg5[%dma_start3A_90, %dma_start3A_94] : memref<10x128xi32, #tpu.memory_space<vmem>> -> memref<1x128xi32, #tpu.memory_space<vmem>>
    %dma_start3A_96 = tpu.memref_squeeze %dma_start3A_95 : memref<1x128xi32, #tpu.memory_space<vmem>> -> memref<128xi32, #tpu.memory_space<vmem>>
    %dma_start3A_97 = arith.constant 0 : i32
    %dma_start3A_98 = arith.constant 0 : i32
    %dma_start3A_99 = tpu.memref_slice %arg2[%dma_start3A_97, %dma_start3A_98] : memref<20000x64xf32, #tpu.memory_space<hbm>> -> memref<20000x64xf32, #tpu.memory_space<hbm>>
    tpu.enqueue_indirect_dma source(%dma_start3A_99 : memref<20000x64xf32, #tpu.memory_space<hbm>>) target(%dma_start3A_93 : memref<128x64xf32, #tpu.memory_space<vmem>>) offsets(%dma_start3A_96 : memref<128xi32, #tpu.memory_space<vmem>>) semaphore(%arg7 : memref<!tpu.dma_semaphore, #tpu.memory_space<semaphore_mem>>)
    %dma_wait3A = arith.constant 0 : i32
    %dma_wait3A_100 = arith.constant 0 : i32
    %dma_wait3A_101 = arith.constant 0 : i32
    %dma_wait3A_102 = tpu.memref_slice %arg6[%dma_wait3A_100, %dma_wait3A_101] : memref<1280x64xf32, #tpu.memory_space<vmem>> -> memref<128x64xf32, #tpu.memory_space<vmem>>
    %dma_wait3A_103 = arith.constant 0 : i32
    %dma_wait3A_104 = tpu.memref_slice %arg5[%dma_wait3A, %dma_wait3A_103] : memref<10x128xi32, #tpu.memory_space<vmem>> -> memref<1x128xi32, #tpu.memory_space<vmem>>
    %dma_wait3A_105 = tpu.memref_squeeze %dma_wait3A_104 : memref<1x128xi32, #tpu.memory_space<vmem>> -> memref<128xi32, #tpu.memory_space<vmem>>
    %dma_wait3A_106 = arith.constant 0 : i32
    %dma_wait3A_107 = arith.constant 0 : i32
    %dma_wait3A_108 = tpu.memref_slice %arg2[%dma_wait3A_106, %dma_wait3A_107] : memref<20000x64xf32, #tpu.memory_space<hbm>> -> memref<20000x64xf32, #tpu.memory_space<hbm>>
    tpu.wait_indirect_dma semaphore(%arg7 : memref<!tpu.dma_semaphore, #tpu.memory_space<semaphore_mem>>) src(%dma_wait3A_108 : memref<20000x64xf32, #tpu.memory_space<hbm>>) dst(%dma_wait3A_102 : memref<128x64xf32, #tpu.memory_space<vmem>>)
    %mul3A_109 = arith.constant 1280 : i32
    %mul3A_110 = arith.muli %add3A, %mul3A_109 : i32
    %add3A_111 = arith.constant 0 : i32
    %add3A_112 = arith.addi %mul3A_110, %add3A_111 : i32
    %dma_start3A_113 = arith.constant 0 : i32
    %dma_start3A_114 = arith.constant 0 : i32
    %dma_start3A_115 = tpu.memref_slice %arg6[%dma_start3A_113, %dma_start3A_114] : memref<1280x64xf32, #tpu.memory_space<vmem>> -> memref<128x64xf32, #tpu.memory_space<vmem>>
    %dma_start3A_116 = arith.constant 0 : i32
    %dma_start3A_117 = tpu.memref_slice %arg4[%add3A_112, %dma_start3A_116] : memref<40960x64xf32, #tpu.memory_space<hbm>> -> memref<128x64xf32, #tpu.memory_space<hbm>>
    %dma_start3A_118 = arith.constant 0 : i32
    %dma_start3A_119 = tpu.memref_slice %arg4[%add3A_112, %dma_start3A_118] : memref<40960x64xf32, #tpu.memory_space<hbm>> -> memref<128x64xf32, #tpu.memory_space<hbm>>
    %dma_start3A_120 = arith.constant 0 : i32
    %dma_start3A_121 = arith.constant 0 : i32
    %dma_start3A_122 = tpu.memref_slice %arg6[%dma_start3A_120, %dma_start3A_121] : memref<1280x64xf32, #tpu.memory_space<vmem>> -> memref<128x64xf32, #tpu.memory_space<vmem>>
    tpu.enqueue_dma source(%dma_start3A_122 : memref<128x64xf32, #tpu.memory_space<vmem>>) target(%dma_start3A_119 : memref<128x64xf32, #tpu.memory_space<hbm>>) target_semaphore(%arg8 : memref<!tpu.dma_semaphore, #tpu.memory_space<semaphore_mem>>)
    %dma_wait3A_123 = arith.constant 1 : i32
    %dma_wait3A_124 = arith.constant 128 : i32
    %dma_wait3A_125 = arith.constant 0 : i32
    %dma_wait3A_126 = tpu.memref_slice %arg6[%dma_wait3A_124, %dma_wait3A_125] : memref<1280x64xf32, #tpu.memory_space<vmem>> -> memref<128x64xf32, #tpu.memory_space<vmem>>
    %dma_wait3A_127 = arith.constant 0 : i32
    %dma_wait3A_128 = tpu.memref_slice %arg5[%dma_wait3A_123, %dma_wait3A_127] : memref<10x128xi32, #tpu.memory_space<vmem>> -> memref<1x128xi32, #tpu.memory_space<vmem>>
    %dma_wait3A_129 = tpu.memref_squeeze %dma_wait3A_128 : memref<1x128xi32, #tpu.memory_space<vmem>> -> memref<128xi32, #tpu.memory_space<vmem>>
    %dma_wait3A_130 = arith.constant 0 : i32
    %dma_wait3A_131 = arith.constant 0 : i32
    %dma_wait3A_132 = tpu.memref_slice %arg2[%dma_wait3A_130, %dma_wait3A_131] : memref<20000x64xf32, #tpu.memory_space<hbm>> -> memref<20000x64xf32, #tpu.memory_space<hbm>>
    tpu.wait_indirect_dma semaphore(%arg7 : memref<!tpu.dma_semaphore, #tpu.memory_space<semaphore_mem>>) src(%dma_wait3A_132 : memref<20000x64xf32, #tpu.memory_space<hbm>>) dst(%dma_wait3A_126 : memref<128x64xf32, #tpu.memory_space<vmem>>)
    %mul3A_133 = arith.constant 1280 : i32
    %mul3A_134 = arith.muli %add3A, %mul3A_133 : i32
    %add3A_135 = arith.constant 128 : i32
    %add3A_136 = arith.addi %mul3A_134, %add3A_135 : i32
    %dma_start3A_137 = arith.constant 128 : i32
    %dma_start3A_138 = arith.constant 0 : i32
    %dma_start3A_139 = tpu.memref_slice %arg6[%dma_start3A_137, %dma_start3A_138] : memref<1280x64xf32, #tpu.memory_space<vmem>> -> memref<128x64xf32, #tpu.memory_space<vmem>>
    %dma_start3A_140 = arith.constant 0 : i32
    %dma_start3A_141 = tpu.memref_slice %arg4[%add3A_136, %dma_start3A_140] : memref<40960x64xf32, #tpu.memory_space<hbm>> -> memref<128x64xf32, #tpu.memory_space<hbm>>
    %dma_start3A_142 = arith.constant 0 : i32
    %dma_start3A_143 = tpu.memref_slice %arg4[%add3A_136, %dma_start3A_142] : memref<40960x64xf32, #tpu.memory_space<hbm>> -> memref<128x64xf32, #tpu.memory_space<hbm>>
    %dma_start3A_144 = arith.constant 128 : i32
    %dma_start3A_145 = arith.constant 0 : i32
    %dma_start3A_146 = tpu.memref_slice %arg6[%dma_start3A_144, %dma_start3A_145] : memref<1280x64xf32, #tpu.memory_space<vmem>> -> memref<128x64xf32, #tpu.memory_space<vmem>>
    tpu.enqueue_dma source(%dma_start3A_146 : memref<128x64xf32, #tpu.memory_space<vmem>>) target(%dma_start3A_143 : memref<128x64xf32, #tpu.memory_space<hbm>>) target_semaphore(%arg8 : memref<!tpu.dma_semaphore, #tpu.memory_space<semaphore_mem>>)
    %dma_wait3A_147 = arith.constant 2 : i32
    %dma_wait3A_148 = arith.constant 256 : i32
    %dma_wait3A_149 = arith.constant 0 : i32
    %dma_wait3A_150 = tpu.memref_slice %arg6[%dma_wait3A_148, %dma_wait3A_149] : memref<1280x64xf32, #tpu.memory_space<vmem>> -> memref<128x64xf32, #tpu.memory_space<vmem>>
    %dma_wait3A_151 = arith.constant 0 : i32
    %dma_wait3A_152 = tpu.memref_slice %arg5[%dma_wait3A_147, %dma_wait3A_151] : memref<10x128xi32, #tpu.memory_space<vmem>> -> memref<1x128xi32, #tpu.memory_space<vmem>>
    %dma_wait3A_153 = tpu.memref_squeeze %dma_wait3A_152 : memref<1x128xi32, #tpu.memory_space<vmem>> -> memref<128xi32, #tpu.memory_space<vmem>>
    %dma_wait3A_154 = arith.constant 0 : i32
    %dma_wait3A_155 = arith.constant 0 : i32
    %dma_wait3A_156 = tpu.memref_slice %arg2[%dma_wait3A_154, %dma_wait3A_155] : memref<20000x64xf32, #tpu.memory_space<hbm>> -> memref<20000x64xf32, #tpu.memory_space<hbm>>
    tpu.wait_indirect_dma semaphore(%arg7 : memref<!tpu.dma_semaphore, #tpu.memory_space<semaphore_mem>>) src(%dma_wait3A_156 : memref<20000x64xf32, #tpu.memory_space<hbm>>) dst(%dma_wait3A_150 : memref<128x64xf32, #tpu.memory_space<vmem>>)
    %mul3A_157 = arith.constant 1280 : i32
    %mul3A_158 = arith.muli %add3A, %mul3A_157 : i32
    %add3A_159 = arith.constant 256 : i32
    %add3A_160 = arith.addi %mul3A_158, %add3A_159 : i32
    %dma_start3A_161 = arith.constant 256 : i32
    %dma_start3A_162 = arith.constant 0 : i32
    %dma_start3A_163 = tpu.memref_slice %arg6[%dma_start3A_161, %dma_start3A_162] : memref<1280x64xf32, #tpu.memory_space<vmem>> -> memref<128x64xf32, #tpu.memory_space<vmem>>
    %dma_start3A_164 = arith.constant 0 : i32
    %dma_start3A_165 = tpu.memref_slice %arg4[%add3A_160, %dma_start3A_164] : memref<40960x64xf32, #tpu.memory_space<hbm>> -> memref<128x64xf32, #tpu.memory_space<hbm>>
    %dma_start3A_166 = arith.constant 0 : i32
    %dma_start3A_167 = tpu.memref_slice %arg4[%add3A_160, %dma_start3A_166] : memref<40960x64xf32, #tpu.memory_space<hbm>> -> memref<128x64xf32, #tpu.memory_space<hbm>>
    %dma_start3A_168 = arith.constant 256 : i32
    %dma_start3A_169 = arith.constant 0 : i32
    %dma_start3A_170 = tpu.memref_slice %arg6[%dma_start3A_168, %dma_start3A_169] : memref<1280x64xf32, #tpu.memory_space<vmem>> -> memref<128x64xf32, #tpu.memory_space<vmem>>
    tpu.enqueue_dma source(%dma_start3A_170 : memref<128x64xf32, #tpu.memory_space<vmem>>) target(%dma_start3A_167 : memref<128x64xf32, #tpu.memory_space<hbm>>) target_semaphore(%arg8 : memref<!tpu.dma_semaphore, #tpu.memory_space<semaphore_mem>>)
    %dma_wait3A_171 = arith.constant 3 : i32
    %dma_wait3A_172 = arith.constant 384 : i32
    %dma_wait3A_173 = arith.constant 0 : i32
    %dma_wait3A_174 = tpu.memref_slice %arg6[%dma_wait3A_172, %dma_wait3A_173] : memref<1280x64xf32, #tpu.memory_space<vmem>> -> memref<128x64xf32, #tpu.memory_space<vmem>>
    %dma_wait3A_175 = arith.constant 0 : i32
    %dma_wait3A_176 = tpu.memref_slice %arg5[%dma_wait3A_171, %dma_wait3A_175] : memref<10x128xi32, #tpu.memory_space<vmem>> -> memref<1x128xi32, #tpu.memory_space<vmem>>
    %dma_wait3A_177 = tpu.memref_squeeze %dma_wait3A_176 : memref<1x128xi32, #tpu.memory_space<vmem>> -> memref<128xi32, #tpu.memory_space<vmem>>
    %dma_wait3A_178 = arith.constant 0 : i32
    %dma_wait3A_179 = arith.constant 0 : i32
    %dma_wait3A_180 = tpu.memref_slice %arg2[%dma_wait3A_178, %dma_wait3A_179] : memref<20000x64xf32, #tpu.memory_space<hbm>> -> memref<20000x64xf32, #tpu.memory_space<hbm>>
    tpu.wait_indirect_dma semaphore(%arg7 : memref<!tpu.dma_semaphore, #tpu.memory_space<semaphore_mem>>) src(%dma_wait3A_180 : memref<20000x64xf32, #tpu.memory_space<hbm>>) dst(%dma_wait3A_174 : memref<128x64xf32, #tpu.memory_space<vmem>>)
    %mul3A_181 = arith.constant 1280 : i32
    %mul3A_182 = arith.muli %add3A, %mul3A_181 : i32
    %add3A_183 = arith.constant 384 : i32
    %add3A_184 = arith.addi %mul3A_182, %add3A_183 : i32
    %dma_start3A_185 = arith.constant 384 : i32
    %dma_start3A_186 = arith.constant 0 : i32
    %dma_start3A_187 = tpu.memref_slice %arg6[%dma_start3A_185, %dma_start3A_186] : memref<1280x64xf32, #tpu.memory_space<vmem>> -> memref<128x64xf32, #tpu.memory_space<vmem>>
    %dma_start3A_188 = arith.constant 0 : i32
    %dma_start3A_189 = tpu.memref_slice %arg4[%add3A_184, %dma_start3A_188] : memref<40960x64xf32, #tpu.memory_space<hbm>> -> memref<128x64xf32, #tpu.memory_space<hbm>>
    %dma_start3A_190 = arith.constant 0 : i32
    %dma_start3A_191 = tpu.memref_slice %arg4[%add3A_184, %dma_start3A_190] : memref<40960x64xf32, #tpu.memory_space<hbm>> -> memref<128x64xf32, #tpu.memory_space<hbm>>
    %dma_start3A_192 = arith.constant 384 : i32
    %dma_start3A_193 = arith.constant 0 : i32
    %dma_start3A_194 = tpu.memref_slice %arg6[%dma_start3A_192, %dma_start3A_193] : memref<1280x64xf32, #tpu.memory_space<vmem>> -> memref<128x64xf32, #tpu.memory_space<vmem>>
    tpu.enqueue_dma source(%dma_start3A_194 : memref<128x64xf32, #tpu.memory_space<vmem>>) target(%dma_start3A_191 : memref<128x64xf32, #tpu.memory_space<hbm>>) target_semaphore(%arg8 : memref<!tpu.dma_semaphore, #tpu.memory_space<semaphore_mem>>)
    %dma_wait3A_195 = arith.constant 4 : i32
    %dma_wait3A_196 = arith.constant 512 : i32
    %dma_wait3A_197 = arith.constant 0 : i32
    %dma_wait3A_198 = tpu.memref_slice %arg6[%dma_wait3A_196, %dma_wait3A_197] : memref<1280x64xf32, #tpu.memory_space<vmem>> -> memref<128x64xf32, #tpu.memory_space<vmem>>
    %dma_wait3A_199 = arith.constant 0 : i32
    %dma_wait3A_200 = tpu.memref_slice %arg5[%dma_wait3A_195, %dma_wait3A_199] : memref<10x128xi32, #tpu.memory_space<vmem>> -> memref<1x128xi32, #tpu.memory_space<vmem>>
    %dma_wait3A_201 = tpu.memref_squeeze %dma_wait3A_200 : memref<1x128xi32, #tpu.memory_space<vmem>> -> memref<128xi32, #tpu.memory_space<vmem>>
    %dma_wait3A_202 = arith.constant 0 : i32
    %dma_wait3A_203 = arith.constant 0 : i32
    %dma_wait3A_204 = tpu.memref_slice %arg2[%dma_wait3A_202, %dma_wait3A_203] : memref<20000x64xf32, #tpu.memory_space<hbm>> -> memref<20000x64xf32, #tpu.memory_space<hbm>>
    tpu.wait_indirect_dma semaphore(%arg7 : memref<!tpu.dma_semaphore, #tpu.memory_space<semaphore_mem>>) src(%dma_wait3A_204 : memref<20000x64xf32, #tpu.memory_space<hbm>>) dst(%dma_wait3A_198 : memref<128x64xf32, #tpu.memory_space<vmem>>)
    %mul3A_205 = arith.constant 1280 : i32
    %mul3A_206 = arith.muli %add3A, %mul3A_205 : i32
    %add3A_207 = arith.constant 512 : i32
    %add3A_208 = arith.addi %mul3A_206, %add3A_207 : i32
    %dma_start3A_209 = arith.constant 512 : i32
    %dma_start3A_210 = arith.constant 0 : i32
    %dma_start3A_211 = tpu.memref_slice %arg6[%dma_start3A_209, %dma_start3A_210] : memref<1280x64xf32, #tpu.memory_space<vmem>> -> memref<128x64xf32, #tpu.memory_space<vmem>>
    %dma_start3A_212 = arith.constant 0 : i32
    %dma_start3A_213 = tpu.memref_slice %arg4[%add3A_208, %dma_start3A_212] : memref<40960x64xf32, #tpu.memory_space<hbm>> -> memref<128x64xf32, #tpu.memory_space<hbm>>
    %dma_start3A_214 = arith.constant 0 : i32
    %dma_start3A_215 = tpu.memref_slice %arg4[%add3A_208, %dma_start3A_214] : memref<40960x64xf32, #tpu.memory_space<hbm>> -> memref<128x64xf32, #tpu.memory_space<hbm>>
    %dma_start3A_216 = arith.constant 512 : i32
    %dma_start3A_217 = arith.constant 0 : i32
    %dma_start3A_218 = tpu.memref_slice %arg6[%dma_start3A_216, %dma_start3A_217] : memref<1280x64xf32, #tpu.memory_space<vmem>> -> memref<128x64xf32, #tpu.memory_space<vmem>>
    tpu.enqueue_dma source(%dma_start3A_218 : memref<128x64xf32, #tpu.memory_space<vmem>>) target(%dma_start3A_215 : memref<128x64xf32, #tpu.memory_space<hbm>>) target_semaphore(%arg8 : memref<!tpu.dma_semaphore, #tpu.memory_space<semaphore_mem>>)
    %dma_wait3A_219 = arith.constant 5 : i32
    %dma_wait3A_220 = arith.constant 640 : i32
    %dma_wait3A_221 = arith.constant 0 : i32
    %dma_wait3A_222 = tpu.memref_slice %arg6[%dma_wait3A_220, %dma_wait3A_221] : memref<1280x64xf32, #tpu.memory_space<vmem>> -> memref<128x64xf32, #tpu.memory_space<vmem>>
    %dma_wait3A_223 = arith.constant 0 : i32
    %dma_wait3A_224 = tpu.memref_slice %arg5[%dma_wait3A_219, %dma_wait3A_223] : memref<10x128xi32, #tpu.memory_space<vmem>> -> memref<1x128xi32, #tpu.memory_space<vmem>>
    %dma_wait3A_225 = tpu.memref_squeeze %dma_wait3A_224 : memref<1x128xi32, #tpu.memory_space<vmem>> -> memref<128xi32, #tpu.memory_space<vmem>>
    %dma_wait3A_226 = arith.constant 0 : i32
    %dma_wait3A_227 = arith.constant 0 : i32
    %dma_wait3A_228 = tpu.memref_slice %arg2[%dma_wait3A_226, %dma_wait3A_227] : memref<20000x64xf32, #tpu.memory_space<hbm>> -> memref<20000x64xf32, #tpu.memory_space<hbm>>
    tpu.wait_indirect_dma semaphore(%arg7 : memref<!tpu.dma_semaphore, #tpu.memory_space<semaphore_mem>>) src(%dma_wait3A_228 : memref<20000x64xf32, #tpu.memory_space<hbm>>) dst(%dma_wait3A_222 : memref<128x64xf32, #tpu.memory_space<vmem>>)
    %mul3A_229 = arith.constant 1280 : i32
    %mul3A_230 = arith.muli %add3A, %mul3A_229 : i32
    %add3A_231 = arith.constant 640 : i32
    %add3A_232 = arith.addi %mul3A_230, %add3A_231 : i32
    %dma_start3A_233 = arith.constant 640 : i32
    %dma_start3A_234 = arith.constant 0 : i32
    %dma_start3A_235 = tpu.memref_slice %arg6[%dma_start3A_233, %dma_start3A_234] : memref<1280x64xf32, #tpu.memory_space<vmem>> -> memref<128x64xf32, #tpu.memory_space<vmem>>
    %dma_start3A_236 = arith.constant 0 : i32
    %dma_start3A_237 = tpu.memref_slice %arg4[%add3A_232, %dma_start3A_236] : memref<40960x64xf32, #tpu.memory_space<hbm>> -> memref<128x64xf32, #tpu.memory_space<hbm>>
    %dma_start3A_238 = arith.constant 0 : i32
    %dma_start3A_239 = tpu.memref_slice %arg4[%add3A_232, %dma_start3A_238] : memref<40960x64xf32, #tpu.memory_space<hbm>> -> memref<128x64xf32, #tpu.memory_space<hbm>>
    %dma_start3A_240 = arith.constant 640 : i32
    %dma_start3A_241 = arith.constant 0 : i32
    %dma_start3A_242 = tpu.memref_slice %arg6[%dma_start3A_240, %dma_start3A_241] : memref<1280x64xf32, #tpu.memory_space<vmem>> -> memref<128x64xf32, #tpu.memory_space<vmem>>
    tpu.enqueue_dma source(%dma_start3A_242 : memref<128x64xf32, #tpu.memory_space<vmem>>) target(%dma_start3A_239 : memref<128x64xf32, #tpu.memory_space<hbm>>) target_semaphore(%arg8 : memref<!tpu.dma_semaphore, #tpu.memory_space<semaphore_mem>>)
    %dma_wait3A_243 = arith.constant 6 : i32
    %dma_wait3A_244 = arith.constant 768 : i32
    %dma_wait3A_245 = arith.constant 0 : i32
    %dma_wait3A_246 = tpu.memref_slice %arg6[%dma_wait3A_244, %dma_wait3A_245] : memref<1280x64xf32, #tpu.memory_space<vmem>> -> memref<128x64xf32, #tpu.memory_space<vmem>>
    %dma_wait3A_247 = arith.constant 0 : i32
    %dma_wait3A_248 = tpu.memref_slice %arg5[%dma_wait3A_243, %dma_wait3A_247] : memref<10x128xi32, #tpu.memory_space<vmem>> -> memref<1x128xi32, #tpu.memory_space<vmem>>
    %dma_wait3A_249 = tpu.memref_squeeze %dma_wait3A_248 : memref<1x128xi32, #tpu.memory_space<vmem>> -> memref<128xi32, #tpu.memory_space<vmem>>
    %dma_wait3A_250 = arith.constant 0 : i32
    %dma_wait3A_251 = arith.constant 0 : i32
    %dma_wait3A_252 = tpu.memref_slice %arg2[%dma_wait3A_250, %dma_wait3A_251] : memref<20000x64xf32, #tpu.memory_space<hbm>> -> memref<20000x64xf32, #tpu.memory_space<hbm>>
    tpu.wait_indirect_dma semaphore(%arg7 : memref<!tpu.dma_semaphore, #tpu.memory_space<semaphore_mem>>) src(%dma_wait3A_252 : memref<20000x64xf32, #tpu.memory_space<hbm>>) dst(%dma_wait3A_246 : memref<128x64xf32, #tpu.memory_space<vmem>>)
    %mul3A_253 = arith.constant 1280 : i32
    %mul3A_254 = arith.muli %add3A, %mul3A_253 : i32
    %add3A_255 = arith.constant 768 : i32
    %add3A_256 = arith.addi %mul3A_254, %add3A_255 : i32
    %dma_start3A_257 = arith.constant 768 : i32
    %dma_start3A_258 = arith.constant 0 : i32
    %dma_start3A_259 = tpu.memref_slice %arg6[%dma_start3A_257, %dma_start3A_258] : memref<1280x64xf32, #tpu.memory_space<vmem>> -> memref<128x64xf32, #tpu.memory_space<vmem>>
    %dma_start3A_260 = arith.constant 0 : i32
    %dma_start3A_261 = tpu.memref_slice %arg4[%add3A_256, %dma_start3A_260] : memref<40960x64xf32, #tpu.memory_space<hbm>> -> memref<128x64xf32, #tpu.memory_space<hbm>>
    %dma_start3A_262 = arith.constant 0 : i32
    %dma_start3A_263 = tpu.memref_slice %arg4[%add3A_256, %dma_start3A_262] : memref<40960x64xf32, #tpu.memory_space<hbm>> -> memref<128x64xf32, #tpu.memory_space<hbm>>
    %dma_start3A_264 = arith.constant 768 : i32
    %dma_start3A_265 = arith.constant 0 : i32
    %dma_start3A_266 = tpu.memref_slice %arg6[%dma_start3A_264, %dma_start3A_265] : memref<1280x64xf32, #tpu.memory_space<vmem>> -> memref<128x64xf32, #tpu.memory_space<vmem>>
    tpu.enqueue_dma source(%dma_start3A_266 : memref<128x64xf32, #tpu.memory_space<vmem>>) target(%dma_start3A_263 : memref<128x64xf32, #tpu.memory_space<hbm>>) target_semaphore(%arg8 : memref<!tpu.dma_semaphore, #tpu.memory_space<semaphore_mem>>)
    %dma_wait3A_267 = arith.constant 7 : i32
    %dma_wait3A_268 = arith.constant 896 : i32
    %dma_wait3A_269 = arith.constant 0 : i32
    %dma_wait3A_270 = tpu.memref_slice %arg6[%dma_wait3A_268, %dma_wait3A_269] : memref<1280x64xf32, #tpu.memory_space<vmem>> -> memref<128x64xf32, #tpu.memory_space<vmem>>
    %dma_wait3A_271 = arith.constant 0 : i32
    %dma_wait3A_272 = tpu.memref_slice %arg5[%dma_wait3A_267, %dma_wait3A_271] : memref<10x128xi32, #tpu.memory_space<vmem>> -> memref<1x128xi32, #tpu.memory_space<vmem>>
    %dma_wait3A_273 = tpu.memref_squeeze %dma_wait3A_272 : memref<1x128xi32, #tpu.memory_space<vmem>> -> memref<128xi32, #tpu.memory_space<vmem>>
    %dma_wait3A_274 = arith.constant 0 : i32
    %dma_wait3A_275 = arith.constant 0 : i32
    %dma_wait3A_276 = tpu.memref_slice %arg2[%dma_wait3A_274, %dma_wait3A_275] : memref<20000x64xf32, #tpu.memory_space<hbm>> -> memref<20000x64xf32, #tpu.memory_space<hbm>>
    tpu.wait_indirect_dma semaphore(%arg7 : memref<!tpu.dma_semaphore, #tpu.memory_space<semaphore_mem>>) src(%dma_wait3A_276 : memref<20000x64xf32, #tpu.memory_space<hbm>>) dst(%dma_wait3A_270 : memref<128x64xf32, #tpu.memory_space<vmem>>)
    %mul3A_277 = arith.constant 1280 : i32
    %mul3A_278 = arith.muli %add3A, %mul3A_277 : i32
    %add3A_279 = arith.constant 896 : i32
    %add3A_280 = arith.addi %mul3A_278, %add3A_279 : i32
    %dma_start3A_281 = arith.constant 896 : i32
    %dma_start3A_282 = arith.constant 0 : i32
    %dma_start3A_283 = tpu.memref_slice %arg6[%dma_start3A_281, %dma_start3A_282] : memref<1280x64xf32, #tpu.memory_space<vmem>> -> memref<128x64xf32, #tpu.memory_space<vmem>>
    %dma_start3A_284 = arith.constant 0 : i32
    %dma_start3A_285 = tpu.memref_slice %arg4[%add3A_280, %dma_start3A_284] : memref<40960x64xf32, #tpu.memory_space<hbm>> -> memref<128x64xf32, #tpu.memory_space<hbm>>
    %dma_start3A_286 = arith.constant 0 : i32
    %dma_start3A_287 = tpu.memref_slice %arg4[%add3A_280, %dma_start3A_286] : memref<40960x64xf32, #tpu.memory_space<hbm>> -> memref<128x64xf32, #tpu.memory_space<hbm>>
    %dma_start3A_288 = arith.constant 896 : i32
    %dma_start3A_289 = arith.constant 0 : i32
    %dma_start3A_290 = tpu.memref_slice %arg6[%dma_start3A_288, %dma_start3A_289] : memref<1280x64xf32, #tpu.memory_space<vmem>> -> memref<128x64xf32, #tpu.memory_space<vmem>>
    tpu.enqueue_dma source(%dma_start3A_290 : memref<128x64xf32, #tpu.memory_space<vmem>>) target(%dma_start3A_287 : memref<128x64xf32, #tpu.memory_space<hbm>>) target_semaphore(%arg8 : memref<!tpu.dma_semaphore, #tpu.memory_space<semaphore_mem>>)
    %dma_wait3A_291 = arith.constant 8 : i32
    %dma_wait3A_292 = arith.constant 1024 : i32
    %dma_wait3A_293 = arith.constant 0 : i32
    %dma_wait3A_294 = tpu.memref_slice %arg6[%dma_wait3A_292, %dma_wait3A_293] : memref<1280x64xf32, #tpu.memory_space<vmem>> -> memref<128x64xf32, #tpu.memory_space<vmem>>
    %dma_wait3A_295 = arith.constant 0 : i32
    %dma_wait3A_296 = tpu.memref_slice %arg5[%dma_wait3A_291, %dma_wait3A_295] : memref<10x128xi32, #tpu.memory_space<vmem>> -> memref<1x128xi32, #tpu.memory_space<vmem>>
    %dma_wait3A_297 = tpu.memref_squeeze %dma_wait3A_296 : memref<1x128xi32, #tpu.memory_space<vmem>> -> memref<128xi32, #tpu.memory_space<vmem>>
    %dma_wait3A_298 = arith.constant 0 : i32
    %dma_wait3A_299 = arith.constant 0 : i32
    %dma_wait3A_300 = tpu.memref_slice %arg2[%dma_wait3A_298, %dma_wait3A_299] : memref<20000x64xf32, #tpu.memory_space<hbm>> -> memref<20000x64xf32, #tpu.memory_space<hbm>>
    tpu.wait_indirect_dma semaphore(%arg7 : memref<!tpu.dma_semaphore, #tpu.memory_space<semaphore_mem>>) src(%dma_wait3A_300 : memref<20000x64xf32, #tpu.memory_space<hbm>>) dst(%dma_wait3A_294 : memref<128x64xf32, #tpu.memory_space<vmem>>)
    %mul3A_301 = arith.constant 1280 : i32
    %mul3A_302 = arith.muli %add3A, %mul3A_301 : i32
    %add3A_303 = arith.constant 1024 : i32
    %add3A_304 = arith.addi %mul3A_302, %add3A_303 : i32
    %dma_start3A_305 = arith.constant 1024 : i32
    %dma_start3A_306 = arith.constant 0 : i32
    %dma_start3A_307 = tpu.memref_slice %arg6[%dma_start3A_305, %dma_start3A_306] : memref<1280x64xf32, #tpu.memory_space<vmem>> -> memref<128x64xf32, #tpu.memory_space<vmem>>
    %dma_start3A_308 = arith.constant 0 : i32
    %dma_start3A_309 = tpu.memref_slice %arg4[%add3A_304, %dma_start3A_308] : memref<40960x64xf32, #tpu.memory_space<hbm>> -> memref<128x64xf32, #tpu.memory_space<hbm>>
    %dma_start3A_310 = arith.constant 0 : i32
    %dma_start3A_311 = tpu.memref_slice %arg4[%add3A_304, %dma_start3A_310] : memref<40960x64xf32, #tpu.memory_space<hbm>> -> memref<128x64xf32, #tpu.memory_space<hbm>>
    %dma_start3A_312 = arith.constant 1024 : i32
    %dma_start3A_313 = arith.constant 0 : i32
    %dma_start3A_314 = tpu.memref_slice %arg6[%dma_start3A_312, %dma_start3A_313] : memref<1280x64xf32, #tpu.memory_space<vmem>> -> memref<128x64xf32, #tpu.memory_space<vmem>>
    tpu.enqueue_dma source(%dma_start3A_314 : memref<128x64xf32, #tpu.memory_space<vmem>>) target(%dma_start3A_311 : memref<128x64xf32, #tpu.memory_space<hbm>>) target_semaphore(%arg8 : memref<!tpu.dma_semaphore, #tpu.memory_space<semaphore_mem>>)
    %dma_wait3A_315 = arith.constant 9 : i32
    %dma_wait3A_316 = arith.constant 1152 : i32
    %dma_wait3A_317 = arith.constant 0 : i32
    %dma_wait3A_318 = tpu.memref_slice %arg6[%dma_wait3A_316, %dma_wait3A_317] : memref<1280x64xf32, #tpu.memory_space<vmem>> -> memref<128x64xf32, #tpu.memory_space<vmem>>
    %dma_wait3A_319 = arith.constant 0 : i32
    %dma_wait3A_320 = tpu.memref_slice %arg5[%dma_wait3A_315, %dma_wait3A_319] : memref<10x128xi32, #tpu.memory_space<vmem>> -> memref<1x128xi32, #tpu.memory_space<vmem>>
    %dma_wait3A_321 = tpu.memref_squeeze %dma_wait3A_320 : memref<1x128xi32, #tpu.memory_space<vmem>> -> memref<128xi32, #tpu.memory_space<vmem>>
    %dma_wait3A_322 = arith.constant 0 : i32
    %dma_wait3A_323 = arith.constant 0 : i32
    %dma_wait3A_324 = tpu.memref_slice %arg2[%dma_wait3A_322, %dma_wait3A_323] : memref<20000x64xf32, #tpu.memory_space<hbm>> -> memref<20000x64xf32, #tpu.memory_space<hbm>>
    tpu.wait_indirect_dma semaphore(%arg7 : memref<!tpu.dma_semaphore, #tpu.memory_space<semaphore_mem>>) src(%dma_wait3A_324 : memref<20000x64xf32, #tpu.memory_space<hbm>>) dst(%dma_wait3A_318 : memref<128x64xf32, #tpu.memory_space<vmem>>)
    %mul3A_325 = arith.constant 1280 : i32
    %mul3A_326 = arith.muli %add3A, %mul3A_325 : i32
    %add3A_327 = arith.constant 1152 : i32
    %add3A_328 = arith.addi %mul3A_326, %add3A_327 : i32
    %dma_start3A_329 = arith.constant 1152 : i32
    %dma_start3A_330 = arith.constant 0 : i32
    %dma_start3A_331 = tpu.memref_slice %arg6[%dma_start3A_329, %dma_start3A_330] : memref<1280x64xf32, #tpu.memory_space<vmem>> -> memref<128x64xf32, #tpu.memory_space<vmem>>
    %dma_start3A_332 = arith.constant 0 : i32
    %dma_start3A_333 = tpu.memref_slice %arg4[%add3A_328, %dma_start3A_332] : memref<40960x64xf32, #tpu.memory_space<hbm>> -> memref<128x64xf32, #tpu.memory_space<hbm>>
    %dma_start3A_334 = arith.constant 0 : i32
    %dma_start3A_335 = tpu.memref_slice %arg4[%add3A_328, %dma_start3A_334] : memref<40960x64xf32, #tpu.memory_space<hbm>> -> memref<128x64xf32, #tpu.memory_space<hbm>>
    %dma_start3A_336 = arith.constant 1152 : i32
    %dma_start3A_337 = arith.constant 0 : i32
    %dma_start3A_338 = tpu.memref_slice %arg6[%dma_start3A_336, %dma_start3A_337] : memref<1280x64xf32, #tpu.memory_space<vmem>> -> memref<128x64xf32, #tpu.memory_space<vmem>>
    tpu.enqueue_dma source(%dma_start3A_338 : memref<128x64xf32, #tpu.memory_space<vmem>>) target(%dma_start3A_335 : memref<128x64xf32, #tpu.memory_space<hbm>>) target_semaphore(%arg8 : memref<!tpu.dma_semaphore, #tpu.memory_space<semaphore_mem>>)
    %dma_wait3A_339 = arith.constant 0 : i32
    %dma_wait3A_340 = arith.constant 0 : i32
    %dma_wait3A_341 = tpu.memref_slice %arg6[%dma_wait3A_339, %dma_wait3A_340] : memref<1280x64xf32, #tpu.memory_space<vmem>> -> memref<128x64xf32, #tpu.memory_space<vmem>>
    %dma_wait3A_342 = arith.constant 0 : i32
    %dma_wait3A_343 = tpu.memref_slice %arg4[%add3A_112, %dma_wait3A_342] : memref<40960x64xf32, #tpu.memory_space<hbm>> -> memref<128x64xf32, #tpu.memory_space<hbm>>
    %dma_wait3A_344 = arith.constant 0 : i32
    %dma_wait3A_345 = tpu.memref_slice %arg4[%add3A_112, %dma_wait3A_344] : memref<40960x64xf32, #tpu.memory_space<hbm>> -> memref<128x64xf32, #tpu.memory_space<hbm>>
    %dma_wait3A_346 = arith.constant 0 : i32
    %dma_wait3A_347 = arith.constant 0 : i32
    %dma_wait3A_348 = tpu.memref_slice %arg6[%dma_wait3A_346, %dma_wait3A_347] : memref<1280x64xf32, #tpu.memory_space<vmem>> -> memref<128x64xf32, #tpu.memory_space<vmem>>
    tpu.wait_dma2 semaphore(%arg8 : memref<!tpu.dma_semaphore, #tpu.memory_space<semaphore_mem>>) src(%dma_wait3A_348 : memref<128x64xf32, #tpu.memory_space<vmem>>) dst(%dma_wait3A_345 : memref<128x64xf32, #tpu.memory_space<hbm>>)
    %dma_wait3A_349 = arith.constant 128 : i32
    %dma_wait3A_350 = arith.constant 0 : i32
    %dma_wait3A_351 = tpu.memref_slice %arg6[%dma_wait3A_349, %dma_wait3A_350] : memref<1280x64xf32, #tpu.memory_space<vmem>> -> memref<128x64xf32, #tpu.memory_space<vmem>>
    %dma_wait3A_352 = arith.constant 0 : i32
    %dma_wait3A_353 = tpu.memref_slice %arg4[%add3A_136, %dma_wait3A_352] : memref<40960x64xf32, #tpu.memory_space<hbm>> -> memref<128x64xf32, #tpu.memory_space<hbm>>
    %dma_wait3A_354 = arith.constant 0 : i32
    %dma_wait3A_355 = tpu.memref_slice %arg4[%add3A_136, %dma_wait3A_354] : memref<40960x64xf32, #tpu.memory_space<hbm>> -> memref<128x64xf32, #tpu.memory_space<hbm>>
    %dma_wait3A_356 = arith.constant 128 : i32
    %dma_wait3A_357 = arith.constant 0 : i32
    %dma_wait3A_358 = tpu.memref_slice %arg6[%dma_wait3A_356, %dma_wait3A_357] : memref<1280x64xf32, #tpu.memory_space<vmem>> -> memref<128x64xf32, #tpu.memory_space<vmem>>
    tpu.wait_dma2 semaphore(%arg8 : memref<!tpu.dma_semaphore, #tpu.memory_space<semaphore_mem>>) src(%dma_wait3A_358 : memref<128x64xf32, #tpu.memory_space<vmem>>) dst(%dma_wait3A_355 : memref<128x64xf32, #tpu.memory_space<hbm>>)
    %dma_wait3A_359 = arith.constant 256 : i32
    %dma_wait3A_360 = arith.constant 0 : i32
    %dma_wait3A_361 = tpu.memref_slice %arg6[%dma_wait3A_359, %dma_wait3A_360] : memref<1280x64xf32, #tpu.memory_space<vmem>> -> memref<128x64xf32, #tpu.memory_space<vmem>>
    %dma_wait3A_362 = arith.constant 0 : i32
    %dma_wait3A_363 = tpu.memref_slice %arg4[%add3A_160, %dma_wait3A_362] : memref<40960x64xf32, #tpu.memory_space<hbm>> -> memref<128x64xf32, #tpu.memory_space<hbm>>
    %dma_wait3A_364 = arith.constant 0 : i32
    %dma_wait3A_365 = tpu.memref_slice %arg4[%add3A_160, %dma_wait3A_364] : memref<40960x64xf32, #tpu.memory_space<hbm>> -> memref<128x64xf32, #tpu.memory_space<hbm>>
    %dma_wait3A_366 = arith.constant 256 : i32
    %dma_wait3A_367 = arith.constant 0 : i32
    %dma_wait3A_368 = tpu.memref_slice %arg6[%dma_wait3A_366, %dma_wait3A_367] : memref<1280x64xf32, #tpu.memory_space<vmem>> -> memref<128x64xf32, #tpu.memory_space<vmem>>
    tpu.wait_dma2 semaphore(%arg8 : memref<!tpu.dma_semaphore, #tpu.memory_space<semaphore_mem>>) src(%dma_wait3A_368 : memref<128x64xf32, #tpu.memory_space<vmem>>) dst(%dma_wait3A_365 : memref<128x64xf32, #tpu.memory_space<hbm>>)
    %dma_wait3A_369 = arith.constant 384 : i32
    %dma_wait3A_370 = arith.constant 0 : i32
    %dma_wait3A_371 = tpu.memref_slice %arg6[%dma_wait3A_369, %dma_wait3A_370] : memref<1280x64xf32, #tpu.memory_space<vmem>> -> memref<128x64xf32, #tpu.memory_space<vmem>>
    %dma_wait3A_372 = arith.constant 0 : i32
    %dma_wait3A_373 = tpu.memref_slice %arg4[%add3A_184, %dma_wait3A_372] : memref<40960x64xf32, #tpu.memory_space<hbm>> -> memref<128x64xf32, #tpu.memory_space<hbm>>
    %dma_wait3A_374 = arith.constant 0 : i32
    %dma_wait3A_375 = tpu.memref_slice %arg4[%add3A_184, %dma_wait3A_374] : memref<40960x64xf32, #tpu.memory_space<hbm>> -> memref<128x64xf32, #tpu.memory_space<hbm>>
    %dma_wait3A_376 = arith.constant 384 : i32
    %dma_wait3A_377 = arith.constant 0 : i32
    %dma_wait3A_378 = tpu.memref_slice %arg6[%dma_wait3A_376, %dma_wait3A_377] : memref<1280x64xf32, #tpu.memory_space<vmem>> -> memref<128x64xf32, #tpu.memory_space<vmem>>
    tpu.wait_dma2 semaphore(%arg8 : memref<!tpu.dma_semaphore, #tpu.memory_space<semaphore_mem>>) src(%dma_wait3A_378 : memref<128x64xf32, #tpu.memory_space<vmem>>) dst(%dma_wait3A_375 : memref<128x64xf32, #tpu.memory_space<hbm>>)
    %dma_wait3A_379 = arith.constant 512 : i32
    %dma_wait3A_380 = arith.constant 0 : i32
    %dma_wait3A_381 = tpu.memref_slice %arg6[%dma_wait3A_379, %dma_wait3A_380] : memref<1280x64xf32, #tpu.memory_space<vmem>> -> memref<128x64xf32, #tpu.memory_space<vmem>>
    %dma_wait3A_382 = arith.constant 0 : i32
    %dma_wait3A_383 = tpu.memref_slice %arg4[%add3A_208, %dma_wait3A_382] : memref<40960x64xf32, #tpu.memory_space<hbm>> -> memref<128x64xf32, #tpu.memory_space<hbm>>
    %dma_wait3A_384 = arith.constant 0 : i32
    %dma_wait3A_385 = tpu.memref_slice %arg4[%add3A_208, %dma_wait3A_384] : memref<40960x64xf32, #tpu.memory_space<hbm>> -> memref<128x64xf32, #tpu.memory_space<hbm>>
    %dma_wait3A_386 = arith.constant 512 : i32
    %dma_wait3A_387 = arith.constant 0 : i32
    %dma_wait3A_388 = tpu.memref_slice %arg6[%dma_wait3A_386, %dma_wait3A_387] : memref<1280x64xf32, #tpu.memory_space<vmem>> -> memref<128x64xf32, #tpu.memory_space<vmem>>
    tpu.wait_dma2 semaphore(%arg8 : memref<!tpu.dma_semaphore, #tpu.memory_space<semaphore_mem>>) src(%dma_wait3A_388 : memref<128x64xf32, #tpu.memory_space<vmem>>) dst(%dma_wait3A_385 : memref<128x64xf32, #tpu.memory_space<hbm>>)
    %dma_wait3A_389 = arith.constant 640 : i32
    %dma_wait3A_390 = arith.constant 0 : i32
    %dma_wait3A_391 = tpu.memref_slice %arg6[%dma_wait3A_389, %dma_wait3A_390] : memref<1280x64xf32, #tpu.memory_space<vmem>> -> memref<128x64xf32, #tpu.memory_space<vmem>>
    %dma_wait3A_392 = arith.constant 0 : i32
    %dma_wait3A_393 = tpu.memref_slice %arg4[%add3A_232, %dma_wait3A_392] : memref<40960x64xf32, #tpu.memory_space<hbm>> -> memref<128x64xf32, #tpu.memory_space<hbm>>
    %dma_wait3A_394 = arith.constant 0 : i32
    %dma_wait3A_395 = tpu.memref_slice %arg4[%add3A_232, %dma_wait3A_394] : memref<40960x64xf32, #tpu.memory_space<hbm>> -> memref<128x64xf32, #tpu.memory_space<hbm>>
    %dma_wait3A_396 = arith.constant 640 : i32
    %dma_wait3A_397 = arith.constant 0 : i32
    %dma_wait3A_398 = tpu.memref_slice %arg6[%dma_wait3A_396, %dma_wait3A_397] : memref<1280x64xf32, #tpu.memory_space<vmem>> -> memref<128x64xf32, #tpu.memory_space<vmem>>
    tpu.wait_dma2 semaphore(%arg8 : memref<!tpu.dma_semaphore, #tpu.memory_space<semaphore_mem>>) src(%dma_wait3A_398 : memref<128x64xf32, #tpu.memory_space<vmem>>) dst(%dma_wait3A_395 : memref<128x64xf32, #tpu.memory_space<hbm>>)
    %dma_wait3A_399 = arith.constant 768 : i32
    %dma_wait3A_400 = arith.constant 0 : i32
    %dma_wait3A_401 = tpu.memref_slice %arg6[%dma_wait3A_399, %dma_wait3A_400] : memref<1280x64xf32, #tpu.memory_space<vmem>> -> memref<128x64xf32, #tpu.memory_space<vmem>>
    %dma_wait3A_402 = arith.constant 0 : i32
    %dma_wait3A_403 = tpu.memref_slice %arg4[%add3A_256, %dma_wait3A_402] : memref<40960x64xf32, #tpu.memory_space<hbm>> -> memref<128x64xf32, #tpu.memory_space<hbm>>
    %dma_wait3A_404 = arith.constant 0 : i32
    %dma_wait3A_405 = tpu.memref_slice %arg4[%add3A_256, %dma_wait3A_404] : memref<40960x64xf32, #tpu.memory_space<hbm>> -> memref<128x64xf32, #tpu.memory_space<hbm>>
    %dma_wait3A_406 = arith.constant 768 : i32
    %dma_wait3A_407 = arith.constant 0 : i32
    %dma_wait3A_408 = tpu.memref_slice %arg6[%dma_wait3A_406, %dma_wait3A_407] : memref<1280x64xf32, #tpu.memory_space<vmem>> -> memref<128x64xf32, #tpu.memory_space<vmem>>
    tpu.wait_dma2 semaphore(%arg8 : memref<!tpu.dma_semaphore, #tpu.memory_space<semaphore_mem>>) src(%dma_wait3A_408 : memref<128x64xf32, #tpu.memory_space<vmem>>) dst(%dma_wait3A_405 : memref<128x64xf32, #tpu.memory_space<hbm>>)
    %dma_wait3A_409 = arith.constant 896 : i32
    %dma_wait3A_410 = arith.constant 0 : i32
    %dma_wait3A_411 = tpu.memref_slice %arg6[%dma_wait3A_409, %dma_wait3A_410] : memref<1280x64xf32, #tpu.memory_space<vmem>> -> memref<128x64xf32, #tpu.memory_space<vmem>>
    %dma_wait3A_412 = arith.constant 0 : i32
    %dma_wait3A_413 = tpu.memref_slice %arg4[%add3A_280, %dma_wait3A_412] : memref<40960x64xf32, #tpu.memory_space<hbm>> -> memref<128x64xf32, #tpu.memory_space<hbm>>
    %dma_wait3A_414 = arith.constant 0 : i32
    %dma_wait3A_415 = tpu.memref_slice %arg4[%add3A_280, %dma_wait3A_414] : memref<40960x64xf32, #tpu.memory_space<hbm>> -> memref<128x64xf32, #tpu.memory_space<hbm>>
    %dma_wait3A_416 = arith.constant 896 : i32
    %dma_wait3A_417 = arith.constant 0 : i32
    %dma_wait3A_418 = tpu.memref_slice %arg6[%dma_wait3A_416, %dma_wait3A_417] : memref<1280x64xf32, #tpu.memory_space<vmem>> -> memref<128x64xf32, #tpu.memory_space<vmem>>
    tpu.wait_dma2 semaphore(%arg8 : memref<!tpu.dma_semaphore, #tpu.memory_space<semaphore_mem>>) src(%dma_wait3A_418 : memref<128x64xf32, #tpu.memory_space<vmem>>) dst(%dma_wait3A_415 : memref<128x64xf32, #tpu.memory_space<hbm>>)
    %dma_wait3A_419 = arith.constant 1024 : i32
    %dma_wait3A_420 = arith.constant 0 : i32
    %dma_wait3A_421 = tpu.memref_slice %arg6[%dma_wait3A_419, %dma_wait3A_420] : memref<1280x64xf32, #tpu.memory_space<vmem>> -> memref<128x64xf32, #tpu.memory_space<vmem>>
    %dma_wait3A_422 = arith.constant 0 : i32
    %dma_wait3A_423 = tpu.memref_slice %arg4[%add3A_304, %dma_wait3A_422] : memref<40960x64xf32, #tpu.memory_space<hbm>> -> memref<128x64xf32, #tpu.memory_space<hbm>>
    %dma_wait3A_424 = arith.constant 0 : i32
    %dma_wait3A_425 = tpu.memref_slice %arg4[%add3A_304, %dma_wait3A_424] : memref<40960x64xf32, #tpu.memory_space<hbm>> -> memref<128x64xf32, #tpu.memory_space<hbm>>
    %dma_wait3A_426 = arith.constant 1024 : i32
    %dma_wait3A_427 = arith.constant 0 : i32
    %dma_wait3A_428 = tpu.memref_slice %arg6[%dma_wait3A_426, %dma_wait3A_427] : memref<1280x64xf32, #tpu.memory_space<vmem>> -> memref<128x64xf32, #tpu.memory_space<vmem>>
    tpu.wait_dma2 semaphore(%arg8 : memref<!tpu.dma_semaphore, #tpu.memory_space<semaphore_mem>>) src(%dma_wait3A_428 : memref<128x64xf32, #tpu.memory_space<vmem>>) dst(%dma_wait3A_425 : memref<128x64xf32, #tpu.memory_space<hbm>>)
    %dma_wait3A_429 = arith.constant 1152 : i32
    %dma_wait3A_430 = arith.constant 0 : i32
    %dma_wait3A_431 = tpu.memref_slice %arg6[%dma_wait3A_429, %dma_wait3A_430] : memref<1280x64xf32, #tpu.memory_space<vmem>> -> memref<128x64xf32, #tpu.memory_space<vmem>>
    %dma_wait3A_432 = arith.constant 0 : i32
    %dma_wait3A_433 = tpu.memref_slice %arg4[%add3A_328, %dma_wait3A_432] : memref<40960x64xf32, #tpu.memory_space<hbm>> -> memref<128x64xf32, #tpu.memory_space<hbm>>
    %dma_wait3A_434 = arith.constant 0 : i32
    %dma_wait3A_435 = tpu.memref_slice %arg4[%add3A_328, %dma_wait3A_434] : memref<40960x64xf32, #tpu.memory_space<hbm>> -> memref<128x64xf32, #tpu.memory_space<hbm>>
    %dma_wait3A_436 = arith.constant 1152 : i32
    %dma_wait3A_437 = arith.constant 0 : i32
    %dma_wait3A_438 = tpu.memref_slice %arg6[%dma_wait3A_436, %dma_wait3A_437] : memref<1280x64xf32, #tpu.memory_space<vmem>> -> memref<128x64xf32, #tpu.memory_space<vmem>>
    tpu.wait_dma2 semaphore(%arg8 : memref<!tpu.dma_semaphore, #tpu.memory_space<semaphore_mem>>) src(%dma_wait3A_438 : memref<128x64xf32, #tpu.memory_space<vmem>>) dst(%dma_wait3A_435 : memref<128x64xf32, #tpu.memory_space<hbm>>)
    return
  }
}

#map = affine_map<(d0, d1) -> (0, 0)>
#map1 = affine_map<(d0, d1) -> (0, 0, 0)>
module attributes {stable_mosaic.version = 14 : i64} {
  func.func @gk(%arg0: i32, %arg1: i32, %arg2: memref<20000x64xf32, #tpu.memory_space<hbm>>, %arg3: memref<32x10x128xi32, #tpu.memory_space<hbm>>, %arg4: memref<40960x64xf32, #tpu.memory_space<hbm>>, %arg5: memref<10x128xi32, #tpu.memory_space<vmem>>, %arg6: memref<1280x64xf32, #tpu.memory_space<vmem>>, %arg7: memref<!tpu.dma_semaphore, #tpu.memory_space<semaphore_mem>>, %arg8: memref<!tpu.dma_semaphore, #tpu.memory_space<semaphore_mem>>) attributes {dimension_semantics = [#tpu.dimension_semantics<core_parallel>, #tpu.dimension_semantics<subcore_parallel>], iteration_bounds = array<i64: 2, 16>, scalar_prefetch = 0 : i64, scratch_operands = 4 : i64, tpu.core_type = #tpu.core_type<sc_vector_subcore>, window_params = [{transform_indices = #map}, {transform_indices = #map1}, {transform_indices = #map}]} {
    %mul3A = arith.constant 2 : i32
    %mul3A_0 = arith.muli %arg1, %mul3A : i32
    %add3A = arith.addi %mul3A_0, %arg0 : i32
    "tpu.region"() ({
      %run_scoped3A = tpu.sem_alloc : memref<!tpu.dma_semaphore, #tpu.memory_space<semaphore_mem>>
      %dma_start3A_439 = arith.constant 0 : i32
      %dma_start3A_440 = arith.constant 0 : i32
      %dma_start3A_441 = tpu.memref_slice %arg3[%add3A, %dma_start3A_439, %dma_start3A_440] : memref<32x10x128xi32, #tpu.memory_space<hbm>> -> memref<1x10x128xi32, #tpu.memory_space<hbm>>
      %dma_start3A_442 = tpu.memref_squeeze %dma_start3A_441 : memref<1x10x128xi32, #tpu.memory_space<hbm>> -> memref<10x128xi32, #tpu.memory_space<hbm>>
      %dma_start3A_443 = arith.constant 0 : i32
      %dma_start3A_444 = arith.constant 0 : i32
      %dma_start3A_445 = tpu.memref_slice %arg3[%add3A, %dma_start3A_443, %dma_start3A_444] : memref<32x10x128xi32, #tpu.memory_space<hbm>> -> memref<1x10x128xi32, #tpu.memory_space<hbm>>
      %dma_start3A_446 = tpu.memref_squeeze %dma_start3A_445 : memref<1x10x128xi32, #tpu.memory_space<hbm>> -> memref<10x128xi32, #tpu.memory_space<hbm>>
      tpu.enqueue_dma source(%dma_start3A_446 : memref<10x128xi32, #tpu.memory_space<hbm>>) target(%arg5 : memref<10x128xi32, #tpu.memory_space<vmem>>) target_semaphore(%run_scoped3A : memref<!tpu.dma_semaphore, #tpu.memory_space<semaphore_mem>>)
      %dma_wait3A_447 = arith.constant 0 : i32
      %dma_wait3A_448 = arith.constant 0 : i32
      %dma_wait3A_449 = tpu.memref_slice %arg3[%add3A, %dma_wait3A_447, %dma_wait3A_448] : memref<32x10x128xi32, #tpu.memory_space<hbm>> -> memref<1x10x128xi32, #tpu.memory_space<hbm>>
      %dma_wait3A_450 = tpu.memref_squeeze %dma_wait3A_449 : memref<1x10x128xi32, #tpu.memory_space<hbm>> -> memref<10x128xi32, #tpu.memory_space<hbm>>
      %dma_wait3A_451 = arith.constant 0 : i32
      %dma_wait3A_452 = arith.constant 0 : i32
      %dma_wait3A_453 = tpu.memref_slice %arg3[%add3A, %dma_wait3A_451, %dma_wait3A_452] : memref<32x10x128xi32, #tpu.memory_space<hbm>> -> memref<1x10x128xi32, #tpu.memory_space<hbm>>
      %dma_wait3A_454 = tpu.memref_squeeze %dma_wait3A_453 : memref<1x10x128xi32, #tpu.memory_space<hbm>> -> memref<10x128xi32, #tpu.memory_space<hbm>>
      tpu.wait_dma2 semaphore(%run_scoped3A : memref<!tpu.dma_semaphore, #tpu.memory_space<semaphore_mem>>) src(%dma_wait3A_454 : memref<10x128xi32, #tpu.memory_space<hbm>>) dst(%arg5 : memref<10x128xi32, #tpu.memory_space<vmem>>)
      tpu.yield
    }) : () -> ()
    %dma_start3A = arith.constant 0 : i32
    %dma_start3A_1 = arith.constant 0 : i32
    %dma_start3A_2 = arith.constant 0 : i32
    %dma_start3A_3 = tpu.memref_slice %arg6[%dma_start3A_1, %dma_start3A_2] : memref<1280x64xf32, #tpu.memory_space<vmem>> -> memref<128x64xf32, #tpu.memory_space<vmem>>
    %dma_start3A_4 = arith.constant 0 : i32
    %dma_start3A_5 = tpu.memref_slice %arg5[%dma_start3A, %dma_start3A_4] : memref<10x128xi32, #tpu.memory_space<vmem>> -> memref<1x128xi32, #tpu.memory_space<vmem>>
    %dma_start3A_6 = tpu.memref_squeeze %dma_start3A_5 : memref<1x128xi32, #tpu.memory_space<vmem>> -> memref<128xi32, #tpu.memory_space<vmem>>
    %dma_start3A_7 = arith.constant 0 : i32
    %dma_start3A_8 = arith.constant 0 : i32
    %dma_start3A_9 = tpu.memref_slice %arg2[%dma_start3A_7, %dma_start3A_8] : memref<20000x64xf32, #tpu.memory_space<hbm>> -> memref<20000x64xf32, #tpu.memory_space<hbm>>
    tpu.enqueue_indirect_dma source(%dma_start3A_9 : memref<20000x64xf32, #tpu.memory_space<hbm>>) target(%dma_start3A_3 : memref<128x64xf32, #tpu.memory_space<vmem>>) offsets(%dma_start3A_6 : memref<128xi32, #tpu.memory_space<vmem>>) semaphore(%arg7 : memref<!tpu.dma_semaphore, #tpu.memory_space<semaphore_mem>>)
    %dma_start3A_10 = arith.constant 1 : i32
    %dma_start3A_11 = arith.constant 128 : i32
    %dma_start3A_12 = arith.constant 0 : i32
    %dma_start3A_13 = tpu.memref_slice %arg6[%dma_start3A_11, %dma_start3A_12] : memref<1280x64xf32, #tpu.memory_space<vmem>> -> memref<128x64xf32, #tpu.memory_space<vmem>>
    %dma_start3A_14 = arith.constant 0 : i32
    %dma_start3A_15 = tpu.memref_slice %arg5[%dma_start3A_10, %dma_start3A_14] : memref<10x128xi32, #tpu.memory_space<vmem>> -> memref<1x128xi32, #tpu.memory_space<vmem>>
    %dma_start3A_16 = tpu.memref_squeeze %dma_start3A_15 : memref<1x128xi32, #tpu.memory_space<vmem>> -> memref<128xi32, #tpu.memory_space<vmem>>
    %dma_start3A_17 = arith.constant 0 : i32
    %dma_start3A_18 = arith.constant 0 : i32
    %dma_start3A_19 = tpu.memref_slice %arg2[%dma_start3A_17, %dma_start3A_18] : memref<20000x64xf32, #tpu.memory_space<hbm>> -> memref<20000x64xf32, #tpu.memory_space<hbm>>
    tpu.enqueue_indirect_dma source(%dma_start3A_19 : memref<20000x64xf32, #tpu.memory_space<hbm>>) target(%dma_start3A_13 : memref<128x64xf32, #tpu.memory_space<vmem>>) offsets(%dma_start3A_16 : memref<128xi32, #tpu.memory_space<vmem>>) semaphore(%arg7 : memref<!tpu.dma_semaphore, #tpu.memory_space<semaphore_mem>>)
    %dma_start3A_20 = arith.constant 2 : i32
    %dma_start3A_21 = arith.constant 256 : i32
    %dma_start3A_22 = arith.constant 0 : i32
    %dma_start3A_23 = tpu.memref_slice %arg6[%dma_start3A_21, %dma_start3A_22] : memref<1280x64xf32, #tpu.memory_space<vmem>> -> memref<128x64xf32, #tpu.memory_space<vmem>>
    %dma_start3A_24 = arith.constant 0 : i32
    %dma_start3A_25 = tpu.memref_slice %arg5[%dma_start3A_20, %dma_start3A_24] : memref<10x128xi32, #tpu.memory_space<vmem>> -> memref<1x128xi32, #tpu.memory_space<vmem>>
    %dma_start3A_26 = tpu.memref_squeeze %dma_start3A_25 : memref<1x128xi32, #tpu.memory_space<vmem>> -> memref<128xi32, #tpu.memory_space<vmem>>
    %dma_start3A_27 = arith.constant 0 : i32
    %dma_start3A_28 = arith.constant 0 : i32
    %dma_start3A_29 = tpu.memref_slice %arg2[%dma_start3A_27, %dma_start3A_28] : memref<20000x64xf32, #tpu.memory_space<hbm>> -> memref<20000x64xf32, #tpu.memory_space<hbm>>
    tpu.enqueue_indirect_dma source(%dma_start3A_29 : memref<20000x64xf32, #tpu.memory_space<hbm>>) target(%dma_start3A_23 : memref<128x64xf32, #tpu.memory_space<vmem>>) offsets(%dma_start3A_26 : memref<128xi32, #tpu.memory_space<vmem>>) semaphore(%arg7 : memref<!tpu.dma_semaphore, #tpu.memory_space<semaphore_mem>>)
    %dma_start3A_30 = arith.constant 3 : i32
    %dma_start3A_31 = arith.constant 384 : i32
    %dma_start3A_32 = arith.constant 0 : i32
    %dma_start3A_33 = tpu.memref_slice %arg6[%dma_start3A_31, %dma_start3A_32] : memref<1280x64xf32, #tpu.memory_space<vmem>> -> memref<128x64xf32, #tpu.memory_space<vmem>>
    %dma_start3A_34 = arith.constant 0 : i32
    %dma_start3A_35 = tpu.memref_slice %arg5[%dma_start3A_30, %dma_start3A_34] : memref<10x128xi32, #tpu.memory_space<vmem>> -> memref<1x128xi32, #tpu.memory_space<vmem>>
    %dma_start3A_36 = tpu.memref_squeeze %dma_start3A_35 : memref<1x128xi32, #tpu.memory_space<vmem>> -> memref<128xi32, #tpu.memory_space<vmem>>
    %dma_start3A_37 = arith.constant 0 : i32
    %dma_start3A_38 = arith.constant 0 : i32
    %dma_start3A_39 = tpu.memref_slice %arg2[%dma_start3A_37, %dma_start3A_38] : memref<20000x64xf32, #tpu.memory_space<hbm>> -> memref<20000x64xf32, #tpu.memory_space<hbm>>
    tpu.enqueue_indirect_dma source(%dma_start3A_39 : memref<20000x64xf32, #tpu.memory_space<hbm>>) target(%dma_start3A_33 : memref<128x64xf32, #tpu.memory_space<vmem>>) offsets(%dma_start3A_36 : memref<128xi32, #tpu.memory_space<vmem>>) semaphore(%arg7 : memref<!tpu.dma_semaphore, #tpu.memory_space<semaphore_mem>>)
    %dma_start3A_40 = arith.constant 4 : i32
    %dma_start3A_41 = arith.constant 512 : i32
    %dma_start3A_42 = arith.constant 0 : i32
    %dma_start3A_43 = tpu.memref_slice %arg6[%dma_start3A_41, %dma_start3A_42] : memref<1280x64xf32, #tpu.memory_space<vmem>> -> memref<128x64xf32, #tpu.memory_space<vmem>>
    %dma_start3A_44 = arith.constant 0 : i32
    %dma_start3A_45 = tpu.memref_slice %arg5[%dma_start3A_40, %dma_start3A_44] : memref<10x128xi32, #tpu.memory_space<vmem>> -> memref<1x128xi32, #tpu.memory_space<vmem>>
    %dma_start3A_46 = tpu.memref_squeeze %dma_start3A_45 : memref<1x128xi32, #tpu.memory_space<vmem>> -> memref<128xi32, #tpu.memory_space<vmem>>
    %dma_start3A_47 = arith.constant 0 : i32
    %dma_start3A_48 = arith.constant 0 : i32
    %dma_start3A_49 = tpu.memref_slice %arg2[%dma_start3A_47, %dma_start3A_48] : memref<20000x64xf32, #tpu.memory_space<hbm>> -> memref<20000x64xf32, #tpu.memory_space<hbm>>
    tpu.enqueue_indirect_dma source(%dma_start3A_49 : memref<20000x64xf32, #tpu.memory_space<hbm>>) target(%dma_start3A_43 : memref<128x64xf32, #tpu.memory_space<vmem>>) offsets(%dma_start3A_46 : memref<128xi32, #tpu.memory_space<vmem>>) semaphore(%arg7 : memref<!tpu.dma_semaphore, #tpu.memory_space<semaphore_mem>>)
    %dma_start3A_50 = arith.constant 5 : i32
    %dma_start3A_51 = arith.constant 640 : i32
    %dma_start3A_52 = arith.constant 0 : i32
    %dma_start3A_53 = tpu.memref_slice %arg6[%dma_start3A_51, %dma_start3A_52] : memref<1280x64xf32, #tpu.memory_space<vmem>> -> memref<128x64xf32, #tpu.memory_space<vmem>>
    %dma_start3A_54 = arith.constant 0 : i32
    %dma_start3A_55 = tpu.memref_slice %arg5[%dma_start3A_50, %dma_start3A_54] : memref<10x128xi32, #tpu.memory_space<vmem>> -> memref<1x128xi32, #tpu.memory_space<vmem>>
    %dma_start3A_56 = tpu.memref_squeeze %dma_start3A_55 : memref<1x128xi32, #tpu.memory_space<vmem>> -> memref<128xi32, #tpu.memory_space<vmem>>
    %dma_start3A_57 = arith.constant 0 : i32
    %dma_start3A_58 = arith.constant 0 : i32
    %dma_start3A_59 = tpu.memref_slice %arg2[%dma_start3A_57, %dma_start3A_58] : memref<20000x64xf32, #tpu.memory_space<hbm>> -> memref<20000x64xf32, #tpu.memory_space<hbm>>
    tpu.enqueue_indirect_dma source(%dma_start3A_59 : memref<20000x64xf32, #tpu.memory_space<hbm>>) target(%dma_start3A_53 : memref<128x64xf32, #tpu.memory_space<vmem>>) offsets(%dma_start3A_56 : memref<128xi32, #tpu.memory_space<vmem>>) semaphore(%arg7 : memref<!tpu.dma_semaphore, #tpu.memory_space<semaphore_mem>>)
    %dma_start3A_60 = arith.constant 6 : i32
    %dma_start3A_61 = arith.constant 768 : i32
    %dma_start3A_62 = arith.constant 0 : i32
    %dma_start3A_63 = tpu.memref_slice %arg6[%dma_start3A_61, %dma_start3A_62] : memref<1280x64xf32, #tpu.memory_space<vmem>> -> memref<128x64xf32, #tpu.memory_space<vmem>>
    %dma_start3A_64 = arith.constant 0 : i32
    %dma_start3A_65 = tpu.memref_slice %arg5[%dma_start3A_60, %dma_start3A_64] : memref<10x128xi32, #tpu.memory_space<vmem>> -> memref<1x128xi32, #tpu.memory_space<vmem>>
    %dma_start3A_66 = tpu.memref_squeeze %dma_start3A_65 : memref<1x128xi32, #tpu.memory_space<vmem>> -> memref<128xi32, #tpu.memory_space<vmem>>
    %dma_start3A_67 = arith.constant 0 : i32
    %dma_start3A_68 = arith.constant 0 : i32
    %dma_start3A_69 = tpu.memref_slice %arg2[%dma_start3A_67, %dma_start3A_68] : memref<20000x64xf32, #tpu.memory_space<hbm>> -> memref<20000x64xf32, #tpu.memory_space<hbm>>
    tpu.enqueue_indirect_dma source(%dma_start3A_69 : memref<20000x64xf32, #tpu.memory_space<hbm>>) target(%dma_start3A_63 : memref<128x64xf32, #tpu.memory_space<vmem>>) offsets(%dma_start3A_66 : memref<128xi32, #tpu.memory_space<vmem>>) semaphore(%arg7 : memref<!tpu.dma_semaphore, #tpu.memory_space<semaphore_mem>>)
    %dma_start3A_70 = arith.constant 7 : i32
    %dma_start3A_71 = arith.constant 896 : i32
    %dma_start3A_72 = arith.constant 0 : i32
    %dma_start3A_73 = tpu.memref_slice %arg6[%dma_start3A_71, %dma_start3A_72] : memref<1280x64xf32, #tpu.memory_space<vmem>> -> memref<128x64xf32, #tpu.memory_space<vmem>>
    %dma_start3A_74 = arith.constant 0 : i32
    %dma_start3A_75 = tpu.memref_slice %arg5[%dma_start3A_70, %dma_start3A_74] : memref<10x128xi32, #tpu.memory_space<vmem>> -> memref<1x128xi32, #tpu.memory_space<vmem>>
    %dma_start3A_76 = tpu.memref_squeeze %dma_start3A_75 : memref<1x128xi32, #tpu.memory_space<vmem>> -> memref<128xi32, #tpu.memory_space<vmem>>
    %dma_start3A_77 = arith.constant 0 : i32
    %dma_start3A_78 = arith.constant 0 : i32
    %dma_start3A_79 = tpu.memref_slice %arg2[%dma_start3A_77, %dma_start3A_78] : memref<20000x64xf32, #tpu.memory_space<hbm>> -> memref<20000x64xf32, #tpu.memory_space<hbm>>
    tpu.enqueue_indirect_dma source(%dma_start3A_79 : memref<20000x64xf32, #tpu.memory_space<hbm>>) target(%dma_start3A_73 : memref<128x64xf32, #tpu.memory_space<vmem>>) offsets(%dma_start3A_76 : memref<128xi32, #tpu.memory_space<vmem>>) semaphore(%arg7 : memref<!tpu.dma_semaphore, #tpu.memory_space<semaphore_mem>>)
    %dma_start3A_80 = arith.constant 8 : i32
    %dma_start3A_81 = arith.constant 1024 : i32
    %dma_start3A_82 = arith.constant 0 : i32
    %dma_start3A_83 = tpu.memref_slice %arg6[%dma_start3A_81, %dma_start3A_82] : memref<1280x64xf32, #tpu.memory_space<vmem>> -> memref<128x64xf32, #tpu.memory_space<vmem>>
    %dma_start3A_84 = arith.constant 0 : i32
    %dma_start3A_85 = tpu.memref_slice %arg5[%dma_start3A_80, %dma_start3A_84] : memref<10x128xi32, #tpu.memory_space<vmem>> -> memref<1x128xi32, #tpu.memory_space<vmem>>
    %dma_start3A_86 = tpu.memref_squeeze %dma_start3A_85 : memref<1x128xi32, #tpu.memory_space<vmem>> -> memref<128xi32, #tpu.memory_space<vmem>>
    %dma_start3A_87 = arith.constant 0 : i32
    %dma_start3A_88 = arith.constant 0 : i32
    %dma_start3A_89 = tpu.memref_slice %arg2[%dma_start3A_87, %dma_start3A_88] : memref<20000x64xf32, #tpu.memory_space<hbm>> -> memref<20000x64xf32, #tpu.memory_space<hbm>>
    tpu.enqueue_indirect_dma source(%dma_start3A_89 : memref<20000x64xf32, #tpu.memory_space<hbm>>) target(%dma_start3A_83 : memref<128x64xf32, #tpu.memory_space<vmem>>) offsets(%dma_start3A_86 : memref<128xi32, #tpu.memory_space<vmem>>) semaphore(%arg7 : memref<!tpu.dma_semaphore, #tpu.memory_space<semaphore_mem>>)
    %dma_start3A_90 = arith.constant 9 : i32
    %dma_start3A_91 = arith.constant 1152 : i32
    %dma_start3A_92 = arith.constant 0 : i32
    %dma_start3A_93 = tpu.memref_slice %arg6[%dma_start3A_91, %dma_start3A_92] : memref<1280x64xf32, #tpu.memory_space<vmem>> -> memref<128x64xf32, #tpu.memory_space<vmem>>
    %dma_start3A_94 = arith.constant 0 : i32
    %dma_start3A_95 = tpu.memref_slice %arg5[%dma_start3A_90, %dma_start3A_94] : memref<10x128xi32, #tpu.memory_space<vmem>> -> memref<1x128xi32, #tpu.memory_space<vmem>>
    %dma_start3A_96 = tpu.memref_squeeze %dma_start3A_95 : memref<1x128xi32, #tpu.memory_space<vmem>> -> memref<128xi32, #tpu.memory_space<vmem>>
    %dma_start3A_97 = arith.constant 0 : i32
    %dma_start3A_98 = arith.constant 0 : i32
    %dma_start3A_99 = tpu.memref_slice %arg2[%dma_start3A_97, %dma_start3A_98] : memref<20000x64xf32, #tpu.memory_space<hbm>> -> memref<20000x64xf32, #tpu.memory_space<hbm>>
    tpu.enqueue_indirect_dma source(%dma_start3A_99 : memref<20000x64xf32, #tpu.memory_space<hbm>>) target(%dma_start3A_93 : memref<128x64xf32, #tpu.memory_space<vmem>>) offsets(%dma_start3A_96 : memref<128xi32, #tpu.memory_space<vmem>>) semaphore(%arg7 : memref<!tpu.dma_semaphore, #tpu.memory_space<semaphore_mem>>)
    %dma_wait3A = arith.constant 0 : i32
    %dma_wait3A_100 = arith.constant 0 : i32
    %dma_wait3A_101 = arith.constant 0 : i32
    %dma_wait3A_102 = tpu.memref_slice %arg6[%dma_wait3A_100, %dma_wait3A_101] : memref<1280x64xf32, #tpu.memory_space<vmem>> -> memref<128x64xf32, #tpu.memory_space<vmem>>
    %dma_wait3A_103 = arith.constant 0 : i32
    %dma_wait3A_104 = tpu.memref_slice %arg5[%dma_wait3A, %dma_wait3A_103] : memref<10x128xi32, #tpu.memory_space<vmem>> -> memref<1x128xi32, #tpu.memory_space<vmem>>
    %dma_wait3A_105 = tpu.memref_squeeze %dma_wait3A_104 : memref<1x128xi32, #tpu.memory_space<vmem>> -> memref<128xi32, #tpu.memory_space<vmem>>
    %dma_wait3A_106 = arith.constant 0 : i32
    %dma_wait3A_107 = arith.constant 0 : i32
    %dma_wait3A_108 = tpu.memref_slice %arg2[%dma_wait3A_106, %dma_wait3A_107] : memref<20000x64xf32, #tpu.memory_space<hbm>> -> memref<20000x64xf32, #tpu.memory_space<hbm>>
    tpu.wait_indirect_dma semaphore(%arg7 : memref<!tpu.dma_semaphore, #tpu.memory_space<semaphore_mem>>) src(%dma_wait3A_108 : memref<20000x64xf32, #tpu.memory_space<hbm>>) dst(%dma_wait3A_102 : memref<128x64xf32, #tpu.memory_space<vmem>>)
    %mul3A_109 = arith.constant 1280 : i32
    %mul3A_110 = arith.muli %add3A, %mul3A_109 : i32
    %add3A_111 = arith.constant 0 : i32
    %add3A_112 = arith.addi %mul3A_110, %add3A_111 : i32
    %dma_start3A_113 = arith.constant 0 : i32
    %dma_start3A_114 = arith.constant 0 : i32
    %dma_start3A_115 = tpu.memref_slice %arg6[%dma_start3A_113, %dma_start3A_114] : memref<1280x64xf32, #tpu.memory_space<vmem>> -> memref<128x64xf32, #tpu.memory_space<vmem>>
    %dma_start3A_116 = arith.constant 0 : i32
    %dma_start3A_117 = tpu.memref_slice %arg4[%add3A_112, %dma_start3A_116] : memref<40960x64xf32, #tpu.memory_space<hbm>> -> memref<128x64xf32, #tpu.memory_space<hbm>>
    %dma_start3A_118 = arith.constant 0 : i32
    %dma_start3A_119 = tpu.memref_slice %arg4[%add3A_112, %dma_start3A_118] : memref<40960x64xf32, #tpu.memory_space<hbm>> -> memref<128x64xf32, #tpu.memory_space<hbm>>
    %dma_start3A_120 = arith.constant 0 : i32
    %dma_start3A_121 = arith.constant 0 : i32
    %dma_start3A_122 = tpu.memref_slice %arg6[%dma_start3A_120, %dma_start3A_121] : memref<1280x64xf32, #tpu.memory_space<vmem>> -> memref<128x64xf32, #tpu.memory_space<vmem>>
    tpu.enqueue_dma source(%dma_start3A_122 : memref<128x64xf32, #tpu.memory_space<vmem>>) target(%dma_start3A_119 : memref<128x64xf32, #tpu.memory_space<hbm>>) target_semaphore(%arg8 : memref<!tpu.dma_semaphore, #tpu.memory_space<semaphore_mem>>)
    %dma_wait3A_123 = arith.constant 1 : i32
    %dma_wait3A_124 = arith.constant 128 : i32
    %dma_wait3A_125 = arith.constant 0 : i32
    %dma_wait3A_126 = tpu.memref_slice %arg6[%dma_wait3A_124, %dma_wait3A_125] : memref<1280x64xf32, #tpu.memory_space<vmem>> -> memref<128x64xf32, #tpu.memory_space<vmem>>
    %dma_wait3A_127 = arith.constant 0 : i32
    %dma_wait3A_128 = tpu.memref_slice %arg5[%dma_wait3A_123, %dma_wait3A_127] : memref<10x128xi32, #tpu.memory_space<vmem>> -> memref<1x128xi32, #tpu.memory_space<vmem>>
    %dma_wait3A_129 = tpu.memref_squeeze %dma_wait3A_128 : memref<1x128xi32, #tpu.memory_space<vmem>> -> memref<128xi32, #tpu.memory_space<vmem>>
    %dma_wait3A_130 = arith.constant 0 : i32
    %dma_wait3A_131 = arith.constant 0 : i32
    %dma_wait3A_132 = tpu.memref_slice %arg2[%dma_wait3A_130, %dma_wait3A_131] : memref<20000x64xf32, #tpu.memory_space<hbm>> -> memref<20000x64xf32, #tpu.memory_space<hbm>>
    tpu.wait_indirect_dma semaphore(%arg7 : memref<!tpu.dma_semaphore, #tpu.memory_space<semaphore_mem>>) src(%dma_wait3A_132 : memref<20000x64xf32, #tpu.memory_space<hbm>>) dst(%dma_wait3A_126 : memref<128x64xf32, #tpu.memory_space<vmem>>)
    %mul3A_133 = arith.constant 1280 : i32
    %mul3A_134 = arith.muli %add3A, %mul3A_133 : i32
    %add3A_135 = arith.constant 128 : i32
    %add3A_136 = arith.addi %mul3A_134, %add3A_135 : i32
    %dma_start3A_137 = arith.constant 128 : i32
    %dma_start3A_138 = arith.constant 0 : i32
    %dma_start3A_139 = tpu.memref_slice %arg6[%dma_start3A_137, %dma_start3A_138] : memref<1280x64xf32, #tpu.memory_space<vmem>> -> memref<128x64xf32, #tpu.memory_space<vmem>>
    %dma_start3A_140 = arith.constant 0 : i32
    %dma_start3A_141 = tpu.memref_slice %arg4[%add3A_136, %dma_start3A_140] : memref<40960x64xf32, #tpu.memory_space<hbm>> -> memref<128x64xf32, #tpu.memory_space<hbm>>
    %dma_start3A_142 = arith.constant 0 : i32
    %dma_start3A_143 = tpu.memref_slice %arg4[%add3A_136, %dma_start3A_142] : memref<40960x64xf32, #tpu.memory_space<hbm>> -> memref<128x64xf32, #tpu.memory_space<hbm>>
    %dma_start3A_144 = arith.constant 128 : i32
    %dma_start3A_145 = arith.constant 0 : i32
    %dma_start3A_146 = tpu.memref_slice %arg6[%dma_start3A_144, %dma_start3A_145] : memref<1280x64xf32, #tpu.memory_space<vmem>> -> memref<128x64xf32, #tpu.memory_space<vmem>>
    tpu.enqueue_dma source(%dma_start3A_146 : memref<128x64xf32, #tpu.memory_space<vmem>>) target(%dma_start3A_143 : memref<128x64xf32, #tpu.memory_space<hbm>>) target_semaphore(%arg8 : memref<!tpu.dma_semaphore, #tpu.memory_space<semaphore_mem>>)
    %dma_wait3A_147 = arith.constant 2 : i32
    %dma_wait3A_148 = arith.constant 256 : i32
    %dma_wait3A_149 = arith.constant 0 : i32
    %dma_wait3A_150 = tpu.memref_slice %arg6[%dma_wait3A_148, %dma_wait3A_149] : memref<1280x64xf32, #tpu.memory_space<vmem>> -> memref<128x64xf32, #tpu.memory_space<vmem>>
    %dma_wait3A_151 = arith.constant 0 : i32
    %dma_wait3A_152 = tpu.memref_slice %arg5[%dma_wait3A_147, %dma_wait3A_151] : memref<10x128xi32, #tpu.memory_space<vmem>> -> memref<1x128xi32, #tpu.memory_space<vmem>>
    %dma_wait3A_153 = tpu.memref_squeeze %dma_wait3A_152 : memref<1x128xi32, #tpu.memory_space<vmem>> -> memref<128xi32, #tpu.memory_space<vmem>>
    %dma_wait3A_154 = arith.constant 0 : i32
    %dma_wait3A_155 = arith.constant 0 : i32
    %dma_wait3A_156 = tpu.memref_slice %arg2[%dma_wait3A_154, %dma_wait3A_155] : memref<20000x64xf32, #tpu.memory_space<hbm>> -> memref<20000x64xf32, #tpu.memory_space<hbm>>
    tpu.wait_indirect_dma semaphore(%arg7 : memref<!tpu.dma_semaphore, #tpu.memory_space<semaphore_mem>>) src(%dma_wait3A_156 : memref<20000x64xf32, #tpu.memory_space<hbm>>) dst(%dma_wait3A_150 : memref<128x64xf32, #tpu.memory_space<vmem>>)
    %mul3A_157 = arith.constant 1280 : i32
    %mul3A_158 = arith.muli %add3A, %mul3A_157 : i32
    %add3A_159 = arith.constant 256 : i32
    %add3A_160 = arith.addi %mul3A_158, %add3A_159 : i32
    %dma_start3A_161 = arith.constant 256 : i32
    %dma_start3A_162 = arith.constant 0 : i32
    %dma_start3A_163 = tpu.memref_slice %arg6[%dma_start3A_161, %dma_start3A_162] : memref<1280x64xf32, #tpu.memory_space<vmem>> -> memref<128x64xf32, #tpu.memory_space<vmem>>
    %dma_start3A_164 = arith.constant 0 : i32
    %dma_start3A_165 = tpu.memref_slice %arg4[%add3A_160, %dma_start3A_164] : memref<40960x64xf32, #tpu.memory_space<hbm>> -> memref<128x64xf32, #tpu.memory_space<hbm>>
    %dma_start3A_166 = arith.constant 0 : i32
    %dma_start3A_167 = tpu.memref_slice %arg4[%add3A_160, %dma_start3A_166] : memref<40960x64xf32, #tpu.memory_space<hbm>> -> memref<128x64xf32, #tpu.memory_space<hbm>>
    %dma_start3A_168 = arith.constant 256 : i32
    %dma_start3A_169 = arith.constant 0 : i32
    %dma_start3A_170 = tpu.memref_slice %arg6[%dma_start3A_168, %dma_start3A_169] : memref<1280x64xf32, #tpu.memory_space<vmem>> -> memref<128x64xf32, #tpu.memory_space<vmem>>
    tpu.enqueue_dma source(%dma_start3A_170 : memref<128x64xf32, #tpu.memory_space<vmem>>) target(%dma_start3A_167 : memref<128x64xf32, #tpu.memory_space<hbm>>) target_semaphore(%arg8 : memref<!tpu.dma_semaphore, #tpu.memory_space<semaphore_mem>>)
    %dma_wait3A_171 = arith.constant 3 : i32
    %dma_wait3A_172 = arith.constant 384 : i32
    %dma_wait3A_173 = arith.constant 0 : i32
    %dma_wait3A_174 = tpu.memref_slice %arg6[%dma_wait3A_172, %dma_wait3A_173] : memref<1280x64xf32, #tpu.memory_space<vmem>> -> memref<128x64xf32, #tpu.memory_space<vmem>>
    %dma_wait3A_175 = arith.constant 0 : i32
    %dma_wait3A_176 = tpu.memref_slice %arg5[%dma_wait3A_171, %dma_wait3A_175] : memref<10x128xi32, #tpu.memory_space<vmem>> -> memref<1x128xi32, #tpu.memory_space<vmem>>
    %dma_wait3A_177 = tpu.memref_squeeze %dma_wait3A_176 : memref<1x128xi32, #tpu.memory_space<vmem>> -> memref<128xi32, #tpu.memory_space<vmem>>
    %dma_wait3A_178 = arith.constant 0 : i32
    %dma_wait3A_179 = arith.constant 0 : i32
    %dma_wait3A_180 = tpu.memref_slice %arg2[%dma_wait3A_178, %dma_wait3A_179] : memref<20000x64xf32, #tpu.memory_space<hbm>> -> memref<20000x64xf32, #tpu.memory_space<hbm>>
    tpu.wait_indirect_dma semaphore(%arg7 : memref<!tpu.dma_semaphore, #tpu.memory_space<semaphore_mem>>) src(%dma_wait3A_180 : memref<20000x64xf32, #tpu.memory_space<hbm>>) dst(%dma_wait3A_174 : memref<128x64xf32, #tpu.memory_space<vmem>>)
    %mul3A_181 = arith.constant 1280 : i32
    %mul3A_182 = arith.muli %add3A, %mul3A_181 : i32
    %add3A_183 = arith.constant 384 : i32
    %add3A_184 = arith.addi %mul3A_182, %add3A_183 : i32
    %dma_start3A_185 = arith.constant 384 : i32
    %dma_start3A_186 = arith.constant 0 : i32
    %dma_start3A_187 = tpu.memref_slice %arg6[%dma_start3A_185, %dma_start3A_186] : memref<1280x64xf32, #tpu.memory_space<vmem>> -> memref<128x64xf32, #tpu.memory_space<vmem>>
    %dma_start3A_188 = arith.constant 0 : i32
    %dma_start3A_189 = tpu.memref_slice %arg4[%add3A_184, %dma_start3A_188] : memref<40960x64xf32, #tpu.memory_space<hbm>> -> memref<128x64xf32, #tpu.memory_space<hbm>>
    %dma_start3A_190 = arith.constant 0 : i32
    %dma_start3A_191 = tpu.memref_slice %arg4[%add3A_184, %dma_start3A_190] : memref<40960x64xf32, #tpu.memory_space<hbm>> -> memref<128x64xf32, #tpu.memory_space<hbm>>
    %dma_start3A_192 = arith.constant 384 : i32
    %dma_start3A_193 = arith.constant 0 : i32
    %dma_start3A_194 = tpu.memref_slice %arg6[%dma_start3A_192, %dma_start3A_193] : memref<1280x64xf32, #tpu.memory_space<vmem>> -> memref<128x64xf32, #tpu.memory_space<vmem>>
    tpu.enqueue_dma source(%dma_start3A_194 : memref<128x64xf32, #tpu.memory_space<vmem>>) target(%dma_start3A_191 : memref<128x64xf32, #tpu.memory_space<hbm>>) target_semaphore(%arg8 : memref<!tpu.dma_semaphore, #tpu.memory_space<semaphore_mem>>)
    %dma_wait3A_195 = arith.constant 4 : i32
    %dma_wait3A_196 = arith.constant 512 : i32
    %dma_wait3A_197 = arith.constant 0 : i32
    %dma_wait3A_198 = tpu.memref_slice %arg6[%dma_wait3A_196, %dma_wait3A_197] : memref<1280x64xf32, #tpu.memory_space<vmem>> -> memref<128x64xf32, #tpu.memory_space<vmem>>
    %dma_wait3A_199 = arith.constant 0 : i32
    %dma_wait3A_200 = tpu.memref_slice %arg5[%dma_wait3A_195, %dma_wait3A_199] : memref<10x128xi32, #tpu.memory_space<vmem>> -> memref<1x128xi32, #tpu.memory_space<vmem>>
    %dma_wait3A_201 = tpu.memref_squeeze %dma_wait3A_200 : memref<1x128xi32, #tpu.memory_space<vmem>> -> memref<128xi32, #tpu.memory_space<vmem>>
    %dma_wait3A_202 = arith.constant 0 : i32
    %dma_wait3A_203 = arith.constant 0 : i32
    %dma_wait3A_204 = tpu.memref_slice %arg2[%dma_wait3A_202, %dma_wait3A_203] : memref<20000x64xf32, #tpu.memory_space<hbm>> -> memref<20000x64xf32, #tpu.memory_space<hbm>>
    tpu.wait_indirect_dma semaphore(%arg7 : memref<!tpu.dma_semaphore, #tpu.memory_space<semaphore_mem>>) src(%dma_wait3A_204 : memref<20000x64xf32, #tpu.memory_space<hbm>>) dst(%dma_wait3A_198 : memref<128x64xf32, #tpu.memory_space<vmem>>)
    %mul3A_205 = arith.constant 1280 : i32
    %mul3A_206 = arith.muli %add3A, %mul3A_205 : i32
    %add3A_207 = arith.constant 512 : i32
    %add3A_208 = arith.addi %mul3A_206, %add3A_207 : i32
    %dma_start3A_209 = arith.constant 512 : i32
    %dma_start3A_210 = arith.constant 0 : i32
    %dma_start3A_211 = tpu.memref_slice %arg6[%dma_start3A_209, %dma_start3A_210] : memref<1280x64xf32, #tpu.memory_space<vmem>> -> memref<128x64xf32, #tpu.memory_space<vmem>>
    %dma_start3A_212 = arith.constant 0 : i32
    %dma_start3A_213 = tpu.memref_slice %arg4[%add3A_208, %dma_start3A_212] : memref<40960x64xf32, #tpu.memory_space<hbm>> -> memref<128x64xf32, #tpu.memory_space<hbm>>
    %dma_start3A_214 = arith.constant 0 : i32
    %dma_start3A_215 = tpu.memref_slice %arg4[%add3A_208, %dma_start3A_214] : memref<40960x64xf32, #tpu.memory_space<hbm>> -> memref<128x64xf32, #tpu.memory_space<hbm>>
    %dma_start3A_216 = arith.constant 512 : i32
    %dma_start3A_217 = arith.constant 0 : i32
    %dma_start3A_218 = tpu.memref_slice %arg6[%dma_start3A_216, %dma_start3A_217] : memref<1280x64xf32, #tpu.memory_space<vmem>> -> memref<128x64xf32, #tpu.memory_space<vmem>>
    tpu.enqueue_dma source(%dma_start3A_218 : memref<128x64xf32, #tpu.memory_space<vmem>>) target(%dma_start3A_215 : memref<128x64xf32, #tpu.memory_space<hbm>>) target_semaphore(%arg8 : memref<!tpu.dma_semaphore, #tpu.memory_space<semaphore_mem>>)
    %dma_wait3A_219 = arith.constant 5 : i32
    %dma_wait3A_220 = arith.constant 640 : i32
    %dma_wait3A_221 = arith.constant 0 : i32
    %dma_wait3A_222 = tpu.memref_slice %arg6[%dma_wait3A_220, %dma_wait3A_221] : memref<1280x64xf32, #tpu.memory_space<vmem>> -> memref<128x64xf32, #tpu.memory_space<vmem>>
    %dma_wait3A_223 = arith.constant 0 : i32
    %dma_wait3A_224 = tpu.memref_slice %arg5[%dma_wait3A_219, %dma_wait3A_223] : memref<10x128xi32, #tpu.memory_space<vmem>> -> memref<1x128xi32, #tpu.memory_space<vmem>>
    %dma_wait3A_225 = tpu.memref_squeeze %dma_wait3A_224 : memref<1x128xi32, #tpu.memory_space<vmem>> -> memref<128xi32, #tpu.memory_space<vmem>>
    %dma_wait3A_226 = arith.constant 0 : i32
    %dma_wait3A_227 = arith.constant 0 : i32
    %dma_wait3A_228 = tpu.memref_slice %arg2[%dma_wait3A_226, %dma_wait3A_227] : memref<20000x64xf32, #tpu.memory_space<hbm>> -> memref<20000x64xf32, #tpu.memory_space<hbm>>
    tpu.wait_indirect_dma semaphore(%arg7 : memref<!tpu.dma_semaphore, #tpu.memory_space<semaphore_mem>>) src(%dma_wait3A_228 : memref<20000x64xf32, #tpu.memory_space<hbm>>) dst(%dma_wait3A_222 : memref<128x64xf32, #tpu.memory_space<vmem>>)
    %mul3A_229 = arith.constant 1280 : i32
    %mul3A_230 = arith.muli %add3A, %mul3A_229 : i32
    %add3A_231 = arith.constant 640 : i32
    %add3A_232 = arith.addi %mul3A_230, %add3A_231 : i32
    %dma_start3A_233 = arith.constant 640 : i32
    %dma_start3A_234 = arith.constant 0 : i32
    %dma_start3A_235 = tpu.memref_slice %arg6[%dma_start3A_233, %dma_start3A_234] : memref<1280x64xf32, #tpu.memory_space<vmem>> -> memref<128x64xf32, #tpu.memory_space<vmem>>
    %dma_start3A_236 = arith.constant 0 : i32
    %dma_start3A_237 = tpu.memref_slice %arg4[%add3A_232, %dma_start3A_236] : memref<40960x64xf32, #tpu.memory_space<hbm>> -> memref<128x64xf32, #tpu.memory_space<hbm>>
    %dma_start3A_238 = arith.constant 0 : i32
    %dma_start3A_239 = tpu.memref_slice %arg4[%add3A_232, %dma_start3A_238] : memref<40960x64xf32, #tpu.memory_space<hbm>> -> memref<128x64xf32, #tpu.memory_space<hbm>>
    %dma_start3A_240 = arith.constant 640 : i32
    %dma_start3A_241 = arith.constant 0 : i32
    %dma_start3A_242 = tpu.memref_slice %arg6[%dma_start3A_240, %dma_start3A_241] : memref<1280x64xf32, #tpu.memory_space<vmem>> -> memref<128x64xf32, #tpu.memory_space<vmem>>
    tpu.enqueue_dma source(%dma_start3A_242 : memref<128x64xf32, #tpu.memory_space<vmem>>) target(%dma_start3A_239 : memref<128x64xf32, #tpu.memory_space<hbm>>) target_semaphore(%arg8 : memref<!tpu.dma_semaphore, #tpu.memory_space<semaphore_mem>>)
    %dma_wait3A_243 = arith.constant 6 : i32
    %dma_wait3A_244 = arith.constant 768 : i32
    %dma_wait3A_245 = arith.constant 0 : i32
    %dma_wait3A_246 = tpu.memref_slice %arg6[%dma_wait3A_244, %dma_wait3A_245] : memref<1280x64xf32, #tpu.memory_space<vmem>> -> memref<128x64xf32, #tpu.memory_space<vmem>>
    %dma_wait3A_247 = arith.constant 0 : i32
    %dma_wait3A_248 = tpu.memref_slice %arg5[%dma_wait3A_243, %dma_wait3A_247] : memref<10x128xi32, #tpu.memory_space<vmem>> -> memref<1x128xi32, #tpu.memory_space<vmem>>
    %dma_wait3A_249 = tpu.memref_squeeze %dma_wait3A_248 : memref<1x128xi32, #tpu.memory_space<vmem>> -> memref<128xi32, #tpu.memory_space<vmem>>
    %dma_wait3A_250 = arith.constant 0 : i32
    %dma_wait3A_251 = arith.constant 0 : i32
    %dma_wait3A_252 = tpu.memref_slice %arg2[%dma_wait3A_250, %dma_wait3A_251] : memref<20000x64xf32, #tpu.memory_space<hbm>> -> memref<20000x64xf32, #tpu.memory_space<hbm>>
    tpu.wait_indirect_dma semaphore(%arg7 : memref<!tpu.dma_semaphore, #tpu.memory_space<semaphore_mem>>) src(%dma_wait3A_252 : memref<20000x64xf32, #tpu.memory_space<hbm>>) dst(%dma_wait3A_246 : memref<128x64xf32, #tpu.memory_space<vmem>>)
    %mul3A_253 = arith.constant 1280 : i32
    %mul3A_254 = arith.muli %add3A, %mul3A_253 : i32
    %add3A_255 = arith.constant 768 : i32
    %add3A_256 = arith.addi %mul3A_254, %add3A_255 : i32
    %dma_start3A_257 = arith.constant 768 : i32
    %dma_start3A_258 = arith.constant 0 : i32
    %dma_start3A_259 = tpu.memref_slice %arg6[%dma_start3A_257, %dma_start3A_258] : memref<1280x64xf32, #tpu.memory_space<vmem>> -> memref<128x64xf32, #tpu.memory_space<vmem>>
    %dma_start3A_260 = arith.constant 0 : i32
    %dma_start3A_261 = tpu.memref_slice %arg4[%add3A_256, %dma_start3A_260] : memref<40960x64xf32, #tpu.memory_space<hbm>> -> memref<128x64xf32, #tpu.memory_space<hbm>>
    %dma_start3A_262 = arith.constant 0 : i32
    %dma_start3A_263 = tpu.memref_slice %arg4[%add3A_256, %dma_start3A_262] : memref<40960x64xf32, #tpu.memory_space<hbm>> -> memref<128x64xf32, #tpu.memory_space<hbm>>
    %dma_start3A_264 = arith.constant 768 : i32
    %dma_start3A_265 = arith.constant 0 : i32
    %dma_start3A_266 = tpu.memref_slice %arg6[%dma_start3A_264, %dma_start3A_265] : memref<1280x64xf32, #tpu.memory_space<vmem>> -> memref<128x64xf32, #tpu.memory_space<vmem>>
    tpu.enqueue_dma source(%dma_start3A_266 : memref<128x64xf32, #tpu.memory_space<vmem>>) target(%dma_start3A_263 : memref<128x64xf32, #tpu.memory_space<hbm>>) target_semaphore(%arg8 : memref<!tpu.dma_semaphore, #tpu.memory_space<semaphore_mem>>)
    %dma_wait3A_267 = arith.constant 7 : i32
    %dma_wait3A_268 = arith.constant 896 : i32
    %dma_wait3A_269 = arith.constant 0 : i32
    %dma_wait3A_270 = tpu.memref_slice %arg6[%dma_wait3A_268, %dma_wait3A_269] : memref<1280x64xf32, #tpu.memory_space<vmem>> -> memref<128x64xf32, #tpu.memory_space<vmem>>
    %dma_wait3A_271 = arith.constant 0 : i32
    %dma_wait3A_272 = tpu.memref_slice %arg5[%dma_wait3A_267, %dma_wait3A_271] : memref<10x128xi32, #tpu.memory_space<vmem>> -> memref<1x128xi32, #tpu.memory_space<vmem>>
    %dma_wait3A_273 = tpu.memref_squeeze %dma_wait3A_272 : memref<1x128xi32, #tpu.memory_space<vmem>> -> memref<128xi32, #tpu.memory_space<vmem>>
    %dma_wait3A_274 = arith.constant 0 : i32
    %dma_wait3A_275 = arith.constant 0 : i32
    %dma_wait3A_276 = tpu.memref_slice %arg2[%dma_wait3A_274, %dma_wait3A_275] : memref<20000x64xf32, #tpu.memory_space<hbm>> -> memref<20000x64xf32, #tpu.memory_space<hbm>>
    tpu.wait_indirect_dma semaphore(%arg7 : memref<!tpu.dma_semaphore, #tpu.memory_space<semaphore_mem>>) src(%dma_wait3A_276 : memref<20000x64xf32, #tpu.memory_space<hbm>>) dst(%dma_wait3A_270 : memref<128x64xf32, #tpu.memory_space<vmem>>)
    %mul3A_277 = arith.constant 1280 : i32
    %mul3A_278 = arith.muli %add3A, %mul3A_277 : i32
    %add3A_279 = arith.constant 896 : i32
    %add3A_280 = arith.addi %mul3A_278, %add3A_279 : i32
    %dma_start3A_281 = arith.constant 896 : i32
    %dma_start3A_282 = arith.constant 0 : i32
    %dma_start3A_283 = tpu.memref_slice %arg6[%dma_start3A_281, %dma_start3A_282] : memref<1280x64xf32, #tpu.memory_space<vmem>> -> memref<128x64xf32, #tpu.memory_space<vmem>>
    %dma_start3A_284 = arith.constant 0 : i32
    %dma_start3A_285 = tpu.memref_slice %arg4[%add3A_280, %dma_start3A_284] : memref<40960x64xf32, #tpu.memory_space<hbm>> -> memref<128x64xf32, #tpu.memory_space<hbm>>
    %dma_start3A_286 = arith.constant 0 : i32
    %dma_start3A_287 = tpu.memref_slice %arg4[%add3A_280, %dma_start3A_286] : memref<40960x64xf32, #tpu.memory_space<hbm>> -> memref<128x64xf32, #tpu.memory_space<hbm>>
    %dma_start3A_288 = arith.constant 896 : i32
    %dma_start3A_289 = arith.constant 0 : i32
    %dma_start3A_290 = tpu.memref_slice %arg6[%dma_start3A_288, %dma_start3A_289] : memref<1280x64xf32, #tpu.memory_space<vmem>> -> memref<128x64xf32, #tpu.memory_space<vmem>>
    tpu.enqueue_dma source(%dma_start3A_290 : memref<128x64xf32, #tpu.memory_space<vmem>>) target(%dma_start3A_287 : memref<128x64xf32, #tpu.memory_space<hbm>>) target_semaphore(%arg8 : memref<!tpu.dma_semaphore, #tpu.memory_space<semaphore_mem>>)
    %dma_wait3A_291 = arith.constant 8 : i32
    %dma_wait3A_292 = arith.constant 1024 : i32
    %dma_wait3A_293 = arith.constant 0 : i32
    %dma_wait3A_294 = tpu.memref_slice %arg6[%dma_wait3A_292, %dma_wait3A_293] : memref<1280x64xf32, #tpu.memory_space<vmem>> -> memref<128x64xf32, #tpu.memory_space<vmem>>
    %dma_wait3A_295 = arith.constant 0 : i32
    %dma_wait3A_296 = tpu.memref_slice %arg5[%dma_wait3A_291, %dma_wait3A_295] : memref<10x128xi32, #tpu.memory_space<vmem>> -> memref<1x128xi32, #tpu.memory_space<vmem>>
    %dma_wait3A_297 = tpu.memref_squeeze %dma_wait3A_296 : memref<1x128xi32, #tpu.memory_space<vmem>> -> memref<128xi32, #tpu.memory_space<vmem>>
    %dma_wait3A_298 = arith.constant 0 : i32
    %dma_wait3A_299 = arith.constant 0 : i32
    %dma_wait3A_300 = tpu.memref_slice %arg2[%dma_wait3A_298, %dma_wait3A_299] : memref<20000x64xf32, #tpu.memory_space<hbm>> -> memref<20000x64xf32, #tpu.memory_space<hbm>>
    tpu.wait_indirect_dma semaphore(%arg7 : memref<!tpu.dma_semaphore, #tpu.memory_space<semaphore_mem>>) src(%dma_wait3A_300 : memref<20000x64xf32, #tpu.memory_space<hbm>>) dst(%dma_wait3A_294 : memref<128x64xf32, #tpu.memory_space<vmem>>)
    %mul3A_301 = arith.constant 1280 : i32
    %mul3A_302 = arith.muli %add3A, %mul3A_301 : i32
    %add3A_303 = arith.constant 1024 : i32
    %add3A_304 = arith.addi %mul3A_302, %add3A_303 : i32
    %dma_start3A_305 = arith.constant 1024 : i32
    %dma_start3A_306 = arith.constant 0 : i32
    %dma_start3A_307 = tpu.memref_slice %arg6[%dma_start3A_305, %dma_start3A_306] : memref<1280x64xf32, #tpu.memory_space<vmem>> -> memref<128x64xf32, #tpu.memory_space<vmem>>
    %dma_start3A_308 = arith.constant 0 : i32
    %dma_start3A_309 = tpu.memref_slice %arg4[%add3A_304, %dma_start3A_308] : memref<40960x64xf32, #tpu.memory_space<hbm>> -> memref<128x64xf32, #tpu.memory_space<hbm>>
    %dma_start3A_310 = arith.constant 0 : i32
    %dma_start3A_311 = tpu.memref_slice %arg4[%add3A_304, %dma_start3A_310] : memref<40960x64xf32, #tpu.memory_space<hbm>> -> memref<128x64xf32, #tpu.memory_space<hbm>>
    %dma_start3A_312 = arith.constant 1024 : i32
    %dma_start3A_313 = arith.constant 0 : i32
    %dma_start3A_314 = tpu.memref_slice %arg6[%dma_start3A_312, %dma_start3A_313] : memref<1280x64xf32, #tpu.memory_space<vmem>> -> memref<128x64xf32, #tpu.memory_space<vmem>>
    tpu.enqueue_dma source(%dma_start3A_314 : memref<128x64xf32, #tpu.memory_space<vmem>>) target(%dma_start3A_311 : memref<128x64xf32, #tpu.memory_space<hbm>>) target_semaphore(%arg8 : memref<!tpu.dma_semaphore, #tpu.memory_space<semaphore_mem>>)
    %dma_wait3A_315 = arith.constant 9 : i32
    %dma_wait3A_316 = arith.constant 1152 : i32
    %dma_wait3A_317 = arith.constant 0 : i32
    %dma_wait3A_318 = tpu.memref_slice %arg6[%dma_wait3A_316, %dma_wait3A_317] : memref<1280x64xf32, #tpu.memory_space<vmem>> -> memref<128x64xf32, #tpu.memory_space<vmem>>
    %dma_wait3A_319 = arith.constant 0 : i32
    %dma_wait3A_320 = tpu.memref_slice %arg5[%dma_wait3A_315, %dma_wait3A_319] : memref<10x128xi32, #tpu.memory_space<vmem>> -> memref<1x128xi32, #tpu.memory_space<vmem>>
    %dma_wait3A_321 = tpu.memref_squeeze %dma_wait3A_320 : memref<1x128xi32, #tpu.memory_space<vmem>> -> memref<128xi32, #tpu.memory_space<vmem>>
    %dma_wait3A_322 = arith.constant 0 : i32
    %dma_wait3A_323 = arith.constant 0 : i32
    %dma_wait3A_324 = tpu.memref_slice %arg2[%dma_wait3A_322, %dma_wait3A_323] : memref<20000x64xf32, #tpu.memory_space<hbm>> -> memref<20000x64xf32, #tpu.memory_space<hbm>>
    tpu.wait_indirect_dma semaphore(%arg7 : memref<!tpu.dma_semaphore, #tpu.memory_space<semaphore_mem>>) src(%dma_wait3A_324 : memref<20000x64xf32, #tpu.memory_space<hbm>>) dst(%dma_wait3A_318 : memref<128x64xf32, #tpu.memory_space<vmem>>)
    %mul3A_325 = arith.constant 1280 : i32
    %mul3A_326 = arith.muli %add3A, %mul3A_325 : i32
    %add3A_327 = arith.constant 1152 : i32
    %add3A_328 = arith.addi %mul3A_326, %add3A_327 : i32
    %dma_start3A_329 = arith.constant 1152 : i32
    %dma_start3A_330 = arith.constant 0 : i32
    %dma_start3A_331 = tpu.memref_slice %arg6[%dma_start3A_329, %dma_start3A_330] : memref<1280x64xf32, #tpu.memory_space<vmem>> -> memref<128x64xf32, #tpu.memory_space<vmem>>
    %dma_start3A_332 = arith.constant 0 : i32
    %dma_start3A_333 = tpu.memref_slice %arg4[%add3A_328, %dma_start3A_332] : memref<40960x64xf32, #tpu.memory_space<hbm>> -> memref<128x64xf32, #tpu.memory_space<hbm>>
    %dma_start3A_334 = arith.constant 0 : i32
    %dma_start3A_335 = tpu.memref_slice %arg4[%add3A_328, %dma_start3A_334] : memref<40960x64xf32, #tpu.memory_space<hbm>> -> memref<128x64xf32, #tpu.memory_space<hbm>>
    %dma_start3A_336 = arith.constant 1152 : i32
    %dma_start3A_337 = arith.constant 0 : i32
    %dma_start3A_338 = tpu.memref_slice %arg6[%dma_start3A_336, %dma_start3A_337] : memref<1280x64xf32, #tpu.memory_space<vmem>> -> memref<128x64xf32, #tpu.memory_space<vmem>>
    tpu.enqueue_dma source(%dma_start3A_338 : memref<128x64xf32, #tpu.memory_space<vmem>>) target(%dma_start3A_335 : memref<128x64xf32, #tpu.memory_space<hbm>>) target_semaphore(%arg8 : memref<!tpu.dma_semaphore, #tpu.memory_space<semaphore_mem>>)
    %dma_wait3A_339 = arith.constant 0 : i32
    %dma_wait3A_340 = arith.constant 0 : i32
    %dma_wait3A_341 = tpu.memref_slice %arg6[%dma_wait3A_339, %dma_wait3A_340] : memref<1280x64xf32, #tpu.memory_space<vmem>> -> memref<128x64xf32, #tpu.memory_space<vmem>>
    %dma_wait3A_342 = arith.constant 0 : i32
    %dma_wait3A_343 = tpu.memref_slice %arg4[%add3A_112, %dma_wait3A_342] : memref<40960x64xf32, #tpu.memory_space<hbm>> -> memref<128x64xf32, #tpu.memory_space<hbm>>
    %dma_wait3A_344 = arith.constant 0 : i32
    %dma_wait3A_345 = tpu.memref_slice %arg4[%add3A_112, %dma_wait3A_344] : memref<40960x64xf32, #tpu.memory_space<hbm>> -> memref<128x64xf32, #tpu.memory_space<hbm>>
    %dma_wait3A_346 = arith.constant 0 : i32
    %dma_wait3A_347 = arith.constant 0 : i32
    %dma_wait3A_348 = tpu.memref_slice %arg6[%dma_wait3A_346, %dma_wait3A_347] : memref<1280x64xf32, #tpu.memory_space<vmem>> -> memref<128x64xf32, #tpu.memory_space<vmem>>
    tpu.wait_dma2 semaphore(%arg8 : memref<!tpu.dma_semaphore, #tpu.memory_space<semaphore_mem>>) src(%dma_wait3A_348 : memref<128x64xf32, #tpu.memory_space<vmem>>) dst(%dma_wait3A_345 : memref<128x64xf32, #tpu.memory_space<hbm>>)
    %dma_wait3A_349 = arith.constant 128 : i32
    %dma_wait3A_350 = arith.constant 0 : i32
    %dma_wait3A_351 = tpu.memref_slice %arg6[%dma_wait3A_349, %dma_wait3A_350] : memref<1280x64xf32, #tpu.memory_space<vmem>> -> memref<128x64xf32, #tpu.memory_space<vmem>>
    %dma_wait3A_352 = arith.constant 0 : i32
    %dma_wait3A_353 = tpu.memref_slice %arg4[%add3A_136, %dma_wait3A_352] : memref<40960x64xf32, #tpu.memory_space<hbm>> -> memref<128x64xf32, #tpu.memory_space<hbm>>
    %dma_wait3A_354 = arith.constant 0 : i32
    %dma_wait3A_355 = tpu.memref_slice %arg4[%add3A_136, %dma_wait3A_354] : memref<40960x64xf32, #tpu.memory_space<hbm>> -> memref<128x64xf32, #tpu.memory_space<hbm>>
    %dma_wait3A_356 = arith.constant 128 : i32
    %dma_wait3A_357 = arith.constant 0 : i32
    %dma_wait3A_358 = tpu.memref_slice %arg6[%dma_wait3A_356, %dma_wait3A_357] : memref<1280x64xf32, #tpu.memory_space<vmem>> -> memref<128x64xf32, #tpu.memory_space<vmem>>
    tpu.wait_dma2 semaphore(%arg8 : memref<!tpu.dma_semaphore, #tpu.memory_space<semaphore_mem>>) src(%dma_wait3A_358 : memref<128x64xf32, #tpu.memory_space<vmem>>) dst(%dma_wait3A_355 : memref<128x64xf32, #tpu.memory_space<hbm>>)
    %dma_wait3A_359 = arith.constant 256 : i32
    %dma_wait3A_360 = arith.constant 0 : i32
    %dma_wait3A_361 = tpu.memref_slice %arg6[%dma_wait3A_359, %dma_wait3A_360] : memref<1280x64xf32, #tpu.memory_space<vmem>> -> memref<128x64xf32, #tpu.memory_space<vmem>>
    %dma_wait3A_362 = arith.constant 0 : i32
    %dma_wait3A_363 = tpu.memref_slice %arg4[%add3A_160, %dma_wait3A_362] : memref<40960x64xf32, #tpu.memory_space<hbm>> -> memref<128x64xf32, #tpu.memory_space<hbm>>
    %dma_wait3A_364 = arith.constant 0 : i32
    %dma_wait3A_365 = tpu.memref_slice %arg4[%add3A_160, %dma_wait3A_364] : memref<40960x64xf32, #tpu.memory_space<hbm>> -> memref<128x64xf32, #tpu.memory_space<hbm>>
    %dma_wait3A_366 = arith.constant 256 : i32
    %dma_wait3A_367 = arith.constant 0 : i32
    %dma_wait3A_368 = tpu.memref_slice %arg6[%dma_wait3A_366, %dma_wait3A_367] : memref<1280x64xf32, #tpu.memory_space<vmem>> -> memref<128x64xf32, #tpu.memory_space<vmem>>
    tpu.wait_dma2 semaphore(%arg8 : memref<!tpu.dma_semaphore, #tpu.memory_space<semaphore_mem>>) src(%dma_wait3A_368 : memref<128x64xf32, #tpu.memory_space<vmem>>) dst(%dma_wait3A_365 : memref<128x64xf32, #tpu.memory_space<hbm>>)
    %dma_wait3A_369 = arith.constant 384 : i32
    %dma_wait3A_370 = arith.constant 0 : i32
    %dma_wait3A_371 = tpu.memref_slice %arg6[%dma_wait3A_369, %dma_wait3A_370] : memref<1280x64xf32, #tpu.memory_space<vmem>> -> memref<128x64xf32, #tpu.memory_space<vmem>>
    %dma_wait3A_372 = arith.constant 0 : i32
    %dma_wait3A_373 = tpu.memref_slice %arg4[%add3A_184, %dma_wait3A_372] : memref<40960x64xf32, #tpu.memory_space<hbm>> -> memref<128x64xf32, #tpu.memory_space<hbm>>
    %dma_wait3A_374 = arith.constant 0 : i32
    %dma_wait3A_375 = tpu.memref_slice %arg4[%add3A_184, %dma_wait3A_374] : memref<40960x64xf32, #tpu.memory_space<hbm>> -> memref<128x64xf32, #tpu.memory_space<hbm>>
    %dma_wait3A_376 = arith.constant 384 : i32
    %dma_wait3A_377 = arith.constant 0 : i32
    %dma_wait3A_378 = tpu.memref_slice %arg6[%dma_wait3A_376, %dma_wait3A_377] : memref<1280x64xf32, #tpu.memory_space<vmem>> -> memref<128x64xf32, #tpu.memory_space<vmem>>
    tpu.wait_dma2 semaphore(%arg8 : memref<!tpu.dma_semaphore, #tpu.memory_space<semaphore_mem>>) src(%dma_wait3A_378 : memref<128x64xf32, #tpu.memory_space<vmem>>) dst(%dma_wait3A_375 : memref<128x64xf32, #tpu.memory_space<hbm>>)
    %dma_wait3A_379 = arith.constant 512 : i32
    %dma_wait3A_380 = arith.constant 0 : i32
    %dma_wait3A_381 = tpu.memref_slice %arg6[%dma_wait3A_379, %dma_wait3A_380] : memref<1280x64xf32, #tpu.memory_space<vmem>> -> memref<128x64xf32, #tpu.memory_space<vmem>>
    %dma_wait3A_382 = arith.constant 0 : i32
    %dma_wait3A_383 = tpu.memref_slice %arg4[%add3A_208, %dma_wait3A_382] : memref<40960x64xf32, #tpu.memory_space<hbm>> -> memref<128x64xf32, #tpu.memory_space<hbm>>
    %dma_wait3A_384 = arith.constant 0 : i32
    %dma_wait3A_385 = tpu.memref_slice %arg4[%add3A_208, %dma_wait3A_384] : memref<40960x64xf32, #tpu.memory_space<hbm>> -> memref<128x64xf32, #tpu.memory_space<hbm>>
    %dma_wait3A_386 = arith.constant 512 : i32
    %dma_wait3A_387 = arith.constant 0 : i32
    %dma_wait3A_388 = tpu.memref_slice %arg6[%dma_wait3A_386, %dma_wait3A_387] : memref<1280x64xf32, #tpu.memory_space<vmem>> -> memref<128x64xf32, #tpu.memory_space<vmem>>
    tpu.wait_dma2 semaphore(%arg8 : memref<!tpu.dma_semaphore, #tpu.memory_space<semaphore_mem>>) src(%dma_wait3A_388 : memref<128x64xf32, #tpu.memory_space<vmem>>) dst(%dma_wait3A_385 : memref<128x64xf32, #tpu.memory_space<hbm>>)
    %dma_wait3A_389 = arith.constant 640 : i32
    %dma_wait3A_390 = arith.constant 0 : i32
    %dma_wait3A_391 = tpu.memref_slice %arg6[%dma_wait3A_389, %dma_wait3A_390] : memref<1280x64xf32, #tpu.memory_space<vmem>> -> memref<128x64xf32, #tpu.memory_space<vmem>>
    %dma_wait3A_392 = arith.constant 0 : i32
    %dma_wait3A_393 = tpu.memref_slice %arg4[%add3A_232, %dma_wait3A_392] : memref<40960x64xf32, #tpu.memory_space<hbm>> -> memref<128x64xf32, #tpu.memory_space<hbm>>
    %dma_wait3A_394 = arith.constant 0 : i32
    %dma_wait3A_395 = tpu.memref_slice %arg4[%add3A_232, %dma_wait3A_394] : memref<40960x64xf32, #tpu.memory_space<hbm>> -> memref<128x64xf32, #tpu.memory_space<hbm>>
    %dma_wait3A_396 = arith.constant 640 : i32
    %dma_wait3A_397 = arith.constant 0 : i32
    %dma_wait3A_398 = tpu.memref_slice %arg6[%dma_wait3A_396, %dma_wait3A_397] : memref<1280x64xf32, #tpu.memory_space<vmem>> -> memref<128x64xf32, #tpu.memory_space<vmem>>
    tpu.wait_dma2 semaphore(%arg8 : memref<!tpu.dma_semaphore, #tpu.memory_space<semaphore_mem>>) src(%dma_wait3A_398 : memref<128x64xf32, #tpu.memory_space<vmem>>) dst(%dma_wait3A_395 : memref<128x64xf32, #tpu.memory_space<hbm>>)
    %dma_wait3A_399 = arith.constant 768 : i32
    %dma_wait3A_400 = arith.constant 0 : i32
    %dma_wait3A_401 = tpu.memref_slice %arg6[%dma_wait3A_399, %dma_wait3A_400] : memref<1280x64xf32, #tpu.memory_space<vmem>> -> memref<128x64xf32, #tpu.memory_space<vmem>>
    %dma_wait3A_402 = arith.constant 0 : i32
    %dma_wait3A_403 = tpu.memref_slice %arg4[%add3A_256, %dma_wait3A_402] : memref<40960x64xf32, #tpu.memory_space<hbm>> -> memref<128x64xf32, #tpu.memory_space<hbm>>
    %dma_wait3A_404 = arith.constant 0 : i32
    %dma_wait3A_405 = tpu.memref_slice %arg4[%add3A_256, %dma_wait3A_404] : memref<40960x64xf32, #tpu.memory_space<hbm>> -> memref<128x64xf32, #tpu.memory_space<hbm>>
    %dma_wait3A_406 = arith.constant 768 : i32
    %dma_wait3A_407 = arith.constant 0 : i32
    %dma_wait3A_408 = tpu.memref_slice %arg6[%dma_wait3A_406, %dma_wait3A_407] : memref<1280x64xf32, #tpu.memory_space<vmem>> -> memref<128x64xf32, #tpu.memory_space<vmem>>
    tpu.wait_dma2 semaphore(%arg8 : memref<!tpu.dma_semaphore, #tpu.memory_space<semaphore_mem>>) src(%dma_wait3A_408 : memref<128x64xf32, #tpu.memory_space<vmem>>) dst(%dma_wait3A_405 : memref<128x64xf32, #tpu.memory_space<hbm>>)
    %dma_wait3A_409 = arith.constant 896 : i32
    %dma_wait3A_410 = arith.constant 0 : i32
    %dma_wait3A_411 = tpu.memref_slice %arg6[%dma_wait3A_409, %dma_wait3A_410] : memref<1280x64xf32, #tpu.memory_space<vmem>> -> memref<128x64xf32, #tpu.memory_space<vmem>>
    %dma_wait3A_412 = arith.constant 0 : i32
    %dma_wait3A_413 = tpu.memref_slice %arg4[%add3A_280, %dma_wait3A_412] : memref<40960x64xf32, #tpu.memory_space<hbm>> -> memref<128x64xf32, #tpu.memory_space<hbm>>
    %dma_wait3A_414 = arith.constant 0 : i32
    %dma_wait3A_415 = tpu.memref_slice %arg4[%add3A_280, %dma_wait3A_414] : memref<40960x64xf32, #tpu.memory_space<hbm>> -> memref<128x64xf32, #tpu.memory_space<hbm>>
    %dma_wait3A_416 = arith.constant 896 : i32
    %dma_wait3A_417 = arith.constant 0 : i32
    %dma_wait3A_418 = tpu.memref_slice %arg6[%dma_wait3A_416, %dma_wait3A_417] : memref<1280x64xf32, #tpu.memory_space<vmem>> -> memref<128x64xf32, #tpu.memory_space<vmem>>
    tpu.wait_dma2 semaphore(%arg8 : memref<!tpu.dma_semaphore, #tpu.memory_space<semaphore_mem>>) src(%dma_wait3A_418 : memref<128x64xf32, #tpu.memory_space<vmem>>) dst(%dma_wait3A_415 : memref<128x64xf32, #tpu.memory_space<hbm>>)
    %dma_wait3A_419 = arith.constant 1024 : i32
    %dma_wait3A_420 = arith.constant 0 : i32
    %dma_wait3A_421 = tpu.memref_slice %arg6[%dma_wait3A_419, %dma_wait3A_420] : memref<1280x64xf32, #tpu.memory_space<vmem>> -> memref<128x64xf32, #tpu.memory_space<vmem>>
    %dma_wait3A_422 = arith.constant 0 : i32
    %dma_wait3A_423 = tpu.memref_slice %arg4[%add3A_304, %dma_wait3A_422] : memref<40960x64xf32, #tpu.memory_space<hbm>> -> memref<128x64xf32, #tpu.memory_space<hbm>>
    %dma_wait3A_424 = arith.constant 0 : i32
    %dma_wait3A_425 = tpu.memref_slice %arg4[%add3A_304, %dma_wait3A_424] : memref<40960x64xf32, #tpu.memory_space<hbm>> -> memref<128x64xf32, #tpu.memory_space<hbm>>
    %dma_wait3A_426 = arith.constant 1024 : i32
    %dma_wait3A_427 = arith.constant 0 : i32
    %dma_wait3A_428 = tpu.memref_slice %arg6[%dma_wait3A_426, %dma_wait3A_427] : memref<1280x64xf32, #tpu.memory_space<vmem>> -> memref<128x64xf32, #tpu.memory_space<vmem>>
    tpu.wait_dma2 semaphore(%arg8 : memref<!tpu.dma_semaphore, #tpu.memory_space<semaphore_mem>>) src(%dma_wait3A_428 : memref<128x64xf32, #tpu.memory_space<vmem>>) dst(%dma_wait3A_425 : memref<128x64xf32, #tpu.memory_space<hbm>>)
    %dma_wait3A_429 = arith.constant 1152 : i32
    %dma_wait3A_430 = arith.constant 0 : i32
    %dma_wait3A_431 = tpu.memref_slice %arg6[%dma_wait3A_429, %dma_wait3A_430] : memref<1280x64xf32, #tpu.memory_space<vmem>> -> memref<128x64xf32, #tpu.memory_space<vmem>>
    %dma_wait3A_432 = arith.constant 0 : i32
    %dma_wait3A_433 = tpu.memref_slice %arg4[%add3A_328, %dma_wait3A_432] : memref<40960x64xf32, #tpu.memory_space<hbm>> -> memref<128x64xf32, #tpu.memory_space<hbm>>
    %dma_wait3A_434 = arith.constant 0 : i32
    %dma_wait3A_435 = tpu.memref_slice %arg4[%add3A_328, %dma_wait3A_434] : memref<40960x64xf32, #tpu.memory_space<hbm>> -> memref<128x64xf32, #tpu.memory_space<hbm>>
    %dma_wait3A_436 = arith.constant 1152 : i32
    %dma_wait3A_437 = arith.constant 0 : i32
    %dma_wait3A_438 = tpu.memref_slice %arg6[%dma_wait3A_436, %dma_wait3A_437] : memref<1280x64xf32, #tpu.memory_space<vmem>> -> memref<128x64xf32, #tpu.memory_space<vmem>>
    tpu.wait_dma2 semaphore(%arg8 : memref<!tpu.dma_semaphore, #tpu.memory_space<semaphore_mem>>) src(%dma_wait3A_438 : memref<128x64xf32, #tpu.memory_space<vmem>>) dst(%dma_wait3A_435 : memref<128x64xf32, #tpu.memory_space<hbm>>)
    return
  }
}

#map = affine_map<(d0, d1) -> (0, 0)>
#map1 = affine_map<(d0, d1) -> (0, 0, 0)>
module attributes {stable_mosaic.version = 14 : i64} {
  func.func @sk(%arg0: i32, %arg1: i32, %arg2: memref<40960x64xf32, #tpu.memory_space<hbm>>, %arg3: memref<16x20x128xi32, #tpu.memory_space<hbm>>, %arg4: memref<20400x32xf32, #tpu.memory_space<hbm>>, %arg5: memref<20400x64xf32, #tpu.memory_space<hbm>>, %arg6: memref<20x128xi32, #tpu.memory_space<vmem>>, %arg7: memref<2560x32xf32, #tpu.memory_space<vmem>>, %arg8: memref<20400x32xf32, #tpu.memory_space<vmem_shared>>, %arg9: memref<!tpu.dma_semaphore, #tpu.memory_space<semaphore_mem>>) attributes {dimension_semantics = [#tpu.dimension_semantics<core_parallel>, #tpu.dimension_semantics<subcore_parallel>], iteration_bounds = array<i64: 2, 16>, scalar_prefetch = 0 : i64, scratch_operands = 4 : i64, tpu.core_type = #tpu.core_type<sc_vector_subcore>, window_params = [{transform_indices = #map}, {transform_indices = #map1}, {transform_indices = #map}, {transform_indices = #map}]} {
    %mul3A = arith.constant 1275 : i32
    %mul3A_0 = arith.muli %arg1, %mul3A : i32
    %mul3A_1 = arith.constant 1275 : i32
    %mul3A_2 = arith.muli %arg1, %mul3A_1 : i32
    "tpu.region"() ({
      %run_scoped3A = tpu.sem_alloc : memref<!tpu.dma_semaphore, #tpu.memory_space<semaphore_mem>>
      %dma_start3A_412 = arith.constant 0 : i32
      %dma_start3A_413 = tpu.memref_slice %arg8[%mul3A_2, %dma_start3A_412] : memref<20400x32xf32, #tpu.memory_space<vmem_shared>> -> memref<1275x32xf32, #tpu.memory_space<vmem_shared>>
      %dma_start3A_414 = arith.constant 0 : i32
      %dma_start3A_415 = tpu.memref_slice %arg4[%mul3A_0, %dma_start3A_414] : memref<20400x32xf32, #tpu.memory_space<hbm>> -> memref<1275x32xf32, #tpu.memory_space<hbm>>
      tpu.enqueue_dma source(%dma_start3A_415 : memref<1275x32xf32, #tpu.memory_space<hbm>>) target(%dma_start3A_413 : memref<1275x32xf32, #tpu.memory_space<vmem_shared>>) target_semaphore(%run_scoped3A : memref<!tpu.dma_semaphore, #tpu.memory_space<semaphore_mem>>)
      %dma_wait3A_416 = arith.constant 0 : i32
      %dma_wait3A_417 = tpu.memref_slice %arg8[%mul3A_2, %dma_wait3A_416] : memref<20400x32xf32, #tpu.memory_space<vmem_shared>> -> memref<1275x32xf32, #tpu.memory_space<vmem_shared>>
      %dma_wait3A_418 = arith.constant 0 : i32
      %dma_wait3A_419 = tpu.memref_slice %arg4[%mul3A_0, %dma_wait3A_418] : memref<20400x32xf32, #tpu.memory_space<hbm>> -> memref<1275x32xf32, #tpu.memory_space<hbm>>
      tpu.wait_dma2 semaphore(%run_scoped3A : memref<!tpu.dma_semaphore, #tpu.memory_space<semaphore_mem>>) src(%dma_wait3A_419 : memref<1275x32xf32, #tpu.memory_space<hbm>>) dst(%dma_wait3A_417 : memref<1275x32xf32, #tpu.memory_space<vmem_shared>>)
      tpu.yield
    }) : () -> ()
    "tpu.region"() ({
      %run_scoped3A = tpu.sem_alloc : memref<!tpu.dma_semaphore, #tpu.memory_space<semaphore_mem>>
      %dma_start3A_412 = arith.constant 0 : i32
      %dma_start3A_413 = arith.constant 0 : i32
      %dma_start3A_414 = tpu.memref_slice %arg3[%arg1, %dma_start3A_412, %dma_start3A_413] : memref<16x20x128xi32, #tpu.memory_space<hbm>> -> memref<1x20x128xi32, #tpu.memory_space<hbm>>
      %dma_start3A_415 = tpu.memref_squeeze %dma_start3A_414 : memref<1x20x128xi32, #tpu.memory_space<hbm>> -> memref<20x128xi32, #tpu.memory_space<hbm>>
      %dma_start3A_416 = arith.constant 0 : i32
      %dma_start3A_417 = arith.constant 0 : i32
      %dma_start3A_418 = tpu.memref_slice %arg3[%arg1, %dma_start3A_416, %dma_start3A_417] : memref<16x20x128xi32, #tpu.memory_space<hbm>> -> memref<1x20x128xi32, #tpu.memory_space<hbm>>
      %dma_start3A_419 = tpu.memref_squeeze %dma_start3A_418 : memref<1x20x128xi32, #tpu.memory_space<hbm>> -> memref<20x128xi32, #tpu.memory_space<hbm>>
      tpu.enqueue_dma source(%dma_start3A_419 : memref<20x128xi32, #tpu.memory_space<hbm>>) target(%arg6 : memref<20x128xi32, #tpu.memory_space<vmem>>) target_semaphore(%run_scoped3A : memref<!tpu.dma_semaphore, #tpu.memory_space<semaphore_mem>>)
      %dma_wait3A_420 = arith.constant 0 : i32
      %dma_wait3A_421 = arith.constant 0 : i32
      %dma_wait3A_422 = tpu.memref_slice %arg3[%arg1, %dma_wait3A_420, %dma_wait3A_421] : memref<16x20x128xi32, #tpu.memory_space<hbm>> -> memref<1x20x128xi32, #tpu.memory_space<hbm>>
      %dma_wait3A_423 = tpu.memref_squeeze %dma_wait3A_422 : memref<1x20x128xi32, #tpu.memory_space<hbm>> -> memref<20x128xi32, #tpu.memory_space<hbm>>
      %dma_wait3A_424 = arith.constant 0 : i32
      %dma_wait3A_425 = arith.constant 0 : i32
      %dma_wait3A_426 = tpu.memref_slice %arg3[%arg1, %dma_wait3A_424, %dma_wait3A_425] : memref<16x20x128xi32, #tpu.memory_space<hbm>> -> memref<1x20x128xi32, #tpu.memory_space<hbm>>
      %dma_wait3A_427 = tpu.memref_squeeze %dma_wait3A_426 : memref<1x20x128xi32, #tpu.memory_space<hbm>> -> memref<20x128xi32, #tpu.memory_space<hbm>>
      tpu.wait_dma2 semaphore(%run_scoped3A : memref<!tpu.dma_semaphore, #tpu.memory_space<semaphore_mem>>) src(%dma_wait3A_427 : memref<20x128xi32, #tpu.memory_space<hbm>>) dst(%arg6 : memref<20x128xi32, #tpu.memory_space<vmem>>)
      tpu.yield
    }) : () -> ()
    %mul3A_3 = arith.constant 2560 : i32
    %mul3A_4 = arith.muli %arg1, %mul3A_3 : i32
    %mul3A_5 = arith.constant 32 : i32
    %mul3A_6 = arith.muli %arg0, %mul3A_5 : i32
    "tpu.region"() ({
      %run_scoped3A = tpu.sem_alloc : memref<!tpu.dma_semaphore, #tpu.memory_space<semaphore_mem>>
      %dma_start3A_412 = tpu.memref_slice %arg2[%mul3A_4, %mul3A_6] : memref<40960x64xf32, #tpu.memory_space<hbm>> -> memref<2560x32xf32, #tpu.memory_space<hbm>>
      %dma_start3A_413 = tpu.memref_slice %arg2[%mul3A_4, %mul3A_6] : memref<40960x64xf32, #tpu.memory_space<hbm>> -> memref<2560x32xf32, #tpu.memory_space<hbm>>
      tpu.enqueue_dma source(%dma_start3A_413 : memref<2560x32xf32, #tpu.memory_space<hbm>>) target(%arg7 : memref<2560x32xf32, #tpu.memory_space<vmem>>) target_semaphore(%run_scoped3A : memref<!tpu.dma_semaphore, #tpu.memory_space<semaphore_mem>>)
      %dma_wait3A_414 = tpu.memref_slice %arg2[%mul3A_4, %mul3A_6] : memref<40960x64xf32, #tpu.memory_space<hbm>> -> memref<2560x32xf32, #tpu.memory_space<hbm>>
      %dma_wait3A_415 = tpu.memref_slice %arg2[%mul3A_4, %mul3A_6] : memref<40960x64xf32, #tpu.memory_space<hbm>> -> memref<2560x32xf32, #tpu.memory_space<hbm>>
      tpu.wait_dma2 semaphore(%run_scoped3A : memref<!tpu.dma_semaphore, #tpu.memory_space<semaphore_mem>>) src(%dma_wait3A_415 : memref<2560x32xf32, #tpu.memory_space<hbm>>) dst(%arg7 : memref<2560x32xf32, #tpu.memory_space<vmem>>)
      tpu.yield
    }) : () -> ()
    %barrier3A = arith.constant 0 : index
    tpu.barrier barrier_id(%barrier3A)
    %dma_start3A = arith.constant 0 : i32
    %dma_start3A_7 = arith.constant 0 : i32
    %dma_start3A_8 = arith.constant 0 : i32
    %dma_start3A_9 = tpu.memref_slice %arg7[%dma_start3A_7, %dma_start3A_8] : memref<2560x32xf32, #tpu.memory_space<vmem>> -> memref<128x32xf32, #tpu.memory_space<vmem>>
    %dma_start3A_10 = arith.constant 0 : i32
    %dma_start3A_11 = tpu.memref_slice %arg6[%dma_start3A, %dma_start3A_10] : memref<20x128xi32, #tpu.memory_space<vmem>> -> memref<1x128xi32, #tpu.memory_space<vmem>>
    %dma_start3A_12 = tpu.memref_squeeze %dma_start3A_11 : memref<1x128xi32, #tpu.memory_space<vmem>> -> memref<128xi32, #tpu.memory_space<vmem>>
    %dma_start3A_13 = arith.constant 0 : i32
    %dma_start3A_14 = arith.constant 0 : i32
    %dma_start3A_15 = tpu.memref_slice %arg8[%dma_start3A_13, %dma_start3A_14] : memref<20400x32xf32, #tpu.memory_space<vmem_shared>> -> memref<20400x32xf32, #tpu.memory_space<vmem_shared>>
    tpu.enqueue_indirect_dma source(%dma_start3A_9 : memref<128x32xf32, #tpu.memory_space<vmem>>) target(%dma_start3A_15 : memref<20400x32xf32, #tpu.memory_space<vmem_shared>>) offsets(%dma_start3A_12 : memref<128xi32, #tpu.memory_space<vmem>>) semaphore(%arg9 : memref<!tpu.dma_semaphore, #tpu.memory_space<semaphore_mem>>) {add = true}
    %dma_start3A_16 = arith.constant 1 : i32
    %dma_start3A_17 = arith.constant 128 : i32
    %dma_start3A_18 = arith.constant 0 : i32
    %dma_start3A_19 = tpu.memref_slice %arg7[%dma_start3A_17, %dma_start3A_18] : memref<2560x32xf32, #tpu.memory_space<vmem>> -> memref<128x32xf32, #tpu.memory_space<vmem>>
    %dma_start3A_20 = arith.constant 0 : i32
    %dma_start3A_21 = tpu.memref_slice %arg6[%dma_start3A_16, %dma_start3A_20] : memref<20x128xi32, #tpu.memory_space<vmem>> -> memref<1x128xi32, #tpu.memory_space<vmem>>
    %dma_start3A_22 = tpu.memref_squeeze %dma_start3A_21 : memref<1x128xi32, #tpu.memory_space<vmem>> -> memref<128xi32, #tpu.memory_space<vmem>>
    %dma_start3A_23 = arith.constant 0 : i32
    %dma_start3A_24 = arith.constant 0 : i32
    %dma_start3A_25 = tpu.memref_slice %arg8[%dma_start3A_23, %dma_start3A_24] : memref<20400x32xf32, #tpu.memory_space<vmem_shared>> -> memref<20400x32xf32, #tpu.memory_space<vmem_shared>>
    tpu.enqueue_indirect_dma source(%dma_start3A_19 : memref<128x32xf32, #tpu.memory_space<vmem>>) target(%dma_start3A_25 : memref<20400x32xf32, #tpu.memory_space<vmem_shared>>) offsets(%dma_start3A_22 : memref<128xi32, #tpu.memory_space<vmem>>) semaphore(%arg9 : memref<!tpu.dma_semaphore, #tpu.memory_space<semaphore_mem>>) {add = true}
    %dma_start3A_26 = arith.constant 2 : i32
    %dma_start3A_27 = arith.constant 256 : i32
    %dma_start3A_28 = arith.constant 0 : i32
    %dma_start3A_29 = tpu.memref_slice %arg7[%dma_start3A_27, %dma_start3A_28] : memref<2560x32xf32, #tpu.memory_space<vmem>> -> memref<128x32xf32, #tpu.memory_space<vmem>>
    %dma_start3A_30 = arith.constant 0 : i32
    %dma_start3A_31 = tpu.memref_slice %arg6[%dma_start3A_26, %dma_start3A_30] : memref<20x128xi32, #tpu.memory_space<vmem>> -> memref<1x128xi32, #tpu.memory_space<vmem>>
    %dma_start3A_32 = tpu.memref_squeeze %dma_start3A_31 : memref<1x128xi32, #tpu.memory_space<vmem>> -> memref<128xi32, #tpu.memory_space<vmem>>
    %dma_start3A_33 = arith.constant 0 : i32
    %dma_start3A_34 = arith.constant 0 : i32
    %dma_start3A_35 = tpu.memref_slice %arg8[%dma_start3A_33, %dma_start3A_34] : memref<20400x32xf32, #tpu.memory_space<vmem_shared>> -> memref<20400x32xf32, #tpu.memory_space<vmem_shared>>
    tpu.enqueue_indirect_dma source(%dma_start3A_29 : memref<128x32xf32, #tpu.memory_space<vmem>>) target(%dma_start3A_35 : memref<20400x32xf32, #tpu.memory_space<vmem_shared>>) offsets(%dma_start3A_32 : memref<128xi32, #tpu.memory_space<vmem>>) semaphore(%arg9 : memref<!tpu.dma_semaphore, #tpu.memory_space<semaphore_mem>>) {add = true}
    %dma_start3A_36 = arith.constant 3 : i32
    %dma_start3A_37 = arith.constant 384 : i32
    %dma_start3A_38 = arith.constant 0 : i32
    %dma_start3A_39 = tpu.memref_slice %arg7[%dma_start3A_37, %dma_start3A_38] : memref<2560x32xf32, #tpu.memory_space<vmem>> -> memref<128x32xf32, #tpu.memory_space<vmem>>
    %dma_start3A_40 = arith.constant 0 : i32
    %dma_start3A_41 = tpu.memref_slice %arg6[%dma_start3A_36, %dma_start3A_40] : memref<20x128xi32, #tpu.memory_space<vmem>> -> memref<1x128xi32, #tpu.memory_space<vmem>>
    %dma_start3A_42 = tpu.memref_squeeze %dma_start3A_41 : memref<1x128xi32, #tpu.memory_space<vmem>> -> memref<128xi32, #tpu.memory_space<vmem>>
    %dma_start3A_43 = arith.constant 0 : i32
    %dma_start3A_44 = arith.constant 0 : i32
    %dma_start3A_45 = tpu.memref_slice %arg8[%dma_start3A_43, %dma_start3A_44] : memref<20400x32xf32, #tpu.memory_space<vmem_shared>> -> memref<20400x32xf32, #tpu.memory_space<vmem_shared>>
    tpu.enqueue_indirect_dma source(%dma_start3A_39 : memref<128x32xf32, #tpu.memory_space<vmem>>) target(%dma_start3A_45 : memref<20400x32xf32, #tpu.memory_space<vmem_shared>>) offsets(%dma_start3A_42 : memref<128xi32, #tpu.memory_space<vmem>>) semaphore(%arg9 : memref<!tpu.dma_semaphore, #tpu.memory_space<semaphore_mem>>) {add = true}
    %dma_start3A_46 = arith.constant 4 : i32
    %dma_start3A_47 = arith.constant 512 : i32
    %dma_start3A_48 = arith.constant 0 : i32
    %dma_start3A_49 = tpu.memref_slice %arg7[%dma_start3A_47, %dma_start3A_48] : memref<2560x32xf32, #tpu.memory_space<vmem>> -> memref<128x32xf32, #tpu.memory_space<vmem>>
    %dma_start3A_50 = arith.constant 0 : i32
    %dma_start3A_51 = tpu.memref_slice %arg6[%dma_start3A_46, %dma_start3A_50] : memref<20x128xi32, #tpu.memory_space<vmem>> -> memref<1x128xi32, #tpu.memory_space<vmem>>
    %dma_start3A_52 = tpu.memref_squeeze %dma_start3A_51 : memref<1x128xi32, #tpu.memory_space<vmem>> -> memref<128xi32, #tpu.memory_space<vmem>>
    %dma_start3A_53 = arith.constant 0 : i32
    %dma_start3A_54 = arith.constant 0 : i32
    %dma_start3A_55 = tpu.memref_slice %arg8[%dma_start3A_53, %dma_start3A_54] : memref<20400x32xf32, #tpu.memory_space<vmem_shared>> -> memref<20400x32xf32, #tpu.memory_space<vmem_shared>>
    tpu.enqueue_indirect_dma source(%dma_start3A_49 : memref<128x32xf32, #tpu.memory_space<vmem>>) target(%dma_start3A_55 : memref<20400x32xf32, #tpu.memory_space<vmem_shared>>) offsets(%dma_start3A_52 : memref<128xi32, #tpu.memory_space<vmem>>) semaphore(%arg9 : memref<!tpu.dma_semaphore, #tpu.memory_space<semaphore_mem>>) {add = true}
    %dma_start3A_56 = arith.constant 5 : i32
    %dma_start3A_57 = arith.constant 640 : i32
    %dma_start3A_58 = arith.constant 0 : i32
    %dma_start3A_59 = tpu.memref_slice %arg7[%dma_start3A_57, %dma_start3A_58] : memref<2560x32xf32, #tpu.memory_space<vmem>> -> memref<128x32xf32, #tpu.memory_space<vmem>>
    %dma_start3A_60 = arith.constant 0 : i32
    %dma_start3A_61 = tpu.memref_slice %arg6[%dma_start3A_56, %dma_start3A_60] : memref<20x128xi32, #tpu.memory_space<vmem>> -> memref<1x128xi32, #tpu.memory_space<vmem>>
    %dma_start3A_62 = tpu.memref_squeeze %dma_start3A_61 : memref<1x128xi32, #tpu.memory_space<vmem>> -> memref<128xi32, #tpu.memory_space<vmem>>
    %dma_start3A_63 = arith.constant 0 : i32
    %dma_start3A_64 = arith.constant 0 : i32
    %dma_start3A_65 = tpu.memref_slice %arg8[%dma_start3A_63, %dma_start3A_64] : memref<20400x32xf32, #tpu.memory_space<vmem_shared>> -> memref<20400x32xf32, #tpu.memory_space<vmem_shared>>
    tpu.enqueue_indirect_dma source(%dma_start3A_59 : memref<128x32xf32, #tpu.memory_space<vmem>>) target(%dma_start3A_65 : memref<20400x32xf32, #tpu.memory_space<vmem_shared>>) offsets(%dma_start3A_62 : memref<128xi32, #tpu.memory_space<vmem>>) semaphore(%arg9 : memref<!tpu.dma_semaphore, #tpu.memory_space<semaphore_mem>>) {add = true}
    %dma_start3A_66 = arith.constant 6 : i32
    %dma_start3A_67 = arith.constant 768 : i32
    %dma_start3A_68 = arith.constant 0 : i32
    %dma_start3A_69 = tpu.memref_slice %arg7[%dma_start3A_67, %dma_start3A_68] : memref<2560x32xf32, #tpu.memory_space<vmem>> -> memref<128x32xf32, #tpu.memory_space<vmem>>
    %dma_start3A_70 = arith.constant 0 : i32
    %dma_start3A_71 = tpu.memref_slice %arg6[%dma_start3A_66, %dma_start3A_70] : memref<20x128xi32, #tpu.memory_space<vmem>> -> memref<1x128xi32, #tpu.memory_space<vmem>>
    %dma_start3A_72 = tpu.memref_squeeze %dma_start3A_71 : memref<1x128xi32, #tpu.memory_space<vmem>> -> memref<128xi32, #tpu.memory_space<vmem>>
    %dma_start3A_73 = arith.constant 0 : i32
    %dma_start3A_74 = arith.constant 0 : i32
    %dma_start3A_75 = tpu.memref_slice %arg8[%dma_start3A_73, %dma_start3A_74] : memref<20400x32xf32, #tpu.memory_space<vmem_shared>> -> memref<20400x32xf32, #tpu.memory_space<vmem_shared>>
    tpu.enqueue_indirect_dma source(%dma_start3A_69 : memref<128x32xf32, #tpu.memory_space<vmem>>) target(%dma_start3A_75 : memref<20400x32xf32, #tpu.memory_space<vmem_shared>>) offsets(%dma_start3A_72 : memref<128xi32, #tpu.memory_space<vmem>>) semaphore(%arg9 : memref<!tpu.dma_semaphore, #tpu.memory_space<semaphore_mem>>) {add = true}
    %dma_start3A_76 = arith.constant 7 : i32
    %dma_start3A_77 = arith.constant 896 : i32
    %dma_start3A_78 = arith.constant 0 : i32
    %dma_start3A_79 = tpu.memref_slice %arg7[%dma_start3A_77, %dma_start3A_78] : memref<2560x32xf32, #tpu.memory_space<vmem>> -> memref<128x32xf32, #tpu.memory_space<vmem>>
    %dma_start3A_80 = arith.constant 0 : i32
    %dma_start3A_81 = tpu.memref_slice %arg6[%dma_start3A_76, %dma_start3A_80] : memref<20x128xi32, #tpu.memory_space<vmem>> -> memref<1x128xi32, #tpu.memory_space<vmem>>
    %dma_start3A_82 = tpu.memref_squeeze %dma_start3A_81 : memref<1x128xi32, #tpu.memory_space<vmem>> -> memref<128xi32, #tpu.memory_space<vmem>>
    %dma_start3A_83 = arith.constant 0 : i32
    %dma_start3A_84 = arith.constant 0 : i32
    %dma_start3A_85 = tpu.memref_slice %arg8[%dma_start3A_83, %dma_start3A_84] : memref<20400x32xf32, #tpu.memory_space<vmem_shared>> -> memref<20400x32xf32, #tpu.memory_space<vmem_shared>>
    tpu.enqueue_indirect_dma source(%dma_start3A_79 : memref<128x32xf32, #tpu.memory_space<vmem>>) target(%dma_start3A_85 : memref<20400x32xf32, #tpu.memory_space<vmem_shared>>) offsets(%dma_start3A_82 : memref<128xi32, #tpu.memory_space<vmem>>) semaphore(%arg9 : memref<!tpu.dma_semaphore, #tpu.memory_space<semaphore_mem>>) {add = true}
    %dma_start3A_86 = arith.constant 8 : i32
    %dma_start3A_87 = arith.constant 1024 : i32
    %dma_start3A_88 = arith.constant 0 : i32
    %dma_start3A_89 = tpu.memref_slice %arg7[%dma_start3A_87, %dma_start3A_88] : memref<2560x32xf32, #tpu.memory_space<vmem>> -> memref<128x32xf32, #tpu.memory_space<vmem>>
    %dma_start3A_90 = arith.constant 0 : i32
    %dma_start3A_91 = tpu.memref_slice %arg6[%dma_start3A_86, %dma_start3A_90] : memref<20x128xi32, #tpu.memory_space<vmem>> -> memref<1x128xi32, #tpu.memory_space<vmem>>
    %dma_start3A_92 = tpu.memref_squeeze %dma_start3A_91 : memref<1x128xi32, #tpu.memory_space<vmem>> -> memref<128xi32, #tpu.memory_space<vmem>>
    %dma_start3A_93 = arith.constant 0 : i32
    %dma_start3A_94 = arith.constant 0 : i32
    %dma_start3A_95 = tpu.memref_slice %arg8[%dma_start3A_93, %dma_start3A_94] : memref<20400x32xf32, #tpu.memory_space<vmem_shared>> -> memref<20400x32xf32, #tpu.memory_space<vmem_shared>>
    tpu.enqueue_indirect_dma source(%dma_start3A_89 : memref<128x32xf32, #tpu.memory_space<vmem>>) target(%dma_start3A_95 : memref<20400x32xf32, #tpu.memory_space<vmem_shared>>) offsets(%dma_start3A_92 : memref<128xi32, #tpu.memory_space<vmem>>) semaphore(%arg9 : memref<!tpu.dma_semaphore, #tpu.memory_space<semaphore_mem>>) {add = true}
    %dma_start3A_96 = arith.constant 9 : i32
    %dma_start3A_97 = arith.constant 1152 : i32
    %dma_start3A_98 = arith.constant 0 : i32
    %dma_start3A_99 = tpu.memref_slice %arg7[%dma_start3A_97, %dma_start3A_98] : memref<2560x32xf32, #tpu.memory_space<vmem>> -> memref<128x32xf32, #tpu.memory_space<vmem>>
    %dma_start3A_100 = arith.constant 0 : i32
    %dma_start3A_101 = tpu.memref_slice %arg6[%dma_start3A_96, %dma_start3A_100] : memref<20x128xi32, #tpu.memory_space<vmem>> -> memref<1x128xi32, #tpu.memory_space<vmem>>
    %dma_start3A_102 = tpu.memref_squeeze %dma_start3A_101 : memref<1x128xi32, #tpu.memory_space<vmem>> -> memref<128xi32, #tpu.memory_space<vmem>>
    %dma_start3A_103 = arith.constant 0 : i32
    %dma_start3A_104 = arith.constant 0 : i32
    %dma_start3A_105 = tpu.memref_slice %arg8[%dma_start3A_103, %dma_start3A_104] : memref<20400x32xf32, #tpu.memory_space<vmem_shared>> -> memref<20400x32xf32, #tpu.memory_space<vmem_shared>>
    tpu.enqueue_indirect_dma source(%dma_start3A_99 : memref<128x32xf32, #tpu.memory_space<vmem>>) target(%dma_start3A_105 : memref<20400x32xf32, #tpu.memory_space<vmem_shared>>) offsets(%dma_start3A_102 : memref<128xi32, #tpu.memory_space<vmem>>) semaphore(%arg9 : memref<!tpu.dma_semaphore, #tpu.memory_space<semaphore_mem>>) {add = true}
    %dma_start3A_106 = arith.constant 10 : i32
    %dma_start3A_107 = arith.constant 1280 : i32
    %dma_start3A_108 = arith.constant 0 : i32
    %dma_start3A_109 = tpu.memref_slice %arg7[%dma_start3A_107, %dma_start3A_108] : memref<2560x32xf32, #tpu.memory_space<vmem>> -> memref<128x32xf32, #tpu.memory_space<vmem>>
    %dma_start3A_110 = arith.constant 0 : i32
    %dma_start3A_111 = tpu.memref_slice %arg6[%dma_start3A_106, %dma_start3A_110] : memref<20x128xi32, #tpu.memory_space<vmem>> -> memref<1x128xi32, #tpu.memory_space<vmem>>
    %dma_start3A_112 = tpu.memref_squeeze %dma_start3A_111 : memref<1x128xi32, #tpu.memory_space<vmem>> -> memref<128xi32, #tpu.memory_space<vmem>>
    %dma_start3A_113 = arith.constant 0 : i32
    %dma_start3A_114 = arith.constant 0 : i32
    %dma_start3A_115 = tpu.memref_slice %arg8[%dma_start3A_113, %dma_start3A_114] : memref<20400x32xf32, #tpu.memory_space<vmem_shared>> -> memref<20400x32xf32, #tpu.memory_space<vmem_shared>>
    tpu.enqueue_indirect_dma source(%dma_start3A_109 : memref<128x32xf32, #tpu.memory_space<vmem>>) target(%dma_start3A_115 : memref<20400x32xf32, #tpu.memory_space<vmem_shared>>) offsets(%dma_start3A_112 : memref<128xi32, #tpu.memory_space<vmem>>) semaphore(%arg9 : memref<!tpu.dma_semaphore, #tpu.memory_space<semaphore_mem>>) {add = true}
    %dma_start3A_116 = arith.constant 11 : i32
    %dma_start3A_117 = arith.constant 1408 : i32
    %dma_start3A_118 = arith.constant 0 : i32
    %dma_start3A_119 = tpu.memref_slice %arg7[%dma_start3A_117, %dma_start3A_118] : memref<2560x32xf32, #tpu.memory_space<vmem>> -> memref<128x32xf32, #tpu.memory_space<vmem>>
    %dma_start3A_120 = arith.constant 0 : i32
    %dma_start3A_121 = tpu.memref_slice %arg6[%dma_start3A_116, %dma_start3A_120] : memref<20x128xi32, #tpu.memory_space<vmem>> -> memref<1x128xi32, #tpu.memory_space<vmem>>
    %dma_start3A_122 = tpu.memref_squeeze %dma_start3A_121 : memref<1x128xi32, #tpu.memory_space<vmem>> -> memref<128xi32, #tpu.memory_space<vmem>>
    %dma_start3A_123 = arith.constant 0 : i32
    %dma_start3A_124 = arith.constant 0 : i32
    %dma_start3A_125 = tpu.memref_slice %arg8[%dma_start3A_123, %dma_start3A_124] : memref<20400x32xf32, #tpu.memory_space<vmem_shared>> -> memref<20400x32xf32, #tpu.memory_space<vmem_shared>>
    tpu.enqueue_indirect_dma source(%dma_start3A_119 : memref<128x32xf32, #tpu.memory_space<vmem>>) target(%dma_start3A_125 : memref<20400x32xf32, #tpu.memory_space<vmem_shared>>) offsets(%dma_start3A_122 : memref<128xi32, #tpu.memory_space<vmem>>) semaphore(%arg9 : memref<!tpu.dma_semaphore, #tpu.memory_space<semaphore_mem>>) {add = true}
    %dma_start3A_126 = arith.constant 12 : i32
    %dma_start3A_127 = arith.constant 1536 : i32
    %dma_start3A_128 = arith.constant 0 : i32
    %dma_start3A_129 = tpu.memref_slice %arg7[%dma_start3A_127, %dma_start3A_128] : memref<2560x32xf32, #tpu.memory_space<vmem>> -> memref<128x32xf32, #tpu.memory_space<vmem>>
    %dma_start3A_130 = arith.constant 0 : i32
    %dma_start3A_131 = tpu.memref_slice %arg6[%dma_start3A_126, %dma_start3A_130] : memref<20x128xi32, #tpu.memory_space<vmem>> -> memref<1x128xi32, #tpu.memory_space<vmem>>
    %dma_start3A_132 = tpu.memref_squeeze %dma_start3A_131 : memref<1x128xi32, #tpu.memory_space<vmem>> -> memref<128xi32, #tpu.memory_space<vmem>>
    %dma_start3A_133 = arith.constant 0 : i32
    %dma_start3A_134 = arith.constant 0 : i32
    %dma_start3A_135 = tpu.memref_slice %arg8[%dma_start3A_133, %dma_start3A_134] : memref<20400x32xf32, #tpu.memory_space<vmem_shared>> -> memref<20400x32xf32, #tpu.memory_space<vmem_shared>>
    tpu.enqueue_indirect_dma source(%dma_start3A_129 : memref<128x32xf32, #tpu.memory_space<vmem>>) target(%dma_start3A_135 : memref<20400x32xf32, #tpu.memory_space<vmem_shared>>) offsets(%dma_start3A_132 : memref<128xi32, #tpu.memory_space<vmem>>) semaphore(%arg9 : memref<!tpu.dma_semaphore, #tpu.memory_space<semaphore_mem>>) {add = true}
    %dma_start3A_136 = arith.constant 13 : i32
    %dma_start3A_137 = arith.constant 1664 : i32
    %dma_start3A_138 = arith.constant 0 : i32
    %dma_start3A_139 = tpu.memref_slice %arg7[%dma_start3A_137, %dma_start3A_138] : memref<2560x32xf32, #tpu.memory_space<vmem>> -> memref<128x32xf32, #tpu.memory_space<vmem>>
    %dma_start3A_140 = arith.constant 0 : i32
    %dma_start3A_141 = tpu.memref_slice %arg6[%dma_start3A_136, %dma_start3A_140] : memref<20x128xi32, #tpu.memory_space<vmem>> -> memref<1x128xi32, #tpu.memory_space<vmem>>
    %dma_start3A_142 = tpu.memref_squeeze %dma_start3A_141 : memref<1x128xi32, #tpu.memory_space<vmem>> -> memref<128xi32, #tpu.memory_space<vmem>>
    %dma_start3A_143 = arith.constant 0 : i32
    %dma_start3A_144 = arith.constant 0 : i32
    %dma_start3A_145 = tpu.memref_slice %arg8[%dma_start3A_143, %dma_start3A_144] : memref<20400x32xf32, #tpu.memory_space<vmem_shared>> -> memref<20400x32xf32, #tpu.memory_space<vmem_shared>>
    tpu.enqueue_indirect_dma source(%dma_start3A_139 : memref<128x32xf32, #tpu.memory_space<vmem>>) target(%dma_start3A_145 : memref<20400x32xf32, #tpu.memory_space<vmem_shared>>) offsets(%dma_start3A_142 : memref<128xi32, #tpu.memory_space<vmem>>) semaphore(%arg9 : memref<!tpu.dma_semaphore, #tpu.memory_space<semaphore_mem>>) {add = true}
    %dma_start3A_146 = arith.constant 14 : i32
    %dma_start3A_147 = arith.constant 1792 : i32
    %dma_start3A_148 = arith.constant 0 : i32
    %dma_start3A_149 = tpu.memref_slice %arg7[%dma_start3A_147, %dma_start3A_148] : memref<2560x32xf32, #tpu.memory_space<vmem>> -> memref<128x32xf32, #tpu.memory_space<vmem>>
    %dma_start3A_150 = arith.constant 0 : i32
    %dma_start3A_151 = tpu.memref_slice %arg6[%dma_start3A_146, %dma_start3A_150] : memref<20x128xi32, #tpu.memory_space<vmem>> -> memref<1x128xi32, #tpu.memory_space<vmem>>
    %dma_start3A_152 = tpu.memref_squeeze %dma_start3A_151 : memref<1x128xi32, #tpu.memory_space<vmem>> -> memref<128xi32, #tpu.memory_space<vmem>>
    %dma_start3A_153 = arith.constant 0 : i32
    %dma_start3A_154 = arith.constant 0 : i32
    %dma_start3A_155 = tpu.memref_slice %arg8[%dma_start3A_153, %dma_start3A_154] : memref<20400x32xf32, #tpu.memory_space<vmem_shared>> -> memref<20400x32xf32, #tpu.memory_space<vmem_shared>>
    tpu.enqueue_indirect_dma source(%dma_start3A_149 : memref<128x32xf32, #tpu.memory_space<vmem>>) target(%dma_start3A_155 : memref<20400x32xf32, #tpu.memory_space<vmem_shared>>) offsets(%dma_start3A_152 : memref<128xi32, #tpu.memory_space<vmem>>) semaphore(%arg9 : memref<!tpu.dma_semaphore, #tpu.memory_space<semaphore_mem>>) {add = true}
    %dma_start3A_156 = arith.constant 15 : i32
    %dma_start3A_157 = arith.constant 1920 : i32
    %dma_start3A_158 = arith.constant 0 : i32
    %dma_start3A_159 = tpu.memref_slice %arg7[%dma_start3A_157, %dma_start3A_158] : memref<2560x32xf32, #tpu.memory_space<vmem>> -> memref<128x32xf32, #tpu.memory_space<vmem>>
    %dma_start3A_160 = arith.constant 0 : i32
    %dma_start3A_161 = tpu.memref_slice %arg6[%dma_start3A_156, %dma_start3A_160] : memref<20x128xi32, #tpu.memory_space<vmem>> -> memref<1x128xi32, #tpu.memory_space<vmem>>
    %dma_start3A_162 = tpu.memref_squeeze %dma_start3A_161 : memref<1x128xi32, #tpu.memory_space<vmem>> -> memref<128xi32, #tpu.memory_space<vmem>>
    %dma_start3A_163 = arith.constant 0 : i32
    %dma_start3A_164 = arith.constant 0 : i32
    %dma_start3A_165 = tpu.memref_slice %arg8[%dma_start3A_163, %dma_start3A_164] : memref<20400x32xf32, #tpu.memory_space<vmem_shared>> -> memref<20400x32xf32, #tpu.memory_space<vmem_shared>>
    tpu.enqueue_indirect_dma source(%dma_start3A_159 : memref<128x32xf32, #tpu.memory_space<vmem>>) target(%dma_start3A_165 : memref<20400x32xf32, #tpu.memory_space<vmem_shared>>) offsets(%dma_start3A_162 : memref<128xi32, #tpu.memory_space<vmem>>) semaphore(%arg9 : memref<!tpu.dma_semaphore, #tpu.memory_space<semaphore_mem>>) {add = true}
    %dma_start3A_166 = arith.constant 16 : i32
    %dma_start3A_167 = arith.constant 2048 : i32
    %dma_start3A_168 = arith.constant 0 : i32
    %dma_start3A_169 = tpu.memref_slice %arg7[%dma_start3A_167, %dma_start3A_168] : memref<2560x32xf32, #tpu.memory_space<vmem>> -> memref<128x32xf32, #tpu.memory_space<vmem>>
    %dma_start3A_170 = arith.constant 0 : i32
    %dma_start3A_171 = tpu.memref_slice %arg6[%dma_start3A_166, %dma_start3A_170] : memref<20x128xi32, #tpu.memory_space<vmem>> -> memref<1x128xi32, #tpu.memory_space<vmem>>
    %dma_start3A_172 = tpu.memref_squeeze %dma_start3A_171 : memref<1x128xi32, #tpu.memory_space<vmem>> -> memref<128xi32, #tpu.memory_space<vmem>>
    %dma_start3A_173 = arith.constant 0 : i32
    %dma_start3A_174 = arith.constant 0 : i32
    %dma_start3A_175 = tpu.memref_slice %arg8[%dma_start3A_173, %dma_start3A_174] : memref<20400x32xf32, #tpu.memory_space<vmem_shared>> -> memref<20400x32xf32, #tpu.memory_space<vmem_shared>>
    tpu.enqueue_indirect_dma source(%dma_start3A_169 : memref<128x32xf32, #tpu.memory_space<vmem>>) target(%dma_start3A_175 : memref<20400x32xf32, #tpu.memory_space<vmem_shared>>) offsets(%dma_start3A_172 : memref<128xi32, #tpu.memory_space<vmem>>) semaphore(%arg9 : memref<!tpu.dma_semaphore, #tpu.memory_space<semaphore_mem>>) {add = true}
    %dma_start3A_176 = arith.constant 17 : i32
    %dma_start3A_177 = arith.constant 2176 : i32
    %dma_start3A_178 = arith.constant 0 : i32
    %dma_start3A_179 = tpu.memref_slice %arg7[%dma_start3A_177, %dma_start3A_178] : memref<2560x32xf32, #tpu.memory_space<vmem>> -> memref<128x32xf32, #tpu.memory_space<vmem>>
    %dma_start3A_180 = arith.constant 0 : i32
    %dma_start3A_181 = tpu.memref_slice %arg6[%dma_start3A_176, %dma_start3A_180] : memref<20x128xi32, #tpu.memory_space<vmem>> -> memref<1x128xi32, #tpu.memory_space<vmem>>
    %dma_start3A_182 = tpu.memref_squeeze %dma_start3A_181 : memref<1x128xi32, #tpu.memory_space<vmem>> -> memref<128xi32, #tpu.memory_space<vmem>>
    %dma_start3A_183 = arith.constant 0 : i32
    %dma_start3A_184 = arith.constant 0 : i32
    %dma_start3A_185 = tpu.memref_slice %arg8[%dma_start3A_183, %dma_start3A_184] : memref<20400x32xf32, #tpu.memory_space<vmem_shared>> -> memref<20400x32xf32, #tpu.memory_space<vmem_shared>>
    tpu.enqueue_indirect_dma source(%dma_start3A_179 : memref<128x32xf32, #tpu.memory_space<vmem>>) target(%dma_start3A_185 : memref<20400x32xf32, #tpu.memory_space<vmem_shared>>) offsets(%dma_start3A_182 : memref<128xi32, #tpu.memory_space<vmem>>) semaphore(%arg9 : memref<!tpu.dma_semaphore, #tpu.memory_space<semaphore_mem>>) {add = true}
    %dma_start3A_186 = arith.constant 18 : i32
    %dma_start3A_187 = arith.constant 2304 : i32
    %dma_start3A_188 = arith.constant 0 : i32
    %dma_start3A_189 = tpu.memref_slice %arg7[%dma_start3A_187, %dma_start3A_188] : memref<2560x32xf32, #tpu.memory_space<vmem>> -> memref<128x32xf32, #tpu.memory_space<vmem>>
    %dma_start3A_190 = arith.constant 0 : i32
    %dma_start3A_191 = tpu.memref_slice %arg6[%dma_start3A_186, %dma_start3A_190] : memref<20x128xi32, #tpu.memory_space<vmem>> -> memref<1x128xi32, #tpu.memory_space<vmem>>
    %dma_start3A_192 = tpu.memref_squeeze %dma_start3A_191 : memref<1x128xi32, #tpu.memory_space<vmem>> -> memref<128xi32, #tpu.memory_space<vmem>>
    %dma_start3A_193 = arith.constant 0 : i32
    %dma_start3A_194 = arith.constant 0 : i32
    %dma_start3A_195 = tpu.memref_slice %arg8[%dma_start3A_193, %dma_start3A_194] : memref<20400x32xf32, #tpu.memory_space<vmem_shared>> -> memref<20400x32xf32, #tpu.memory_space<vmem_shared>>
    tpu.enqueue_indirect_dma source(%dma_start3A_189 : memref<128x32xf32, #tpu.memory_space<vmem>>) target(%dma_start3A_195 : memref<20400x32xf32, #tpu.memory_space<vmem_shared>>) offsets(%dma_start3A_192 : memref<128xi32, #tpu.memory_space<vmem>>) semaphore(%arg9 : memref<!tpu.dma_semaphore, #tpu.memory_space<semaphore_mem>>) {add = true}
    %dma_start3A_196 = arith.constant 19 : i32
    %dma_start3A_197 = arith.constant 2432 : i32
    %dma_start3A_198 = arith.constant 0 : i32
    %dma_start3A_199 = tpu.memref_slice %arg7[%dma_start3A_197, %dma_start3A_198] : memref<2560x32xf32, #tpu.memory_space<vmem>> -> memref<128x32xf32, #tpu.memory_space<vmem>>
    %dma_start3A_200 = arith.constant 0 : i32
    %dma_start3A_201 = tpu.memref_slice %arg6[%dma_start3A_196, %dma_start3A_200] : memref<20x128xi32, #tpu.memory_space<vmem>> -> memref<1x128xi32, #tpu.memory_space<vmem>>
    %dma_start3A_202 = tpu.memref_squeeze %dma_start3A_201 : memref<1x128xi32, #tpu.memory_space<vmem>> -> memref<128xi32, #tpu.memory_space<vmem>>
    %dma_start3A_203 = arith.constant 0 : i32
    %dma_start3A_204 = arith.constant 0 : i32
    %dma_start3A_205 = tpu.memref_slice %arg8[%dma_start3A_203, %dma_start3A_204] : memref<20400x32xf32, #tpu.memory_space<vmem_shared>> -> memref<20400x32xf32, #tpu.memory_space<vmem_shared>>
    tpu.enqueue_indirect_dma source(%dma_start3A_199 : memref<128x32xf32, #tpu.memory_space<vmem>>) target(%dma_start3A_205 : memref<20400x32xf32, #tpu.memory_space<vmem_shared>>) offsets(%dma_start3A_202 : memref<128xi32, #tpu.memory_space<vmem>>) semaphore(%arg9 : memref<!tpu.dma_semaphore, #tpu.memory_space<semaphore_mem>>) {add = true}
    %dma_wait3A = arith.constant 0 : i32
    %dma_wait3A_206 = arith.constant 0 : i32
    %dma_wait3A_207 = arith.constant 0 : i32
    %dma_wait3A_208 = tpu.memref_slice %arg7[%dma_wait3A_206, %dma_wait3A_207] : memref<2560x32xf32, #tpu.memory_space<vmem>> -> memref<128x32xf32, #tpu.memory_space<vmem>>
    %dma_wait3A_209 = arith.constant 0 : i32
    %dma_wait3A_210 = tpu.memref_slice %arg6[%dma_wait3A, %dma_wait3A_209] : memref<20x128xi32, #tpu.memory_space<vmem>> -> memref<1x128xi32, #tpu.memory_space<vmem>>
    %dma_wait3A_211 = tpu.memref_squeeze %dma_wait3A_210 : memref<1x128xi32, #tpu.memory_space<vmem>> -> memref<128xi32, #tpu.memory_space<vmem>>
    %dma_wait3A_212 = arith.constant 0 : i32
    %dma_wait3A_213 = arith.constant 0 : i32
    %dma_wait3A_214 = tpu.memref_slice %arg8[%dma_wait3A_212, %dma_wait3A_213] : memref<20400x32xf32, #tpu.memory_space<vmem_shared>> -> memref<20400x32xf32, #tpu.memory_space<vmem_shared>>
    tpu.wait_indirect_dma semaphore(%arg9 : memref<!tpu.dma_semaphore, #tpu.memory_space<semaphore_mem>>) src(%dma_wait3A_208 : memref<128x32xf32, #tpu.memory_space<vmem>>) dst(%dma_wait3A_214 : memref<20400x32xf32, #tpu.memory_space<vmem_shared>>)
    %dma_wait3A_215 = arith.constant 1 : i32
    %dma_wait3A_216 = arith.constant 128 : i32
    %dma_wait3A_217 = arith.constant 0 : i32
    %dma_wait3A_218 = tpu.memref_slice %arg7[%dma_wait3A_216, %dma_wait3A_217] : memref<2560x32xf32, #tpu.memory_space<vmem>> -> memref<128x32xf32, #tpu.memory_space<vmem>>
    %dma_wait3A_219 = arith.constant 0 : i32
    %dma_wait3A_220 = tpu.memref_slice %arg6[%dma_wait3A_215, %dma_wait3A_219] : memref<20x128xi32, #tpu.memory_space<vmem>> -> memref<1x128xi32, #tpu.memory_space<vmem>>
    %dma_wait3A_221 = tpu.memref_squeeze %dma_wait3A_220 : memref<1x128xi32, #tpu.memory_space<vmem>> -> memref<128xi32, #tpu.memory_space<vmem>>
    %dma_wait3A_222 = arith.constant 0 : i32
    %dma_wait3A_223 = arith.constant 0 : i32
    %dma_wait3A_224 = tpu.memref_slice %arg8[%dma_wait3A_222, %dma_wait3A_223] : memref<20400x32xf32, #tpu.memory_space<vmem_shared>> -> memref<20400x32xf32, #tpu.memory_space<vmem_shared>>
    tpu.wait_indirect_dma semaphore(%arg9 : memref<!tpu.dma_semaphore, #tpu.memory_space<semaphore_mem>>) src(%dma_wait3A_218 : memref<128x32xf32, #tpu.memory_space<vmem>>) dst(%dma_wait3A_224 : memref<20400x32xf32, #tpu.memory_space<vmem_shared>>)
    %dma_wait3A_225 = arith.constant 2 : i32
    %dma_wait3A_226 = arith.constant 256 : i32
    %dma_wait3A_227 = arith.constant 0 : i32
    %dma_wait3A_228 = tpu.memref_slice %arg7[%dma_wait3A_226, %dma_wait3A_227] : memref<2560x32xf32, #tpu.memory_space<vmem>> -> memref<128x32xf32, #tpu.memory_space<vmem>>
    %dma_wait3A_229 = arith.constant 0 : i32
    %dma_wait3A_230 = tpu.memref_slice %arg6[%dma_wait3A_225, %dma_wait3A_229] : memref<20x128xi32, #tpu.memory_space<vmem>> -> memref<1x128xi32, #tpu.memory_space<vmem>>
    %dma_wait3A_231 = tpu.memref_squeeze %dma_wait3A_230 : memref<1x128xi32, #tpu.memory_space<vmem>> -> memref<128xi32, #tpu.memory_space<vmem>>
    %dma_wait3A_232 = arith.constant 0 : i32
    %dma_wait3A_233 = arith.constant 0 : i32
    %dma_wait3A_234 = tpu.memref_slice %arg8[%dma_wait3A_232, %dma_wait3A_233] : memref<20400x32xf32, #tpu.memory_space<vmem_shared>> -> memref<20400x32xf32, #tpu.memory_space<vmem_shared>>
    tpu.wait_indirect_dma semaphore(%arg9 : memref<!tpu.dma_semaphore, #tpu.memory_space<semaphore_mem>>) src(%dma_wait3A_228 : memref<128x32xf32, #tpu.memory_space<vmem>>) dst(%dma_wait3A_234 : memref<20400x32xf32, #tpu.memory_space<vmem_shared>>)
    %dma_wait3A_235 = arith.constant 3 : i32
    %dma_wait3A_236 = arith.constant 384 : i32
    %dma_wait3A_237 = arith.constant 0 : i32
    %dma_wait3A_238 = tpu.memref_slice %arg7[%dma_wait3A_236, %dma_wait3A_237] : memref<2560x32xf32, #tpu.memory_space<vmem>> -> memref<128x32xf32, #tpu.memory_space<vmem>>
    %dma_wait3A_239 = arith.constant 0 : i32
    %dma_wait3A_240 = tpu.memref_slice %arg6[%dma_wait3A_235, %dma_wait3A_239] : memref<20x128xi32, #tpu.memory_space<vmem>> -> memref<1x128xi32, #tpu.memory_space<vmem>>
    %dma_wait3A_241 = tpu.memref_squeeze %dma_wait3A_240 : memref<1x128xi32, #tpu.memory_space<vmem>> -> memref<128xi32, #tpu.memory_space<vmem>>
    %dma_wait3A_242 = arith.constant 0 : i32
    %dma_wait3A_243 = arith.constant 0 : i32
    %dma_wait3A_244 = tpu.memref_slice %arg8[%dma_wait3A_242, %dma_wait3A_243] : memref<20400x32xf32, #tpu.memory_space<vmem_shared>> -> memref<20400x32xf32, #tpu.memory_space<vmem_shared>>
    tpu.wait_indirect_dma semaphore(%arg9 : memref<!tpu.dma_semaphore, #tpu.memory_space<semaphore_mem>>) src(%dma_wait3A_238 : memref<128x32xf32, #tpu.memory_space<vmem>>) dst(%dma_wait3A_244 : memref<20400x32xf32, #tpu.memory_space<vmem_shared>>)
    %dma_wait3A_245 = arith.constant 4 : i32
    %dma_wait3A_246 = arith.constant 512 : i32
    %dma_wait3A_247 = arith.constant 0 : i32
    %dma_wait3A_248 = tpu.memref_slice %arg7[%dma_wait3A_246, %dma_wait3A_247] : memref<2560x32xf32, #tpu.memory_space<vmem>> -> memref<128x32xf32, #tpu.memory_space<vmem>>
    %dma_wait3A_249 = arith.constant 0 : i32
    %dma_wait3A_250 = tpu.memref_slice %arg6[%dma_wait3A_245, %dma_wait3A_249] : memref<20x128xi32, #tpu.memory_space<vmem>> -> memref<1x128xi32, #tpu.memory_space<vmem>>
    %dma_wait3A_251 = tpu.memref_squeeze %dma_wait3A_250 : memref<1x128xi32, #tpu.memory_space<vmem>> -> memref<128xi32, #tpu.memory_space<vmem>>
    %dma_wait3A_252 = arith.constant 0 : i32
    %dma_wait3A_253 = arith.constant 0 : i32
    %dma_wait3A_254 = tpu.memref_slice %arg8[%dma_wait3A_252, %dma_wait3A_253] : memref<20400x32xf32, #tpu.memory_space<vmem_shared>> -> memref<20400x32xf32, #tpu.memory_space<vmem_shared>>
    tpu.wait_indirect_dma semaphore(%arg9 : memref<!tpu.dma_semaphore, #tpu.memory_space<semaphore_mem>>) src(%dma_wait3A_248 : memref<128x32xf32, #tpu.memory_space<vmem>>) dst(%dma_wait3A_254 : memref<20400x32xf32, #tpu.memory_space<vmem_shared>>)
    %dma_wait3A_255 = arith.constant 5 : i32
    %dma_wait3A_256 = arith.constant 640 : i32
    %dma_wait3A_257 = arith.constant 0 : i32
    %dma_wait3A_258 = tpu.memref_slice %arg7[%dma_wait3A_256, %dma_wait3A_257] : memref<2560x32xf32, #tpu.memory_space<vmem>> -> memref<128x32xf32, #tpu.memory_space<vmem>>
    %dma_wait3A_259 = arith.constant 0 : i32
    %dma_wait3A_260 = tpu.memref_slice %arg6[%dma_wait3A_255, %dma_wait3A_259] : memref<20x128xi32, #tpu.memory_space<vmem>> -> memref<1x128xi32, #tpu.memory_space<vmem>>
    %dma_wait3A_261 = tpu.memref_squeeze %dma_wait3A_260 : memref<1x128xi32, #tpu.memory_space<vmem>> -> memref<128xi32, #tpu.memory_space<vmem>>
    %dma_wait3A_262 = arith.constant 0 : i32
    %dma_wait3A_263 = arith.constant 0 : i32
    %dma_wait3A_264 = tpu.memref_slice %arg8[%dma_wait3A_262, %dma_wait3A_263] : memref<20400x32xf32, #tpu.memory_space<vmem_shared>> -> memref<20400x32xf32, #tpu.memory_space<vmem_shared>>
    tpu.wait_indirect_dma semaphore(%arg9 : memref<!tpu.dma_semaphore, #tpu.memory_space<semaphore_mem>>) src(%dma_wait3A_258 : memref<128x32xf32, #tpu.memory_space<vmem>>) dst(%dma_wait3A_264 : memref<20400x32xf32, #tpu.memory_space<vmem_shared>>)
    %dma_wait3A_265 = arith.constant 6 : i32
    %dma_wait3A_266 = arith.constant 768 : i32
    %dma_wait3A_267 = arith.constant 0 : i32
    %dma_wait3A_268 = tpu.memref_slice %arg7[%dma_wait3A_266, %dma_wait3A_267] : memref<2560x32xf32, #tpu.memory_space<vmem>> -> memref<128x32xf32, #tpu.memory_space<vmem>>
    %dma_wait3A_269 = arith.constant 0 : i32
    %dma_wait3A_270 = tpu.memref_slice %arg6[%dma_wait3A_265, %dma_wait3A_269] : memref<20x128xi32, #tpu.memory_space<vmem>> -> memref<1x128xi32, #tpu.memory_space<vmem>>
    %dma_wait3A_271 = tpu.memref_squeeze %dma_wait3A_270 : memref<1x128xi32, #tpu.memory_space<vmem>> -> memref<128xi32, #tpu.memory_space<vmem>>
    %dma_wait3A_272 = arith.constant 0 : i32
    %dma_wait3A_273 = arith.constant 0 : i32
    %dma_wait3A_274 = tpu.memref_slice %arg8[%dma_wait3A_272, %dma_wait3A_273] : memref<20400x32xf32, #tpu.memory_space<vmem_shared>> -> memref<20400x32xf32, #tpu.memory_space<vmem_shared>>
    tpu.wait_indirect_dma semaphore(%arg9 : memref<!tpu.dma_semaphore, #tpu.memory_space<semaphore_mem>>) src(%dma_wait3A_268 : memref<128x32xf32, #tpu.memory_space<vmem>>) dst(%dma_wait3A_274 : memref<20400x32xf32, #tpu.memory_space<vmem_shared>>)
    %dma_wait3A_275 = arith.constant 7 : i32
    %dma_wait3A_276 = arith.constant 896 : i32
    %dma_wait3A_277 = arith.constant 0 : i32
    %dma_wait3A_278 = tpu.memref_slice %arg7[%dma_wait3A_276, %dma_wait3A_277] : memref<2560x32xf32, #tpu.memory_space<vmem>> -> memref<128x32xf32, #tpu.memory_space<vmem>>
    %dma_wait3A_279 = arith.constant 0 : i32
    %dma_wait3A_280 = tpu.memref_slice %arg6[%dma_wait3A_275, %dma_wait3A_279] : memref<20x128xi32, #tpu.memory_space<vmem>> -> memref<1x128xi32, #tpu.memory_space<vmem>>
    %dma_wait3A_281 = tpu.memref_squeeze %dma_wait3A_280 : memref<1x128xi32, #tpu.memory_space<vmem>> -> memref<128xi32, #tpu.memory_space<vmem>>
    %dma_wait3A_282 = arith.constant 0 : i32
    %dma_wait3A_283 = arith.constant 0 : i32
    %dma_wait3A_284 = tpu.memref_slice %arg8[%dma_wait3A_282, %dma_wait3A_283] : memref<20400x32xf32, #tpu.memory_space<vmem_shared>> -> memref<20400x32xf32, #tpu.memory_space<vmem_shared>>
    tpu.wait_indirect_dma semaphore(%arg9 : memref<!tpu.dma_semaphore, #tpu.memory_space<semaphore_mem>>) src(%dma_wait3A_278 : memref<128x32xf32, #tpu.memory_space<vmem>>) dst(%dma_wait3A_284 : memref<20400x32xf32, #tpu.memory_space<vmem_shared>>)
    %dma_wait3A_285 = arith.constant 8 : i32
    %dma_wait3A_286 = arith.constant 1024 : i32
    %dma_wait3A_287 = arith.constant 0 : i32
    %dma_wait3A_288 = tpu.memref_slice %arg7[%dma_wait3A_286, %dma_wait3A_287] : memref<2560x32xf32, #tpu.memory_space<vmem>> -> memref<128x32xf32, #tpu.memory_space<vmem>>
    %dma_wait3A_289 = arith.constant 0 : i32
    %dma_wait3A_290 = tpu.memref_slice %arg6[%dma_wait3A_285, %dma_wait3A_289] : memref<20x128xi32, #tpu.memory_space<vmem>> -> memref<1x128xi32, #tpu.memory_space<vmem>>
    %dma_wait3A_291 = tpu.memref_squeeze %dma_wait3A_290 : memref<1x128xi32, #tpu.memory_space<vmem>> -> memref<128xi32, #tpu.memory_space<vmem>>
    %dma_wait3A_292 = arith.constant 0 : i32
    %dma_wait3A_293 = arith.constant 0 : i32
    %dma_wait3A_294 = tpu.memref_slice %arg8[%dma_wait3A_292, %dma_wait3A_293] : memref<20400x32xf32, #tpu.memory_space<vmem_shared>> -> memref<20400x32xf32, #tpu.memory_space<vmem_shared>>
    tpu.wait_indirect_dma semaphore(%arg9 : memref<!tpu.dma_semaphore, #tpu.memory_space<semaphore_mem>>) src(%dma_wait3A_288 : memref<128x32xf32, #tpu.memory_space<vmem>>) dst(%dma_wait3A_294 : memref<20400x32xf32, #tpu.memory_space<vmem_shared>>)
    %dma_wait3A_295 = arith.constant 9 : i32
    %dma_wait3A_296 = arith.constant 1152 : i32
    %dma_wait3A_297 = arith.constant 0 : i32
    %dma_wait3A_298 = tpu.memref_slice %arg7[%dma_wait3A_296, %dma_wait3A_297] : memref<2560x32xf32, #tpu.memory_space<vmem>> -> memref<128x32xf32, #tpu.memory_space<vmem>>
    %dma_wait3A_299 = arith.constant 0 : i32
    %dma_wait3A_300 = tpu.memref_slice %arg6[%dma_wait3A_295, %dma_wait3A_299] : memref<20x128xi32, #tpu.memory_space<vmem>> -> memref<1x128xi32, #tpu.memory_space<vmem>>
    %dma_wait3A_301 = tpu.memref_squeeze %dma_wait3A_300 : memref<1x128xi32, #tpu.memory_space<vmem>> -> memref<128xi32, #tpu.memory_space<vmem>>
    %dma_wait3A_302 = arith.constant 0 : i32
    %dma_wait3A_303 = arith.constant 0 : i32
    %dma_wait3A_304 = tpu.memref_slice %arg8[%dma_wait3A_302, %dma_wait3A_303] : memref<20400x32xf32, #tpu.memory_space<vmem_shared>> -> memref<20400x32xf32, #tpu.memory_space<vmem_shared>>
    tpu.wait_indirect_dma semaphore(%arg9 : memref<!tpu.dma_semaphore, #tpu.memory_space<semaphore_mem>>) src(%dma_wait3A_298 : memref<128x32xf32, #tpu.memory_space<vmem>>) dst(%dma_wait3A_304 : memref<20400x32xf32, #tpu.memory_space<vmem_shared>>)
    %dma_wait3A_305 = arith.constant 10 : i32
    %dma_wait3A_306 = arith.constant 1280 : i32
    %dma_wait3A_307 = arith.constant 0 : i32
    %dma_wait3A_308 = tpu.memref_slice %arg7[%dma_wait3A_306, %dma_wait3A_307] : memref<2560x32xf32, #tpu.memory_space<vmem>> -> memref<128x32xf32, #tpu.memory_space<vmem>>
    %dma_wait3A_309 = arith.constant 0 : i32
    %dma_wait3A_310 = tpu.memref_slice %arg6[%dma_wait3A_305, %dma_wait3A_309] : memref<20x128xi32, #tpu.memory_space<vmem>> -> memref<1x128xi32, #tpu.memory_space<vmem>>
    %dma_wait3A_311 = tpu.memref_squeeze %dma_wait3A_310 : memref<1x128xi32, #tpu.memory_space<vmem>> -> memref<128xi32, #tpu.memory_space<vmem>>
    %dma_wait3A_312 = arith.constant 0 : i32
    %dma_wait3A_313 = arith.constant 0 : i32
    %dma_wait3A_314 = tpu.memref_slice %arg8[%dma_wait3A_312, %dma_wait3A_313] : memref<20400x32xf32, #tpu.memory_space<vmem_shared>> -> memref<20400x32xf32, #tpu.memory_space<vmem_shared>>
    tpu.wait_indirect_dma semaphore(%arg9 : memref<!tpu.dma_semaphore, #tpu.memory_space<semaphore_mem>>) src(%dma_wait3A_308 : memref<128x32xf32, #tpu.memory_space<vmem>>) dst(%dma_wait3A_314 : memref<20400x32xf32, #tpu.memory_space<vmem_shared>>)
    %dma_wait3A_315 = arith.constant 11 : i32
    %dma_wait3A_316 = arith.constant 1408 : i32
    %dma_wait3A_317 = arith.constant 0 : i32
    %dma_wait3A_318 = tpu.memref_slice %arg7[%dma_wait3A_316, %dma_wait3A_317] : memref<2560x32xf32, #tpu.memory_space<vmem>> -> memref<128x32xf32, #tpu.memory_space<vmem>>
    %dma_wait3A_319 = arith.constant 0 : i32
    %dma_wait3A_320 = tpu.memref_slice %arg6[%dma_wait3A_315, %dma_wait3A_319] : memref<20x128xi32, #tpu.memory_space<vmem>> -> memref<1x128xi32, #tpu.memory_space<vmem>>
    %dma_wait3A_321 = tpu.memref_squeeze %dma_wait3A_320 : memref<1x128xi32, #tpu.memory_space<vmem>> -> memref<128xi32, #tpu.memory_space<vmem>>
    %dma_wait3A_322 = arith.constant 0 : i32
    %dma_wait3A_323 = arith.constant 0 : i32
    %dma_wait3A_324 = tpu.memref_slice %arg8[%dma_wait3A_322, %dma_wait3A_323] : memref<20400x32xf32, #tpu.memory_space<vmem_shared>> -> memref<20400x32xf32, #tpu.memory_space<vmem_shared>>
    tpu.wait_indirect_dma semaphore(%arg9 : memref<!tpu.dma_semaphore, #tpu.memory_space<semaphore_mem>>) src(%dma_wait3A_318 : memref<128x32xf32, #tpu.memory_space<vmem>>) dst(%dma_wait3A_324 : memref<20400x32xf32, #tpu.memory_space<vmem_shared>>)
    %dma_wait3A_325 = arith.constant 12 : i32
    %dma_wait3A_326 = arith.constant 1536 : i32
    %dma_wait3A_327 = arith.constant 0 : i32
    %dma_wait3A_328 = tpu.memref_slice %arg7[%dma_wait3A_326, %dma_wait3A_327] : memref<2560x32xf32, #tpu.memory_space<vmem>> -> memref<128x32xf32, #tpu.memory_space<vmem>>
    %dma_wait3A_329 = arith.constant 0 : i32
    %dma_wait3A_330 = tpu.memref_slice %arg6[%dma_wait3A_325, %dma_wait3A_329] : memref<20x128xi32, #tpu.memory_space<vmem>> -> memref<1x128xi32, #tpu.memory_space<vmem>>
    %dma_wait3A_331 = tpu.memref_squeeze %dma_wait3A_330 : memref<1x128xi32, #tpu.memory_space<vmem>> -> memref<128xi32, #tpu.memory_space<vmem>>
    %dma_wait3A_332 = arith.constant 0 : i32
    %dma_wait3A_333 = arith.constant 0 : i32
    %dma_wait3A_334 = tpu.memref_slice %arg8[%dma_wait3A_332, %dma_wait3A_333] : memref<20400x32xf32, #tpu.memory_space<vmem_shared>> -> memref<20400x32xf32, #tpu.memory_space<vmem_shared>>
    tpu.wait_indirect_dma semaphore(%arg9 : memref<!tpu.dma_semaphore, #tpu.memory_space<semaphore_mem>>) src(%dma_wait3A_328 : memref<128x32xf32, #tpu.memory_space<vmem>>) dst(%dma_wait3A_334 : memref<20400x32xf32, #tpu.memory_space<vmem_shared>>)
    %dma_wait3A_335 = arith.constant 13 : i32
    %dma_wait3A_336 = arith.constant 1664 : i32
    %dma_wait3A_337 = arith.constant 0 : i32
    %dma_wait3A_338 = tpu.memref_slice %arg7[%dma_wait3A_336, %dma_wait3A_337] : memref<2560x32xf32, #tpu.memory_space<vmem>> -> memref<128x32xf32, #tpu.memory_space<vmem>>
    %dma_wait3A_339 = arith.constant 0 : i32
    %dma_wait3A_340 = tpu.memref_slice %arg6[%dma_wait3A_335, %dma_wait3A_339] : memref<20x128xi32, #tpu.memory_space<vmem>> -> memref<1x128xi32, #tpu.memory_space<vmem>>
    %dma_wait3A_341 = tpu.memref_squeeze %dma_wait3A_340 : memref<1x128xi32, #tpu.memory_space<vmem>> -> memref<128xi32, #tpu.memory_space<vmem>>
    %dma_wait3A_342 = arith.constant 0 : i32
    %dma_wait3A_343 = arith.constant 0 : i32
    %dma_wait3A_344 = tpu.memref_slice %arg8[%dma_wait3A_342, %dma_wait3A_343] : memref<20400x32xf32, #tpu.memory_space<vmem_shared>> -> memref<20400x32xf32, #tpu.memory_space<vmem_shared>>
    tpu.wait_indirect_dma semaphore(%arg9 : memref<!tpu.dma_semaphore, #tpu.memory_space<semaphore_mem>>) src(%dma_wait3A_338 : memref<128x32xf32, #tpu.memory_space<vmem>>) dst(%dma_wait3A_344 : memref<20400x32xf32, #tpu.memory_space<vmem_shared>>)
    %dma_wait3A_345 = arith.constant 14 : i32
    %dma_wait3A_346 = arith.constant 1792 : i32
    %dma_wait3A_347 = arith.constant 0 : i32
    %dma_wait3A_348 = tpu.memref_slice %arg7[%dma_wait3A_346, %dma_wait3A_347] : memref<2560x32xf32, #tpu.memory_space<vmem>> -> memref<128x32xf32, #tpu.memory_space<vmem>>
    %dma_wait3A_349 = arith.constant 0 : i32
    %dma_wait3A_350 = tpu.memref_slice %arg6[%dma_wait3A_345, %dma_wait3A_349] : memref<20x128xi32, #tpu.memory_space<vmem>> -> memref<1x128xi32, #tpu.memory_space<vmem>>
    %dma_wait3A_351 = tpu.memref_squeeze %dma_wait3A_350 : memref<1x128xi32, #tpu.memory_space<vmem>> -> memref<128xi32, #tpu.memory_space<vmem>>
    %dma_wait3A_352 = arith.constant 0 : i32
    %dma_wait3A_353 = arith.constant 0 : i32
    %dma_wait3A_354 = tpu.memref_slice %arg8[%dma_wait3A_352, %dma_wait3A_353] : memref<20400x32xf32, #tpu.memory_space<vmem_shared>> -> memref<20400x32xf32, #tpu.memory_space<vmem_shared>>
    tpu.wait_indirect_dma semaphore(%arg9 : memref<!tpu.dma_semaphore, #tpu.memory_space<semaphore_mem>>) src(%dma_wait3A_348 : memref<128x32xf32, #tpu.memory_space<vmem>>) dst(%dma_wait3A_354 : memref<20400x32xf32, #tpu.memory_space<vmem_shared>>)
    %dma_wait3A_355 = arith.constant 15 : i32
    %dma_wait3A_356 = arith.constant 1920 : i32
    %dma_wait3A_357 = arith.constant 0 : i32
    %dma_wait3A_358 = tpu.memref_slice %arg7[%dma_wait3A_356, %dma_wait3A_357] : memref<2560x32xf32, #tpu.memory_space<vmem>> -> memref<128x32xf32, #tpu.memory_space<vmem>>
    %dma_wait3A_359 = arith.constant 0 : i32
    %dma_wait3A_360 = tpu.memref_slice %arg6[%dma_wait3A_355, %dma_wait3A_359] : memref<20x128xi32, #tpu.memory_space<vmem>> -> memref<1x128xi32, #tpu.memory_space<vmem>>
    %dma_wait3A_361 = tpu.memref_squeeze %dma_wait3A_360 : memref<1x128xi32, #tpu.memory_space<vmem>> -> memref<128xi32, #tpu.memory_space<vmem>>
    %dma_wait3A_362 = arith.constant 0 : i32
    %dma_wait3A_363 = arith.constant 0 : i32
    %dma_wait3A_364 = tpu.memref_slice %arg8[%dma_wait3A_362, %dma_wait3A_363] : memref<20400x32xf32, #tpu.memory_space<vmem_shared>> -> memref<20400x32xf32, #tpu.memory_space<vmem_shared>>
    tpu.wait_indirect_dma semaphore(%arg9 : memref<!tpu.dma_semaphore, #tpu.memory_space<semaphore_mem>>) src(%dma_wait3A_358 : memref<128x32xf32, #tpu.memory_space<vmem>>) dst(%dma_wait3A_364 : memref<20400x32xf32, #tpu.memory_space<vmem_shared>>)
    %dma_wait3A_365 = arith.constant 16 : i32
    %dma_wait3A_366 = arith.constant 2048 : i32
    %dma_wait3A_367 = arith.constant 0 : i32
    %dma_wait3A_368 = tpu.memref_slice %arg7[%dma_wait3A_366, %dma_wait3A_367] : memref<2560x32xf32, #tpu.memory_space<vmem>> -> memref<128x32xf32, #tpu.memory_space<vmem>>
    %dma_wait3A_369 = arith.constant 0 : i32
    %dma_wait3A_370 = tpu.memref_slice %arg6[%dma_wait3A_365, %dma_wait3A_369] : memref<20x128xi32, #tpu.memory_space<vmem>> -> memref<1x128xi32, #tpu.memory_space<vmem>>
    %dma_wait3A_371 = tpu.memref_squeeze %dma_wait3A_370 : memref<1x128xi32, #tpu.memory_space<vmem>> -> memref<128xi32, #tpu.memory_space<vmem>>
    %dma_wait3A_372 = arith.constant 0 : i32
    %dma_wait3A_373 = arith.constant 0 : i32
    %dma_wait3A_374 = tpu.memref_slice %arg8[%dma_wait3A_372, %dma_wait3A_373] : memref<20400x32xf32, #tpu.memory_space<vmem_shared>> -> memref<20400x32xf32, #tpu.memory_space<vmem_shared>>
    tpu.wait_indirect_dma semaphore(%arg9 : memref<!tpu.dma_semaphore, #tpu.memory_space<semaphore_mem>>) src(%dma_wait3A_368 : memref<128x32xf32, #tpu.memory_space<vmem>>) dst(%dma_wait3A_374 : memref<20400x32xf32, #tpu.memory_space<vmem_shared>>)
    %dma_wait3A_375 = arith.constant 17 : i32
    %dma_wait3A_376 = arith.constant 2176 : i32
    %dma_wait3A_377 = arith.constant 0 : i32
    %dma_wait3A_378 = tpu.memref_slice %arg7[%dma_wait3A_376, %dma_wait3A_377] : memref<2560x32xf32, #tpu.memory_space<vmem>> -> memref<128x32xf32, #tpu.memory_space<vmem>>
    %dma_wait3A_379 = arith.constant 0 : i32
    %dma_wait3A_380 = tpu.memref_slice %arg6[%dma_wait3A_375, %dma_wait3A_379] : memref<20x128xi32, #tpu.memory_space<vmem>> -> memref<1x128xi32, #tpu.memory_space<vmem>>
    %dma_wait3A_381 = tpu.memref_squeeze %dma_wait3A_380 : memref<1x128xi32, #tpu.memory_space<vmem>> -> memref<128xi32, #tpu.memory_space<vmem>>
    %dma_wait3A_382 = arith.constant 0 : i32
    %dma_wait3A_383 = arith.constant 0 : i32
    %dma_wait3A_384 = tpu.memref_slice %arg8[%dma_wait3A_382, %dma_wait3A_383] : memref<20400x32xf32, #tpu.memory_space<vmem_shared>> -> memref<20400x32xf32, #tpu.memory_space<vmem_shared>>
    tpu.wait_indirect_dma semaphore(%arg9 : memref<!tpu.dma_semaphore, #tpu.memory_space<semaphore_mem>>) src(%dma_wait3A_378 : memref<128x32xf32, #tpu.memory_space<vmem>>) dst(%dma_wait3A_384 : memref<20400x32xf32, #tpu.memory_space<vmem_shared>>)
    %dma_wait3A_385 = arith.constant 18 : i32
    %dma_wait3A_386 = arith.constant 2304 : i32
    %dma_wait3A_387 = arith.constant 0 : i32
    %dma_wait3A_388 = tpu.memref_slice %arg7[%dma_wait3A_386, %dma_wait3A_387] : memref<2560x32xf32, #tpu.memory_space<vmem>> -> memref<128x32xf32, #tpu.memory_space<vmem>>
    %dma_wait3A_389 = arith.constant 0 : i32
    %dma_wait3A_390 = tpu.memref_slice %arg6[%dma_wait3A_385, %dma_wait3A_389] : memref<20x128xi32, #tpu.memory_space<vmem>> -> memref<1x128xi32, #tpu.memory_space<vmem>>
    %dma_wait3A_391 = tpu.memref_squeeze %dma_wait3A_390 : memref<1x128xi32, #tpu.memory_space<vmem>> -> memref<128xi32, #tpu.memory_space<vmem>>
    %dma_wait3A_392 = arith.constant 0 : i32
    %dma_wait3A_393 = arith.constant 0 : i32
    %dma_wait3A_394 = tpu.memref_slice %arg8[%dma_wait3A_392, %dma_wait3A_393] : memref<20400x32xf32, #tpu.memory_space<vmem_shared>> -> memref<20400x32xf32, #tpu.memory_space<vmem_shared>>
    tpu.wait_indirect_dma semaphore(%arg9 : memref<!tpu.dma_semaphore, #tpu.memory_space<semaphore_mem>>) src(%dma_wait3A_388 : memref<128x32xf32, #tpu.memory_space<vmem>>) dst(%dma_wait3A_394 : memref<20400x32xf32, #tpu.memory_space<vmem_shared>>)
    %dma_wait3A_395 = arith.constant 19 : i32
    %dma_wait3A_396 = arith.constant 2432 : i32
    %dma_wait3A_397 = arith.constant 0 : i32
    %dma_wait3A_398 = tpu.memref_slice %arg7[%dma_wait3A_396, %dma_wait3A_397] : memref<2560x32xf32, #tpu.memory_space<vmem>> -> memref<128x32xf32, #tpu.memory_space<vmem>>
    %dma_wait3A_399 = arith.constant 0 : i32
    %dma_wait3A_400 = tpu.memref_slice %arg6[%dma_wait3A_395, %dma_wait3A_399] : memref<20x128xi32, #tpu.memory_space<vmem>> -> memref<1x128xi32, #tpu.memory_space<vmem>>
    %dma_wait3A_401 = tpu.memref_squeeze %dma_wait3A_400 : memref<1x128xi32, #tpu.memory_space<vmem>> -> memref<128xi32, #tpu.memory_space<vmem>>
    %dma_wait3A_402 = arith.constant 0 : i32
    %dma_wait3A_403 = arith.constant 0 : i32
    %dma_wait3A_404 = tpu.memref_slice %arg8[%dma_wait3A_402, %dma_wait3A_403] : memref<20400x32xf32, #tpu.memory_space<vmem_shared>> -> memref<20400x32xf32, #tpu.memory_space<vmem_shared>>
    tpu.wait_indirect_dma semaphore(%arg9 : memref<!tpu.dma_semaphore, #tpu.memory_space<semaphore_mem>>) src(%dma_wait3A_398 : memref<128x32xf32, #tpu.memory_space<vmem>>) dst(%dma_wait3A_404 : memref<20400x32xf32, #tpu.memory_space<vmem_shared>>)
    %barrier3A_405 = arith.constant 0 : index
    tpu.barrier barrier_id(%barrier3A_405)
    %mul3A_406 = arith.constant 1275 : i32
    %mul3A_407 = arith.muli %arg1, %mul3A_406 : i32
    %mul3A_408 = arith.constant 1275 : i32
    %mul3A_409 = arith.muli %arg1, %mul3A_408 : i32
    %mul3A_410 = arith.constant 32 : i32
    %mul3A_411 = arith.muli %arg0, %mul3A_410 : i32
    "tpu.region"() ({
      %run_scoped3A = tpu.sem_alloc : memref<!tpu.dma_semaphore, #tpu.memory_space<semaphore_mem>>
      %dma_start3A_412 = tpu.memref_slice %arg5[%mul3A_409, %mul3A_411] : memref<20400x64xf32, #tpu.memory_space<hbm>> -> memref<1275x32xf32, #tpu.memory_space<hbm>>
      %dma_start3A_413 = arith.constant 0 : i32
      %dma_start3A_414 = tpu.memref_slice %arg8[%mul3A_407, %dma_start3A_413] : memref<20400x32xf32, #tpu.memory_space<vmem_shared>> -> memref<1275x32xf32, #tpu.memory_space<vmem_shared>>
      tpu.enqueue_dma source(%dma_start3A_414 : memref<1275x32xf32, #tpu.memory_space<vmem_shared>>) target(%dma_start3A_412 : memref<1275x32xf32, #tpu.memory_space<hbm>>) target_semaphore(%run_scoped3A : memref<!tpu.dma_semaphore, #tpu.memory_space<semaphore_mem>>)
      %dma_wait3A_415 = tpu.memref_slice %arg5[%mul3A_409, %mul3A_411] : memref<20400x64xf32, #tpu.memory_space<hbm>> -> memref<1275x32xf32, #tpu.memory_space<hbm>>
      %dma_wait3A_416 = arith.constant 0 : i32
      %dma_wait3A_417 = tpu.memref_slice %arg8[%mul3A_407, %dma_wait3A_416] : memref<20400x32xf32, #tpu.memory_space<vmem_shared>> -> memref<1275x32xf32, #tpu.memory_space<vmem_shared>>
      tpu.wait_dma2 semaphore(%run_scoped3A : memref<!tpu.dma_semaphore, #tpu.memory_space<semaphore_mem>>) src(%dma_wait3A_417 : memref<1275x32xf32, #tpu.memory_space<vmem_shared>>) dst(%dma_wait3A_415 : memref<1275x32xf32, #tpu.memory_space<hbm>>)
      tpu.yield
    }) : () -> ()
    return
  }
}

module attributes {stable_mosaic.version = 14 : i64} {
  func.func @body(%arg0: i32, %arg1: memref<4096x64xf32, #tpu.memory_space<vmem>>, %arg2: memref<4096x16xf32, #tpu.memory_space<vmem>>, %arg3: memref<1088x64xbf16, #tpu.memory_space<vmem>>, %arg4: memref<16x1024xf32, #tpu.memory_space<vmem>>, %arg5: memref<4096x64xf32, #tpu.memory_space<vmem>>, %arg6: memref<4096x1088xbf16, #tpu.memory_space<vmem>>, %arg7: memref<4096x1024xf32, #tpu.memory_space<vmem>>) attributes {dimension_semantics = [#tpu.dimension_semantics<arbitrary>], iteration_bounds = array<i64: 10>, scalar_prefetch = 0 : i64, scratch_operands = 2 : i64, tpu.core_type = #tpu.core_type<tc>, window_params = [{transform_indices = @transform_0, window_bounds = array<i64: 4096, 64>}, {transform_indices = @transform_1, window_bounds = array<i64: 4096, 16>}, {pipeline_mode = #tpu.pipeline_mode<synchronous>, transform_indices = @transform_2, window_bounds = array<i64: 1088, 64>}, {pipeline_mode = #tpu.pipeline_mode<synchronous>, transform_indices = @transform_3, window_bounds = array<i64: 16, 1024>}, {transform_indices = @transform_4, window_bounds = array<i64: 4096, 64>}]} {
    %get3A = arith.constant 0 : index
    %get3A_0 = arith.constant 0 : index
    %get3A_1 = vector.load %arg2[%get3A, %get3A_0] : memref<4096x16xf32, #tpu.memory_space<vmem>>, vector<4096x16xf32>
    %get3A_2 = arith.constant 0 : index
    %get3A_3 = arith.constant 0 : index
    %get3A_4 = vector.load %arg4[%get3A_2, %get3A_3] : memref<16x1024xf32, #tpu.memory_space<vmem>>, vector<16x1024xf32>
    %dot_general3A = arith.constant dense<0.000000e+00> : vector<4096x1024xf32>
    %dot_general3A_5 = tpu.matmul %get3A_1, %get3A_4, %dot_general3A {dimension_numbers = #tpu.dot_dimension_numbers<[1], [0], [0], [1], [0, 0, 1, 1], [], []>, transpose_lhs_hint = false} : vector<4096x16xf32>, vector<16x1024xf32>, vector<4096x1024xf32> -> vector<4096x1024xf32>
    %swap3A = arith.constant 0 : index
    %swap3A_6 = arith.constant 0 : index
    %swap3A_7 = vector.load %arg7[%swap3A, %swap3A_6] : memref<4096x1024xf32, #tpu.memory_space<vmem>>, vector<4096x1024xf32>
    tpu.vector_store %arg7[%swap3A, %swap3A_6], %dot_general3A_5 {strides = array<i32>} : memref<4096x1024xf32, #tpu.memory_space<vmem>>, vector<4096x1024xf32>,
    %get3A_8 = arith.constant 0 : index
    %get3A_9 = arith.constant 0 : index
    %get3A_10 = vector.load %arg1[%get3A_8, %get3A_9] : memref<4096x64xf32, #tpu.memory_space<vmem>>, vector<4096x64xf32>
    %get3A_11 = arith.constant 0 : index
    %get3A_12 = arith.constant 0 : index
    %get3A_13 = vector.load %arg7[%get3A_11, %get3A_12] : memref<4096x1024xf32, #tpu.memory_space<vmem>>, vector<4096x64xf32>
    %mul3A = arith.mulf %get3A_13, %get3A_10 : vector<4096x64xf32>
    %convert_element_type3A = arith.truncf %mul3A : vector<4096x64xf32> to vector<4096x64xbf16>
    %swap3A_14 = arith.constant 0 : index
    %swap3A_15 = arith.constant 0 : index
    %swap3A_16 = vector.load %arg6[%swap3A_14, %swap3A_15] : memref<4096x1088xbf16, #tpu.memory_space<vmem>>, vector<4096x64xbf16>
    tpu.vector_store %arg6[%swap3A_14, %swap3A_15], %convert_element_type3A {strides = array<i32>} : memref<4096x1088xbf16, #tpu.memory_space<vmem>>, vector<4096x64xbf16>,
    %get3A_17 = arith.constant 0 : index
    %get3A_18 = arith.constant 64 : index
    %get3A_19 = vector.load %arg7[%get3A_17, %get3A_18] : memref<4096x1024xf32, #tpu.memory_space<vmem>>, vector<4096x64xf32>
    %mul3A_20 = arith.mulf %get3A_19, %get3A_10 : vector<4096x64xf32>
    %convert_element_type3A_21 = arith.truncf %mul3A_20 : vector<4096x64xf32> to vector<4096x64xbf16>
    %swap3A_22 = arith.constant 0 : index
    %swap3A_23 = arith.constant 64 : index
    %swap3A_24 = vector.load %arg6[%swap3A_22, %swap3A_23] : memref<4096x1088xbf16, #tpu.memory_space<vmem>>, vector<4096x64xbf16>
    tpu.vector_store %arg6[%swap3A_22, %swap3A_23], %convert_element_type3A_21 {strides = array<i32>} : memref<4096x1088xbf16, #tpu.memory_space<vmem>>, vector<4096x64xbf16>,
    %get3A_25 = arith.constant 0 : index
    %get3A_26 = arith.constant 128 : index
    %get3A_27 = vector.load %arg7[%get3A_25, %get3A_26] : memref<4096x1024xf32, #tpu.memory_space<vmem>>, vector<4096x64xf32>
    %mul3A_28 = arith.mulf %get3A_27, %get3A_10 : vector<4096x64xf32>
    %convert_element_type3A_29 = arith.truncf %mul3A_28 : vector<4096x64xf32> to vector<4096x64xbf16>
    %swap3A_30 = arith.constant 0 : index
    %swap3A_31 = arith.constant 128 : index
    %swap3A_32 = vector.load %arg6[%swap3A_30, %swap3A_31] : memref<4096x1088xbf16, #tpu.memory_space<vmem>>, vector<4096x64xbf16>
    tpu.vector_store %arg6[%swap3A_30, %swap3A_31], %convert_element_type3A_29 {strides = array<i32>} : memref<4096x1088xbf16, #tpu.memory_space<vmem>>, vector<4096x64xbf16>,
    %get3A_33 = arith.constant 0 : index
    %get3A_34 = arith.constant 192 : index
    %get3A_35 = vector.load %arg7[%get3A_33, %get3A_34] : memref<4096x1024xf32, #tpu.memory_space<vmem>>, vector<4096x64xf32>
    %mul3A_36 = arith.mulf %get3A_35, %get3A_10 : vector<4096x64xf32>
    %convert_element_type3A_37 = arith.truncf %mul3A_36 : vector<4096x64xf32> to vector<4096x64xbf16>
    %swap3A_38 = arith.constant 0 : index
    %swap3A_39 = arith.constant 192 : index
    %swap3A_40 = vector.load %arg6[%swap3A_38, %swap3A_39] : memref<4096x1088xbf16, #tpu.memory_space<vmem>>, vector<4096x64xbf16>
    tpu.vector_store %arg6[%swap3A_38, %swap3A_39], %convert_element_type3A_37 {strides = array<i32>} : memref<4096x1088xbf16, #tpu.memory_space<vmem>>, vector<4096x64xbf16>,
    %get3A_41 = arith.constant 0 : index
    %get3A_42 = arith.constant 256 : index
    %get3A_43 = vector.load %arg7[%get3A_41, %get3A_42] : memref<4096x1024xf32, #tpu.memory_space<vmem>>, vector<4096x64xf32>
    %mul3A_44 = arith.mulf %get3A_43, %get3A_10 : vector<4096x64xf32>
    %convert_element_type3A_45 = arith.truncf %mul3A_44 : vector<4096x64xf32> to vector<4096x64xbf16>
    %swap3A_46 = arith.constant 0 : index
    %swap3A_47 = arith.constant 256 : index
    %swap3A_48 = vector.load %arg6[%swap3A_46, %swap3A_47] : memref<4096x1088xbf16, #tpu.memory_space<vmem>>, vector<4096x64xbf16>
    tpu.vector_store %arg6[%swap3A_46, %swap3A_47], %convert_element_type3A_45 {strides = array<i32>} : memref<4096x1088xbf16, #tpu.memory_space<vmem>>, vector<4096x64xbf16>,
    %get3A_49 = arith.constant 0 : index
    %get3A_50 = arith.constant 320 : index
    %get3A_51 = vector.load %arg7[%get3A_49, %get3A_50] : memref<4096x1024xf32, #tpu.memory_space<vmem>>, vector<4096x64xf32>
    %mul3A_52 = arith.mulf %get3A_51, %get3A_10 : vector<4096x64xf32>
    %convert_element_type3A_53 = arith.truncf %mul3A_52 : vector<4096x64xf32> to vector<4096x64xbf16>
    %swap3A_54 = arith.constant 0 : index
    %swap3A_55 = arith.constant 320 : index
    %swap3A_56 = vector.load %arg6[%swap3A_54, %swap3A_55] : memref<4096x1088xbf16, #tpu.memory_space<vmem>>, vector<4096x64xbf16>
    tpu.vector_store %arg6[%swap3A_54, %swap3A_55], %convert_element_type3A_53 {strides = array<i32>} : memref<4096x1088xbf16, #tpu.memory_space<vmem>>, vector<4096x64xbf16>,
    %get3A_57 = arith.constant 0 : index
    %get3A_58 = arith.constant 384 : index
    %get3A_59 = vector.load %arg7[%get3A_57, %get3A_58] : memref<4096x1024xf32, #tpu.memory_space<vmem>>, vector<4096x64xf32>
    %mul3A_60 = arith.mulf %get3A_59, %get3A_10 : vector<4096x64xf32>
    %convert_element_type3A_61 = arith.truncf %mul3A_60 : vector<4096x64xf32> to vector<4096x64xbf16>
    %swap3A_62 = arith.constant 0 : index
    %swap3A_63 = arith.constant 384 : index
    %swap3A_64 = vector.load %arg6[%swap3A_62, %swap3A_63] : memref<4096x1088xbf16, #tpu.memory_space<vmem>>, vector<4096x64xbf16>
    tpu.vector_store %arg6[%swap3A_62, %swap3A_63], %convert_element_type3A_61 {strides = array<i32>} : memref<4096x1088xbf16, #tpu.memory_space<vmem>>, vector<4096x64xbf16>,
    %get3A_65 = arith.constant 0 : index
    %get3A_66 = arith.constant 448 : index
    %get3A_67 = vector.load %arg7[%get3A_65, %get3A_66] : memref<4096x1024xf32, #tpu.memory_space<vmem>>, vector<4096x64xf32>
    %mul3A_68 = arith.mulf %get3A_67, %get3A_10 : vector<4096x64xf32>
    %convert_element_type3A_69 = arith.truncf %mul3A_68 : vector<4096x64xf32> to vector<4096x64xbf16>
    %swap3A_70 = arith.constant 0 : index
    %swap3A_71 = arith.constant 448 : index
    %swap3A_72 = vector.load %arg6[%swap3A_70, %swap3A_71] : memref<4096x1088xbf16, #tpu.memory_space<vmem>>, vector<4096x64xbf16>
    tpu.vector_store %arg6[%swap3A_70, %swap3A_71], %convert_element_type3A_69 {strides = array<i32>} : memref<4096x1088xbf16, #tpu.memory_space<vmem>>, vector<4096x64xbf16>,
    %get3A_73 = arith.constant 0 : index
    %get3A_74 = arith.constant 512 : index
    %get3A_75 = vector.load %arg7[%get3A_73, %get3A_74] : memref<4096x1024xf32, #tpu.memory_space<vmem>>, vector<4096x64xf32>
    %mul3A_76 = arith.mulf %get3A_75, %get3A_10 : vector<4096x64xf32>
    %convert_element_type3A_77 = arith.truncf %mul3A_76 : vector<4096x64xf32> to vector<4096x64xbf16>
    %swap3A_78 = arith.constant 0 : index
    %swap3A_79 = arith.constant 512 : index
    %swap3A_80 = vector.load %arg6[%swap3A_78, %swap3A_79] : memref<4096x1088xbf16, #tpu.memory_space<vmem>>, vector<4096x64xbf16>
    tpu.vector_store %arg6[%swap3A_78, %swap3A_79], %convert_element_type3A_77 {strides = array<i32>} : memref<4096x1088xbf16, #tpu.memory_space<vmem>>, vector<4096x64xbf16>,
    %get3A_81 = arith.constant 0 : index
    %get3A_82 = arith.constant 576 : index
    %get3A_83 = vector.load %arg7[%get3A_81, %get3A_82] : memref<4096x1024xf32, #tpu.memory_space<vmem>>, vector<4096x64xf32>
    %mul3A_84 = arith.mulf %get3A_83, %get3A_10 : vector<4096x64xf32>
    %convert_element_type3A_85 = arith.truncf %mul3A_84 : vector<4096x64xf32> to vector<4096x64xbf16>
    %swap3A_86 = arith.constant 0 : index
    %swap3A_87 = arith.constant 576 : index
    %swap3A_88 = vector.load %arg6[%swap3A_86, %swap3A_87] : memref<4096x1088xbf16, #tpu.memory_space<vmem>>, vector<4096x64xbf16>
    tpu.vector_store %arg6[%swap3A_86, %swap3A_87], %convert_element_type3A_85 {strides = array<i32>} : memref<4096x1088xbf16, #tpu.memory_space<vmem>>, vector<4096x64xbf16>,
    %get3A_89 = arith.constant 0 : index
    %get3A_90 = arith.constant 640 : index
    %get3A_91 = vector.load %arg7[%get3A_89, %get3A_90] : memref<4096x1024xf32, #tpu.memory_space<vmem>>, vector<4096x64xf32>
    %mul3A_92 = arith.mulf %get3A_91, %get3A_10 : vector<4096x64xf32>
    %convert_element_type3A_93 = arith.truncf %mul3A_92 : vector<4096x64xf32> to vector<4096x64xbf16>
    %swap3A_94 = arith.constant 0 : index
    %swap3A_95 = arith.constant 640 : index
    %swap3A_96 = vector.load %arg6[%swap3A_94, %swap3A_95] : memref<4096x1088xbf16, #tpu.memory_space<vmem>>, vector<4096x64xbf16>
    tpu.vector_store %arg6[%swap3A_94, %swap3A_95], %convert_element_type3A_93 {strides = array<i32>} : memref<4096x1088xbf16, #tpu.memory_space<vmem>>, vector<4096x64xbf16>,
    %get3A_97 = arith.constant 0 : index
    %get3A_98 = arith.constant 704 : index
    %get3A_99 = vector.load %arg7[%get3A_97, %get3A_98] : memref<4096x1024xf32, #tpu.memory_space<vmem>>, vector<4096x64xf32>
    %mul3A_100 = arith.mulf %get3A_99, %get3A_10 : vector<4096x64xf32>
    %convert_element_type3A_101 = arith.truncf %mul3A_100 : vector<4096x64xf32> to vector<4096x64xbf16>
    %swap3A_102 = arith.constant 0 : index
    %swap3A_103 = arith.constant 704 : index
    %swap3A_104 = vector.load %arg6[%swap3A_102, %swap3A_103] : memref<4096x1088xbf16, #tpu.memory_space<vmem>>, vector<4096x64xbf16>
    tpu.vector_store %arg6[%swap3A_102, %swap3A_103], %convert_element_type3A_101 {strides = array<i32>} : memref<4096x1088xbf16, #tpu.memory_space<vmem>>, vector<4096x64xbf16>,
    %get3A_105 = arith.constant 0 : index
    %get3A_106 = arith.constant 768 : index
    %get3A_107 = vector.load %arg7[%get3A_105, %get3A_106] : memref<4096x1024xf32, #tpu.memory_space<vmem>>, vector<4096x64xf32>
    %mul3A_108 = arith.mulf %get3A_107, %get3A_10 : vector<4096x64xf32>
    %convert_element_type3A_109 = arith.truncf %mul3A_108 : vector<4096x64xf32> to vector<4096x64xbf16>
    %swap3A_110 = arith.constant 0 : index
    %swap3A_111 = arith.constant 768 : index
    %swap3A_112 = vector.load %arg6[%swap3A_110, %swap3A_111] : memref<4096x1088xbf16, #tpu.memory_space<vmem>>, vector<4096x64xbf16>
    tpu.vector_store %arg6[%swap3A_110, %swap3A_111], %convert_element_type3A_109 {strides = array<i32>} : memref<4096x1088xbf16, #tpu.memory_space<vmem>>, vector<4096x64xbf16>,
    %get3A_113 = arith.constant 0 : index
    %get3A_114 = arith.constant 832 : index
    %get3A_115 = vector.load %arg7[%get3A_113, %get3A_114] : memref<4096x1024xf32, #tpu.memory_space<vmem>>, vector<4096x64xf32>
    %mul3A_116 = arith.mulf %get3A_115, %get3A_10 : vector<4096x64xf32>
    %convert_element_type3A_117 = arith.truncf %mul3A_116 : vector<4096x64xf32> to vector<4096x64xbf16>
    %swap3A_118 = arith.constant 0 : index
    %swap3A_119 = arith.constant 832 : index
    %swap3A_120 = vector.load %arg6[%swap3A_118, %swap3A_119] : memref<4096x1088xbf16, #tpu.memory_space<vmem>>, vector<4096x64xbf16>
    tpu.vector_store %arg6[%swap3A_118, %swap3A_119], %convert_element_type3A_117 {strides = array<i32>} : memref<4096x1088xbf16, #tpu.memory_space<vmem>>, vector<4096x64xbf16>,
    %get3A_121 = arith.constant 0 : index
    %get3A_122 = arith.constant 896 : index
    %get3A_123 = vector.load %arg7[%get3A_121, %get3A_122] : memref<4096x1024xf32, #tpu.memory_space<vmem>>, vector<4096x64xf32>
    %mul3A_124 = arith.mulf %get3A_123, %get3A_10 : vector<4096x64xf32>
    %convert_element_type3A_125 = arith.truncf %mul3A_124 : vector<4096x64xf32> to vector<4096x64xbf16>
    %swap3A_126 = arith.constant 0 : index
    %swap3A_127 = arith.constant 896 : index
    %swap3A_128 = vector.load %arg6[%swap3A_126, %swap3A_127] : memref<4096x1088xbf16, #tpu.memory_space<vmem>>, vector<4096x64xbf16>
    tpu.vector_store %arg6[%swap3A_126, %swap3A_127], %convert_element_type3A_125 {strides = array<i32>} : memref<4096x1088xbf16, #tpu.memory_space<vmem>>, vector<4096x64xbf16>,
    %get3A_129 = arith.constant 0 : index
    %get3A_130 = arith.constant 960 : index
    %get3A_131 = vector.load %arg7[%get3A_129, %get3A_130] : memref<4096x1024xf32, #tpu.memory_space<vmem>>, vector<4096x64xf32>
    %mul3A_132 = arith.mulf %get3A_131, %get3A_10 : vector<4096x64xf32>
    %convert_element_type3A_133 = arith.truncf %mul3A_132 : vector<4096x64xf32> to vector<4096x64xbf16>
    %swap3A_134 = arith.constant 0 : index
    %swap3A_135 = arith.constant 960 : index
    %swap3A_136 = vector.load %arg6[%swap3A_134, %swap3A_135] : memref<4096x1088xbf16, #tpu.memory_space<vmem>>, vector<4096x64xbf16>
    tpu.vector_store %arg6[%swap3A_134, %swap3A_135], %convert_element_type3A_133 {strides = array<i32>} : memref<4096x1088xbf16, #tpu.memory_space<vmem>>, vector<4096x64xbf16>,
    %convert_element_type3A_137 = arith.truncf %get3A_10 : vector<4096x64xf32> to vector<4096x64xbf16>
    %swap3A_138 = arith.constant 0 : index
    %swap3A_139 = arith.constant 1024 : index
    %swap3A_140 = vector.load %arg6[%swap3A_138, %swap3A_139] : memref<4096x1088xbf16, #tpu.memory_space<vmem>>, vector<4096x64xbf16>
    tpu.vector_store %arg6[%swap3A_138, %swap3A_139], %convert_element_type3A_137 {strides = array<i32>} : memref<4096x1088xbf16, #tpu.memory_space<vmem>>, vector<4096x64xbf16>,
    %get3A_141 = arith.constant 0 : index
    %get3A_142 = arith.constant 0 : index
    %get3A_143 = vector.load %arg6[%get3A_141, %get3A_142] : memref<4096x1088xbf16, #tpu.memory_space<vmem>>, vector<4096x1088xbf16>
    %get3A_144 = arith.constant 0 : index
    %get3A_145 = arith.constant 0 : index
    %get3A_146 = vector.load %arg3[%get3A_144, %get3A_145] : memref<1088x64xbf16, #tpu.memory_space<vmem>>, vector<1088x64xbf16>
    %dot_general3A_147 = arith.constant dense<0.000000e+00> : vector<4096x64xf32>
    %dot_general3A_148 = tpu.matmul %get3A_143, %get3A_146, %dot_general3A_147 {dimension_numbers = #tpu.dot_dimension_numbers<[1], [0], [0], [1], [0, 0, 1, 1], [], []>, transpose_lhs_hint = false} : vector<4096x1088xbf16>, vector<1088x64xbf16>, vector<4096x64xf32> -> vector<4096x64xf32>
    %swap3A_149 = arith.constant 0 : index
    %swap3A_150 = arith.constant 0 : index
    %swap3A_151 = vector.load %arg5[%swap3A_149, %swap3A_150] : memref<4096x64xf32, #tpu.memory_space<vmem>>, vector<4096x64xf32>
    tpu.vector_store %arg5[%swap3A_149, %swap3A_150], %dot_general3A_148 {strides = array<i32>} : memref<4096x64xf32, #tpu.memory_space<vmem>>, vector<4096x64xf32>,
    return
  }
  func.func @transform_0(%arg0: i32) -> (i32, i32) {
    %c0_i32 = arith.constant 0 : i32
    %c0_i32_0 = arith.constant 0 : i32
    return %arg0, %c0_i32 : i32, i32
  }
  func.func @transform_1(%arg0: i32) -> (i32, i32) {
    %c0_i32 = arith.constant 0 : i32
    %c0_i32_0 = arith.constant 0 : i32
    return %arg0, %c0_i32 : i32, i32
  }
  func.func @transform_2(%arg0: i32) -> (i32, i32) {
    %c0_i32 = arith.constant 0 : i32
    %c0_i32_0 = arith.constant 0 : i32
    %c0_i32_1 = arith.constant 0 : i32
    return %c0_i32, %c0_i32_0 : i32, i32
  }
  func.func @transform_3(%arg0: i32) -> (i32, i32) {
    %c0_i32 = arith.constant 0 : i32
    %c0_i32_0 = arith.constant 0 : i32
    %c0_i32_1 = arith.constant 0 : i32
    return %c0_i32, %c0_i32_0 : i32, i32
  }
  func.func @transform_4(%arg0: i32) -> (i32, i32) {
    %c0_i32 = arith.constant 0 : i32
    %c0_i32_0 = arith.constant 0 : i32
    return %arg0, %c0_i32 : i32, i32
  }
}

module attributes {stable_mosaic.version = 14 : i64} {
  func.func @body(%arg0: i32, %arg1: memref<1000x64xf32, #tpu.memory_space<vmem>>, %arg2: memref<1000x8xf32, #tpu.memory_space<vmem>>, %arg3: memref<1000x64xf32, #tpu.memory_space<vmem>>, %arg4: memref<64x64xf32, #tpu.memory_space<vmem>>, %arg5: memref<1x64xf32, #tpu.memory_space<vmem>>, %arg6: memref<1x1xf32, #tpu.memory_space<vmem>>, %arg7: memref<1000x64xf32, #tpu.memory_space<vmem>>) attributes {dimension_semantics = [#tpu.dimension_semantics<arbitrary>], iteration_bounds = array<i64: 20>, scalar_prefetch = 0 : i64, scratch_operands = 0 : i64, tpu.core_type = #tpu.core_type<tc>, window_params = [{transform_indices = @transform_0, window_bounds = array<i64: 1000, 64>}, {transform_indices = @transform_1, window_bounds = array<i64: 1000, 8>}, {transform_indices = @transform_2, window_bounds = array<i64: 1000, 64>}, {pipeline_mode = #tpu.pipeline_mode<synchronous>, transform_indices = @transform_3, window_bounds = array<i64: 64, 64>}, {pipeline_mode = #tpu.pipeline_mode<synchronous>, transform_indices = @transform_4, window_bounds = array<i64: 1, 64>}, {pipeline_mode = #tpu.pipeline_mode<synchronous>, transform_indices = @transform_5, window_bounds = array<i64: 1, 1>}, {transform_indices = @transform_6, window_bounds = array<i64: 1000, 64>}]} {
    %get3A = arith.constant 0 : index
    %get3A_0 = arith.constant 0 : index
    %get3A_1 = vector.load %arg1[%get3A, %get3A_0] : memref<1000x64xf32, #tpu.memory_space<vmem>>, vector<1000x64xf32>
    %get3A_2 = arith.constant 0 : index
    %get3A_3 = arith.constant 0 : index
    %get3A_4 = vector.load %arg2[%get3A_2, %get3A_3] : memref<1000x8xf32, #tpu.memory_space<vmem>>, vector<1000x1xf32>
    %mul3A = vector.broadcast %get3A_4 : vector<1000x1xf32> to vector<1000x64xf32>
    %mul3A_5 = arith.mulf %get3A_1, %mul3A : vector<1000x64xf32>
    %get3A_6 = arith.constant 0 : index
    %get3A_7 = arith.constant 0 : index
    %get3A_8 = vector.load %arg3[%get3A_6, %get3A_7] : memref<1000x64xf32, #tpu.memory_space<vmem>>, vector<1000x64xf32>
    %get3A_9 = arith.constant 0 : index
    %get3A_10 = arith.constant 0 : index
    %get3A_11 = vector.load %arg4[%get3A_9, %get3A_10] : memref<64x64xf32, #tpu.memory_space<vmem>>, vector<64x64xf32>
    %dot_general3A = arith.constant dense<0.000000e+00> : vector<1000x64xf32>
    %dot_general3A_12 = tpu.matmul %get3A_8, %get3A_11, %dot_general3A {dimension_numbers = #tpu.dot_dimension_numbers<[1], [0], [0], [1], [0, 0, 1, 1], [], []>, transpose_lhs_hint = false} : vector<1000x64xf32>, vector<64x64xf32>, vector<1000x64xf32> -> vector<1000x64xf32>
    %add3A = arith.addf %mul3A_5, %dot_general3A_12 : vector<1000x64xf32>
    %get3A_13 = arith.constant 0 : index
    %get3A_14 = arith.constant 0 : index
    %get3A_15 = vector.load %arg5[%get3A_13, %get3A_14] : memref<1x64xf32, #tpu.memory_space<vmem>>, vector<1x64xf32>
    %add3A_16 = vector.broadcast %get3A_15 : vector<1x64xf32> to vector<1000x64xf32>
    %add3A_17 = arith.addf %add3A, %add3A_16 : vector<1000x64xf32>
    %get3A_18 = arith.constant 0 : index
    %get3A_19 = arith.constant 0 : index
    %get3A_20 = vector.load %arg6[%get3A_18, %get3A_19] : memref<1x1xf32, #tpu.memory_space<vmem>>, vector<1x1xf32>
    %get3A_21 = vector.extract %get3A_20[0, 0] : f32 from vector<1x1xf32>
    %ge3A = arith.constant 0.000000e+00 : f32
    %ge3A_22 = vector.broadcast %ge3A : f32 to vector<1000x64xf32>
    %ge3A_23 = arith.cmpf oge, %add3A_17, %ge3A_22 : vector<1000x64xf32>
    %mul3A_24 = vector.broadcast %get3A_21 : f32 to vector<1000x64xf32>
    %mul3A_25 = arith.mulf %mul3A_24, %add3A_17 : vector<1000x64xf32>
    %select_n3A = arith.select %ge3A_23, %add3A_17, %mul3A_25 : vector<1000x64xi1>, vector<1000x64xf32>
    %swap3A = arith.constant 0 : index
    %swap3A_26 = arith.constant 0 : index
    %swap3A_27 = vector.load %arg7[%swap3A, %swap3A_26] : memref<1000x64xf32, #tpu.memory_space<vmem>>, vector<1000x64xf32>
    tpu.vector_store %arg7[%swap3A, %swap3A_26], %select_n3A {strides = array<i32>} : memref<1000x64xf32, #tpu.memory_space<vmem>>, vector<1000x64xf32>,
    return
  }
  func.func @transform_0(%arg0: i32) -> (i32, i32) {
    %c0_i32 = arith.constant 0 : i32
    %c0_i32_0 = arith.constant 0 : i32
    return %arg0, %c0_i32 : i32, i32
  }
  func.func @transform_1(%arg0: i32) -> (i32, i32) {
    %c0_i32 = arith.constant 0 : i32
    %c0_i32_0 = arith.constant 0 : i32
    return %arg0, %c0_i32 : i32, i32
  }
  func.func @transform_2(%arg0: i32) -> (i32, i32) {
    %c0_i32 = arith.constant 0 : i32
    %c0_i32_0 = arith.constant 0 : i32
    return %arg0, %c0_i32 : i32, i32
  }
  func.func @transform_3(%arg0: i32) -> (i32, i32) {
    %c0_i32 = arith.constant 0 : i32
    %c0_i32_0 = arith.constant 0 : i32
    %c0_i32_1 = arith.constant 0 : i32
    return %c0_i32, %c0_i32_0 : i32, i32
  }
  func.func @transform_4(%arg0: i32) -> (i32, i32) {
    %c0_i32 = arith.constant 0 : i32
    %c0_i32_0 = arith.constant 0 : i32
    %c0_i32_1 = arith.constant 0 : i32
    return %c0_i32, %c0_i32_0 : i32, i32
  }
  func.func @transform_5(%arg0: i32) -> (i32, i32) {
    %c0_i32 = arith.constant 0 : i32
    %c0_i32_0 = arith.constant 0 : i32
    %c0_i32_1 = arith.constant 0 : i32
    return %c0_i32, %c0_i32_0 : i32, i32
  }
  func.func @transform_6(%arg0: i32) -> (i32, i32) {
    %c0_i32 = arith.constant 0 : i32
    %c0_i32_0 = arith.constant 0 : i32
    return %arg0, %c0_i32 : i32, i32
  }
}

</mosaic_0001>

<sc_bundles>
// kernel: body.42.cloned.1.call-start
scs
__scs_entry_jumppad:
0x0: {  	(pc) =	sbr.rel $0x88, $3  }
0x1: {  	(tag) =	ssettag $0x0;
	lr =	simm.s32 $0x1  }
0x2: {  	[smem:$0x3F94] =	sst lr;
	_ =	strace $0xD0000000  }
0x3: {  	_ = 	snop  }
0x4: {  	_ = 	snop  }
0x5: {  	_ = 	snop  }
0x6: {  	_ = 	snop  }
0x7: {  	_ = 	snop  }
__scs_overlays_trampoline_lowered:
0x8: {  	[smem:$0x3FA3] =	sst s0  }
0x9: {  	[smem:$0x3FA4] =	sst s1  }
0xa: {  	[smem:$0x3FA5] =	sst s2  }
0xb: {  	[smem:$0x3FA6] =	sst s3  }
0xc: {  	[smem:$0x3FA7] =	sst s4  }
0xd: {  	[smem:$0x3FA8] =	sst s5  }
0xe: {  	[smem:$0x3FA9] =	sst s6  }
0xf: {  	[smem:$0x3FAA] =	sst s7  }
0x10: {  	[smem:$0x3FAB] =	sst s8  }
0x11: {  	[smem:$0x3FAC] =	sst s9;
	s0 =	simm.s32 @!p0 $0x0  }
0x12: {  	s1 =	sld [smem:$0x3F92];
	s0 =	simm.s32 @p0 $0x1  }
0x13: {  	[smem:$0x3FAD] =	sst s0;
	s0 =	simm.s32 @!p1 $0x0  }
0x14: {  	s2 =	sld [smem:$0x3F91];
	s0 =	simm.s32 @p1 $0x1  }
0x15: {  	[smem:$0x3FAE] =	sst s0;
	s0 =	simm.s32 @!p2 $0x0  }
0x16: {  	s3 =	sld [smem:$0x3FDB];
	s0 =	simm.s32 @p2 $0x1  }
0x17: {  	s4 =	simm.s32 $0x1BF5;
	[smem:$0x3FB0] =	sst s0  }
0x18: {  	s0 =	sld [smem:$0x3F93];
	_ =	swait.ge [sflag:s4], $0x0  }
0x19: {  	s7 =	sld [smem:$0x3F94]  }
0x1a: {  	s8 =	sadd.s32 $0xFFFFE003, lr  }
0x1b: {  	s9 =	sadd.s32 $0xFFFFFEF7, lr;
	s5 =	simm.s32 $0xFFFFFFFF;
	p2 =	slt.u32 s8, $0xFFFFF086  }
0x1c: {  	p1 =	slt.u32 s9, $0xF7A;
	s5 =	simm.s32 @!p2 $0x0  }
0x1d: {  	s5 =	simm.s32 @p1 $0x1;
	p0 =	seq.s32 s7, s2  }
0x1e: {  	s7 =	smul.u32 @!p0 $0xF7A, s2;
	p2 =	seq.s32 @!p0 s5, $0x0  }
0x1f: {  	s9 =	smul.u32 $0xF7A, s1;
	s8 =	simm.s32 @!p0 $0x1BF5;
	p2 =	por !p2, p0  }
0x20: {  	[sflag:s8] =	ssyncset.s32 @!p0 $0xFFFFF086;
	s6 =	sadd.s32 @!p0 s3, s7;
	s7 =	simm.s32 @!p0 $0x108  }
0x21: {  	s3 =	sadd.s32 s3, s9;
	s6 =	sadd.s32 @!p0 $0x88, s6;
	s7 =	simm.s32 @p2 $0x1082  }
0x22: {  	[simem:s7], [sflag:s8] =	dma.local @!p0 [hbm:s6], $0xF7A  }
0x23: {  	s9 =	sor.u32 $0xD0000000, s2;
	s6 =	simm.s32 $0x108;
	_ =	swait.ge @!p0 [sflag:s8], $0x0  }
0x24: {  	s3 =	sadd.s32 $0x88, s3;
	s6 =	simm.s32 @!p1 $0x1082;
	[sflag:s4] =	ssyncset.s32 $0xFFFFF086  }
0x25: {  	[simem:s6], [sflag:s4] =	dma.local [hbm:s3], $0xF7A  }
0x26: {  	[smem:$0x3F94] =	sst s1;
	(tag) =	ssettag s2;
	_ =	strace s9  }
0x27: {  	s1 =	sld [smem:$0x3FA4]  }
0x28: {  	s2 =	sld [smem:$0x3FA5]  }
0x29: {  	s4 =	sld [smem:$0x3FA7]  }
0x2a: {  	p0 =	seq.s32 s5, $0x0;
	s5 =	sld [smem:$0x3FA8]  }
0x2b: {  	s6 =	sld [smem:$0x3FA9]  }
0x2c: {  	s7 =	sld [smem:$0x3FAA]  }
0x2d: {  	s3 =	simm.s32 $0x108;
	s8 =	sld [smem:$0x3FAB]  }
0x2e: {  	s3 =	simm.s32 @!p0 $0x1082;
	s9 =	sld [smem:$0x3FAC]  }
0x2f: {  	lr =	sadd.s32 s0, s3;
	s0 =	sld [smem:$0x3FA3]  }
0x30: {  	s3 =	sld [smem:$0x3FA6]  }
0x31: {  	[smem:$0x3FAF] =	sst s10  }
0x32: {  	s10 =	sld [smem:$0x3FAD];
	_ =	sdelay $0x3  }
0x33: {  	p0 =	seq.s32 s10, $0x1;
	s10 =	sld [smem:$0x3FAF];
	_ =	sdelay $0x3  }
0x34: {  	[smem:$0x3FAF] =	sst s10  }
0x35: {  	s10 =	sld [smem:$0x3FAE];
	_ =	sdelay $0x3  }
0x36: {  	p1 =	seq.s32 s10, $0x1;
	s10 =	sld [smem:$0x3FAF];
	_ =	sdelay $0x3  }
0x37: {  	[smem:$0x3FAF] =	sst s10  }
0x38: {  	s10 =	sld [smem:$0x3FB0]  }
0x39: {  	_ = 	snop;
	(pc) =	sbr.ind lr, $3  }
0x3a: {  	_ = 	snop  }
0x3b: {  	_ = 	snop  }
0x3c: {  	p2 =	seq.s32 s10, $0x1;
	s10 =	sld [smem:$0x3FAF]  }
0x3d: {  	_ =	shalt  }
0x3e: {  	_ =	shalt  }
0x3f: {  	_ =	shalt  }
0x40: {  	_ =	shalt  }
0x41: {  	_ =	shalt  }
0x42: {  	_ =	shalt  }
0x43: {  	_ =	shalt  }
0x44: {  	_ =	shalt  }
0x45: {  	_ =	shalt  }
0x46: {  	_ =	shalt  }
0x47: {  	_ =	shalt  }
0x48: {  	_ =	shalt  }
0x49: {  	_ =	shalt  }
0x4a: {  	_ =	shalt  }
0x4b: {  	_ =	shalt  }
0x4c: {  	_ =	shalt  }
0x4d: {  	_ =	shalt  }
0x4e: {  	_ =	shalt  }
0x4f: {  	_ =	shalt  }
0x50: {  	_ =	shalt  }
0x51: {  	_ =	shalt  }
0x52: {  	_ =	shalt  }
0x53: {  	_ =	shalt  }
0x54: {  	_ =	shalt  }
0x55: {  	_ =	shalt  }
0x56: {  	_ =	shalt  }
0x57: {  	_ =	shalt  }
0x58: {  	_ =	shalt  }
0x59: {  	_ =	shalt  }
0x5a: {  	_ =	shalt  }
0x5b: {  	_ =	shalt  }
0x5c: {  	_ =	shalt  }
0x5d: {  	_ =	shalt  }
0x5e: {  	_ =	shalt  }
0x5f: {  	_ =	shalt  }
0x60: {  	_ =	shalt  }
0x61: {  	_ =	shalt  }
0x62: {  	_ =	shalt  }
0x63: {  	_ =	shalt  }
0x64: {  	_ =	shalt  }
0x65: {  	_ =	shalt  }
0x66: {  	_ =	shalt  }
0x67: {  	_ =	shalt  }
0x68: {  	_ =	shalt  }
0x69: {  	_ =	shalt  }
0x6a: {  	_ =	shalt  }
0x6b: {  	_ =	shalt  }
0x6c: {  	_ =	shalt  }
0x6d: {  	_ =	shalt  }
0x6e: {  	_ =	shalt  }
0x6f: {  	_ =	shalt  }
0x70: {  	_ =	shalt  }
0x71: {  	_ =	shalt  }
0x72: {  	_ =	shalt  }
0x73: {  	_ =	shalt  }
0x74: {  	_ =	shalt  }
0x75: {  	_ =	shalt  }
0x76: {  	_ =	shalt  }
0x77: {  	_ =	shalt  }
0x78: {  	_ =	shalt  }
0x79: {  	_ =	shalt  }
0x7a: {  	_ =	shalt  }
0x7b: {  	_ =	shalt  }
0x7c: {  	_ =	shalt  }
0x7d: {  	_ =	shalt  }
0x7e: {  	_ =	shalt  }
0x7f: {  	_ =	shalt  }
0x80: {  	_ =	shalt  }
0x81: {  	_ =	shalt  }
0x82: {  	_ =	shalt  }
0x83: {  	_ =	shalt  }
0x84: {  	_ =	shalt  }
0x85: {  	_ =	shalt  }
0x86: {  	_ =	shalt  }
0x87: {  	_ =	shalt  }
.Lfunc_end0:
.L_simem_size_0:
called_computation_lowered:
.L_overlay_start_0:
0x88: {  	s2 =	sld [smem:$0x3FD9]  }
0x89: {  	s3 =	sld [smem:$0x3FFE];
	_ =	sdelay $0x1  }
0x8a: {  	s1 =	srdreg.scid  }
0x8b: {  	s0 =	sand.u32 $0x1, s1  }
0x8c: {  	s17 =	sshll.u32 s0, $0xA;
	s2 =	sadd.s32 s3, s2  }
0x8d: {  	s2 =	sadd.s32 s2, s17  }
0x8e: {  	[smem:$0x3FBB] =	sst s2  }
0x8f: {  	_ = 	snop  }
0x90: {  	s2 =	sld [smem:$0x3FD0];
	(tm) =	ssettm $0x1  }
0x91: {  	s18 =	sld [smem:$0x3FFB];
	_ =	sdelay $0x3  }
0x92: {  	_ =	strace s18  }
0x93: {  	s3 =	sld [smem:$0x3FFC];
	_ =	sdelay $0x3  }
0x94: {  	_ =	strace s3  }
0x95: {  	s3 =	sld [smem:$0x3FFD];
	_ =	sdelay $0x3  }
0x96: {  	_ =	strace s3  }
0x97: {  	_ =	strace $0x8FFFFFFF  }
0x98: {  	s19 =	sld [smem:$0x3FDB];
	_ =	sdelay $0x1  }
0x99: {  	s4 =	simm.s32 $_scs_section_size  }
0x9a: {  	s5 =	simm.s32 $_size__tile_overlayer_lowered;
	s6 =	simm.s32 $_tile_overlayer_lowered  }
0x9b: {  	s22 =	simm.s32 $0x1BFF;
	s21 =	sshll.u32 s6, $0x1;
	s3 =	sadd.s32 s4, s19  }
0x9c: {  	s7 =	simm.s32 $0x0;
	s20 =	sshll.u32 s5, $0x1;
	s5 =	sadd.s32 s21, s3  }
0x9d: {  	[timem:s7], [sflag:s22] =	dma.local [hbm:s5], s20  }
0x9e: {  	_ =	swait.ge [sflag:s22], s20  }
0x9f: {  	s4 =	ssub.s32 $0x0, s20;
	[sflag:s22] =	ssyncset.done $0x0  }
0xa0: {  	[sflag:s22] =	ssyncadd.s32 s4;
	_ =	sdelay $0x1  }
0xa1: {  	s23 =	simm.s32 $0x1B8B  }
0xa2: {  	_ =	swait.ge [sflag:s23], $0x1  }
0xa3: {  	[sflag:s23] =	ssyncset.done $0x0  }
0xa4: {  	s25 =	simm.s32 $0x1B8E;
	s24 =	sld [smem:$0x3FFE];
	[sflag:s23] =	ssyncadd.s32 $0xFFFFFFFF  }
0xa5: {  	s26 =	simm.s32 $execute0_lowered;
	[smem:$0x3FD2] =	sst s25  }
0xa6: {  	s5 =	sshll.u32 s26, $0x1;
	_ =	strace $0x80000049;
	[dreg:$0x1] =	wrdreg $0xFFFFFFFF  }
0xa7: {  	s28 =	simm.s32 $_size_execute0_lowered;
	s3 =	sadd.s32 s3, s5;
	[dreg:$0x0] =	wrdreg $0x0  }
0xa8: {  	s5 =	sshll.u32 s28, $0x1;
	[dreg:$0x2] =	wrdreg s3  }
0xa9: {  	[dreg:$0x3] =	wrdreg s5  }
0xaa: {  	[dreg:$0x4] =	wrdreg $0xC0  }
0xab: {  	_ =	task [dreg:s7], $0x5FFFF  }
0xac: {  	[dreg:$0x1] =	wrdreg $0xFFFFFFFF  }
0xad: {  	[dreg:$0x0] =	wrdreg $0x60  }
0xae: {  	[dreg:$0x2] =	wrdreg s2  }
0xaf: {  	[dreg:$0x3] =	wrdreg s24  }
0xb0: {  	[dreg:$0x4] =	wrdreg $0x9  }
0xb1: {  	_ =	task.clear_ibuf [dreg:s7], $0x5FFFF;
	_ =	strace $0x90000049  }
0xb2: {  	s29 =	simm.s32 $0x9;
	_ =	strace $0x8000004B  }
0xb3: {  	_ =	swait.ge [sflag:s29], $0x1  }
0xb4: {  	[sflag:s29] =	ssyncadd.s32 $0xFFFFFFFF  }
0xb5: {  	_ =	strace $0x9000004B  }
0xb6: {  	_ =	sfence  }
0xb7: {  	s30 =	sld [smem:$0x0];
	_ =	sdelay $0x2  }
0xb8: {  	s31 =	sshll.u32 s1, $0xD;
	s1 =	sshrl.u32 s1, $0x2  }
0xb9: {  	s3 =	sand.u32 $0x4000, s31;
	s1 =	sadd.s32 s1, s30  }
0xba: {  	s0 =	sor.u32 s3, s0;
	s1 =	sshll.u32 s1, $0x11  }
0xbb: {  	s0 =	sor.u32 s1, s0  }
0xbc: {  	s0 =	sadd.s32 $0x8F2B, s0  }
0xbd: {  	[sflag:s0] =	ssyncadd.remote.s32 $0x1  }
0xbe: {  	_ =	sfence.sel $0xFFFF  }
0xbf: {  	[dreg:$0x0] =	wrdreg $0xFFFFFFFF;
	(pc) =	sbr.abs _section_cstart, $3  }
0xc0: {  	[dreg:$0x1] =	wrdreg $0xFFFFFFFF  }
0xc1: {  	_ =	task.clear_ibuf [dreg:s7], $0x2FFFF;
	_ =	strace $0x9FFFFFFF  }
0xc2: {  	(tm) =	ssettm $0x7FFFFFFF  }
0xc3: {  	_ =	shalt  }
tec
execute0_lowered:
.L_overlay_start_1:
0x0: {  	(tag) =	ssettag $0x1  }
0x1: {  	s0 =	srdreg.scid;
	s8 =	rddreg [dreg:$0x0]  }
0x2: {  	s1 =	stileid.u32;
	s3 =	rddreg [dreg:$0x1];
	s2 =	simm.s32 $0x0  }
0x3: {  	s21 =	simm.s32 $0x80;
	s20 =	simm.s32 $0x500;
	s19 =	simm.s32 $0x2500  }
0x4: {  	s18 =	simm.s32 $0x4500;
	s17 =	simm.s32 $0x6500;
	s16 =	simm.s32 $0x8500  }
0x5: {  	s15 =	simm.s32 $0xA500;
	s28 =	simm.s32 $0x300;
	s14 =	simm.s32 $0xC500  }
0x6: {  	s29 =	simm.s32 $0x380;
	s11 =	simm.s32 $0xE500;
	p0 =	por $0x0, $0x0  }
0x7: {  	s30 =	simm.s32 $0x400;
	s0 =	sand.u32 $0x1, s0;
	s1 =	sshll.u32 s1, $0x1  }
0x8: {  	s12 =	simm.s32 $0x10500;
	s31 =	simm.s32 $0x480;
	s1 =	sor.u32 s0, s1  }
0x9: {  	s10 =	simm.s32 $0x12500;
	s13 =	simm.s32 $0x1;
	s4 =	smul.u32 $0xA0, s1  }
0xa: {  	[smem:$0x7FF] =	sst s2;
	s0 =	ssub.s32 $0x2, s0;
	s5 =	smul.u32 $0x2800, s1  }
0xb: {  	_ =	strace $0x8000004A;
	s1 =	smul.u32 $0x14000, s1;
	s25 =	sshrl.u32 s0, $0x1  }
0xc: {  	s0 =	ssub.s32 s0, s25;
	s25 =	simm.s32 $0x200;
	s4 =	sadd.s32 s4, s3  }
0xd: {  	s3 =	sadd.s32 $0x155200, s3;
	s1 =	sshrl.u32 s1, $0x3;
	s0 =	smax.u32 s0, $0x1  }
0xe: {  	s4 =	sadd.s32 $0x5200, s4;
	s9 =	sadd.s32 s3, s5;
	s1 =	sadd.s32 s3, s1  }
0xf: {  	p1 =	sne.s32 s0, $0x1;
	[dreg:$0x3] =	wrdreg s4;
	s22 =	sadd.s32 $0x400, s9  }
0x10: {  	s3 =	sadd.s32 $0x800, s1;
	s23 =	sadd.s32 $0xC00, s1;
	[dreg:$0x4] =	wrdreg s22  }
0x11: {  	s24 =	sadd.s32 $0x1000, s1;
	s26 =	sadd.s32 $0x1400, s1;
	[dreg:$0x5] =	wrdreg s3  }
.Ltmp0:
0x12: {  	s7 =	sadd.s32 $0x1800, s1;
	[dreg:$0x6] =	wrdreg s23;
	(pc) =	sbr.rel @!p1 .LBB2_3-.Ltmp0, $4  }
0x13: {  	s6 =	sadd.s32 $0x1C00, s1;
	s5 =	sadd.s32 $0x2000, s1;
	[dreg:$0x7] =	wrdreg s24  }
0x14: {  	s4 =	sadd.s32 $0x2400, s1;
	s1 =	sadd.s32 $0xFFFFFFFF, s0;
	[dreg:$0x8] =	wrdreg s26  }
0x15: {  	s22 =	simm.s32 $0x3;
	s23 =	simm.s32 $0x100;
	s24 =	simm.s32 $0x180  }
0x16: {  	s26 =	simm.s32 $0x280;
	s3 =	simm.s32 $0x2;
	s0 =	rddreg [dreg:$0x3]  }
0x17: {  	[tilespmem:s2], [sflag:$0x3] =	stream.linear.gather [hbm4b:s0+s2], $0x500, $0x38;
	[tilespmem:$0x14500] =	vst v63  }
0x18: {  	_ =	swait.ge [sflag:s22], $0x500  }
0x19: {  	[sflag:s22] =	ssyncset.done $0x0  }
0x1a: {  	[sflag:s22] =	ssyncadd.s32 $0xFFFFFB00  }
0x1b: {  	[tilespmem:s20], [sflag:$0x1] =	stream.indirect.gather [hbm4b:s8+s21], $0x40, s2, s21, $0xb8;
	[tilespmem:$0x14500] =	vst v63  }
0x1c: {  	_ = 	snop  }
0x1d: {  	[tilespmem:s19], [sflag:$0x1] =	stream.indirect.gather [hbm4b:s8+s21], $0x40, s21, s21, $0xb8;
	[tilespmem:$0x14500] =	vst v63  }
0x1e: {  	_ = 	snop  }
0x1f: {  	[tilespmem:s18], [sflag:$0x1] =	stream.indirect.gather [hbm4b:s8+s21], $0x40, s23, s21, $0xb8;
	[tilespmem:$0x14500] =	vst v63  }
0x20: {  	_ = 	snop  }
0x21: {  	[tilespmem:s17], [sflag:$0x1] =	stream.indirect.gather [hbm4b:s8+s21], $0x40, s24, s21, $0xb8;
	[tilespmem:$0x14500] =	vst v63  }
0x22: {  	_ = 	snop  }
0x23: {  	[tilespmem:s16], [sflag:$0x1] =	stream.indirect.gather [hbm4b:s8+s21], $0x40, s25, s21, $0xb8;
	[tilespmem:$0x14500] =	vst v63  }
0x24: {  	_ = 	snop  }
0x25: {  	[tilespmem:s15], [sflag:$0x1] =	stream.indirect.gather [hbm4b:s8+s21], $0x40, s26, s21, $0xb8;
	[tilespmem:$0x14500] =	vst v63  }
0x26: {  	_ = 	snop  }
0x27: {  	[tilespmem:s14], [sflag:$0x1] =	stream.indirect.gather [hbm4b:s8+s21], $0x40, s28, s21, $0xb8;
	[tilespmem:$0x14500] =	vst v63  }
0x28: {  	_ = 	snop  }
0x29: {  	[tilespmem:s11], [sflag:$0x1] =	stream.indirect.gather [hbm4b:s8+s21], $0x40, s29, s21, $0xb8;
	[tilespmem:$0x14500] =	vst v63  }
0x2a: {  	_ = 	snop  }
0x2b: {  	[tilespmem:s12], [sflag:$0x1] =	stream.indirect.gather [hbm4b:s8+s21], $0x40, s30, s21, $0xb8;
	[tilespmem:$0x14500] =	vst v63  }
0x2c: {  	_ = 	snop  }
0x2d: {  	[tilespmem:s10], [sflag:$0x1] =	stream.indirect.gather [hbm4b:s8+s21], $0x40, s31, s21, $0xb8;
	[tilespmem:$0x14500] =	vst v63  }
0x2e: {  	_ =	swait.ge [sflag:s13], $0x2000  }
0x2f: {  	[sflag:s13] =	ssyncset.done $0x0  }
0x30: {  	[sflag:s13] =	ssyncadd.s32 $0xFFFFE000  }
0x31: {  	[hbm4b:s9+s2] =	stream.linear.scatter [tilespmem:s20], [sflag:$0x2], $0x2000, $0x38;
	[tilespmem:$0x14500] =	vst v63  }
0x32: {  	_ =	swait.ge [sflag:s13], $0x2000  }
0x33: {  	[sflag:s13] =	ssyncset.done $0x0  }
0x34: {  	s0 =	rddreg [dreg:$0x4];
	[sflag:s13] =	ssyncadd.s32 $0xFFFFE000  }
0x35: {  	[hbm4b:s0+s2] =	stream.linear.scatter [tilespmem:s19], [sflag:$0x2], $0x2000, $0x38;
	[tilespmem:$0x14500] =	vst v63  }
0x36: {  	_ =	swait.ge [sflag:s13], $0x2000  }
0x37: {  	[sflag:s13] =	ssyncset.done $0x0  }
0x38: {  	s0 =	rddreg [dreg:$0x5];
	[sflag:s13] =	ssyncadd.s32 $0xFFFFE000  }
0x39: {  	[hbm4b:s0+s2] =	stream.linear.scatter [tilespmem:s18], [sflag:$0x2], $0x2000, $0x38;
	[tilespmem:$0x14500] =	vst v63  }
0x3a: {  	_ =	swait.ge [sflag:s13], $0x2000  }
0x3b: {  	[sflag:s13] =	ssyncset.done $0x0  }
0x3c: {  	s0 =	rddreg [dreg:$0x6];
	[sflag:s13] =	ssyncadd.s32 $0xFFFFE000  }
0x3d: {  	[hbm4b:s0+s2] =	stream.linear.scatter [tilespmem:s17], [sflag:$0x2], $0x2000, $0x38;
	[tilespmem:$0x14500] =	vst v63  }
0x3e: {  	_ =	swait.ge [sflag:s13], $0x2000  }
0x3f: {  	[sflag:s13] =	ssyncset.done $0x0  }
0x40: {  	s0 =	rddreg [dreg:$0x7];
	[sflag:s13] =	ssyncadd.s32 $0xFFFFE000  }
0x41: {  	[hbm4b:s0+s2] =	stream.linear.scatter [tilespmem:s16], [sflag:$0x2], $0x2000, $0x38;
	[tilespmem:$0x14500] =	vst v63  }
0x42: {  	_ =	swait.ge [sflag:s13], $0x2000  }
0x43: {  	[sflag:s13] =	ssyncset.done $0x0  }
0x44: {  	s0 =	rddreg [dreg:$0x8];
	[sflag:s13] =	ssyncadd.s32 $0xFFFFE000  }
0x45: {  	[hbm4b:s0+s2] =	stream.linear.scatter [tilespmem:s15], [sflag:$0x2], $0x2000, $0x38;
	[tilespmem:$0x14500] =	vst v63  }
0x46: {  	_ =	swait.ge [sflag:s13], $0x2000  }
0x47: {  	[sflag:s13] =	ssyncset.done $0x0  }
0x48: {  	[sflag:s13] =	ssyncadd.s32 $0xFFFFE000  }
0x49: {  	[hbm4b:s7+s2] =	stream.linear.scatter [tilespmem:s14], [sflag:$0x2], $0x2000, $0x38;
	[tilespmem:$0x14500] =	vst v63  }
0x4a: {  	_ =	swait.ge [sflag:s13], $0x2000  }
0x4b: {  	[sflag:s13] =	ssyncset.done $0x0  }
0x4c: {  	[sflag:s13] =	ssyncadd.s32 $0xFFFFE000  }
0x4d: {  	[hbm4b:s6+s2] =	stream.linear.scatter [tilespmem:s11], [sflag:$0x2], $0x2000, $0x38;
	[tilespmem:$0x14500] =	vst v63  }
0x4e: {  	_ =	swait.ge [sflag:s13], $0x2000  }
0x4f: {  	[sflag:s13] =	ssyncset.done $0x0  }
0x50: {  	[sflag:s13] =	ssyncadd.s32 $0xFFFFE000  }
0x51: {  	[hbm4b:s5+s2] =	stream.linear.scatter [tilespmem:s12], [sflag:$0x2], $0x2000, $0x38;
	[tilespmem:$0x14500] =	vst v63  }
0x52: {  	_ =	swait.ge [sflag:s13], $0x2000  }
0x53: {  	[sflag:s13] =	ssyncset.done $0x0  }
0x54: {  	[sflag:s13] =	ssyncadd.s32 $0xFFFFE000  }
0x55: {  	[hbm4b:s4+s2] =	stream.linear.scatter [tilespmem:s10], [sflag:$0x2], $0x2000, $0x38;
	[tilespmem:$0x14500] =	vst v63  }
0x56: {  	_ =	swait.ge [sflag:s3], $0x2000  }
0x57: {  	[sflag:s3] =	ssyncset.done $0x0  }
0x58: {  	[sflag:s3] =	ssyncadd.s32 $0xFFFFE000  }
0x59: {  	_ =	swait.ge [sflag:s3], $0x2000  }
0x5a: {  	[sflag:s3] =	ssyncset.done $0x0  }
0x5b: {  	[sflag:s3] =	ssyncadd.s32 $0xFFFFE000  }
0x5c: {  	_ =	swait.ge [sflag:s3], $0x2000  }
0x5d: {  	[sflag:s3] =	ssyncset.done $0x0  }
0x5e: {  	[sflag:s3] =	ssyncadd.s32 $0xFFFFE000  }
0x5f: {  	_ =	swait.ge [sflag:s3], $0x2000  }
0x60: {  	[sflag:s3] =	ssyncset.done $0x0  }
0x61: {  	[sflag:s3] =	ssyncadd.s32 $0xFFFFE000  }
0x62: {  	_ =	swait.ge [sflag:s3], $0x2000  }
0x63: {  	[sflag:s3] =	ssyncset.done $0x0  }
0x64: {  	[sflag:s3] =	ssyncadd.s32 $0xFFFFE000  }
0x65: {  	_ =	swait.ge [sflag:s3], $0x2000  }
0x66: {  	[sflag:s3] =	ssyncset.done $0x0  }
0x67: {  	[sflag:s3] =	ssyncadd.s32 $0xFFFFE000  }
0x68: {  	_ =	swait.ge [sflag:s3], $0x2000  }
0x69: {  	[sflag:s3] =	ssyncset.done $0x0  }
0x6a: {  	[sflag:s3] =	ssyncadd.s32 $0xFFFFE000  }
0x6b: {  	_ =	swait.ge [sflag:s3], $0x2000  }
0x6c: {  	[sflag:s3] =	ssyncset.done $0x0  }
0x6d: {  	p1 =	sne.s32 s1, $0x1;
	[sflag:s3] =	ssyncadd.s32 $0xFFFFE000  }
.Ltmp1:
0x6e: {  	_ =	swait.ge [sflag:s3], $0x2000;
	(pc) =	sbr.rel @!p1 .LBB2_3-.Ltmp1, $4  }
0x6f: {  	[sflag:s3] =	ssyncset.done $0x0  }
0x70: {  	[sflag:s3] =	ssyncadd.s32 $0xFFFFE000  }
0x71: {  	s1 =	sadd.s32 $0xFFFFFFFF, s1;
	_ =	swait.ge [sflag:s3], $0x2000  }
0x72: {  	p0 =	por $0x1, $0x1;
	s0 =	rddreg [dreg:$0x3];
	[sflag:s3] =	ssyncset.done $0x0  }
.LBB2_2:
0x73: {  	[sflag:s3] =	ssyncadd.s32 $0xFFFFE000  }
0x74: {  	[tilespmem:s2], [sflag:$0x3] =	stream.linear.gather [hbm4b:s0+s2], $0x500, $0x38;
	[tilespmem:$0x14500] =	vst v63  }
0x75: {  	_ =	swait.ge [sflag:s22], $0x500  }
0x76: {  	[sflag:s22] =	ssyncset.done $0x0  }
0x77: {  	[sflag:s22] =	ssyncadd.s32 $0xFFFFFB00  }
0x78: {  	[tilespmem:s20], [sflag:$0x1] =	stream.indirect.gather [hbm4b:s8+s21], $0x40, s2, s21, $0xb8;
	[tilespmem:$0x14500] =	vst v63  }
0x79: {  	_ = 	snop  }
0x7a: {  	[tilespmem:s19], [sflag:$0x1] =	stream.indirect.gather [hbm4b:s8+s21], $0x40, s21, s21, $0xb8;
	[tilespmem:$0x14500] =	vst v63  }
0x7b: {  	_ = 	snop  }
0x7c: {  	[tilespmem:s18], [sflag:$0x1] =	stream.indirect.gather [hbm4b:s8+s21], $0x40, s23, s21, $0xb8;
	[tilespmem:$0x14500] =	vst v63  }
0x7d: {  	_ = 	snop  }
0x7e: {  	[tilespmem:s17], [sflag:$0x1] =	stream.indirect.gather [hbm4b:s8+s21], $0x40, s24, s21, $0xb8;
	[tilespmem:$0x14500] =	vst v63  }
0x7f: {  	_ = 	snop  }
0x80: {  	[tilespmem:s16], [sflag:$0x1] =	stream.indirect.gather [hbm4b:s8+s21], $0x40, s25, s21, $0xb8;
	[tilespmem:$0x14500] =	vst v63  }
0x81: {  	_ = 	snop  }
0x82: {  	[tilespmem:s15], [sflag:$0x1] =	stream.indirect.gather [hbm4b:s8+s21], $0x40, s26, s21, $0xb8;
	[tilespmem:$0x14500] =	vst v63  }
0x83: {  	_ = 	snop  }
0x84: {  	[tilespmem:s14], [sflag:$0x1] =	stream.indirect.gather [hbm4b:s8+s21], $0x40, s28, s21, $0xb8;
	[tilespmem:$0x14500] =	vst v63  }
0x85: {  	_ = 	snop  }
0x86: {  	[tilespmem:s11], [sflag:$0x1] =	stream.indirect.gather [hbm4b:s8+s21], $0x40, s29, s21, $0xb8;
	[tilespmem:$0x14500] =	vst v63  }
0x87: {  	_ = 	snop  }
0x88: {  	[tilespmem:s12], [sflag:$0x1] =	stream.indirect.gather [hbm4b:s8+s21], $0x40, s30, s21, $0xb8;
	[tilespmem:$0x14500] =	vst v63  }
0x89: {  	_ = 	snop  }
0x8a: {  	[tilespmem:s10], [sflag:$0x1] =	stream.indirect.gather [hbm4b:s8+s21], $0x40, s31, s21, $0xb8;
	[tilespmem:$0x14500] =	vst v63  }
0x8b: {  	_ =	swait.ge [sflag:s13], $0x2000  }
0x8c: {  	[sflag:s13] =	ssyncset.done $0x0  }
0x8d: {  	[sflag:s13] =	ssyncadd.s32 $0xFFFFE000  }
0x8e: {  	[hbm4b:s9+s2] =	stream.linear.scatter [tilespmem:s20], [sflag:$0x2], $0x2000, $0x38;
	[tilespmem:$0x14500] =	vst v63  }
0x8f: {  	_ =	swait.ge [sflag:s13], $0x2000  }
0x90: {  	[sflag:s13] =	ssyncset.done $0x0  }
0x91: {  	s0 =	rddreg [dreg:$0x4];
	[sflag:s13] =	ssyncadd.s32 $0xFFFFE000  }
0x92: {  	[hbm4b:s0+s2] =	stream.linear.scatter [tilespmem:s19], [sflag:$0x2], $0x2000, $0x38;
	[tilespmem:$0x14500] =	vst v63  }
0x93: {  	_ =	swait.ge [sflag:s13], $0x2000  }
0x94: {  	[sflag:s13] =	ssyncset.done $0x0  }
0x95: {  	s0 =	rddreg [dreg:$0x5];
	[sflag:s13] =	ssyncadd.s32 $0xFFFFE000  }
0x96: {  	[hbm4b:s0+s2] =	stream.linear.scatter [tilespmem:s18], [sflag:$0x2], $0x2000, $0x38;
	[tilespmem:$0x14500] =	vst v63  }
0x97: {  	_ =	swait.ge [sflag:s13], $0x2000  }
0x98: {  	[sflag:s13] =	ssyncset.done $0x0  }
0x99: {  	s0 =	rddreg [dreg:$0x6];
	[sflag:s13] =	ssyncadd.s32 $0xFFFFE000  }
0x9a: {  	[hbm4b:s0+s2] =	stream.linear.scatter [tilespmem:s17], [sflag:$0x2], $0x2000, $0x38;
	[tilespmem:$0x14500] =	vst v63  }
0x9b: {  	_ =	swait.ge [sflag:s13], $0x2000  }
0x9c: {  	[sflag:s13] =	ssyncset.done $0x0  }
0x9d: {  	s0 =	rddreg [dreg:$0x7];
	[sflag:s13] =	ssyncadd.s32 $0xFFFFE000  }
0x9e: {  	[hbm4b:s0+s2] =	stream.linear.scatter [tilespmem:s16], [sflag:$0x2], $0x2000, $0x38;
	[tilespmem:$0x14500] =	vst v63  }
0x9f: {  	_ =	swait.ge [sflag:s13], $0x2000  }
0xa0: {  	[sflag:s13] =	ssyncset.done $0x0  }
0xa1: {  	s0 =	rddreg [dreg:$0x8];
	[sflag:s13] =	ssyncadd.s32 $0xFFFFE000  }
0xa2: {  	[hbm4b:s0+s2] =	stream.linear.scatter [tilespmem:s15], [sflag:$0x2], $0x2000, $0x38;
	[tilespmem:$0x14500] =	vst v63  }
0xa3: {  	_ =	swait.ge [sflag:s13], $0x2000  }
0xa4: {  	[sflag:s13] =	ssyncset.done $0x0  }
0xa5: {  	[sflag:s13] =	ssyncadd.s32 $0xFFFFE000  }
0xa6: {  	[hbm4b:s7+s2] =	stream.linear.scatter [tilespmem:s14], [sflag:$0x2], $0x2000, $0x38;
	[tilespmem:$0x14500] =	vst v63  }
0xa7: {  	_ =	swait.ge [sflag:s13], $0x2000  }
0xa8: {  	[sflag:s13] =	ssyncset.done $0x0  }
0xa9: {  	[sflag:s13] =	ssyncadd.s32 $0xFFFFE000  }
0xaa: {  	[hbm4b:s6+s2] =	stream.linear.scatter [tilespmem:s11], [sflag:$0x2], $0x2000, $0x38;
	[tilespmem:$0x14500] =	vst v63  }
0xab: {  	_ =	swait.ge [sflag:s13], $0x2000  }
0xac: {  	[sflag:s13] =	ssyncset.done $0x0  }
0xad: {  	[sflag:s13] =	ssyncadd.s32 $0xFFFFE000  }
0xae: {  	[hbm4b:s5+s2] =	stream.linear.scatter [tilespmem:s12], [sflag:$0x2], $0x2000, $0x38;
	[tilespmem:$0x14500] =	vst v63  }
0xaf: {  	_ =	swait.ge [sflag:s13], $0x2000  }
0xb0: {  	[sflag:s13] =	ssyncset.done $0x0  }
0xb1: {  	[sflag:s13] =	ssyncadd.s32 $0xFFFFE000  }
0xb2: {  	[hbm4b:s4+s2] =	stream.linear.scatter [tilespmem:s10], [sflag:$0x2], $0x2000, $0x38;
	[tilespmem:$0x14500] =	vst v63  }
0xb3: {  	_ =	swait.ge [sflag:s3], $0x2000  }
0xb4: {  	[sflag:s3] =	ssyncset.done $0x0  }
0xb5: {  	[sflag:s3] =	ssyncadd.s32 $0xFFFFE000  }
0xb6: {  	_ =	swait.ge [sflag:s3], $0x2000  }
0xb7: {  	[sflag:s3] =	ssyncset.done $0x0  }
0xb8: {  	[sflag:s3] =	ssyncadd.s32 $0xFFFFE000  }
0xb9: {  	_ =	swait.ge [sflag:s3], $0x2000  }
0xba: {  	[sflag:s3] =	ssyncset.done $0x0  }
0xbb: {  	[sflag:s3] =	ssyncadd.s32 $0xFFFFE000  }
0xbc: {  	_ =	swait.ge [sflag:s3], $0x2000  }
0xbd: {  	[sflag:s3] =	ssyncset.done $0x0  }
0xbe: {  	[sflag:s3] =	ssyncadd.s32 $0xFFFFE000  }
0xbf: {  	_ =	swait.ge [sflag:s3], $0x2000  }
0xc0: {  	[sflag:s3] =	ssyncset.done $0x0  }
0xc1: {  	[sflag:s3] =	ssyncadd.s32 $0xFFFFE000  }
0xc2: {  	_ =	swait.ge [sflag:s3], $0x2000  }
0xc3: {  	[sflag:s3] =	ssyncset.done $0x0  }
0xc4: {  	[sflag:s3] =	ssyncadd.s32 $0xFFFFE000  }
0xc5: {  	_ =	swait.ge [sflag:s3], $0x2000  }
0xc6: {  	[sflag:s3] =	ssyncset.done $0x0  }
0xc7: {  	[sflag:s3] =	ssyncadd.s32 $0xFFFFE000  }
0xc8: {  	_ =	swait.ge [sflag:s3], $0x2000  }
0xc9: {  	[sflag:s3] =	ssyncset.done $0x0  }
0xca: {  	p1 =	sne.s32 s1, $0x1;
	[sflag:s3] =	ssyncadd.s32 $0xFFFFE000  }
.Ltmp2:
0xcb: {  	_ =	swait.ge [sflag:s3], $0x2000;
	(pc) =	sbr.rel @p1 .LBB2_2-.Ltmp2, $4  }
0xcc: {  	[sflag:s3] =	ssyncset.done $0x0  }
0xcd: {  	[sflag:s3] =	ssyncadd.s32 $0xFFFFE000  }
0xce: {  	_ =	swait.ge [sflag:s3], $0x2000  }
0xcf: {  	s1 =	sadd.s32 $0xFFFFFFFF, s1;
	s0 =	rddreg [dreg:$0x3];
	[sflag:s3] =	ssyncset.done $0x0  }
.LBB2_3:
0xd0: {  	[sflag:s3] =	ssyncadd.s32 @p0 $0xFFFFE000  }
0xd1: {  	[tilespmem:s2], [sflag:$0x3] =	stream.linear.gather [hbm4b:s0+s2], $0x500, $0x38;
	[tilespmem:$0x14500] =	vst v63  }
0xd2: {  	_ =	swait.ge [sflag:s22], $0x500  }
0xd3: {  	[sflag:s22] =	ssyncset.done $0x0  }
0xd4: {  	[sflag:s22] =	ssyncadd.s32 $0xFFFFFB00  }
0xd5: {  	[tilespmem:s20], [sflag:$0x1] =	stream.indirect.gather [hbm4b:s8+s21], $0x40, s2, s21, $0xb8;
	[tilespmem:$0x14500] =	vst v63  }
0xd6: {  	_ = 	snop  }
0xd7: {  	[tilespmem:s19], [sflag:$0x1] =	stream.indirect.gather [hbm4b:s8+s21], $0x40, s21, s21, $0xb8;
	[tilespmem:$0x14500] =	vst v63  }
0xd8: {  	_ = 	snop  }
0xd9: {  	[tilespmem:s18], [sflag:$0x1] =	stream.indirect.gather [hbm4b:s8+s21], $0x40, s23, s21, $0xb8;
	[tilespmem:$0x14500] =	vst v63  }
0xda: {  	_ = 	snop  }
0xdb: {  	[tilespmem:s17], [sflag:$0x1] =	stream.indirect.gather [hbm4b:s8+s21], $0x40, s24, s21, $0xb8;
	[tilespmem:$0x14500] =	vst v63  }
0xdc: {  	_ = 	snop  }
0xdd: {  	[tilespmem:s16], [sflag:$0x1] =	stream.indirect.gather [hbm4b:s8+s21], $0x40, s25, s21, $0xb8;
	[tilespmem:$0x14500] =	vst v63  }
0xde: {  	_ = 	snop  }
0xdf: {  	[tilespmem:s15], [sflag:$0x1] =	stream.indirect.gather [hbm4b:s8+s21], $0x40, s26, s21, $0xb8;
	[tilespmem:$0x14500] =	vst v63  }
0xe0: {  	_ = 	snop  }
0xe1: {  	[tilespmem:s14], [sflag:$0x1] =	stream.indirect.gather [hbm4b:s8+s21], $0x40, s28, s21, $0xb8;
	[tilespmem:$0x14500] =	vst v63  }
0xe2: {  	_ = 	snop  }
0xe3: {  	[tilespmem:s11], [sflag:$0x1] =	stream.indirect.gather [hbm4b:s8+s21], $0x40, s29, s21, $0xb8;
	[tilespmem:$0x14500] =	vst v63  }
0xe4: {  	_ = 	snop  }
0xe5: {  	[tilespmem:s12], [sflag:$0x1] =	stream.indirect.gather [hbm4b:s8+s21], $0x40, s30, s21, $0xb8;
	[tilespmem:$0x14500] =	vst v63  }
0xe6: {  	_ = 	snop  }
0xe7: {  	[tilespmem:s10], [sflag:$0x1] =	stream.indirect.gather [hbm4b:s8+s21], $0x40, s31, s21, $0xb8;
	[tilespmem:$0x14500] =	vst v63  }
0xe8: {  	_ =	swait.ge [sflag:s13], $0x2000  }
0xe9: {  	[sflag:s13] =	ssyncset.done $0x0  }
0xea: {  	[sflag:s13] =	ssyncadd.s32 $0xFFFFE000  }
0xeb: {  	[hbm4b:s9+s2] =	stream.linear.scatter [tilespmem:s20], [sflag:$0x2], $0x2000, $0x38;
	[tilespmem:$0x14500] =	vst v63  }
0xec: {  	_ =	swait.ge [sflag:s13], $0x2000  }
0xed: {  	[sflag:s13] =	ssyncset.done $0x0  }
0xee: {  	s25 =	rddreg [dreg:$0x4];
	[sflag:s13] =	ssyncadd.s32 $0xFFFFE000  }
0xef: {  	[hbm4b:s25+s2] =	stream.linear.scatter [tilespmem:s19], [sflag:$0x2], $0x2000, $0x38;
	[tilespmem:$0x14500] =	vst v63  }
0xf0: {  	_ =	swait.ge [sflag:s13], $0x2000  }
0xf1: {  	[sflag:s13] =	ssyncset.done $0x0  }
0xf2: {  	s26 =	rddreg [dreg:$0x5];
	[sflag:s13] =	ssyncadd.s32 $0xFFFFE000  }
0xf3: {  	[hbm4b:s26+s2] =	stream.linear.scatter [tilespmem:s18], [sflag:$0x2], $0x2000, $0x38;
	[tilespmem:$0x14500] =	vst v63  }
0xf4: {  	_ =	swait.ge [sflag:s13], $0x2000  }
0xf5: {  	[sflag:s13] =	ssyncset.done $0x0  }
0xf6: {  	s28 =	rddreg [dreg:$0x6];
	[sflag:s13] =	ssyncadd.s32 $0xFFFFE000  }
0xf7: {  	[hbm4b:s28+s2] =	stream.linear.scatter [tilespmem:s17], [sflag:$0x2], $0x2000, $0x38;
	[tilespmem:$0x14500] =	vst v63  }
0xf8: {  	_ =	swait.ge [sflag:s13], $0x2000  }
0xf9: {  	[sflag:s13] =	ssyncset.done $0x0  }
0xfa: {  	s29 =	rddreg [dreg:$0x7];
	[sflag:s13] =	ssyncadd.s32 $0xFFFFE000  }
0xfb: {  	[hbm4b:s29+s2] =	stream.linear.scatter [tilespmem:s16], [sflag:$0x2], $0x2000, $0x38;
	[tilespmem:$0x14500] =	vst v63  }
0xfc: {  	_ =	swait.ge [sflag:s13], $0x2000  }
0xfd: {  	[sflag:s13] =	ssyncset.done $0x0  }
0xfe: {  	s30 =	rddreg [dreg:$0x8];
	[sflag:s13] =	ssyncadd.s32 $0xFFFFE000  }
0xff: {  	[hbm4b:s30+s2] =	stream.linear.scatter [tilespmem:s15], [sflag:$0x2], $0x2000, $0x38;
	[tilespmem:$0x14500] =	vst v63  }
0x100: {  	_ =	swait.ge [sflag:s13], $0x2000  }
0x101: {  	[sflag:s13] =	ssyncset.done $0x0  }
0x102: {  	[sflag:s13] =	ssyncadd.s32 $0xFFFFE000  }
0x103: {  	[hbm4b:s7+s2] =	stream.linear.scatter [tilespmem:s14], [sflag:$0x2], $0x2000, $0x38;
	[tilespmem:$0x14500] =	vst v63  }
0x104: {  	_ =	swait.ge [sflag:s13], $0x2000  }
0x105: {  	[sflag:s13] =	ssyncset.done $0x0  }
0x106: {  	[sflag:s13] =	ssyncadd.s32 $0xFFFFE000  }
0x107: {  	[hbm4b:s6+s2] =	stream.linear.scatter [tilespmem:s11], [sflag:$0x2], $0x2000, $0x38;
	[tilespmem:$0x14500] =	vst v63  }
0x108: {  	_ =	swait.ge [sflag:s13], $0x2000  }
0x109: {  	[sflag:s13] =	ssyncset.done $0x0  }
0x10a: {  	[sflag:s13] =	ssyncadd.s32 $0xFFFFE000  }
0x10b: {  	[hbm4b:s5+s2] =	stream.linear.scatter [tilespmem:s12], [sflag:$0x2], $0x2000, $0x38;
	[tilespmem:$0x14500] =	vst v63  }
0x10c: {  	_ =	swait.ge [sflag:s13], $0x2000  }
0x10d: {  	[sflag:s13] =	ssyncset.done $0x0  }
0x10e: {  	[sflag:s13] =	ssyncadd.s32 $0xFFFFE000  }
0x10f: {  	[hbm4b:s4+s2] =	stream.linear.scatter [tilespmem:s10], [sflag:$0x2], $0x2000, $0x38;
	[tilespmem:$0x14500] =	vst v63  }
0x110: {  	_ =	swait.ge [sflag:s3], $0x2000  }
0x111: {  	[sflag:s3] =	ssyncset.done $0x0  }
0x112: {  	[sflag:s3] =	ssyncadd.s32 $0xFFFFE000  }
0x113: {  	_ =	swait.ge [sflag:s3], $0x2000  }
0x114: {  	[sflag:s3] =	ssyncset.done $0x0  }
0x115: {  	[sflag:s3] =	ssyncadd.s32 $0xFFFFE000  }
0x116: {  	_ =	swait.ge [sflag:s3], $0x2000  }
0x117: {  	[sflag:s3] =	ssyncset.done $0x0  }
0x118: {  	[sflag:s3] =	ssyncadd.s32 $0xFFFFE000  }
0x119: {  	_ =	swait.ge [sflag:s3], $0x2000  }
0x11a: {  	[sflag:s3] =	ssyncset.done $0x0  }
0x11b: {  	[sflag:s3] =	ssyncadd.s32 $0xFFFFE000  }
0x11c: {  	_ =	swait.ge [sflag:s3], $0x2000  }
0x11d: {  	[sflag:s3] =	ssyncset.done $0x0  }
0x11e: {  	[sflag:s3] =	ssyncadd.s32 $0xFFFFE000  }
0x11f: {  	_ =	swait.ge [sflag:s3], $0x2000  }
0x120: {  	[sflag:s3] =	ssyncset.done $0x0  }
0x121: {  	[sflag:s3] =	ssyncadd.s32 $0xFFFFE000  }
0x122: {  	_ =	swait.ge [sflag:s3], $0x2000  }
0x123: {  	[sflag:s3] =	ssyncset.done $0x0  }
0x124: {  	[sflag:s3] =	ssyncadd.s32 $0xFFFFE000  }
0x125: {  	_ =	swait.ge [sflag:s3], $0x2000  }
0x126: {  	[sflag:s3] =	ssyncset.done $0x0  }
0x127: {  	[sflag:s3] =	ssyncadd.s32 $0xFFFFE000  }
0x128: {  	_ =	swait.ge [sflag:s3], $0x2000  }
0x129: {  	[sflag:s3] =	ssyncset.done $0x0  }
0x12a: {  	[sflag:s3] =	ssyncadd.s32 $0xFFFFE000  }
0x12b: {  	_ =	swait.ge [sflag:s3], $0x2000  }
0x12c: {  	[sflag:s3] =	ssyncset.done $0x0  }
0x12d: {  	[sflag:s3] =	ssyncadd.s32 $0xFFFFE000  }
0x12e: {  	_ =	sfence.sel $0x180000  }
0x12f: {  	[bflag:$0x0] =	sbarrier.arrive $0xFFFF  }
0x130: {  	_ =	strace $0x9000004A  }
0x131: {  	s31 =	stileid.u32;
	[bflag:$0x2] =	sbarrier.arrive $0xFFFF  }
0x132: {  	p0 =	sne.s32 s31, $0x0;
	s0 =	rddreg [dreg:$0x2]  }
0x133: {  	s0 =	sadd.s32 @!p0 $0x100000, s0  }
0x134: {  	[sflag:s0] =	ssyncadd.tile.s32 @!p0 $0x1;
	_ =	shalt  }
.Lfunc_end2:
_tile_overlayer_lowered:
.L_overlay_start_2:
0x135: {  	(tag) =	ssettag $0x2  }
0x136: {  	s0 =	rddreg [dreg:$0x0];
	s2 =	stileid.u32  }
0x137: {  	s1 =	rddreg [dreg:$0x1];
	p0 =	sne.s32 s2, $0x0  }
0x138: {  	s3 =	rddreg [dreg:$0x2];
	[bflag:$0x3] =	sbarrier.arrive $0xFFFF;
	s2 =	simm.s32 @!p0 $0x1C03  }
0x139: {  	[timem:s3], [sflag:s2] =	dma.local @!p0 [hbm:s0], s1  }
0x13a: {  	s0 =	simm.s32 @!p0 $0x3  }
0x13b: {  	_ =	swait.ge @!p0 [sflag:s0], s1  }
0x13c: {  	s1 =	ssub.s32 @!p0 $0x0, s1;
	[sflag:s0] =	ssyncset.done @!p0 $0x0  }
0x13d: {  	[sflag:s0] =	ssyncadd.s32 @!p0 s1  }
0x13e: {  	[bflag:$0x3] =	sbarrier.arrive $0xFFFF  }
0x13f: {  	_ =	shalt  }

// kernel: body.45.cloned.1.call-start
scs
__scs_entry_jumppad:
0x0: {  	(pc) =	sbr.rel $0x88, $3  }
0x1: {  	(tag) =	ssettag $0x0;
	lr =	simm.s32 $0x1  }
0x2: {  	[smem:$0x3F94] =	sst lr;
	_ =	strace $0xD0000000  }
0x3: {  	_ = 	snop  }
0x4: {  	_ = 	snop  }
0x5: {  	_ = 	snop  }
0x6: {  	_ = 	snop  }
0x7: {  	_ = 	snop  }
__scs_overlays_trampoline_lowered:
0x8: {  	[smem:$0x3FA3] =	sst s0  }
0x9: {  	[smem:$0x3FA4] =	sst s1  }
0xa: {  	[smem:$0x3FA5] =	sst s2  }
0xb: {  	[smem:$0x3FA6] =	sst s3  }
0xc: {  	[smem:$0x3FA7] =	sst s4  }
0xd: {  	[smem:$0x3FA8] =	sst s5  }
0xe: {  	[smem:$0x3FA9] =	sst s6  }
0xf: {  	[smem:$0x3FAA] =	sst s7  }
0x10: {  	[smem:$0x3FAB] =	sst s8  }
0x11: {  	[smem:$0x3FAC] =	sst s9;
	s0 =	simm.s32 @!p0 $0x0  }
0x12: {  	s1 =	sld [smem:$0x3F92];
	s0 =	simm.s32 @p0 $0x1  }
0x13: {  	[smem:$0x3FAD] =	sst s0;
	s0 =	simm.s32 @!p1 $0x0  }
0x14: {  	s2 =	sld [smem:$0x3F91];
	s0 =	simm.s32 @p1 $0x1  }
0x15: {  	[smem:$0x3FAE] =	sst s0;
	s0 =	simm.s32 @!p2 $0x0  }
0x16: {  	s3 =	sld [smem:$0x3FDB];
	s0 =	simm.s32 @p2 $0x1  }
0x17: {  	s4 =	simm.s32 $0x1BF5;
	[smem:$0x3FB0] =	sst s0  }
0x18: {  	s0 =	sld [smem:$0x3F93];
	_ =	swait.ge [sflag:s4], $0x0  }
0x19: {  	s7 =	sld [smem:$0x3F94]  }
0x1a: {  	s8 =	sadd.s32 $0xFFFFE003, lr  }
0x1b: {  	s9 =	sadd.s32 $0xFFFFFEF7, lr;
	s5 =	simm.s32 $0xFFFFFFFF;
	p2 =	slt.u32 s8, $0xFFFFF086  }
0x1c: {  	p1 =	slt.u32 s9, $0xF7A;
	s5 =	simm.s32 @!p2 $0x0  }
0x1d: {  	s5 =	simm.s32 @p1 $0x1;
	p0 =	seq.s32 s7, s2  }
0x1e: {  	s7 =	smul.u32 @!p0 $0xF7A, s2;
	p2 =	seq.s32 @!p0 s5, $0x0  }
0x1f: {  	s9 =	smul.u32 $0xF7A, s1;
	s8 =	simm.s32 @!p0 $0x1BF5;
	p2 =	por !p2, p0  }
0x20: {  	[sflag:s8] =	ssyncset.s32 @!p0 $0xFFFFF086;
	s6 =	sadd.s32 @!p0 s3, s7;
	s7 =	simm.s32 @!p0 $0x108  }
0x21: {  	s3 =	sadd.s32 s3, s9;
	s6 =	sadd.s32 @!p0 $0x88, s6;
	s7 =	simm.s32 @p2 $0x1082  }
0x22: {  	[simem:s7], [sflag:s8] =	dma.local @!p0 [hbm:s6], $0xF7A  }
0x23: {  	s9 =	sor.u32 $0xD0000000, s2;
	s6 =	simm.s32 $0x108;
	_ =	swait.ge @!p0 [sflag:s8], $0x0  }
0x24: {  	s3 =	sadd.s32 $0x88, s3;
	s6 =	simm.s32 @!p1 $0x1082;
	[sflag:s4] =	ssyncset.s32 $0xFFFFF086  }
0x25: {  	[simem:s6], [sflag:s4] =	dma.local [hbm:s3], $0xF7A  }
0x26: {  	[smem:$0x3F94] =	sst s1;
	(tag) =	ssettag s2;
	_ =	strace s9  }
0x27: {  	s1 =	sld [smem:$0x3FA4]  }
0x28: {  	s2 =	sld [smem:$0x3FA5]  }
0x29: {  	s4 =	sld [smem:$0x3FA7]  }
0x2a: {  	p0 =	seq.s32 s5, $0x0;
	s5 =	sld [smem:$0x3FA8]  }
0x2b: {  	s6 =	sld [smem:$0x3FA9]  }
0x2c: {  	s7 =	sld [smem:$0x3FAA]  }
0x2d: {  	s3 =	simm.s32 $0x108;
	s8 =	sld [smem:$0x3FAB]  }
0x2e: {  	s3 =	simm.s32 @!p0 $0x1082;
	s9 =	sld [smem:$0x3FAC]  }
0x2f: {  	lr =	sadd.s32 s0, s3;
	s0 =	sld [smem:$0x3FA3]  }
0x30: {  	s3 =	sld [smem:$0x3FA6]  }
0x31: {  	[smem:$0x3FAF] =	sst s10  }
0x32: {  	s10 =	sld [smem:$0x3FAD];
	_ =	sdelay $0x3  }
0x33: {  	p0 =	seq.s32 s10, $0x1;
	s10 =	sld [smem:$0x3FAF];
	_ =	sdelay $0x3  }
0x34: {  	[smem:$0x3FAF] =	sst s10  }
0x35: {  	s10 =	sld [smem:$0x3FAE];
	_ =	sdelay $0x3  }
0x36: {  	p1 =	seq.s32 s10, $0x1;
	s10 =	sld [smem:$0x3FAF];
	_ =	sdelay $0x3  }
0x37: {  	[smem:$0x3FAF] =	sst s10  }
0x38: {  	s10 =	sld [smem:$0x3FB0]  }
0x39: {  	_ = 	snop;
	(pc) =	sbr.ind lr, $3  }
0x3a: {  	_ = 	snop  }
0x3b: {  	_ = 	snop  }
0x3c: {  	p2 =	seq.s32 s10, $0x1;
	s10 =	sld [smem:$0x3FAF]  }
0x3d: {  	_ =	shalt  }
0x3e: {  	_ =	shalt  }
0x3f: {  	_ =	shalt  }
0x40: {  	_ =	shalt  }
0x41: {  	_ =	shalt  }
0x42: {  	_ =	shalt  }
0x43: {  	_ =	shalt  }
0x44: {  	_ =	shalt  }
0x45: {  	_ =	shalt  }
0x46: {  	_ =	shalt  }
0x47: {  	_ =	shalt  }
0x48: {  	_ =	shalt  }
0x49: {  	_ =	shalt  }
0x4a: {  	_ =	shalt  }
0x4b: {  	_ =	shalt  }
0x4c: {  	_ =	shalt  }
0x4d: {  	_ =	shalt  }
0x4e: {  	_ =	shalt  }
0x4f: {  	_ =	shalt  }
0x50: {  	_ =	shalt  }
0x51: {  	_ =	shalt  }
0x52: {  	_ =	shalt  }
0x53: {  	_ =	shalt  }
0x54: {  	_ =	shalt  }
0x55: {  	_ =	shalt  }
0x56: {  	_ =	shalt  }
0x57: {  	_ =	shalt  }
0x58: {  	_ =	shalt  }
0x59: {  	_ =	shalt  }
0x5a: {  	_ =	shalt  }
0x5b: {  	_ =	shalt  }
0x5c: {  	_ =	shalt  }
0x5d: {  	_ =	shalt  }
0x5e: {  	_ =	shalt  }
0x5f: {  	_ =	shalt  }
0x60: {  	_ =	shalt  }
0x61: {  	_ =	shalt  }
0x62: {  	_ =	shalt  }
0x63: {  	_ =	shalt  }
0x64: {  	_ =	shalt  }
0x65: {  	_ =	shalt  }
0x66: {  	_ =	shalt  }
0x67: {  	_ =	shalt  }
0x68: {  	_ =	shalt  }
0x69: {  	_ =	shalt  }
0x6a: {  	_ =	shalt  }
0x6b: {  	_ =	shalt  }
0x6c: {  	_ =	shalt  }
0x6d: {  	_ =	shalt  }
0x6e: {  	_ =	shalt  }
0x6f: {  	_ =	shalt  }
0x70: {  	_ =	shalt  }
0x71: {  	_ =	shalt  }
0x72: {  	_ =	shalt  }
0x73: {  	_ =	shalt  }
0x74: {  	_ =	shalt  }
0x75: {  	_ =	shalt  }
0x76: {  	_ =	shalt  }
0x77: {  	_ =	shalt  }
0x78: {  	_ =	shalt  }
0x79: {  	_ =	shalt  }
0x7a: {  	_ =	shalt  }
0x7b: {  	_ =	shalt  }
0x7c: {  	_ =	shalt  }
0x7d: {  	_ =	shalt  }
0x7e: {  	_ =	shalt  }
0x7f: {  	_ =	shalt  }
0x80: {  	_ =	shalt  }
0x81: {  	_ =	shalt  }
0x82: {  	_ =	shalt  }
0x83: {  	_ =	shalt  }
0x84: {  	_ =	shalt  }
0x85: {  	_ =	shalt  }
0x86: {  	_ =	shalt  }
0x87: {  	_ =	shalt  }
.Lfunc_end0:
.L_simem_size_0:
called_computation.1_lowered:
.L_overlay_start_0:
0x88: {  	s2 =	sld [smem:$0x3FD9]  }
0x89: {  	s3 =	sld [smem:$0x3FFE];
	_ =	sdelay $0x1  }
0x8a: {  	s1 =	srdreg.scid  }
0x8b: {  	s0 =	sand.u32 $0x1, s1  }
0x8c: {  	s17 =	sshll.u32 s0, $0xA;
	s2 =	sadd.s32 s3, s2  }
0x8d: {  	s2 =	sadd.s32 s2, s17  }
0x8e: {  	[smem:$0x3FBB] =	sst s2  }
0x8f: {  	_ = 	snop  }
0x90: {  	s2 =	sld [smem:$0x3FD0];
	(tm) =	ssettm $0x1  }
0x91: {  	s18 =	sld [smem:$0x3FFB];
	_ =	sdelay $0x3  }
0x92: {  	_ =	strace s18  }
0x93: {  	s3 =	sld [smem:$0x3FFC];
	_ =	sdelay $0x3  }
0x94: {  	_ =	strace s3  }
0x95: {  	s3 =	sld [smem:$0x3FFD];
	_ =	sdelay $0x3  }
0x96: {  	_ =	strace s3  }
0x97: {  	_ =	strace $0x8FFFFFFF  }
0x98: {  	s19 =	sld [smem:$0x3FDB];
	_ =	sdelay $0x1  }
0x99: {  	s4 =	simm.s32 $_scs_section_size  }
0x9a: {  	s5 =	simm.s32 $_size__tile_overlayer_lowered;
	s6 =	simm.s32 $_tile_overlayer_lowered  }
0x9b: {  	s22 =	simm.s32 $0x1BFF;
	s21 =	sshll.u32 s6, $0x1;
	s3 =	sadd.s32 s4, s19  }
0x9c: {  	s7 =	simm.s32 $0x0;
	s20 =	sshll.u32 s5, $0x1;
	s5 =	sadd.s32 s21, s3  }
0x9d: {  	[timem:s7], [sflag:s22] =	dma.local [hbm:s5], s20  }
0x9e: {  	_ =	swait.ge [sflag:s22], s20  }
0x9f: {  	s4 =	ssub.s32 $0x0, s20;
	[sflag:s22] =	ssyncset.done $0x0  }
0xa0: {  	[sflag:s22] =	ssyncadd.s32 s4;
	_ =	sdelay $0x1  }
0xa1: {  	s23 =	simm.s32 $0x1B8B  }
0xa2: {  	_ =	swait.ge [sflag:s23], $0x1  }
0xa3: {  	[sflag:s23] =	ssyncset.done $0x0  }
0xa4: {  	s25 =	simm.s32 $0x1B8E;
	s24 =	sld [smem:$0x3FFE];
	[sflag:s23] =	ssyncadd.s32 $0xFFFFFFFF  }
0xa5: {  	s26 =	simm.s32 $execute0_lowered;
	[smem:$0x3FD2] =	sst s25  }
0xa6: {  	s5 =	sshll.u32 s26, $0x1;
	_ =	strace $0x8000004C;
	[dreg:$0x1] =	wrdreg $0xFFFFFFFF  }
0xa7: {  	s28 =	simm.s32 $_size_execute0_lowered;
	s3 =	sadd.s32 s3, s5;
	[dreg:$0x0] =	wrdreg $0x0  }
0xa8: {  	s5 =	sshll.u32 s28, $0x1;
	[dreg:$0x2] =	wrdreg s3  }
0xa9: {  	[dreg:$0x3] =	wrdreg s5  }
0xaa: {  	[dreg:$0x4] =	wrdreg $0xC0  }
0xab: {  	_ =	task [dreg:s7], $0x5FFFF  }
0xac: {  	[dreg:$0x1] =	wrdreg $0xFFFFFFFF  }
0xad: {  	[dreg:$0x0] =	wrdreg $0x60  }
0xae: {  	[dreg:$0x2] =	wrdreg s24  }
0xaf: {  	[dreg:$0x3] =	wrdreg s2  }
0xb0: {  	[dreg:$0x4] =	wrdreg $0x14A000  }
0xb1: {  	[dreg:$0x5] =	wrdreg $0x9  }
0xb2: {  	_ =	task.clear_ibuf [dreg:s7], $0x6FFFF;
	_ =	strace $0x9000004C  }
0xb3: {  	s29 =	simm.s32 $0x9;
	_ =	strace $0x8000004E  }
0xb4: {  	_ =	swait.ge [sflag:s29], $0x1  }
0xb5: {  	[sflag:s29] =	ssyncadd.s32 $0xFFFFFFFF  }
0xb6: {  	_ =	strace $0x9000004E  }
0xb7: {  	_ =	sfence  }
0xb8: {  	s30 =	sld [smem:$0x0];
	_ =	sdelay $0x2  }
0xb9: {  	s31 =	sshll.u32 s1, $0xD;
	s1 =	sshrl.u32 s1, $0x2  }
0xba: {  	s3 =	sand.u32 $0x4000, s31;
	s1 =	sadd.s32 s1, s30  }
0xbb: {  	s0 =	sor.u32 s3, s0;
	s1 =	sshll.u32 s1, $0x11  }
0xbc: {  	s0 =	sor.u32 s1, s0  }
0xbd: {  	s0 =	sadd.s32 $0x8F2B, s0  }
0xbe: {  	[sflag:s0] =	ssyncadd.remote.s32 $0x1  }
0xbf: {  	_ =	sfence.sel $0xFFFF  }
0xc0: {  	[dreg:$0x0] =	wrdreg $0xFFFFFFFF;
	(pc) =	sbr.abs _section_cstart, $3  }
0xc1: {  	[dreg:$0x1] =	wrdreg $0xFFFFFFFF  }
0xc2: {  	_ =	task.clear_ibuf [dreg:s7], $0x2FFFF;
	_ =	strace $0x9FFFFFFF  }
0xc3: {  	(tm) =	ssettm $0x7FFFFFFF  }
tec
execute0_lowered:
.L_overlay_start_1:
0x0: {  	(tag) =	ssettag $0x1  }
0x1: {  	s4 =	rddreg [dreg:$0x0]  }
0x2: {  	s5 =	rddreg [dreg:$0x1]  }
0x3: {  	s2 =	rddreg [dreg:$0x2];
	s3 =	simm.s32 $0x0  }
0x4: {  	s14 =	simm.s32 $0x20;
	[smem:$0x7FF] =	sst s3  }
0x5: {  	s15 =	simm.s32 $0x40;
	_ =	strace $0x8000004D;
	[dreg:$0x8] =	wrdreg s14  }
0x6: {  	s16 =	simm.s32 $0x1A00;
	[dreg:$0x9] =	wrdreg s15  }
0x7: {  	s17 =	simm.s32 $0x100;
	[dreg:$0xa] =	wrdreg s16  }
0x8: {  	s18 =	simm.s32 $0x2A00;
	[dreg:$0xb] =	wrdreg s17  }
0x9: {  	s19 =	simm.s32 $0x180;
	[dreg:$0xc] =	wrdreg s18  }
0xa: {  	s20 =	simm.s32 $0x3A00;
	[dreg:$0xd] =	wrdreg s19  }
0xb: {  	s1 =	srdreg.scid;
	s21 =	simm.s32 $0x200;
	[dreg:$0xe] =	wrdreg s20  }
0xc: {  	s0 =	stileid.u32;
	s22 =	simm.s32 $0x4A00;
	[dreg:$0xf] =	wrdreg s21  }
0xd: {  	s23 =	simm.s32 $0x280;
	s24 =	simm.s32 $0x5A00;
	[dreg:$0x10] =	wrdreg s22  }
0xe: {  	s25 =	simm.s32 $0x300;
	s6 =	smul.u32 $0x28000, s0;
	[dreg:$0x11] =	wrdreg s23  }
0xf: {  	s26 =	simm.s32 $0x6A00;
	s8 =	smul.u32 $0x140, s0;
	[dreg:$0x12] =	wrdreg s24  }
0x10: {  	s1 =	sand.u32 $0x1, s1;
	s9 =	smul.u32 $0x9F60, s0;
	[dreg:$0x13] =	wrdreg s25  }
0x11: {  	s10 =	smul.u32 $0x13EC0, s0;
	s7 =	sshll.u32 s1, $0x5;
	[dreg:$0x14] =	wrdreg s26  }
0x12: {  	s15 =	simm.s32 $0x500;
	s6 =	sor.u32 s7, s6;
	s11 =	sshrl.u32 s9, $0x3  }
0x13: {  	s7 =	sor.u32 s7, s10;
	s10 =	simm.s32 $0x480;
	[dreg:$0x1b] =	wrdreg s15  }
0x14: {  	s8 =	sadd.s32 s8, s4;
	s5 =	sadd.s32 s5, s11;
	[dreg:$0x19] =	wrdreg s10  }
0x15: {  	s6 =	sshrl.u32 s6, $0x3;
	s12 =	sadd.s32 $0x6600, s8;
	[dreg:$0x4] =	wrdreg s5  }
0x16: {  	s7 =	sshrl.u32 s7, $0x3;
	s8 =	simm.s32 $0x8A00;
	[dreg:$0x5] =	wrdreg s12  }
0x17: {  	s6 =	sadd.s32 s6, s4;
	s5 =	simm.s32 $0x380;
	[dreg:$0x18] =	wrdreg s8  }
0x18: {  	s4 =	sadd.s32 s7, s4;
	s7 =	simm.s32 $0x400;
	[dreg:$0x15] =	wrdreg s5  }
0x19: {  	[dreg:$0x17] =	wrdreg s7  }
0x1a: {  	s13 =	sadd.s32 $0x155200, s6;
	s14 =	rddreg [dreg:$0x4]  }
0x1b: {  	s11 =	sadd.s32 s9, s2;
	s4 =	sadd.s32 $0x1A5200, s4;
	[dreg:$0x6] =	wrdreg s13  }
0x1c: {  	s12 =	sshll.u32 s0, $0x6;
	s6 =	simm.s32 $0x7A00;
	[dreg:$0x7] =	wrdreg s4  }
0x1d: {  	s5 =	simm.s32 $0x2;
	[dreg:$0x16] =	wrdreg s6;
	s13 =	simm.s32 $0x9A00  }
0x1e: {  	s4 =	sor.u32 $0x1C02, s12;
	s6 =	sshrl.u32 s11, $0x3;
	[dreg:$0x1a] =	wrdreg s13  }
0x1f: {  	[spmem:s6], [sflag:s4] =	dma.local [hbm:s14], $0x13EC  }
0x20: {  	_ =	swait.ge [sflag:s5], $0x13EC  }
0x21: {  	[sflag:s5] =	ssyncset.done $0x0  }
0x22: {  	s16 =	rddreg [dreg:$0x5];
	[sflag:s5] =	ssyncadd.s32 $0xFFFFEC14  }
0x23: {  	[tilespmem:s3], [sflag:$0x2] =	stream.linear.gather [hbm4b:s16+s3], $0xA00, $0x38;
	[tilespmem:$0x1E960] =	vst v63  }
0x24: {  	_ =	swait.ge [sflag:s5], $0xA00  }
0x25: {  	s17 =	rddreg [dreg:$0x9]  }
0x26: {  	s18 =	rddreg [dreg:$0x6];
	[sflag:s5] =	ssyncset.done $0x0  }
0x27: {  	s7 =	simm.s32 $0xA00;
	s19 =	rddreg [dreg:$0x8];
	[sflag:s5] =	ssyncadd.s32 $0xFFFFF600  }
0x28: {  	[tilespmem:s7], [sflag:$0x2] =	stream.strided.gather [hbm4b:s18+s19], $0x14000, s17, s19, $0x38;
	[tilespmem:$0x1E960] =	vst v63  }
0x29: {  	_ =	swait.ge [sflag:s5], $0x14000  }
0x2a: {  	[sflag:s5] =	ssyncset.done $0x0  }
0x2b: {  	[sflag:s5] =	ssyncadd.s32 $0xFFFEC000  }
0x2c: {  	[bflag:$0x0] =	sbarrier.arrive $0xFFFF  }
0x2d: {  	s20 =	rddreg [dreg:$0xd]  }
0x2e: {  	s21 =	rddreg [dreg:$0x18]  }
0x2f: {  	s22 =	rddreg [dreg:$0x10]  }
0x30: {  	s12 =	rddreg [dreg:$0x16]  }
0x31: {  	s13 =	rddreg [dreg:$0x14]  }
0x32: {  	s14 =	rddreg [dreg:$0xc]  }
0x33: {  	s8 =	simm.s32 $0x80;
	s15 =	rddreg [dreg:$0xf]  }
0x34: {  	[spmem:s2] =	stream.indirect.scatter.add.f32 [tilespmem:s7], [sflag:$0x1], $0x20, s3, s8, $0xb8;
	[tilespmem:$0x1E960] =	vst v63  }
0x35: {  	s16 =	rddreg [dreg:$0xa]  }
0x36: {  	s17 =	rddreg [dreg:$0xb]  }
0x37: {  	[spmem:s2] =	stream.indirect.scatter.add.f32 [tilespmem:s16], [sflag:$0x1], $0x20, s8, s8, $0xb8;
	[tilespmem:$0x1E960] =	vst v63  }
0x38: {  	s18 =	rddreg [dreg:$0xe]  }
0x39: {  	[spmem:s2] =	stream.indirect.scatter.add.f32 [tilespmem:s14], [sflag:$0x1], $0x20, s17, s8, $0xb8;
	[tilespmem:$0x1E960] =	vst v63  }
0x3a: {  	s23 =	rddreg [dreg:$0x12]  }
0x3b: {  	[spmem:s2] =	stream.indirect.scatter.add.f32 [tilespmem:s18], [sflag:$0x1], $0x20, s20, s8, $0xb8;
	[tilespmem:$0x1E960] =	vst v63  }
0x3c: {  	s24 =	rddreg [dreg:$0x11]  }
0x3d: {  	[spmem:s2] =	stream.indirect.scatter.add.f32 [tilespmem:s22], [sflag:$0x1], $0x20, s15, s8, $0xb8;
	[tilespmem:$0x1E960] =	vst v63  }
0x3e: {  	s25 =	rddreg [dreg:$0x13]  }
0x3f: {  	[spmem:s2] =	stream.indirect.scatter.add.f32 [tilespmem:s23], [sflag:$0x1], $0x20, s24, s8, $0xb8;
	[tilespmem:$0x1E960] =	vst v63  }
0x40: {  	s26 =	rddreg [dreg:$0x15]  }
0x41: {  	[spmem:s2] =	stream.indirect.scatter.add.f32 [tilespmem:s13], [sflag:$0x1], $0x20, s25, s8, $0xb8;
	[tilespmem:$0x1E960] =	vst v63  }
0x42: {  	s0 =	rddreg [dreg:$0x17]  }
0x43: {  	[spmem:s2] =	stream.indirect.scatter.add.f32 [tilespmem:s12], [sflag:$0x1], $0x20, s26, s8, $0xb8;
	[tilespmem:$0x1E960] =	vst v63  }
0x44: {  	s16 =	rddreg [dreg:$0x19]  }
0x45: {  	[spmem:s2] =	stream.indirect.scatter.add.f32 [tilespmem:s21], [sflag:$0x1], $0x20, s0, s8, $0xb8;
	[tilespmem:$0x1E960] =	vst v63  }
0x46: {  	s15 =	rddreg [dreg:$0x1a]  }
0x47: {  	[spmem:s2] =	stream.indirect.scatter.add.f32 [tilespmem:s15], [sflag:$0x1], $0x20, s16, s8, $0xb8;
	[tilespmem:$0x1E960] =	vst v63  }
0x48: {  	s17 =	rddreg [dreg:$0x1b];
	s18 =	simm.s32 $0xAA00  }
0x49: {  	[spmem:s2] =	stream.indirect.scatter.add.f32 [tilespmem:s18], [sflag:$0x1], $0x20, s17, s8, $0xb8;
	[tilespmem:$0x1E960] =	vst v63  }
0x4a: {  	s19 =	simm.s32 $0x580;
	s20 =	simm.s32 $0xBA00  }
0x4b: {  	[spmem:s2] =	stream.indirect.scatter.add.f32 [tilespmem:s20], [sflag:$0x1], $0x20, s19, s8, $0xb8;
	[tilespmem:$0x1E960] =	vst v63  }
0x4c: {  	s22 =	simm.s32 $0xCA00;
	s21 =	simm.s32 $0x600  }
0x4d: {  	[spmem:s2] =	stream.indirect.scatter.add.f32 [tilespmem:s22], [sflag:$0x1], $0x20, s21, s8, $0xb8;
	[tilespmem:$0x1E960] =	vst v63  }
0x4e: {  	s23 =	simm.s32 $0x680;
	s24 =	simm.s32 $0xDA00  }
0x4f: {  	[spmem:s2] =	stream.indirect.scatter.add.f32 [tilespmem:s24], [sflag:$0x1], $0x20, s23, s8, $0xb8;
	[tilespmem:$0x1E960] =	vst v63  }
0x50: {  	s25 =	simm.s32 $0x700;
	s26 =	simm.s32 $0xEA00  }
0x51: {  	[spmem:s2] =	stream.indirect.scatter.add.f32 [tilespmem:s26], [sflag:$0x1], $0x20, s25, s8, $0xb8;
	[tilespmem:$0x1E960] =	vst v63  }
0x52: {  	s18 =	simm.s32 $0x780;
	s19 =	simm.s32 $0xFA00  }
0x53: {  	[spmem:s2] =	stream.indirect.scatter.add.f32 [tilespmem:s19], [sflag:$0x1], $0x20, s18, s8, $0xb8;
	[tilespmem:$0x1E960] =	vst v63  }
0x54: {  	s20 =	simm.s32 $0x800;
	s21 =	simm.s32 $0x10A00  }
0x55: {  	[spmem:s2] =	stream.indirect.scatter.add.f32 [tilespmem:s21], [sflag:$0x1], $0x20, s20, s8, $0xb8;
	[tilespmem:$0x1E960] =	vst v63  }
0x56: {  	s22 =	simm.s32 $0x880;
	s24 =	simm.s32 $0x11A00  }
0x57: {  	[spmem:s2] =	stream.indirect.scatter.add.f32 [tilespmem:s24], [sflag:$0x1], $0x20, s22, s8, $0xb8;
	[tilespmem:$0x1E960] =	vst v63  }
0x58: {  	s25 =	simm.s32 $0x900;
	s26 =	simm.s32 $0x12A00  }
0x59: {  	[spmem:s2] =	stream.indirect.scatter.add.f32 [tilespmem:s26], [sflag:$0x1], $0x20, s25, s8, $0xb8;
	[tilespmem:$0x1E960] =	vst v63  }
0x5a: {  	s28 =	simm.s32 $0x980;
	s29 =	simm.s32 $0x13A00;
	s23 =	simm.s32 $0x1  }
0x5b: {  	[spmem:s2] =	stream.indirect.scatter.add.f32 [tilespmem:s29], [sflag:$0x1], $0x20, s28, s8, $0xb8;
	[tilespmem:$0x1E960] =	vst v63  }
0x5c: {  	_ =	swait.ge [sflag:s23], $0x1000  }
0x5d: {  	[sflag:s23] =	ssyncset.done $0x0  }
0x5e: {  	[sflag:s23] =	ssyncadd.s32 $0xFFFFF000  }
0x5f: {  	_ =	swait.ge [sflag:s23], $0x1000  }
0x60: {  	[sflag:s23] =	ssyncset.done $0x0  }
0x61: {  	[sflag:s23] =	ssyncadd.s32 $0xFFFFF000  }
0x62: {  	_ =	swait.ge [sflag:s23], $0x1000  }
0x63: {  	[sflag:s23] =	ssyncset.done $0x0  }
0x64: {  	[sflag:s23] =	ssyncadd.s32 $0xFFFFF000  }
0x65: {  	_ =	swait.ge [sflag:s23], $0x1000  }
0x66: {  	[sflag:s23] =	ssyncset.done $0x0  }
0x67: {  	[sflag:s23] =	ssyncadd.s32 $0xFFFFF000  }
0x68: {  	_ =	swait.ge [sflag:s23], $0x1000  }
0x69: {  	[sflag:s23] =	ssyncset.done $0x0  }
0x6a: {  	[sflag:s23] =	ssyncadd.s32 $0xFFFFF000  }
0x6b: {  	_ =	swait.ge [sflag:s23], $0x1000  }
0x6c: {  	[sflag:s23] =	ssyncset.done $0x0  }
0x6d: {  	[sflag:s23] =	ssyncadd.s32 $0xFFFFF000  }
0x6e: {  	_ =	swait.ge [sflag:s23], $0x1000  }
0x6f: {  	[sflag:s23] =	ssyncset.done $0x0  }
0x70: {  	[sflag:s23] =	ssyncadd.s32 $0xFFFFF000  }
0x71: {  	_ =	swait.ge [sflag:s23], $0x1000  }
0x72: {  	[sflag:s23] =	ssyncset.done $0x0  }
0x73: {  	[sflag:s23] =	ssyncadd.s32 $0xFFFFF000  }
0x74: {  	_ =	swait.ge [sflag:s23], $0x1000  }
0x75: {  	[sflag:s23] =	ssyncset.done $0x0  }
0x76: {  	[sflag:s23] =	ssyncadd.s32 $0xFFFFF000  }
0x77: {  	_ =	swait.ge [sflag:s23], $0x1000  }
0x78: {  	[sflag:s23] =	ssyncset.done $0x0  }
0x79: {  	[sflag:s23] =	ssyncadd.s32 $0xFFFFF000  }
0x7a: {  	_ =	swait.ge [sflag:s23], $0x1000  }
0x7b: {  	[sflag:s23] =	ssyncset.done $0x0  }
0x7c: {  	[sflag:s23] =	ssyncadd.s32 $0xFFFFF000  }
0x7d: {  	_ =	swait.ge [sflag:s23], $0x1000  }
0x7e: {  	[sflag:s23] =	ssyncset.done $0x0  }
0x7f: {  	[sflag:s23] =	ssyncadd.s32 $0xFFFFF000  }
0x80: {  	_ =	swait.ge [sflag:s23], $0x1000  }
0x81: {  	[sflag:s23] =	ssyncset.done $0x0  }
0x82: {  	[sflag:s23] =	ssyncadd.s32 $0xFFFFF000  }
0x83: {  	_ =	swait.ge [sflag:s23], $0x1000  }
0x84: {  	[sflag:s23] =	ssyncset.done $0x0  }
0x85: {  	[sflag:s23] =	ssyncadd.s32 $0xFFFFF000  }
0x86: {  	_ =	swait.ge [sflag:s23], $0x1000  }
0x87: {  	[sflag:s23] =	ssyncset.done $0x0  }
0x88: {  	[sflag:s23] =	ssyncadd.s32 $0xFFFFF000  }
0x89: {  	s1 =	ssub.s32 $0x2, s1;
	_ =	swait.ge [sflag:s23], $0x1000  }
0x8a: {  	s30 =	sshrl.u32 s1, $0x1;
	[sflag:s23] =	ssyncset.done $0x0  }
0x8b: {  	s1 =	ssub.s32 s1, s30;
	[sflag:s23] =	ssyncadd.s32 $0xFFFFF000  }
0x8c: {  	s1 =	smax.u32 s1, $0x1;
	_ =	swait.ge [sflag:s23], $0x1000  }
0x8d: {  	p0 =	sne.s32 s1, $0x1;
	[sflag:s23] =	ssyncset.done $0x0  }
.Ltmp0:
0x8e: {  	[sflag:s23] =	ssyncadd.s32 $0xFFFFF000;
	(pc) =	sbr.rel @!p0 .LBB2_2-.Ltmp0, $4  }
0x8f: {  	_ =	swait.ge [sflag:s23], $0x1000  }
0x90: {  	[sflag:s23] =	ssyncset.done $0x0  }
0x91: {  	s31 =	simm.s32 $0x4;
	[sflag:s23] =	ssyncadd.s32 $0xFFFFF000  }
0x92: {  	s30 =	simm.s32 $0x8;
	s1 =	sadd.s32 $0xFFFFFFFF, s1;
	_ =	swait.ge [sflag:s23], $0x1000  }
.LBB2_1:
0x93: {  	[sflag:s23] =	ssyncset.done $0x0  }
0x94: {  	[sflag:s23] =	ssyncadd.s32 $0xFFFFF000  }
0x95: {  	_ =	swait.ge [sflag:s23], $0x1000  }
0x96: {  	[sflag:s23] =	ssyncset.done $0x0  }
0x97: {  	[sflag:s23] =	ssyncadd.s32 $0xFFFFF000  }
0x98: {  	[bflag:$0x0] =	sbarrier.arrive $0xFFFF  }
0x99: {  	s0 =	rddreg [dreg:$0x7]  }
0x9a: {  	[hbm:s0@s30], [sflag:s4] =	dma.strided [spmem:s6@s31], $0x13EC, s23, $0x4   }
0x9b: {  	_ =	swait.ge [sflag:s5], $0x13EC  }
0x9c: {  	[sflag:s5] =	ssyncset.done $0x0  }
0x9d: {  	s13 =	rddreg [dreg:$0x4];
	[sflag:s5] =	ssyncadd.s32 $0xFFFFEC14  }
0x9e: {  	[spmem:s6], [sflag:s4] =	dma.local [hbm:s13], $0x13EC  }
0x9f: {  	_ =	swait.ge [sflag:s5], $0x13EC  }
0xa0: {  	[sflag:s5] =	ssyncset.done $0x0  }
0xa1: {  	s14 =	rddreg [dreg:$0x5];
	[sflag:s5] =	ssyncadd.s32 $0xFFFFEC14  }
0xa2: {  	[tilespmem:s3], [sflag:$0x2] =	stream.linear.gather [hbm4b:s14+s3], $0xA00, $0x38;
	[tilespmem:$0x1E960] =	vst v63  }
0xa3: {  	_ =	swait.ge [sflag:s5], $0xA00  }
0xa4: {  	s15 =	rddreg [dreg:$0x9]  }
0xa5: {  	s9 =	rddreg [dreg:$0x6];
	[sflag:s5] =	ssyncset.done $0x0  }
0xa6: {  	s10 =	rddreg [dreg:$0x8];
	[sflag:s5] =	ssyncadd.s32 $0xFFFFF600  }
0xa7: {  	[tilespmem:s7], [sflag:$0x2] =	stream.strided.gather [hbm4b:s9+s10], $0x14000, s15, s10, $0x38;
	[tilespmem:$0x1E960] =	vst v63  }
0xa8: {  	_ =	swait.ge [sflag:s5], $0x14000  }
0xa9: {  	[sflag:s5] =	ssyncset.done $0x0  }
0xaa: {  	[sflag:s5] =	ssyncadd.s32 $0xFFFEC000  }
0xab: {  	[bflag:$0x0] =	sbarrier.arrive $0xFFFF  }
0xac: {  	s0 =	rddreg [dreg:$0xd]  }
0xad: {  	s9 =	rddreg [dreg:$0x18]  }
0xae: {  	s10 =	rddreg [dreg:$0x10]  }
0xaf: {  	s11 =	rddreg [dreg:$0x16]  }
0xb0: {  	s12 =	rddreg [dreg:$0x14]  }
0xb1: {  	s13 =	rddreg [dreg:$0xc]  }
0xb2: {  	s14 =	rddreg [dreg:$0xf]  }
0xb3: {  	[spmem:s2] =	stream.indirect.scatter.add.f32 [tilespmem:s7], [sflag:$0x1], $0x20, s3, s8, $0xb8;
	[tilespmem:$0x1E960] =	vst v63  }
0xb4: {  	s15 =	rddreg [dreg:$0xa]  }
0xb5: {  	s16 =	rddreg [dreg:$0xb]  }
0xb6: {  	[spmem:s2] =	stream.indirect.scatter.add.f32 [tilespmem:s15], [sflag:$0x1], $0x20, s8, s8, $0xb8;
	[tilespmem:$0x1E960] =	vst v63  }
0xb7: {  	s17 =	rddreg [dreg:$0xe]  }
0xb8: {  	[spmem:s2] =	stream.indirect.scatter.add.f32 [tilespmem:s13], [sflag:$0x1], $0x20, s16, s8, $0xb8;
	[tilespmem:$0x1E960] =	vst v63  }
0xb9: {  	s15 =	rddreg [dreg:$0x12]  }
0xba: {  	[spmem:s2] =	stream.indirect.scatter.add.f32 [tilespmem:s17], [sflag:$0x1], $0x20, s0, s8, $0xb8;
	[tilespmem:$0x1E960] =	vst v63  }
0xbb: {  	s13 =	rddreg [dreg:$0x11]  }
0xbc: {  	[spmem:s2] =	stream.indirect.scatter.add.f32 [tilespmem:s10], [sflag:$0x1], $0x20, s14, s8, $0xb8;
	[tilespmem:$0x1E960] =	vst v63  }
0xbd: {  	s16 =	rddreg [dreg:$0x15]  }
0xbe: {  	[spmem:s2] =	stream.indirect.scatter.add.f32 [tilespmem:s15], [sflag:$0x1], $0x20, s13, s8, $0xb8;
	[tilespmem:$0x1E960] =	vst v63  }
0xbf: {  	s0 =	rddreg [dreg:$0x13]  }
0xc0: {  	[spmem:s2] =	stream.indirect.scatter.add.f32 [tilespmem:s12], [sflag:$0x1], $0x20, s0, s8, $0xb8;
	[tilespmem:$0x1E960] =	vst v63  }
0xc1: {  	s17 =	rddreg [dreg:$0x17]  }
0xc2: {  	[spmem:s2] =	stream.indirect.scatter.add.f32 [tilespmem:s11], [sflag:$0x1], $0x20, s16, s8, $0xb8;
	[tilespmem:$0x1E960] =	vst v63  }
0xc3: {  	s14 =	rddreg [dreg:$0x1a]  }
0xc4: {  	[spmem:s2] =	stream.indirect.scatter.add.f32 [tilespmem:s9], [sflag:$0x1], $0x20, s17, s8, $0xb8;
	[tilespmem:$0x1E960] =	vst v63  }
0xc5: {  	s15 =	rddreg [dreg:$0x19]  }
0xc6: {  	[spmem:s2] =	stream.indirect.scatter.add.f32 [tilespmem:s14], [sflag:$0x1], $0x20, s15, s8, $0xb8;
	[tilespmem:$0x1E960] =	vst v63  }
0xc7: {  	s16 =	rddreg [dreg:$0x1b];
	s17 =	simm.s32 $0xAA00  }
0xc8: {  	[spmem:s2] =	stream.indirect.scatter.add.f32 [tilespmem:s17], [sflag:$0x1], $0x20, s16, s8, $0xb8;
	[tilespmem:$0x1E960] =	vst v63  }
0xc9: {  	s10 =	simm.s32 $0x580;
	s11 =	simm.s32 $0xBA00  }
0xca: {  	[spmem:s2] =	stream.indirect.scatter.add.f32 [tilespmem:s11], [sflag:$0x1], $0x20, s10, s8, $0xb8;
	[tilespmem:$0x1E960] =	vst v63  }
0xcb: {  	s13 =	simm.s32 $0xCA00;
	s12 =	simm.s32 $0x600  }
0xcc: {  	[spmem:s2] =	stream.indirect.scatter.add.f32 [tilespmem:s13], [sflag:$0x1], $0x20, s12, s8, $0xb8;
	[tilespmem:$0x1E960] =	vst v63  }
0xcd: {  	s14 =	simm.s32 $0x680;
	s15 =	simm.s32 $0xDA00  }
0xce: {  	[spmem:s2] =	stream.indirect.scatter.add.f32 [tilespmem:s15], [sflag:$0x1], $0x20, s14, s8, $0xb8;
	[tilespmem:$0x1E960] =	vst v63  }
0xcf: {  	s16 =	simm.s32 $0x700;
	s17 =	simm.s32 $0xEA00  }
0xd0: {  	[spmem:s2] =	stream.indirect.scatter.add.f32 [tilespmem:s17], [sflag:$0x1], $0x20, s16, s8, $0xb8;
	[tilespmem:$0x1E960] =	vst v63  }
0xd1: {  	_ = 	snop  }
0xd2: {  	[spmem:s2] =	stream.indirect.scatter.add.f32 [tilespmem:s19], [sflag:$0x1], $0x20, s18, s8, $0xb8;
	[tilespmem:$0x1E960] =	vst v63  }
0xd3: {  	_ = 	snop  }
0xd4: {  	[spmem:s2] =	stream.indirect.scatter.add.f32 [tilespmem:s21], [sflag:$0x1], $0x20, s20, s8, $0xb8;
	[tilespmem:$0x1E960] =	vst v63  }
0xd5: {  	_ = 	snop  }
0xd6: {  	[spmem:s2] =	stream.indirect.scatter.add.f32 [tilespmem:s24], [sflag:$0x1], $0x20, s22, s8, $0xb8;
	[tilespmem:$0x1E960] =	vst v63  }
0xd7: {  	_ = 	snop  }
0xd8: {  	[spmem:s2] =	stream.indirect.scatter.add.f32 [tilespmem:s26], [sflag:$0x1], $0x20, s25, s8, $0xb8;
	[tilespmem:$0x1E960] =	vst v63  }
0xd9: {  	_ = 	snop  }
0xda: {  	[spmem:s2] =	stream.indirect.scatter.add.f32 [tilespmem:s29], [sflag:$0x1], $0x20, s28, s8, $0xb8;
	[tilespmem:$0x1E960] =	vst v63  }
0xdb: {  	_ =	swait.ge [sflag:s23], $0x1000  }
0xdc: {  	[sflag:s23] =	ssyncset.done $0x0  }
0xdd: {  	[sflag:s23] =	ssyncadd.s32 $0xFFFFF000  }
0xde: {  	_ =	swait.ge [sflag:s23], $0x1000  }
0xdf: {  	[sflag:s23] =	ssyncset.done $0x0  }
0xe0: {  	[sflag:s23] =	ssyncadd.s32 $0xFFFFF000  }
0xe1: {  	_ =	swait.ge [sflag:s23], $0x1000  }
0xe2: {  	[sflag:s23] =	ssyncset.done $0x0  }
0xe3: {  	[sflag:s23] =	ssyncadd.s32 $0xFFFFF000  }
0xe4: {  	_ =	swait.ge [sflag:s23], $0x1000  }
0xe5: {  	[sflag:s23] =	ssyncset.done $0x0  }
0xe6: {  	[sflag:s23] =	ssyncadd.s32 $0xFFFFF000  }
0xe7: {  	_ =	swait.ge [sflag:s23], $0x1000  }
0xe8: {  	[sflag:s23] =	ssyncset.done $0x0  }
0xe9: {  	[sflag:s23] =	ssyncadd.s32 $0xFFFFF000  }
0xea: {  	_ =	swait.ge [sflag:s23], $0x1000  }
0xeb: {  	[sflag:s23] =	ssyncset.done $0x0  }
0xec: {  	[sflag:s23] =	ssyncadd.s32 $0xFFFFF000  }
0xed: {  	_ =	swait.ge [sflag:s23], $0x1000  }
0xee: {  	[sflag:s23] =	ssyncset.done $0x0  }
0xef: {  	[sflag:s23] =	ssyncadd.s32 $0xFFFFF000  }
0xf0: {  	_ =	swait.ge [sflag:s23], $0x1000  }
0xf1: {  	[sflag:s23] =	ssyncset.done $0x0  }
0xf2: {  	[sflag:s23] =	ssyncadd.s32 $0xFFFFF000  }
0xf3: {  	_ =	swait.ge [sflag:s23], $0x1000  }
0xf4: {  	[sflag:s23] =	ssyncset.done $0x0  }
0xf5: {  	[sflag:s23] =	ssyncadd.s32 $0xFFFFF000  }
0xf6: {  	_ =	swait.ge [sflag:s23], $0x1000  }
0xf7: {  	[sflag:s23] =	ssyncset.done $0x0  }
0xf8: {  	[sflag:s23] =	ssyncadd.s32 $0xFFFFF000  }
0xf9: {  	_ =	swait.ge [sflag:s23], $0x1000  }
0xfa: {  	[sflag:s23] =	ssyncset.done $0x0  }
0xfb: {  	[sflag:s23] =	ssyncadd.s32 $0xFFFFF000  }
0xfc: {  	_ =	swait.ge [sflag:s23], $0x1000  }
0xfd: {  	[sflag:s23] =	ssyncset.done $0x0  }
0xfe: {  	[sflag:s23] =	ssyncadd.s32 $0xFFFFF000  }
0xff: {  	_ =	swait.ge [sflag:s23], $0x1000  }
0x100: {  	[sflag:s23] =	ssyncset.done $0x0  }
0x101: {  	[sflag:s23] =	ssyncadd.s32 $0xFFFFF000  }
0x102: {  	_ =	swait.ge [sflag:s23], $0x1000  }
0x103: {  	[sflag:s23] =	ssyncset.done $0x0  }
0x104: {  	[sflag:s23] =	ssyncadd.s32 $0xFFFFF000  }
0x105: {  	_ =	swait.ge [sflag:s23], $0x1000  }
0x106: {  	[sflag:s23] =	ssyncset.done $0x0  }
0x107: {  	[sflag:s23] =	ssyncadd.s32 $0xFFFFF000  }
0x108: {  	_ =	swait.ge [sflag:s23], $0x1000  }
0x109: {  	[sflag:s23] =	ssyncset.done $0x0  }
0x10a: {  	[sflag:s23] =	ssyncadd.s32 $0xFFFFF000  }
0x10b: {  	_ =	swait.ge [sflag:s23], $0x1000  }
0x10c: {  	p0 =	sne.s32 s1, $0x1;
	[sflag:s23] =	ssyncset.done $0x0  }
.Ltmp1:
0x10d: {  	[sflag:s23] =	ssyncadd.s32 $0xFFFFF000;
	(pc) =	sbr.rel @p0 .LBB2_1-.Ltmp1, $4  }
0x10e: {  	_ =	swait.ge [sflag:s23], $0x1000  }
0x10f: {  	[sflag:s23] =	ssyncset.done $0x0  }
0x110: {  	[sflag:s23] =	ssyncadd.s32 $0xFFFFF000  }
0x111: {  	s1 =	sadd.s32 $0xFFFFFFFF, s1;
	_ =	swait.ge [sflag:s23], $0x1000  }
.LBB2_2:
0x112: {  	[sflag:s23] =	ssyncset.done $0x0  }
0x113: {  	[sflag:s23] =	ssyncadd.s32 $0xFFFFF000  }
0x114: {  	_ =	swait.ge [sflag:s23], $0x1000  }
0x115: {  	[sflag:s23] =	ssyncset.done $0x0  }
0x116: {  	[sflag:s23] =	ssyncadd.s32 $0xFFFFF000  }
0x117: {  	[bflag:$0x0] =	sbarrier.arrive $0xFFFF  }
0x118: {  	s0 =	rddreg [dreg:$0x7]  }
0x119: {  	[hbm:s0@s30], [sflag:s4] =	dma.strided [spmem:s6@s31], $0x13EC, s23, $0x4   }
0x11a: {  	_ =	swait.ge [sflag:s5], $0x13EC  }
0x11b: {  	[sflag:s5] =	ssyncset.done $0x0  }
0x11c: {  	[sflag:s5] =	ssyncadd.s32 $0xFFFFEC14  }
0x11d: {  	_ =	sfence.sel $0x180000  }
0x11e: {  	[bflag:$0x0] =	sbarrier.arrive $0xFFFF  }
0x11f: {  	_ =	strace $0x9000004D  }
0x120: {  	s31 =	stileid.u32;
	[bflag:$0x2] =	sbarrier.arrive $0xFFFF  }
0x121: {  	p0 =	sne.s32 s31, $0x0;
	s0 =	rddreg [dreg:$0x3]  }
0x122: {  	s0 =	sadd.s32 @!p0 $0x100000, s0  }
0x123: {  	[sflag:s0] =	ssyncadd.tile.s32 @!p0 $0x1;
	_ =	shalt  }
.Lfunc_end2:
_tile_overlayer_lowered:
.L_overlay_start_2:
0x124: {  	(tag) =	ssettag $0x2  }
0x125: {  	s0 =	rddreg [dreg:$0x0];
	s2 =	stileid.u32  }
0x126: {  	s1 =	rddreg [dreg:$0x1];
	p0 =	sne.s32 s2, $0x0  }
0x127: {  	s3 =	rddreg [dreg:$0x2];
	[bflag:$0x3] =	sbarrier.arrive $0xFFFF;
	s2 =	simm.s32 @!p0 $0x1C02  }
0x128: {  	[timem:s3], [sflag:s2] =	dma.local @!p0 [hbm:s0], s1  }
0x129: {  	s0 =	simm.s32 @!p0 $0x2  }
0x12a: {  	_ =	swait.ge @!p0 [sflag:s0], s1  }
0x12b: {  	s1 =	ssub.s32 @!p0 $0x0, s1;
	[sflag:s0] =	ssyncset.done @!p0 $0x0  }
0x12c: {  	[sflag:s0] =	ssyncadd.s32 @!p0 s1  }
0x12d: {  	[bflag:$0x3] =	sbarrier.arrive $0xFFFF  }
0x12e: {  	_ =	shalt  }

// kernel: body.48.cloned.1.call-start
scs
__scs_entry_jumppad:
0x0: {  	(pc) =	sbr.rel $0x88, $3  }
0x1: {  	(tag) =	ssettag $0x0;
	lr =	simm.s32 $0x1  }
0x2: {  	[smem:$0x3F94] =	sst lr;
	_ =	strace $0xD0000000  }
0x3: {  	_ = 	snop  }
0x4: {  	_ = 	snop  }
0x5: {  	_ = 	snop  }
0x6: {  	_ = 	snop  }
0x7: {  	_ = 	snop  }
__scs_overlays_trampoline_lowered:
0x8: {  	[smem:$0x3FA3] =	sst s0  }
0x9: {  	[smem:$0x3FA4] =	sst s1  }
0xa: {  	[smem:$0x3FA5] =	sst s2  }
0xb: {  	[smem:$0x3FA6] =	sst s3  }
0xc: {  	[smem:$0x3FA7] =	sst s4  }
0xd: {  	[smem:$0x3FA8] =	sst s5  }
0xe: {  	[smem:$0x3FA9] =	sst s6  }
0xf: {  	[smem:$0x3FAA] =	sst s7  }
0x10: {  	[smem:$0x3FAB] =	sst s8  }
0x11: {  	[smem:$0x3FAC] =	sst s9;
	s0 =	simm.s32 @!p0 $0x0  }
0x12: {  	s1 =	sld [smem:$0x3F92];
	s0 =	simm.s32 @p0 $0x1  }
0x13: {  	[smem:$0x3FAD] =	sst s0;
	s0 =	simm.s32 @!p1 $0x0  }
0x14: {  	s2 =	sld [smem:$0x3F91];
	s0 =	simm.s32 @p1 $0x1  }
0x15: {  	[smem:$0x3FAE] =	sst s0;
	s0 =	simm.s32 @!p2 $0x0  }
0x16: {  	s3 =	sld [smem:$0x3FDB];
	s0 =	simm.s32 @p2 $0x1  }
0x17: {  	s4 =	simm.s32 $0x1BF5;
	[smem:$0x3FB0] =	sst s0  }
0x18: {  	s0 =	sld [smem:$0x3F93];
	_ =	swait.ge [sflag:s4], $0x0  }
0x19: {  	s7 =	sld [smem:$0x3F94]  }
0x1a: {  	s8 =	sadd.s32 $0xFFFFE003, lr  }
0x1b: {  	s9 =	sadd.s32 $0xFFFFFEF7, lr;
	s5 =	simm.s32 $0xFFFFFFFF;
	p2 =	slt.u32 s8, $0xFFFFF086  }
0x1c: {  	p1 =	slt.u32 s9, $0xF7A;
	s5 =	simm.s32 @!p2 $0x0  }
0x1d: {  	s5 =	simm.s32 @p1 $0x1;
	p0 =	seq.s32 s7, s2  }
0x1e: {  	s7 =	smul.u32 @!p0 $0xF7A, s2;
	p2 =	seq.s32 @!p0 s5, $0x0  }
0x1f: {  	s9 =	smul.u32 $0xF7A, s1;
	s8 =	simm.s32 @!p0 $0x1BF5;
	p2 =	por !p2, p0  }
0x20: {  	[sflag:s8] =	ssyncset.s32 @!p0 $0xFFFFF086;
	s6 =	sadd.s32 @!p0 s3, s7;
	s7 =	simm.s32 @!p0 $0x108  }
0x21: {  	s3 =	sadd.s32 s3, s9;
	s6 =	sadd.s32 @!p0 $0x88, s6;
	s7 =	simm.s32 @p2 $0x1082  }
0x22: {  	[simem:s7], [sflag:s8] =	dma.local @!p0 [hbm:s6], $0xF7A  }
0x23: {  	s9 =	sor.u32 $0xD0000000, s2;
	s6 =	simm.s32 $0x108;
	_ =	swait.ge @!p0 [sflag:s8], $0x0  }
0x24: {  	s3 =	sadd.s32 $0x88, s3;
	s6 =	simm.s32 @!p1 $0x1082;
	[sflag:s4] =	ssyncset.s32 $0xFFFFF086  }
0x25: {  	[simem:s6], [sflag:s4] =	dma.local [hbm:s3], $0xF7A  }
0x26: {  	[smem:$0x3F94] =	sst s1;
	(tag) =	ssettag s2;
	_ =	strace s9  }
0x27: {  	s1 =	sld [smem:$0x3FA4]  }
0x28: {  	s2 =	sld [smem:$0x3FA5]  }
0x29: {  	s4 =	sld [smem:$0x3FA7]  }
0x2a: {  	p0 =	seq.s32 s5, $0x0;
	s5 =	sld [smem:$0x3FA8]  }
0x2b: {  	s6 =	sld [smem:$0x3FA9]  }
0x2c: {  	s7 =	sld [smem:$0x3FAA]  }
0x2d: {  	s3 =	simm.s32 $0x108;
	s8 =	sld [smem:$0x3FAB]  }
0x2e: {  	s3 =	simm.s32 @!p0 $0x1082;
	s9 =	sld [smem:$0x3FAC]  }
0x2f: {  	lr =	sadd.s32 s0, s3;
	s0 =	sld [smem:$0x3FA3]  }
0x30: {  	s3 =	sld [smem:$0x3FA6]  }
0x31: {  	[smem:$0x3FAF] =	sst s10  }
0x32: {  	s10 =	sld [smem:$0x3FAD];
	_ =	sdelay $0x3  }
0x33: {  	p0 =	seq.s32 s10, $0x1;
	s10 =	sld [smem:$0x3FAF];
	_ =	sdelay $0x3  }
0x34: {  	[smem:$0x3FAF] =	sst s10  }
0x35: {  	s10 =	sld [smem:$0x3FAE];
	_ =	sdelay $0x3  }
0x36: {  	p1 =	seq.s32 s10, $0x1;
	s10 =	sld [smem:$0x3FAF];
	_ =	sdelay $0x3  }
0x37: {  	[smem:$0x3FAF] =	sst s10  }
0x38: {  	s10 =	sld [smem:$0x3FB0]  }
0x39: {  	_ = 	snop;
	(pc) =	sbr.ind lr, $3  }
0x3a: {  	_ = 	snop  }
0x3b: {  	_ = 	snop  }
0x3c: {  	p2 =	seq.s32 s10, $0x1;
	s10 =	sld [smem:$0x3FAF]  }
0x3d: {  	_ =	shalt  }
0x3e: {  	_ =	shalt  }
0x3f: {  	_ =	shalt  }
0x40: {  	_ =	shalt  }
0x41: {  	_ =	shalt  }
0x42: {  	_ =	shalt  }
0x43: {  	_ =	shalt  }
0x44: {  	_ =	shalt  }
0x45: {  	_ =	shalt  }
0x46: {  	_ =	shalt  }
0x47: {  	_ =	shalt  }
0x48: {  	_ =	shalt  }
0x49: {  	_ =	shalt  }
0x4a: {  	_ =	shalt  }
0x4b: {  	_ =	shalt  }
0x4c: {  	_ =	shalt  }
0x4d: {  	_ =	shalt  }
0x4e: {  	_ =	shalt  }
0x4f: {  	_ =	shalt  }
0x50: {  	_ =	shalt  }
0x51: {  	_ =	shalt  }
0x52: {  	_ =	shalt  }
0x53: {  	_ =	shalt  }
0x54: {  	_ =	shalt  }
0x55: {  	_ =	shalt  }
0x56: {  	_ =	shalt  }
0x57: {  	_ =	shalt  }
0x58: {  	_ =	shalt  }
0x59: {  	_ =	shalt  }
0x5a: {  	_ =	shalt  }
0x5b: {  	_ =	shalt  }
0x5c: {  	_ =	shalt  }
0x5d: {  	_ =	shalt  }
0x5e: {  	_ =	shalt  }
0x5f: {  	_ =	shalt  }
0x60: {  	_ =	shalt  }
0x61: {  	_ =	shalt  }
0x62: {  	_ =	shalt  }
0x63: {  	_ =	shalt  }
0x64: {  	_ =	shalt  }
0x65: {  	_ =	shalt  }
0x66: {  	_ =	shalt  }
0x67: {  	_ =	shalt  }
0x68: {  	_ =	shalt  }
0x69: {  	_ =	shalt  }
0x6a: {  	_ =	shalt  }
0x6b: {  	_ =	shalt  }
0x6c: {  	_ =	shalt  }
0x6d: {  	_ =	shalt  }
0x6e: {  	_ =	shalt  }
0x6f: {  	_ =	shalt  }
0x70: {  	_ =	shalt  }
0x71: {  	_ =	shalt  }
0x72: {  	_ =	shalt  }
0x73: {  	_ =	shalt  }
0x74: {  	_ =	shalt  }
0x75: {  	_ =	shalt  }
0x76: {  	_ =	shalt  }
0x77: {  	_ =	shalt  }
0x78: {  	_ =	shalt  }
0x79: {  	_ =	shalt  }
0x7a: {  	_ =	shalt  }
0x7b: {  	_ =	shalt  }
0x7c: {  	_ =	shalt  }
0x7d: {  	_ =	shalt  }
0x7e: {  	_ =	shalt  }
0x7f: {  	_ =	shalt  }
0x80: {  	_ =	shalt  }
0x81: {  	_ =	shalt  }
0x82: {  	_ =	shalt  }
0x83: {  	_ =	shalt  }
0x84: {  	_ =	shalt  }
0x85: {  	_ =	shalt  }
0x86: {  	_ =	shalt  }
0x87: {  	_ =	shalt  }
.Lfunc_end0:
.L_simem_size_0:
called_computation.2_lowered:
.L_overlay_start_0:
0x88: {  	s2 =	sld [smem:$0x3FD9]  }
0x89: {  	s3 =	sld [smem:$0x3FFE];
	_ =	sdelay $0x1  }
0x8a: {  	s1 =	srdreg.scid  }
0x8b: {  	s0 =	sand.u32 $0x1, s1  }
0x8c: {  	s17 =	sshll.u32 s0, $0xA;
	s2 =	sadd.s32 s3, s2  }
0x8d: {  	s2 =	sadd.s32 s2, s17  }
0x8e: {  	[smem:$0x3FBB] =	sst s2  }
0x8f: {  	_ = 	snop  }
0x90: {  	s2 =	sld [smem:$0x3FD0];
	(tm) =	ssettm $0x1  }
0x91: {  	s18 =	sld [smem:$0x3FFB];
	_ =	sdelay $0x3  }
0x92: {  	_ =	strace s18  }
0x93: {  	s3 =	sld [smem:$0x3FFC];
	_ =	sdelay $0x3  }
0x94: {  	_ =	strace s3  }
0x95: {  	s3 =	sld [smem:$0x3FFD];
	_ =	sdelay $0x3  }
0x96: {  	_ =	strace s3  }
0x97: {  	_ =	strace $0x8FFFFFFF  }
0x98: {  	s19 =	sld [smem:$0x3FDB];
	_ =	sdelay $0x1  }
0x99: {  	s4 =	simm.s32 $_scs_section_size  }
0x9a: {  	s5 =	simm.s32 $_size__tile_overlayer_lowered;
	s6 =	simm.s32 $_tile_overlayer_lowered  }
0x9b: {  	s22 =	simm.s32 $0x1BFF;
	s21 =	sshll.u32 s6, $0x1;
	s3 =	sadd.s32 s4, s19  }
0x9c: {  	s7 =	simm.s32 $0x0;
	s20 =	sshll.u32 s5, $0x1;
	s5 =	sadd.s32 s21, s3  }
0x9d: {  	[timem:s7], [sflag:s22] =	dma.local [hbm:s5], s20  }
0x9e: {  	_ =	swait.ge [sflag:s22], s20  }
0x9f: {  	s4 =	ssub.s32 $0x0, s20;
	[sflag:s22] =	ssyncset.done $0x0  }
0xa0: {  	[sflag:s22] =	ssyncadd.s32 s4;
	_ =	sdelay $0x1  }
0xa1: {  	s23 =	simm.s32 $0x1B8B  }
0xa2: {  	_ =	swait.ge [sflag:s23], $0x1  }
0xa3: {  	[sflag:s23] =	ssyncset.done $0x0  }
0xa4: {  	s25 =	simm.s32 $0x1B8E;
	s24 =	sld [smem:$0x3FFE];
	[sflag:s23] =	ssyncadd.s32 $0xFFFFFFFF  }
0xa5: {  	s26 =	simm.s32 $execute0_lowered;
	[smem:$0x3FD2] =	sst s25  }
0xa6: {  	s5 =	sshll.u32 s26, $0x1;
	_ =	strace $0x8000004F;
	[dreg:$0x1] =	wrdreg $0xFFFFFFFF  }
0xa7: {  	s28 =	simm.s32 $_size_execute0_lowered;
	s3 =	sadd.s32 s3, s5;
	[dreg:$0x0] =	wrdreg $0x0  }
0xa8: {  	s5 =	sshll.u32 s28, $0x1;
	[dreg:$0x2] =	wrdreg s3  }
0xa9: {  	[dreg:$0x3] =	wrdreg s5  }
0xaa: {  	[dreg:$0x4] =	wrdreg $0xC0  }
0xab: {  	_ =	task [dreg:s7], $0x5FFFF  }
0xac: {  	[dreg:$0x1] =	wrdreg $0xFFFFFFFF  }
0xad: {  	[dreg:$0x0] =	wrdreg $0x60  }
0xae: {  	[dreg:$0x2] =	wrdreg s2  }
0xaf: {  	[dreg:$0x3] =	wrdreg s24  }
0xb0: {  	[dreg:$0x4] =	wrdreg $0x9  }
0xb1: {  	_ =	task.clear_ibuf [dreg:s7], $0x5FFFF;
	_ =	strace $0x9000004F  }
0xb2: {  	s29 =	simm.s32 $0x9;
	_ =	strace $0x80000051  }
0xb3: {  	_ =	swait.ge [sflag:s29], $0x1  }
0xb4: {  	[sflag:s29] =	ssyncadd.s32 $0xFFFFFFFF  }
0xb5: {  	_ =	strace $0x90000051  }
0xb6: {  	_ =	sfence  }
0xb7: {  	s30 =	sld [smem:$0x0];
	_ =	sdelay $0x2  }
0xb8: {  	s31 =	sshll.u32 s1, $0xD;
	s1 =	sshrl.u32 s1, $0x2  }
0xb9: {  	s3 =	sand.u32 $0x4000, s31;
	s1 =	sadd.s32 s1, s30  }
0xba: {  	s0 =	sor.u32 s3, s0;
	s1 =	sshll.u32 s1, $0x11  }
0xbb: {  	s0 =	sor.u32 s1, s0  }
0xbc: {  	s0 =	sadd.s32 $0x8F2B, s0  }
0xbd: {  	[sflag:s0] =	ssyncadd.remote.s32 $0x1  }
0xbe: {  	_ =	sfence.sel $0xFFFF  }
0xbf: {  	[dreg:$0x0] =	wrdreg $0xFFFFFFFF;
	(pc) =	sbr.abs _section_cstart, $3  }
0xc0: {  	[dreg:$0x1] =	wrdreg $0xFFFFFFFF  }
0xc1: {  	_ =	task.clear_ibuf [dreg:s7], $0x2FFFF;
	_ =	strace $0x9FFFFFFF  }
0xc2: {  	(tm) =	ssettm $0x7FFFFFFF  }
0xc3: {  	_ =	shalt  }
tec
execute0_lowered:
.L_overlay_start_1:
0x0: {  	(tag) =	ssettag $0x1  }
0x1: {  	s0 =	srdreg.scid;
	s8 =	rddreg [dreg:$0x0]  }
0x2: {  	s1 =	stileid.u32;
	s3 =	rddreg [dreg:$0x1];
	s2 =	simm.s32 $0x0  }
0x3: {  	s21 =	simm.s32 $0x80;
	s20 =	simm.s32 $0x500;
	s19 =	simm.s32 $0x2500  }
0x4: {  	s18 =	simm.s32 $0x4500;
	s17 =	simm.s32 $0x6500;
	s16 =	simm.s32 $0x8500  }
0x5: {  	s15 =	simm.s32 $0xA500;
	s28 =	simm.s32 $0x300;
	s14 =	simm.s32 $0xC500  }
0x6: {  	s29 =	simm.s32 $0x380;
	s11 =	simm.s32 $0xE500;
	p0 =	por $0x0, $0x0  }
0x7: {  	s30 =	simm.s32 $0x400;
	s0 =	sand.u32 $0x1, s0;
	s1 =	sshll.u32 s1, $0x1  }
0x8: {  	s12 =	simm.s32 $0x10500;
	s31 =	simm.s32 $0x480;
	s1 =	sor.u32 s0, s1  }
0x9: {  	s10 =	simm.s32 $0x12500;
	s13 =	simm.s32 $0x1;
	s4 =	smul.u32 $0xA0, s1  }
0xa: {  	[smem:$0x7FF] =	sst s2;
	s0 =	ssub.s32 $0x2, s0;
	s5 =	smul.u32 $0x2800, s1  }
0xb: {  	_ =	strace $0x80000050;
	s1 =	smul.u32 $0x14000, s1;
	s25 =	sshrl.u32 s0, $0x1  }
0xc: {  	s0 =	ssub.s32 s0, s25;
	s25 =	simm.s32 $0x200;
	s4 =	sadd.s32 s4, s3  }
0xd: {  	s3 =	sadd.s32 $0x155200, s3;
	s1 =	sshrl.u32 s1, $0x3;
	s0 =	smax.u32 s0, $0x1  }
0xe: {  	s4 =	sadd.s32 $0x14400, s4;
	s9 =	sadd.s32 s3, s5;
	s1 =	sadd.s32 s3, s1  }
0xf: {  	p1 =	sne.s32 s0, $0x1;
	[dreg:$0x3] =	wrdreg s4;
	s22 =	sadd.s32 $0x400, s9  }
0x10: {  	s3 =	sadd.s32 $0x800, s1;
	s23 =	sadd.s32 $0xC00, s1;
	[dreg:$0x4] =	wrdreg s22  }
0x11: {  	s24 =	sadd.s32 $0x1000, s1;
	s26 =	sadd.s32 $0x1400, s1;
	[dreg:$0x5] =	wrdreg s3  }
.Ltmp0:
0x12: {  	s7 =	sadd.s32 $0x1800, s1;
	[dreg:$0x6] =	wrdreg s23;
	(pc) =	sbr.rel @!p1 .LBB2_3-.Ltmp0, $4  }
0x13: {  	s6 =	sadd.s32 $0x1C00, s1;
	s5 =	sadd.s32 $0x2000, s1;
	[dreg:$0x7] =	wrdreg s24  }
0x14: {  	s4 =	sadd.s32 $0x2400, s1;
	s1 =	sadd.s32 $0xFFFFFFFF, s0;
	[dreg:$0x8] =	wrdreg s26  }
0x15: {  	s22 =	simm.s32 $0x3;
	s23 =	simm.s32 $0x100;
	s24 =	simm.s32 $0x180  }
0x16: {  	s26 =	simm.s32 $0x280;
	s3 =	simm.s32 $0x2;
	s0 =	rddreg [dreg:$0x3]  }
0x17: {  	[tilespmem:s2], [sflag:$0x3] =	stream.linear.gather [hbm4b:s0+s2], $0x500, $0x38;
	[tilespmem:$0x14500] =	vst v63  }
0x18: {  	_ =	swait.ge [sflag:s22], $0x500  }
0x19: {  	[sflag:s22] =	ssyncset.done $0x0  }
0x1a: {  	[sflag:s22] =	ssyncadd.s32 $0xFFFFFB00  }
0x1b: {  	[tilespmem:s20], [sflag:$0x1] =	stream.indirect.gather [hbm4b:s8+s21], $0x40, s2, s21, $0xb8;
	[tilespmem:$0x14500] =	vst v63  }
0x1c: {  	_ = 	snop  }
0x1d: {  	[tilespmem:s19], [sflag:$0x1] =	stream.indirect.gather [hbm4b:s8+s21], $0x40, s21, s21, $0xb8;
	[tilespmem:$0x14500] =	vst v63  }
0x1e: {  	_ = 	snop  }
0x1f: {  	[tilespmem:s18], [sflag:$0x1] =	stream.indirect.gather [hbm4b:s8+s21], $0x40, s23, s21, $0xb8;
	[tilespmem:$0x14500] =	vst v63  }
0x20: {  	_ = 	snop  }
0x21: {  	[tilespmem:s17], [sflag:$0x1] =	stream.indirect.gather [hbm4b:s8+s21], $0x40, s24, s21, $0xb8;
	[tilespmem:$0x14500] =	vst v63  }
0x22: {  	_ = 	snop  }
0x23: {  	[tilespmem:s16], [sflag:$0x1] =	stream.indirect.gather [hbm4b:s8+s21], $0x40, s25, s21, $0xb8;
	[tilespmem:$0x14500] =	vst v63  }
0x24: {  	_ = 	snop  }
0x25: {  	[tilespmem:s15], [sflag:$0x1] =	stream.indirect.gather [hbm4b:s8+s21], $0x40, s26, s21, $0xb8;
	[tilespmem:$0x14500] =	vst v63  }
0x26: {  	_ = 	snop  }
0x27: {  	[tilespmem:s14], [sflag:$0x1] =	stream.indirect.gather [hbm4b:s8+s21], $0x40, s28, s21, $0xb8;
	[tilespmem:$0x14500] =	vst v63  }
0x28: {  	_ = 	snop  }
0x29: {  	[tilespmem:s11], [sflag:$0x1] =	stream.indirect.gather [hbm4b:s8+s21], $0x40, s29, s21, $0xb8;
	[tilespmem:$0x14500] =	vst v63  }
0x2a: {  	_ = 	snop  }
0x2b: {  	[tilespmem:s12], [sflag:$0x1] =	stream.indirect.gather [hbm4b:s8+s21], $0x40, s30, s21, $0xb8;
	[tilespmem:$0x14500] =	vst v63  }
0x2c: {  	_ = 	snop  }
0x2d: {  	[tilespmem:s10], [sflag:$0x1] =	stream.indirect.gather [hbm4b:s8+s21], $0x40, s31, s21, $0xb8;
	[tilespmem:$0x14500] =	vst v63  }
0x2e: {  	_ =	swait.ge [sflag:s13], $0x2000  }
0x2f: {  	[sflag:s13] =	ssyncset.done $0x0  }
0x30: {  	[sflag:s13] =	ssyncadd.s32 $0xFFFFE000  }
0x31: {  	[hbm4b:s9+s2] =	stream.linear.scatter [tilespmem:s20], [sflag:$0x2], $0x2000, $0x38;
	[tilespmem:$0x14500] =	vst v63  }
0x32: {  	_ =	swait.ge [sflag:s13], $0x2000  }
0x33: {  	[sflag:s13] =	ssyncset.done $0x0  }
0x34: {  	s0 =	rddreg [dreg:$0x4];
	[sflag:s13] =	ssyncadd.s32 $0xFFFFE000  }
0x35: {  	[hbm4b:s0+s2] =	stream.linear.scatter [tilespmem:s19], [sflag:$0x2], $0x2000, $0x38;
	[tilespmem:$0x14500] =	vst v63  }
0x36: {  	_ =	swait.ge [sflag:s13], $0x2000  }
0x37: {  	[sflag:s13] =	ssyncset.done $0x0  }
0x38: {  	s0 =	rddreg [dreg:$0x5];
	[sflag:s13] =	ssyncadd.s32 $0xFFFFE000  }
0x39: {  	[hbm4b:s0+s2] =	stream.linear.scatter [tilespmem:s18], [sflag:$0x2], $0x2000, $0x38;
	[tilespmem:$0x14500] =	vst v63  }
0x3a: {  	_ =	swait.ge [sflag:s13], $0x2000  }
0x3b: {  	[sflag:s13] =	ssyncset.done $0x0  }
0x3c: {  	s0 =	rddreg [dreg:$0x6];
	[sflag:s13] =	ssyncadd.s32 $0xFFFFE000  }
0x3d: {  	[hbm4b:s0+s2] =	stream.linear.scatter [tilespmem:s17], [sflag:$0x2], $0x2000, $0x38;
	[tilespmem:$0x14500] =	vst v63  }
0x3e: {  	_ =	swait.ge [sflag:s13], $0x2000  }
0x3f: {  	[sflag:s13] =	ssyncset.done $0x0  }
0x40: {  	s0 =	rddreg [dreg:$0x7];
	[sflag:s13] =	ssyncadd.s32 $0xFFFFE000  }
0x41: {  	[hbm4b:s0+s2] =	stream.linear.scatter [tilespmem:s16], [sflag:$0x2], $0x2000, $0x38;
	[tilespmem:$0x14500] =	vst v63  }
0x42: {  	_ =	swait.ge [sflag:s13], $0x2000  }
0x43: {  	[sflag:s13] =	ssyncset.done $0x0  }
0x44: {  	s0 =	rddreg [dreg:$0x8];
	[sflag:s13] =	ssyncadd.s32 $0xFFFFE000  }
0x45: {  	[hbm4b:s0+s2] =	stream.linear.scatter [tilespmem:s15], [sflag:$0x2], $0x2000, $0x38;
	[tilespmem:$0x14500] =	vst v63  }
0x46: {  	_ =	swait.ge [sflag:s13], $0x2000  }
0x47: {  	[sflag:s13] =	ssyncset.done $0x0  }
0x48: {  	[sflag:s13] =	ssyncadd.s32 $0xFFFFE000  }
0x49: {  	[hbm4b:s7+s2] =	stream.linear.scatter [tilespmem:s14], [sflag:$0x2], $0x2000, $0x38;
	[tilespmem:$0x14500] =	vst v63  }
0x4a: {  	_ =	swait.ge [sflag:s13], $0x2000  }
0x4b: {  	[sflag:s13] =	ssyncset.done $0x0  }
0x4c: {  	[sflag:s13] =	ssyncadd.s32 $0xFFFFE000  }
0x4d: {  	[hbm4b:s6+s2] =	stream.linear.scatter [tilespmem:s11], [sflag:$0x2], $0x2000, $0x38;
	[tilespmem:$0x14500] =	vst v63  }
0x4e: {  	_ =	swait.ge [sflag:s13], $0x2000  }
0x4f: {  	[sflag:s13] =	ssyncset.done $0x0  }
0x50: {  	[sflag:s13] =	ssyncadd.s32 $0xFFFFE000  }
0x51: {  	[hbm4b:s5+s2] =	stream.linear.scatter [tilespmem:s12], [sflag:$0x2], $0x2000, $0x38;
	[tilespmem:$0x14500] =	vst v63  }
0x52: {  	_ =	swait.ge [sflag:s13], $0x2000  }
0x53: {  	[sflag:s13] =	ssyncset.done $0x0  }
0x54: {  	[sflag:s13] =	ssyncadd.s32 $0xFFFFE000  }
0x55: {  	[hbm4b:s4+s2] =	stream.linear.scatter [tilespmem:s10], [sflag:$0x2], $0x2000, $0x38;
	[tilespmem:$0x14500] =	vst v63  }
0x56: {  	_ =	swait.ge [sflag:s3], $0x2000  }
0x57: {  	[sflag:s3] =	ssyncset.done $0x0  }
0x58: {  	[sflag:s3] =	ssyncadd.s32 $0xFFFFE000  }
0x59: {  	_ =	swait.ge [sflag:s3], $0x2000  }
0x5a: {  	[sflag:s3] =	ssyncset.done $0x0  }
0x5b: {  	[sflag:s3] =	ssyncadd.s32 $0xFFFFE000  }
0x5c: {  	_ =	swait.ge [sflag:s3], $0x2000  }
0x5d: {  	[sflag:s3] =	ssyncset.done $0x0  }
0x5e: {  	[sflag:s3] =	ssyncadd.s32 $0xFFFFE000  }
0x5f: {  	_ =	swait.ge [sflag:s3], $0x2000  }
0x60: {  	[sflag:s3] =	ssyncset.done $0x0  }
0x61: {  	[sflag:s3] =	ssyncadd.s32 $0xFFFFE000  }
0x62: {  	_ =	swait.ge [sflag:s3], $0x2000  }
0x63: {  	[sflag:s3] =	ssyncset.done $0x0  }
0x64: {  	[sflag:s3] =	ssyncadd.s32 $0xFFFFE000  }
0x65: {  	_ =	swait.ge [sflag:s3], $0x2000  }
0x66: {  	[sflag:s3] =	ssyncset.done $0x0  }
0x67: {  	[sflag:s3] =	ssyncadd.s32 $0xFFFFE000  }
0x68: {  	_ =	swait.ge [sflag:s3], $0x2000  }
0x69: {  	[sflag:s3] =	ssyncset.done $0x0  }
0x6a: {  	[sflag:s3] =	ssyncadd.s32 $0xFFFFE000  }
0x6b: {  	_ =	swait.ge [sflag:s3], $0x2000  }
0x6c: {  	[sflag:s3] =	ssyncset.done $0x0  }
0x6d: {  	p1 =	sne.s32 s1, $0x1;
	[sflag:s3] =	ssyncadd.s32 $0xFFFFE000  }
.Ltmp1:
0x6e: {  	_ =	swait.ge [sflag:s3], $0x2000;
	(pc) =	sbr.rel @!p1 .LBB2_3-.Ltmp1, $4  }
0x6f: {  	[sflag:s3] =	ssyncset.done $0x0  }
0x70: {  	[sflag:s3] =	ssyncadd.s32 $0xFFFFE000  }
0x71: {  	s1 =	sadd.s32 $0xFFFFFFFF, s1;
	_ =	swait.ge [sflag:s3], $0x2000  }
0x72: {  	p0 =	por $0x1, $0x1;
	s0 =	rddreg [dreg:$0x3];
	[sflag:s3] =	ssyncset.done $0x0  }
.LBB2_2:
0x73: {  	[sflag:s3] =	ssyncadd.s32 $0xFFFFE000  }
0x74: {  	[tilespmem:s2], [sflag:$0x3] =	stream.linear.gather [hbm4b:s0+s2], $0x500, $0x38;
	[tilespmem:$0x14500] =	vst v63  }
0x75: {  	_ =	swait.ge [sflag:s22], $0x500  }
0x76: {  	[sflag:s22] =	ssyncset.done $0x0  }
0x77: {  	[sflag:s22] =	ssyncadd.s32 $0xFFFFFB00  }
0x78: {  	[tilespmem:s20], [sflag:$0x1] =	stream.indirect.gather [hbm4b:s8+s21], $0x40, s2, s21, $0xb8;
	[tilespmem:$0x14500] =	vst v63  }
0x79: {  	_ = 	snop  }
0x7a: {  	[tilespmem:s19], [sflag:$0x1] =	stream.indirect.gather [hbm4b:s8+s21], $0x40, s21, s21, $0xb8;
	[tilespmem:$0x14500] =	vst v63  }
0x7b: {  	_ = 	snop  }
0x7c: {  	[tilespmem:s18], [sflag:$0x1] =	stream.indirect.gather [hbm4b:s8+s21], $0x40, s23, s21, $0xb8;
	[tilespmem:$0x14500] =	vst v63  }
0x7d: {  	_ = 	snop  }
0x7e: {  	[tilespmem:s17], [sflag:$0x1] =	stream.indirect.gather [hbm4b:s8+s21], $0x40, s24, s21, $0xb8;
	[tilespmem:$0x14500] =	vst v63  }
0x7f: {  	_ = 	snop  }
0x80: {  	[tilespmem:s16], [sflag:$0x1] =	stream.indirect.gather [hbm4b:s8+s21], $0x40, s25, s21, $0xb8;
	[tilespmem:$0x14500] =	vst v63  }
0x81: {  	_ = 	snop  }
0x82: {  	[tilespmem:s15], [sflag:$0x1] =	stream.indirect.gather [hbm4b:s8+s21], $0x40, s26, s21, $0xb8;
	[tilespmem:$0x14500] =	vst v63  }
0x83: {  	_ = 	snop  }
0x84: {  	[tilespmem:s14], [sflag:$0x1] =	stream.indirect.gather [hbm4b:s8+s21], $0x40, s28, s21, $0xb8;
	[tilespmem:$0x14500] =	vst v63  }
0x85: {  	_ = 	snop  }
0x86: {  	[tilespmem:s11], [sflag:$0x1] =	stream.indirect.gather [hbm4b:s8+s21], $0x40, s29, s21, $0xb8;
	[tilespmem:$0x14500] =	vst v63  }
0x87: {  	_ = 	snop  }
0x88: {  	[tilespmem:s12], [sflag:$0x1] =	stream.indirect.gather [hbm4b:s8+s21], $0x40, s30, s21, $0xb8;
	[tilespmem:$0x14500] =	vst v63  }
0x89: {  	_ = 	snop  }
0x8a: {  	[tilespmem:s10], [sflag:$0x1] =	stream.indirect.gather [hbm4b:s8+s21], $0x40, s31, s21, $0xb8;
	[tilespmem:$0x14500] =	vst v63  }
0x8b: {  	_ =	swait.ge [sflag:s13], $0x2000  }
0x8c: {  	[sflag:s13] =	ssyncset.done $0x0  }
0x8d: {  	[sflag:s13] =	ssyncadd.s32 $0xFFFFE000  }
0x8e: {  	[hbm4b:s9+s2] =	stream.linear.scatter [tilespmem:s20], [sflag:$0x2], $0x2000, $0x38;
	[tilespmem:$0x14500] =	vst v63  }
0x8f: {  	_ =	swait.ge [sflag:s13], $0x2000  }
0x90: {  	[sflag:s13] =	ssyncset.done $0x0  }
0x91: {  	s0 =	rddreg [dreg:$0x4];
	[sflag:s13] =	ssyncadd.s32 $0xFFFFE000  }
0x92: {  	[hbm4b:s0+s2] =	stream.linear.scatter [tilespmem:s19], [sflag:$0x2], $0x2000, $0x38;
	[tilespmem:$0x14500] =	vst v63  }
0x93: {  	_ =	swait.ge [sflag:s13], $0x2000  }
0x94: {  	[sflag:s13] =	ssyncset.done $0x0  }
0x95: {  	s0 =	rddreg [dreg:$0x5];
	[sflag:s13] =	ssyncadd.s32 $0xFFFFE000  }
0x96: {  	[hbm4b:s0+s2] =	stream.linear.scatter [tilespmem:s18], [sflag:$0x2], $0x2000, $0x38;
	[tilespmem:$0x14500] =	vst v63  }
0x97: {  	_ =	swait.ge [sflag:s13], $0x2000  }
0x98: {  	[sflag:s13] =	ssyncset.done $0x0  }
0x99: {  	s0 =	rddreg [dreg:$0x6];
	[sflag:s13] =	ssyncadd.s32 $0xFFFFE000  }
0x9a: {  	[hbm4b:s0+s2] =	stream.linear.scatter [tilespmem:s17], [sflag:$0x2], $0x2000, $0x38;
	[tilespmem:$0x14500] =	vst v63  }
0x9b: {  	_ =	swait.ge [sflag:s13], $0x2000  }
0x9c: {  	[sflag:s13] =	ssyncset.done $0x0  }
0x9d: {  	s0 =	rddreg [dreg:$0x7];
	[sflag:s13] =	ssyncadd.s32 $0xFFFFE000  }
0x9e: {  	[hbm4b:s0+s2] =	stream.linear.scatter [tilespmem:s16], [sflag:$0x2], $0x2000, $0x38;
	[tilespmem:$0x14500] =	vst v63  }
0x9f: {  	_ =	swait.ge [sflag:s13], $0x2000  }
0xa0: {  	[sflag:s13] =	ssyncset.done $0x0  }
0xa1: {  	s0 =	rddreg [dreg:$0x8];
	[sflag:s13] =	ssyncadd.s32 $0xFFFFE000  }
0xa2: {  	[hbm4b:s0+s2] =	stream.linear.scatter [tilespmem:s15], [sflag:$0x2], $0x2000, $0x38;
	[tilespmem:$0x14500] =	vst v63  }
0xa3: {  	_ =	swait.ge [sflag:s13], $0x2000  }
0xa4: {  	[sflag:s13] =	ssyncset.done $0x0  }
0xa5: {  	[sflag:s13] =	ssyncadd.s32 $0xFFFFE000  }
0xa6: {  	[hbm4b:s7+s2] =	stream.linear.scatter [tilespmem:s14], [sflag:$0x2], $0x2000, $0x38;
	[tilespmem:$0x14500] =	vst v63  }
0xa7: {  	_ =	swait.ge [sflag:s13], $0x2000  }
0xa8: {  	[sflag:s13] =	ssyncset.done $0x0  }
0xa9: {  	[sflag:s13] =	ssyncadd.s32 $0xFFFFE000  }
0xaa: {  	[hbm4b:s6+s2] =	stream.linear.scatter [tilespmem:s11], [sflag:$0x2], $0x2000, $0x38;
	[tilespmem:$0x14500] =	vst v63  }
0xab: {  	_ =	swait.ge [sflag:s13], $0x2000  }
0xac: {  	[sflag:s13] =	ssyncset.done $0x0  }
0xad: {  	[sflag:s13] =	ssyncadd.s32 $0xFFFFE000  }
0xae: {  	[hbm4b:s5+s2] =	stream.linear.scatter [tilespmem:s12], [sflag:$0x2], $0x2000, $0x38;
	[tilespmem:$0x14500] =	vst v63  }
0xaf: {  	_ =	swait.ge [sflag:s13], $0x2000  }
0xb0: {  	[sflag:s13] =	ssyncset.done $0x0  }
0xb1: {  	[sflag:s13] =	ssyncadd.s32 $0xFFFFE000  }
0xb2: {  	[hbm4b:s4+s2] =	stream.linear.scatter [tilespmem:s10], [sflag:$0x2], $0x2000, $0x38;
	[tilespmem:$0x14500] =	vst v63  }
0xb3: {  	_ =	swait.ge [sflag:s3], $0x2000  }
0xb4: {  	[sflag:s3] =	ssyncset.done $0x0  }
0xb5: {  	[sflag:s3] =	ssyncadd.s32 $0xFFFFE000  }
0xb6: {  	_ =	swait.ge [sflag:s3], $0x2000  }
0xb7: {  	[sflag:s3] =	ssyncset.done $0x0  }
0xb8: {  	[sflag:s3] =	ssyncadd.s32 $0xFFFFE000  }
0xb9: {  	_ =	swait.ge [sflag:s3], $0x2000  }
0xba: {  	[sflag:s3] =	ssyncset.done $0x0  }
0xbb: {  	[sflag:s3] =	ssyncadd.s32 $0xFFFFE000  }
0xbc: {  	_ =	swait.ge [sflag:s3], $0x2000  }
0xbd: {  	[sflag:s3] =	ssyncset.done $0x0  }
0xbe: {  	[sflag:s3] =	ssyncadd.s32 $0xFFFFE000  }
0xbf: {  	_ =	swait.ge [sflag:s3], $0x2000  }
0xc0: {  	[sflag:s3] =	ssyncset.done $0x0  }
0xc1: {  	[sflag:s3] =	ssyncadd.s32 $0xFFFFE000  }
0xc2: {  	_ =	swait.ge [sflag:s3], $0x2000  }
0xc3: {  	[sflag:s3] =	ssyncset.done $0x0  }
0xc4: {  	[sflag:s3] =	ssyncadd.s32 $0xFFFFE000  }
0xc5: {  	_ =	swait.ge [sflag:s3], $0x2000  }
0xc6: {  	[sflag:s3] =	ssyncset.done $0x0  }
0xc7: {  	[sflag:s3] =	ssyncadd.s32 $0xFFFFE000  }
0xc8: {  	_ =	swait.ge [sflag:s3], $0x2000  }
0xc9: {  	[sflag:s3] =	ssyncset.done $0x0  }
0xca: {  	p1 =	sne.s32 s1, $0x1;
	[sflag:s3] =	ssyncadd.s32 $0xFFFFE000  }
.Ltmp2:
0xcb: {  	_ =	swait.ge [sflag:s3], $0x2000;
	(pc) =	sbr.rel @p1 .LBB2_2-.Ltmp2, $4  }
0xcc: {  	[sflag:s3] =	ssyncset.done $0x0  }
0xcd: {  	[sflag:s3] =	ssyncadd.s32 $0xFFFFE000  }
0xce: {  	_ =	swait.ge [sflag:s3], $0x2000  }
0xcf: {  	s1 =	sadd.s32 $0xFFFFFFFF, s1;
	s0 =	rddreg [dreg:$0x3];
	[sflag:s3] =	ssyncset.done $0x0  }
.LBB2_3:
0xd0: {  	[sflag:s3] =	ssyncadd.s32 @p0 $0xFFFFE000  }
0xd1: {  	[tilespmem:s2], [sflag:$0x3] =	stream.linear.gather [hbm4b:s0+s2], $0x500, $0x38;
	[tilespmem:$0x14500] =	vst v63  }
0xd2: {  	_ =	swait.ge [sflag:s22], $0x500  }
0xd3: {  	[sflag:s22] =	ssyncset.done $0x0  }
0xd4: {  	[sflag:s22] =	ssyncadd.s32 $0xFFFFFB00  }
0xd5: {  	[tilespmem:s20], [sflag:$0x1] =	stream.indirect.gather [hbm4b:s8+s21], $0x40, s2, s21, $0xb8;
	[tilespmem:$0x14500] =	vst v63  }
0xd6: {  	_ = 	snop  }
0xd7: {  	[tilespmem:s19], [sflag:$0x1] =	stream.indirect.gather [hbm4b:s8+s21], $0x40, s21, s21, $0xb8;
	[tilespmem:$0x14500] =	vst v63  }
0xd8: {  	_ = 	snop  }
0xd9: {  	[tilespmem:s18], [sflag:$0x1] =	stream.indirect.gather [hbm4b:s8+s21], $0x40, s23, s21, $0xb8;
	[tilespmem:$0x14500] =	vst v63  }
0xda: {  	_ = 	snop  }
0xdb: {  	[tilespmem:s17], [sflag:$0x1] =	stream.indirect.gather [hbm4b:s8+s21], $0x40, s24, s21, $0xb8;
	[tilespmem:$0x14500] =	vst v63  }
0xdc: {  	_ = 	snop  }
0xdd: {  	[tilespmem:s16], [sflag:$0x1] =	stream.indirect.gather [hbm4b:s8+s21], $0x40, s25, s21, $0xb8;
	[tilespmem:$0x14500] =	vst v63  }
0xde: {  	_ = 	snop  }
0xdf: {  	[tilespmem:s15], [sflag:$0x1] =	stream.indirect.gather [hbm4b:s8+s21], $0x40, s26, s21, $0xb8;
	[tilespmem:$0x14500] =	vst v63  }
0xe0: {  	_ = 	snop  }
0xe1: {  	[tilespmem:s14], [sflag:$0x1] =	stream.indirect.gather [hbm4b:s8+s21], $0x40, s28, s21, $0xb8;
	[tilespmem:$0x14500] =	vst v63  }
0xe2: {  	_ = 	snop  }
0xe3: {  	[tilespmem:s11], [sflag:$0x1] =	stream.indirect.gather [hbm4b:s8+s21], $0x40, s29, s21, $0xb8;
	[tilespmem:$0x14500] =	vst v63  }
0xe4: {  	_ = 	snop  }
0xe5: {  	[tilespmem:s12], [sflag:$0x1] =	stream.indirect.gather [hbm4b:s8+s21], $0x40, s30, s21, $0xb8;
	[tilespmem:$0x14500] =	vst v63  }
0xe6: {  	_ = 	snop  }
0xe7: {  	[tilespmem:s10], [sflag:$0x1] =	stream.indirect.gather [hbm4b:s8+s21], $0x40, s31, s21, $0xb8;
	[tilespmem:$0x14500] =	vst v63  }
0xe8: {  	_ =	swait.ge [sflag:s13], $0x2000  }
0xe9: {  	[sflag:s13] =	ssyncset.done $0x0  }
0xea: {  	[sflag:s13] =	ssyncadd.s32 $0xFFFFE000  }
0xeb: {  	[hbm4b:s9+s2] =	stream.linear.scatter [tilespmem:s20], [sflag:$0x2], $0x2000, $0x38;
	[tilespmem:$0x14500] =	vst v63  }
0xec: {  	_ =	swait.ge [sflag:s13], $0x2000  }
0xed: {  	[sflag:s13] =	ssyncset.done $0x0  }
0xee: {  	s25 =	rddreg [dreg:$0x4];
	[sflag:s13] =	ssyncadd.s32 $0xFFFFE000  }
0xef: {  	[hbm4b:s25+s2] =	stream.linear.scatter [tilespmem:s19], [sflag:$0x2], $0x2000, $0x38;
	[tilespmem:$0x14500] =	vst v63  }
0xf0: {  	_ =	swait.ge [sflag:s13], $0x2000  }
0xf1: {  	[sflag:s13] =	ssyncset.done $0x0  }
0xf2: {  	s26 =	rddreg [dreg:$0x5];
	[sflag:s13] =	ssyncadd.s32 $0xFFFFE000  }
0xf3: {  	[hbm4b:s26+s2] =	stream.linear.scatter [tilespmem:s18], [sflag:$0x2], $0x2000, $0x38;
	[tilespmem:$0x14500] =	vst v63  }
0xf4: {  	_ =	swait.ge [sflag:s13], $0x2000  }
0xf5: {  	[sflag:s13] =	ssyncset.done $0x0  }
0xf6: {  	s28 =	rddreg [dreg:$0x6];
	[sflag:s13] =	ssyncadd.s32 $0xFFFFE000  }
0xf7: {  	[hbm4b:s28+s2] =	stream.linear.scatter [tilespmem:s17], [sflag:$0x2], $0x2000, $0x38;
	[tilespmem:$0x14500] =	vst v63  }
0xf8: {  	_ =	swait.ge [sflag:s13], $0x2000  }
0xf9: {  	[sflag:s13] =	ssyncset.done $0x0  }
0xfa: {  	s29 =	rddreg [dreg:$0x7];
	[sflag:s13] =	ssyncadd.s32 $0xFFFFE000  }
0xfb: {  	[hbm4b:s29+s2] =	stream.linear.scatter [tilespmem:s16], [sflag:$0x2], $0x2000, $0x38;
	[tilespmem:$0x14500] =	vst v63  }
0xfc: {  	_ =	swait.ge [sflag:s13], $0x2000  }
0xfd: {  	[sflag:s13] =	ssyncset.done $0x0  }
0xfe: {  	s30 =	rddreg [dreg:$0x8];
	[sflag:s13] =	ssyncadd.s32 $0xFFFFE000  }
0xff: {  	[hbm4b:s30+s2] =	stream.linear.scatter [tilespmem:s15], [sflag:$0x2], $0x2000, $0x38;
	[tilespmem:$0x14500] =	vst v63  }
0x100: {  	_ =	swait.ge [sflag:s13], $0x2000  }
0x101: {  	[sflag:s13] =	ssyncset.done $0x0  }
0x102: {  	[sflag:s13] =	ssyncadd.s32 $0xFFFFE000  }
0x103: {  	[hbm4b:s7+s2] =	stream.linear.scatter [tilespmem:s14], [sflag:$0x2], $0x2000, $0x38;
	[tilespmem:$0x14500] =	vst v63  }
0x104: {  	_ =	swait.ge [sflag:s13], $0x2000  }
0x105: {  	[sflag:s13] =	ssyncset.done $0x0  }
0x106: {  	[sflag:s13] =	ssyncadd.s32 $0xFFFFE000  }
0x107: {  	[hbm4b:s6+s2] =	stream.linear.scatter [tilespmem:s11], [sflag:$0x2], $0x2000, $0x38;
	[tilespmem:$0x14500] =	vst v63  }
0x108: {  	_ =	swait.ge [sflag:s13], $0x2000  }
0x109: {  	[sflag:s13] =	ssyncset.done $0x0  }
0x10a: {  	[sflag:s13] =	ssyncadd.s32 $0xFFFFE000  }
0x10b: {  	[hbm4b:s5+s2] =	stream.linear.scatter [tilespmem:s12], [sflag:$0x2], $0x2000, $0x38;
	[tilespmem:$0x14500] =	vst v63  }
0x10c: {  	_ =	swait.ge [sflag:s13], $0x2000  }
0x10d: {  	[sflag:s13] =	ssyncset.done $0x0  }
0x10e: {  	[sflag:s13] =	ssyncadd.s32 $0xFFFFE000  }
0x10f: {  	[hbm4b:s4+s2] =	stream.linear.scatter [tilespmem:s10], [sflag:$0x2], $0x2000, $0x38;
	[tilespmem:$0x14500] =	vst v63  }
0x110: {  	_ =	swait.ge [sflag:s3], $0x2000  }
0x111: {  	[sflag:s3] =	ssyncset.done $0x0  }
0x112: {  	[sflag:s3] =	ssyncadd.s32 $0xFFFFE000  }
0x113: {  	_ =	swait.ge [sflag:s3], $0x2000  }
0x114: {  	[sflag:s3] =	ssyncset.done $0x0  }
0x115: {  	[sflag:s3] =	ssyncadd.s32 $0xFFFFE000  }
0x116: {  	_ =	swait.ge [sflag:s3], $0x2000  }
0x117: {  	[sflag:s3] =	ssyncset.done $0x0  }
0x118: {  	[sflag:s3] =	ssyncadd.s32 $0xFFFFE000  }
0x119: {  	_ =	swait.ge [sflag:s3], $0x2000  }
0x11a: {  	[sflag:s3] =	ssyncset.done $0x0  }
0x11b: {  	[sflag:s3] =	ssyncadd.s32 $0xFFFFE000  }
0x11c: {  	_ =	swait.ge [sflag:s3], $0x2000  }
0x11d: {  	[sflag:s3] =	ssyncset.done $0x0  }
0x11e: {  	[sflag:s3] =	ssyncadd.s32 $0xFFFFE000  }
0x11f: {  	_ =	swait.ge [sflag:s3], $0x2000  }
0x120: {  	[sflag:s3] =	ssyncset.done $0x0  }
0x121: {  	[sflag:s3] =	ssyncadd.s32 $0xFFFFE000  }
0x122: {  	_ =	swait.ge [sflag:s3], $0x2000  }
0x123: {  	[sflag:s3] =	ssyncset.done $0x0  }
0x124: {  	[sflag:s3] =	ssyncadd.s32 $0xFFFFE000  }
0x125: {  	_ =	swait.ge [sflag:s3], $0x2000  }
0x126: {  	[sflag:s3] =	ssyncset.done $0x0  }
0x127: {  	[sflag:s3] =	ssyncadd.s32 $0xFFFFE000  }
0x128: {  	_ =	swait.ge [sflag:s3], $0x2000  }
0x129: {  	[sflag:s3] =	ssyncset.done $0x0  }
0x12a: {  	[sflag:s3] =	ssyncadd.s32 $0xFFFFE000  }
0x12b: {  	_ =	swait.ge [sflag:s3], $0x2000  }
0x12c: {  	[sflag:s3] =	ssyncset.done $0x0  }
0x12d: {  	[sflag:s3] =	ssyncadd.s32 $0xFFFFE000  }
0x12e: {  	_ =	sfence.sel $0x180000  }
0x12f: {  	[bflag:$0x0] =	sbarrier.arrive $0xFFFF  }
0x130: {  	_ =	strace $0x90000050  }
0x131: {  	s31 =	stileid.u32;
	[bflag:$0x2] =	sbarrier.arrive $0xFFFF  }
0x132: {  	p0 =	sne.s32 s31, $0x0;
	s0 =	rddreg [dreg:$0x2]  }
0x133: {  	s0 =	sadd.s32 @!p0 $0x100000, s0  }
0x134: {  	[sflag:s0] =	ssyncadd.tile.s32 @!p0 $0x1;
	_ =	shalt  }
.Lfunc_end2:
_tile_overlayer_lowered:
.L_overlay_start_2:
0x135: {  	(tag) =	ssettag $0x2  }
0x136: {  	s0 =	rddreg [dreg:$0x0];
	s2 =	stileid.u32  }
0x137: {  	s1 =	rddreg [dreg:$0x1];
	p0 =	sne.s32 s2, $0x0  }
0x138: {  	s3 =	rddreg [dreg:$0x2];
	[bflag:$0x3] =	sbarrier.arrive $0xFFFF;
	s2 =	simm.s32 @!p0 $0x1C03  }
0x139: {  	[timem:s3], [sflag:s2] =	dma.local @!p0 [hbm:s0], s1  }
0x13a: {  	s0 =	simm.s32 @!p0 $0x3  }
0x13b: {  	_ =	swait.ge @!p0 [sflag:s0], s1  }
0x13c: {  	s1 =	ssub.s32 @!p0 $0x0, s1;
	[sflag:s0] =	ssyncset.done @!p0 $0x0  }
0x13d: {  	[sflag:s0] =	ssyncadd.s32 @!p0 s1  }
0x13e: {  	[bflag:$0x3] =	sbarrier.arrive $0xFFFF  }
0x13f: {  	_ =	shalt  }

// kernel: body.51.cloned.1.call-start
scs
__scs_entry_jumppad:
0x0: {  	(pc) =	sbr.rel $0x88, $3  }
0x1: {  	(tag) =	ssettag $0x0;
	lr =	simm.s32 $0x1  }
0x2: {  	[smem:$0x3F94] =	sst lr;
	_ =	strace $0xD0000000  }
0x3: {  	_ = 	snop  }
0x4: {  	_ = 	snop  }
0x5: {  	_ = 	snop  }
0x6: {  	_ = 	snop  }
0x7: {  	_ = 	snop  }
__scs_overlays_trampoline_lowered:
0x8: {  	[smem:$0x3FA3] =	sst s0  }
0x9: {  	[smem:$0x3FA4] =	sst s1  }
0xa: {  	[smem:$0x3FA5] =	sst s2  }
0xb: {  	[smem:$0x3FA6] =	sst s3  }
0xc: {  	[smem:$0x3FA7] =	sst s4  }
0xd: {  	[smem:$0x3FA8] =	sst s5  }
0xe: {  	[smem:$0x3FA9] =	sst s6  }
0xf: {  	[smem:$0x3FAA] =	sst s7  }
0x10: {  	[smem:$0x3FAB] =	sst s8  }
0x11: {  	[smem:$0x3FAC] =	sst s9;
	s0 =	simm.s32 @!p0 $0x0  }
0x12: {  	s1 =	sld [smem:$0x3F92];
	s0 =	simm.s32 @p0 $0x1  }
0x13: {  	[smem:$0x3FAD] =	sst s0;
	s0 =	simm.s32 @!p1 $0x0  }
0x14: {  	s2 =	sld [smem:$0x3F91];
	s0 =	simm.s32 @p1 $0x1  }
0x15: {  	[smem:$0x3FAE] =	sst s0;
	s0 =	simm.s32 @!p2 $0x0  }
0x16: {  	s3 =	sld [smem:$0x3FDB];
	s0 =	simm.s32 @p2 $0x1  }
0x17: {  	s4 =	simm.s32 $0x1BF5;
	[smem:$0x3FB0] =	sst s0  }
0x18: {  	s0 =	sld [smem:$0x3F93];
	_ =	swait.ge [sflag:s4], $0x0  }
0x19: {  	s7 =	sld [smem:$0x3F94]  }
0x1a: {  	s8 =	sadd.s32 $0xFFFFE003, lr  }
0x1b: {  	s9 =	sadd.s32 $0xFFFFFEF7, lr;
	s5 =	simm.s32 $0xFFFFFFFF;
	p2 =	slt.u32 s8, $0xFFFFF086  }
0x1c: {  	p1 =	slt.u32 s9, $0xF7A;
	s5 =	simm.s32 @!p2 $0x0  }
0x1d: {  	s5 =	simm.s32 @p1 $0x1;
	p0 =	seq.s32 s7, s2  }
0x1e: {  	s7 =	smul.u32 @!p0 $0xF7A, s2;
	p2 =	seq.s32 @!p0 s5, $0x0  }
0x1f: {  	s9 =	smul.u32 $0xF7A, s1;
	s8 =	simm.s32 @!p0 $0x1BF5;
	p2 =	por !p2, p0  }
0x20: {  	[sflag:s8] =	ssyncset.s32 @!p0 $0xFFFFF086;
	s6 =	sadd.s32 @!p0 s3, s7;
	s7 =	simm.s32 @!p0 $0x108  }
0x21: {  	s3 =	sadd.s32 s3, s9;
	s6 =	sadd.s32 @!p0 $0x88, s6;
	s7 =	simm.s32 @p2 $0x1082  }
0x22: {  	[simem:s7], [sflag:s8] =	dma.local @!p0 [hbm:s6], $0xF7A  }
0x23: {  	s9 =	sor.u32 $0xD0000000, s2;
	s6 =	simm.s32 $0x108;
	_ =	swait.ge @!p0 [sflag:s8], $0x0  }
0x24: {  	s3 =	sadd.s32 $0x88, s3;
	s6 =	simm.s32 @!p1 $0x1082;
	[sflag:s4] =	ssyncset.s32 $0xFFFFF086  }
0x25: {  	[simem:s6], [sflag:s4] =	dma.local [hbm:s3], $0xF7A  }
0x26: {  	[smem:$0x3F94] =	sst s1;
	(tag) =	ssettag s2;
	_ =	strace s9  }
0x27: {  	s1 =	sld [smem:$0x3FA4]  }
0x28: {  	s2 =	sld [smem:$0x3FA5]  }
0x29: {  	s4 =	sld [smem:$0x3FA7]  }
0x2a: {  	p0 =	seq.s32 s5, $0x0;
	s5 =	sld [smem:$0x3FA8]  }
0x2b: {  	s6 =	sld [smem:$0x3FA9]  }
0x2c: {  	s7 =	sld [smem:$0x3FAA]  }
0x2d: {  	s3 =	simm.s32 $0x108;
	s8 =	sld [smem:$0x3FAB]  }
0x2e: {  	s3 =	simm.s32 @!p0 $0x1082;
	s9 =	sld [smem:$0x3FAC]  }
0x2f: {  	lr =	sadd.s32 s0, s3;
	s0 =	sld [smem:$0x3FA3]  }
0x30: {  	s3 =	sld [smem:$0x3FA6]  }
0x31: {  	[smem:$0x3FAF] =	sst s10  }
0x32: {  	s10 =	sld [smem:$0x3FAD];
	_ =	sdelay $0x3  }
0x33: {  	p0 =	seq.s32 s10, $0x1;
	s10 =	sld [smem:$0x3FAF];
	_ =	sdelay $0x3  }
0x34: {  	[smem:$0x3FAF] =	sst s10  }
0x35: {  	s10 =	sld [smem:$0x3FAE];
	_ =	sdelay $0x3  }
0x36: {  	p1 =	seq.s32 s10, $0x1;
	s10 =	sld [smem:$0x3FAF];
	_ =	sdelay $0x3  }
0x37: {  	[smem:$0x3FAF] =	sst s10  }
0x38: {  	s10 =	sld [smem:$0x3FB0]  }
0x39: {  	_ = 	snop;
	(pc) =	sbr.ind lr, $3  }
0x3a: {  	_ = 	snop  }
0x3b: {  	_ = 	snop  }
0x3c: {  	p2 =	seq.s32 s10, $0x1;
	s10 =	sld [smem:$0x3FAF]  }
0x3d: {  	_ =	shalt  }
0x3e: {  	_ =	shalt  }
0x3f: {  	_ =	shalt  }
0x40: {  	_ =	shalt  }
0x41: {  	_ =	shalt  }
0x42: {  	_ =	shalt  }
0x43: {  	_ =	shalt  }
0x44: {  	_ =	shalt  }
0x45: {  	_ =	shalt  }
0x46: {  	_ =	shalt  }
0x47: {  	_ =	shalt  }
0x48: {  	_ =	shalt  }
0x49: {  	_ =	shalt  }
0x4a: {  	_ =	shalt  }
0x4b: {  	_ =	shalt  }
0x4c: {  	_ =	shalt  }
0x4d: {  	_ =	shalt  }
0x4e: {  	_ =	shalt  }
0x4f: {  	_ =	shalt  }
0x50: {  	_ =	shalt  }
0x51: {  	_ =	shalt  }
0x52: {  	_ =	shalt  }
0x53: {  	_ =	shalt  }
0x54: {  	_ =	shalt  }
0x55: {  	_ =	shalt  }
0x56: {  	_ =	shalt  }
0x57: {  	_ =	shalt  }
0x58: {  	_ =	shalt  }
0x59: {  	_ =	shalt  }
0x5a: {  	_ =	shalt  }
0x5b: {  	_ =	shalt  }
0x5c: {  	_ =	shalt  }
0x5d: {  	_ =	shalt  }
0x5e: {  	_ =	shalt  }
0x5f: {  	_ =	shalt  }
0x60: {  	_ =	shalt  }
0x61: {  	_ =	shalt  }
0x62: {  	_ =	shalt  }
0x63: {  	_ =	shalt  }
0x64: {  	_ =	shalt  }
0x65: {  	_ =	shalt  }
0x66: {  	_ =	shalt  }
0x67: {  	_ =	shalt  }
0x68: {  	_ =	shalt  }
0x69: {  	_ =	shalt  }
0x6a: {  	_ =	shalt  }
0x6b: {  	_ =	shalt  }
0x6c: {  	_ =	shalt  }
0x6d: {  	_ =	shalt  }
0x6e: {  	_ =	shalt  }
0x6f: {  	_ =	shalt  }
0x70: {  	_ =	shalt  }
0x71: {  	_ =	shalt  }
0x72: {  	_ =	shalt  }
0x73: {  	_ =	shalt  }
0x74: {  	_ =	shalt  }
0x75: {  	_ =	shalt  }
0x76: {  	_ =	shalt  }
0x77: {  	_ =	shalt  }
0x78: {  	_ =	shalt  }
0x79: {  	_ =	shalt  }
0x7a: {  	_ =	shalt  }
0x7b: {  	_ =	shalt  }
0x7c: {  	_ =	shalt  }
0x7d: {  	_ =	shalt  }
0x7e: {  	_ =	shalt  }
0x7f: {  	_ =	shalt  }
0x80: {  	_ =	shalt  }
0x81: {  	_ =	shalt  }
0x82: {  	_ =	shalt  }
0x83: {  	_ =	shalt  }
0x84: {  	_ =	shalt  }
0x85: {  	_ =	shalt  }
0x86: {  	_ =	shalt  }
0x87: {  	_ =	shalt  }
.Lfunc_end0:
.L_simem_size_0:
called_computation.3_lowered:
.L_overlay_start_0:
0x88: {  	s2 =	sld [smem:$0x3FD9]  }
0x89: {  	s3 =	sld [smem:$0x3FFE];
	_ =	sdelay $0x1  }
0x8a: {  	s1 =	srdreg.scid  }
0x8b: {  	s0 =	sand.u32 $0x1, s1  }
0x8c: {  	s17 =	sshll.u32 s0, $0xA;
	s2 =	sadd.s32 s3, s2  }
0x8d: {  	s2 =	sadd.s32 s2, s17  }
0x8e: {  	[smem:$0x3FBB] =	sst s2  }
0x8f: {  	_ = 	snop  }
0x90: {  	s2 =	sld [smem:$0x3FD0];
	(tm) =	ssettm $0x1  }
0x91: {  	s18 =	sld [smem:$0x3FFB];
	_ =	sdelay $0x3  }
0x92: {  	_ =	strace s18  }
0x93: {  	s3 =	sld [smem:$0x3FFC];
	_ =	sdelay $0x3  }
0x94: {  	_ =	strace s3  }
0x95: {  	s3 =	sld [smem:$0x3FFD];
	_ =	sdelay $0x3  }
0x96: {  	_ =	strace s3  }
0x97: {  	_ =	strace $0x8FFFFFFF  }
0x98: {  	s19 =	sld [smem:$0x3FDB];
	_ =	sdelay $0x1  }
0x99: {  	s4 =	simm.s32 $_scs_section_size  }
0x9a: {  	s5 =	simm.s32 $_size__tile_overlayer_lowered;
	s6 =	simm.s32 $_tile_overlayer_lowered  }
0x9b: {  	s22 =	simm.s32 $0x1BFF;
	s21 =	sshll.u32 s6, $0x1;
	s3 =	sadd.s32 s4, s19  }
0x9c: {  	s7 =	simm.s32 $0x0;
	s20 =	sshll.u32 s5, $0x1;
	s5 =	sadd.s32 s21, s3  }
0x9d: {  	[timem:s7], [sflag:s22] =	dma.local [hbm:s5], s20  }
0x9e: {  	_ =	swait.ge [sflag:s22], s20  }
0x9f: {  	s4 =	ssub.s32 $0x0, s20;
	[sflag:s22] =	ssyncset.done $0x0  }
0xa0: {  	[sflag:s22] =	ssyncadd.s32 s4;
	_ =	sdelay $0x1  }
0xa1: {  	s23 =	simm.s32 $0x1B8B  }
0xa2: {  	_ =	swait.ge [sflag:s23], $0x1  }
0xa3: {  	[sflag:s23] =	ssyncset.done $0x0  }
0xa4: {  	s25 =	simm.s32 $0x1B8E;
	s24 =	sld [smem:$0x3FFE];
	[sflag:s23] =	ssyncadd.s32 $0xFFFFFFFF  }
0xa5: {  	s26 =	simm.s32 $execute0_lowered;
	[smem:$0x3FD2] =	sst s25  }
0xa6: {  	s5 =	sshll.u32 s26, $0x1;
	_ =	strace $0x80000052;
	[dreg:$0x1] =	wrdreg $0xFFFFFFFF  }
0xa7: {  	s28 =	simm.s32 $_size_execute0_lowered;
	s3 =	sadd.s32 s3, s5;
	[dreg:$0x0] =	wrdreg $0x0  }
0xa8: {  	s5 =	sshll.u32 s28, $0x1;
	[dreg:$0x2] =	wrdreg s3  }
0xa9: {  	[dreg:$0x3] =	wrdreg s5  }
0xaa: {  	[dreg:$0x4] =	wrdreg $0xC0  }
0xab: {  	_ =	task [dreg:s7], $0x5FFFF  }
0xac: {  	[dreg:$0x1] =	wrdreg $0xFFFFFFFF  }
0xad: {  	[dreg:$0x0] =	wrdreg $0x60  }
0xae: {  	[dreg:$0x2] =	wrdreg s24  }
0xaf: {  	[dreg:$0x3] =	wrdreg s2  }
0xb0: {  	[dreg:$0x4] =	wrdreg $0x14A000  }
0xb1: {  	[dreg:$0x5] =	wrdreg $0x9  }
0xb2: {  	_ =	task.clear_ibuf [dreg:s7], $0x6FFFF;
	_ =	strace $0x90000052  }
0xb3: {  	s29 =	simm.s32 $0x9;
	_ =	strace $0x80000054  }
0xb4: {  	_ =	swait.ge [sflag:s29], $0x1  }
0xb5: {  	[sflag:s29] =	ssyncadd.s32 $0xFFFFFFFF  }
0xb6: {  	_ =	strace $0x90000054  }
0xb7: {  	_ =	sfence  }
0xb8: {  	s30 =	sld [smem:$0x0];
	_ =	sdelay $0x2  }
0xb9: {  	s31 =	sshll.u32 s1, $0xD;
	s1 =	sshrl.u32 s1, $0x2  }
0xba: {  	s3 =	sand.u32 $0x4000, s31;
	s1 =	sadd.s32 s1, s30  }
0xbb: {  	s0 =	sor.u32 s3, s0;
	s1 =	sshll.u32 s1, $0x11  }
0xbc: {  	s0 =	sor.u32 s1, s0  }
0xbd: {  	s0 =	sadd.s32 $0x8F2B, s0  }
0xbe: {  	[sflag:s0] =	ssyncadd.remote.s32 $0x1  }
0xbf: {  	_ =	sfence.sel $0xFFFF  }
0xc0: {  	[dreg:$0x0] =	wrdreg $0xFFFFFFFF;
	(pc) =	sbr.abs _section_cstart, $3  }
0xc1: {  	[dreg:$0x1] =	wrdreg $0xFFFFFFFF  }
0xc2: {  	_ =	task.clear_ibuf [dreg:s7], $0x2FFFF;
	_ =	strace $0x9FFFFFFF  }
0xc3: {  	(tm) =	ssettm $0x7FFFFFFF  }
tec
execute0_lowered:
.L_overlay_start_1:
0x0: {  	(tag) =	ssettag $0x1  }
0x1: {  	s4 =	rddreg [dreg:$0x0]  }
0x2: {  	s5 =	rddreg [dreg:$0x1]  }
0x3: {  	s2 =	rddreg [dreg:$0x2];
	s3 =	simm.s32 $0x0  }
0x4: {  	s14 =	simm.s32 $0x20;
	[smem:$0x7FF] =	sst s3  }
0x5: {  	s15 =	simm.s32 $0x40;
	_ =	strace $0x80000053;
	[dreg:$0x8] =	wrdreg s14  }
0x6: {  	s16 =	simm.s32 $0x1A00;
	[dreg:$0x9] =	wrdreg s15  }
0x7: {  	s17 =	simm.s32 $0x100;
	[dreg:$0xa] =	wrdreg s16  }
0x8: {  	s18 =	simm.s32 $0x2A00;
	[dreg:$0xb] =	wrdreg s17  }
0x9: {  	s19 =	simm.s32 $0x180;
	[dreg:$0xc] =	wrdreg s18  }
0xa: {  	s20 =	simm.s32 $0x3A00;
	[dreg:$0xd] =	wrdreg s19  }
0xb: {  	s1 =	srdreg.scid;
	s21 =	simm.s32 $0x200;
	[dreg:$0xe] =	wrdreg s20  }
0xc: {  	s0 =	stileid.u32;
	s22 =	simm.s32 $0x4A00;
	[dreg:$0xf] =	wrdreg s21  }
0xd: {  	s23 =	simm.s32 $0x280;
	s24 =	simm.s32 $0x5A00;
	[dreg:$0x10] =	wrdreg s22  }
0xe: {  	s25 =	simm.s32 $0x300;
	s6 =	smul.u32 $0x28000, s0;
	[dreg:$0x11] =	wrdreg s23  }
0xf: {  	s26 =	simm.s32 $0x6A00;
	s8 =	smul.u32 $0x140, s0;
	[dreg:$0x12] =	wrdreg s24  }
0x10: {  	s1 =	sand.u32 $0x1, s1;
	s9 =	smul.u32 $0x9F60, s0;
	[dreg:$0x13] =	wrdreg s25  }
0x11: {  	s10 =	smul.u32 $0x13EC0, s0;
	s7 =	sshll.u32 s1, $0x5;
	[dreg:$0x14] =	wrdreg s26  }
0x12: {  	s15 =	simm.s32 $0x500;
	s6 =	sor.u32 s7, s6;
	s11 =	sshrl.u32 s9, $0x3  }
0x13: {  	s7 =	sor.u32 s7, s10;
	s10 =	simm.s32 $0x480;
	[dreg:$0x1b] =	wrdreg s15  }
0x14: {  	s8 =	sadd.s32 s8, s4;
	s5 =	sadd.s32 s5, s11;
	[dreg:$0x19] =	wrdreg s10  }
0x15: {  	s6 =	sshrl.u32 s6, $0x3;
	s12 =	sadd.s32 $0x15800, s8;
	[dreg:$0x4] =	wrdreg s5  }
0x16: {  	s7 =	sshrl.u32 s7, $0x3;
	s8 =	simm.s32 $0x8A00;
	[dreg:$0x5] =	wrdreg s12  }
0x17: {  	s6 =	sadd.s32 s6, s4;
	s5 =	simm.s32 $0x380;
	[dreg:$0x18] =	wrdreg s8  }
0x18: {  	s4 =	sadd.s32 s7, s4;
	s7 =	simm.s32 $0x400;
	[dreg:$0x15] =	wrdreg s5  }
0x19: {  	[dreg:$0x17] =	wrdreg s7  }
0x1a: {  	s13 =	sadd.s32 $0x155200, s6;
	s14 =	rddreg [dreg:$0x4]  }
0x1b: {  	s11 =	sadd.s32 s9, s2;
	s4 =	sadd.s32 $0x1A5200, s4;
	[dreg:$0x6] =	wrdreg s13  }
0x1c: {  	s12 =	sshll.u32 s0, $0x6;
	s6 =	simm.s32 $0x7A00;
	[dreg:$0x7] =	wrdreg s4  }
0x1d: {  	s5 =	simm.s32 $0x2;
	[dreg:$0x16] =	wrdreg s6;
	s13 =	simm.s32 $0x9A00  }
0x1e: {  	s4 =	sor.u32 $0x1C02, s12;
	s6 =	sshrl.u32 s11, $0x3;
	[dreg:$0x1a] =	wrdreg s13  }
0x1f: {  	[spmem:s6], [sflag:s4] =	dma.local [hbm:s14], $0x13EC  }
0x20: {  	_ =	swait.ge [sflag:s5], $0x13EC  }
0x21: {  	[sflag:s5] =	ssyncset.done $0x0  }
0x22: {  	s16 =	rddreg [dreg:$0x5];
	[sflag:s5] =	ssyncadd.s32 $0xFFFFEC14  }
0x23: {  	[tilespmem:s3], [sflag:$0x2] =	stream.linear.gather [hbm4b:s16+s3], $0xA00, $0x38;
	[tilespmem:$0x1E960] =	vst v63  }
0x24: {  	_ =	swait.ge [sflag:s5], $0xA00  }
0x25: {  	s17 =	rddreg [dreg:$0x9]  }
0x26: {  	s18 =	rddreg [dreg:$0x6];
	[sflag:s5] =	ssyncset.done $0x0  }
0x27: {  	s7 =	simm.s32 $0xA00;
	s19 =	rddreg [dreg:$0x8];
	[sflag:s5] =	ssyncadd.s32 $0xFFFFF600  }
0x28: {  	[tilespmem:s7], [sflag:$0x2] =	stream.strided.gather [hbm4b:s18+s19], $0x14000, s17, s19, $0x38;
	[tilespmem:$0x1E960] =	vst v63  }
0x29: {  	_ =	swait.ge [sflag:s5], $0x14000  }
0x2a: {  	[sflag:s5] =	ssyncset.done $0x0  }
0x2b: {  	[sflag:s5] =	ssyncadd.s32 $0xFFFEC000  }
0x2c: {  	[bflag:$0x0] =	sbarrier.arrive $0xFFFF  }
0x2d: {  	s20 =	rddreg [dreg:$0xd]  }
0x2e: {  	s21 =	rddreg [dreg:$0x18]  }
0x2f: {  	s22 =	rddreg [dreg:$0x10]  }
0x30: {  	s12 =	rddreg [dreg:$0x16]  }
0x31: {  	s13 =	rddreg [dreg:$0x14]  }
0x32: {  	s14 =	rddreg [dreg:$0xc]  }
0x33: {  	s8 =	simm.s32 $0x80;
	s15 =	rddreg [dreg:$0xf]  }
0x34: {  	[spmem:s2] =	stream.indirect.scatter.add.f32 [tilespmem:s7], [sflag:$0x1], $0x20, s3, s8, $0xb8;
	[tilespmem:$0x1E960] =	vst v63  }
0x35: {  	s16 =	rddreg [dreg:$0xa]  }
0x36: {  	s17 =	rddreg [dreg:$0xb]  }
0x37: {  	[spmem:s2] =	stream.indirect.scatter.add.f32 [tilespmem:s16], [sflag:$0x1], $0x20, s8, s8, $0xb8;
	[tilespmem:$0x1E960] =	vst v63  }
0x38: {  	s18 =	rddreg [dreg:$0xe]  }
0x39: {  	[spmem:s2] =	stream.indirect.scatter.add.f32 [tilespmem:s14], [sflag:$0x1], $0x20, s17, s8, $0xb8;
	[tilespmem:$0x1E960] =	vst v63  }
0x3a: {  	s23 =	rddreg [dreg:$0x12]  }
0x3b: {  	[spmem:s2] =	stream.indirect.scatter.add.f32 [tilespmem:s18], [sflag:$0x1], $0x20, s20, s8, $0xb8;
	[tilespmem:$0x1E960] =	vst v63  }
0x3c: {  	s24 =	rddreg [dreg:$0x11]  }
0x3d: {  	[spmem:s2] =	stream.indirect.scatter.add.f32 [tilespmem:s22], [sflag:$0x1], $0x20, s15, s8, $0xb8;
	[tilespmem:$0x1E960] =	vst v63  }
0x3e: {  	s25 =	rddreg [dreg:$0x13]  }
0x3f: {  	[spmem:s2] =	stream.indirect.scatter.add.f32 [tilespmem:s23], [sflag:$0x1], $0x20, s24, s8, $0xb8;
	[tilespmem:$0x1E960] =	vst v63  }
0x40: {  	s26 =	rddreg [dreg:$0x15]  }
0x41: {  	[spmem:s2] =	stream.indirect.scatter.add.f32 [tilespmem:s13], [sflag:$0x1], $0x20, s25, s8, $0xb8;
	[tilespmem:$0x1E960] =	vst v63  }
0x42: {  	s0 =	rddreg [dreg:$0x17]  }
0x43: {  	[spmem:s2] =	stream.indirect.scatter.add.f32 [tilespmem:s12], [sflag:$0x1], $0x20, s26, s8, $0xb8;
	[tilespmem:$0x1E960] =	vst v63  }
0x44: {  	s16 =	rddreg [dreg:$0x19]  }
0x45: {  	[spmem:s2] =	stream.indirect.scatter.add.f32 [tilespmem:s21], [sflag:$0x1], $0x20, s0, s8, $0xb8;
	[tilespmem:$0x1E960] =	vst v63  }
0x46: {  	s15 =	rddreg [dreg:$0x1a]  }
0x47: {  	[spmem:s2] =	stream.indirect.scatter.add.f32 [tilespmem:s15], [sflag:$0x1], $0x20, s16, s8, $0xb8;
	[tilespmem:$0x1E960] =	vst v63  }
0x48: {  	s17 =	rddreg [dreg:$0x1b];
	s18 =	simm.s32 $0xAA00  }
0x49: {  	[spmem:s2] =	stream.indirect.scatter.add.f32 [tilespmem:s18], [sflag:$0x1], $0x20, s17, s8, $0xb8;
	[tilespmem:$0x1E960] =	vst v63  }
0x4a: {  	s19 =	simm.s32 $0x580;
	s20 =	simm.s32 $0xBA00  }
0x4b: {  	[spmem:s2] =	stream.indirect.scatter.add.f32 [tilespmem:s20], [sflag:$0x1], $0x20, s19, s8, $0xb8;
	[tilespmem:$0x1E960] =	vst v63  }
0x4c: {  	s22 =	simm.s32 $0xCA00;
	s21 =	simm.s32 $0x600  }
0x4d: {  	[spmem:s2] =	stream.indirect.scatter.add.f32 [tilespmem:s22], [sflag:$0x1], $0x20, s21, s8, $0xb8;
	[tilespmem:$0x1E960] =	vst v63  }
0x4e: {  	s23 =	simm.s32 $0x680;
	s24 =	simm.s32 $0xDA00  }
0x4f: {  	[spmem:s2] =	stream.indirect.scatter.add.f32 [tilespmem:s24], [sflag:$0x1], $0x20, s23, s8, $0xb8;
	[tilespmem:$0x1E960] =	vst v63  }
0x50: {  	s25 =	simm.s32 $0x700;
	s26 =	simm.s32 $0xEA00  }
0x51: {  	[spmem:s2] =	stream.indirect.scatter.add.f32 [tilespmem:s26], [sflag:$0x1], $0x20, s25, s8, $0xb8;
	[tilespmem:$0x1E960] =	vst v63  }
0x52: {  	s18 =	simm.s32 $0x780;
	s19 =	simm.s32 $0xFA00  }
0x53: {  	[spmem:s2] =	stream.indirect.scatter.add.f32 [tilespmem:s19], [sflag:$0x1], $0x20, s18, s8, $0xb8;
	[tilespmem:$0x1E960] =	vst v63  }
0x54: {  	s20 =	simm.s32 $0x800;
	s21 =	simm.s32 $0x10A00  }
0x55: {  	[spmem:s2] =	stream.indirect.scatter.add.f32 [tilespmem:s21], [sflag:$0x1], $0x20, s20, s8, $0xb8;
	[tilespmem:$0x1E960] =	vst v63  }
0x56: {  	s22 =	simm.s32 $0x880;
	s24 =	simm.s32 $0x11A00  }
0x57: {  	[spmem:s2] =	stream.indirect.scatter.add.f32 [tilespmem:s24], [sflag:$0x1], $0x20, s22, s8, $0xb8;
	[tilespmem:$0x1E960] =	vst v63  }
0x58: {  	s25 =	simm.s32 $0x900;
	s26 =	simm.s32 $0x12A00  }
0x59: {  	[spmem:s2] =	stream.indirect.scatter.add.f32 [tilespmem:s26], [sflag:$0x1], $0x20, s25, s8, $0xb8;
	[tilespmem:$0x1E960] =	vst v63  }
0x5a: {  	s28 =	simm.s32 $0x980;
	s29 =	simm.s32 $0x13A00;
	s23 =	simm.s32 $0x1  }
0x5b: {  	[spmem:s2] =	stream.indirect.scatter.add.f32 [tilespmem:s29], [sflag:$0x1], $0x20, s28, s8, $0xb8;
	[tilespmem:$0x1E960] =	vst v63  }
0x5c: {  	_ =	swait.ge [sflag:s23], $0x1000  }
0x5d: {  	[sflag:s23] =	ssyncset.done $0x0  }
0x5e: {  	[sflag:s23] =	ssyncadd.s32 $0xFFFFF000  }
0x5f: {  	_ =	swait.ge [sflag:s23], $0x1000  }
0x60: {  	[sflag:s23] =	ssyncset.done $0x0  }
0x61: {  	[sflag:s23] =	ssyncadd.s32 $0xFFFFF000  }
0x62: {  	_ =	swait.ge [sflag:s23], $0x1000  }
0x63: {  	[sflag:s23] =	ssyncset.done $0x0  }
0x64: {  	[sflag:s23] =	ssyncadd.s32 $0xFFFFF000  }
0x65: {  	_ =	swait.ge [sflag:s23], $0x1000  }
0x66: {  	[sflag:s23] =	ssyncset.done $0x0  }
0x67: {  	[sflag:s23] =	ssyncadd.s32 $0xFFFFF000  }
0x68: {  	_ =	swait.ge [sflag:s23], $0x1000  }
0x69: {  	[sflag:s23] =	ssyncset.done $0x0  }
0x6a: {  	[sflag:s23] =	ssyncadd.s32 $0xFFFFF000  }
0x6b: {  	_ =	swait.ge [sflag:s23], $0x1000  }
0x6c: {  	[sflag:s23] =	ssyncset.done $0x0  }
0x6d: {  	[sflag:s23] =	ssyncadd.s32 $0xFFFFF000  }
0x6e: {  	_ =	swait.ge [sflag:s23], $0x1000  }
0x6f: {  	[sflag:s23] =	ssyncset.done $0x0  }
0x70: {  	[sflag:s23] =	ssyncadd.s32 $0xFFFFF000  }
0x71: {  	_ =	swait.ge [sflag:s23], $0x1000  }
0x72: {  	[sflag:s23] =	ssyncset.done $0x0  }
0x73: {  	[sflag:s23] =	ssyncadd.s32 $0xFFFFF000  }
0x74: {  	_ =	swait.ge [sflag:s23], $0x1000  }
0x75: {  	[sflag:s23] =	ssyncset.done $0x0  }
0x76: {  	[sflag:s23] =	ssyncadd.s32 $0xFFFFF000  }
0x77: {  	_ =	swait.ge [sflag:s23], $0x1000  }
0x78: {  	[sflag:s23] =	ssyncset.done $0x0  }
0x79: {  	[sflag:s23] =	ssyncadd.s32 $0xFFFFF000  }
0x7a: {  	_ =	swait.ge [sflag:s23], $0x1000  }
0x7b: {  	[sflag:s23] =	ssyncset.done $0x0  }
0x7c: {  	[sflag:s23] =	ssyncadd.s32 $0xFFFFF000  }
0x7d: {  	_ =	swait.ge [sflag:s23], $0x1000  }
0x7e: {  	[sflag:s23] =	ssyncset.done $0x0  }
0x7f: {  	[sflag:s23] =	ssyncadd.s32 $0xFFFFF000  }
0x80: {  	_ =	swait.ge [sflag:s23], $0x1000  }
0x81: {  	[sflag:s23] =	ssyncset.done $0x0  }
0x82: {  	[sflag:s23] =	ssyncadd.s32 $0xFFFFF000  }
0x83: {  	_ =	swait.ge [sflag:s23], $0x1000  }
0x84: {  	[sflag:s23] =	ssyncset.done $0x0  }
0x85: {  	[sflag:s23] =	ssyncadd.s32 $0xFFFFF000  }
0x86: {  	_ =	swait.ge [sflag:s23], $0x1000  }
0x87: {  	[sflag:s23] =	ssyncset.done $0x0  }
0x88: {  	[sflag:s23] =	ssyncadd.s32 $0xFFFFF000  }
0x89: {  	s1 =	ssub.s32 $0x2, s1;
	_ =	swait.ge [sflag:s23], $0x1000  }
0x8a: {  	s30 =	sshrl.u32 s1, $0x1;
	[sflag:s23] =	ssyncset.done $0x0  }
0x8b: {  	s1 =	ssub.s32 s1, s30;
	[sflag:s23] =	ssyncadd.s32 $0xFFFFF000  }
0x8c: {  	s1 =	smax.u32 s1, $0x1;
	_ =	swait.ge [sflag:s23], $0x1000  }
0x8d: {  	p0 =	sne.s32 s1, $0x1;
	[sflag:s23] =	ssyncset.done $0x0  }
.Ltmp0:
0x8e: {  	[sflag:s23] =	ssyncadd.s32 $0xFFFFF000;
	(pc) =	sbr.rel @!p0 .LBB2_2-.Ltmp0, $4  }
0x8f: {  	_ =	swait.ge [sflag:s23], $0x1000  }
0x90: {  	[sflag:s23] =	ssyncset.done $0x0  }
0x91: {  	s31 =	simm.s32 $0x4;
	[sflag:s23] =	ssyncadd.s32 $0xFFFFF000  }
0x92: {  	s30 =	simm.s32 $0x8;
	s1 =	sadd.s32 $0xFFFFFFFF, s1;
	_ =	swait.ge [sflag:s23], $0x1000  }
.LBB2_1:
0x93: {  	[sflag:s23] =	ssyncset.done $0x0  }
0x94: {  	[sflag:s23] =	ssyncadd.s32 $0xFFFFF000  }
0x95: {  	_ =	swait.ge [sflag:s23], $0x1000  }
0x96: {  	[sflag:s23] =	ssyncset.done $0x0  }
0x97: {  	[sflag:s23] =	ssyncadd.s32 $0xFFFFF000  }
0x98: {  	[bflag:$0x0] =	sbarrier.arrive $0xFFFF  }
0x99: {  	s0 =	rddreg [dreg:$0x7]  }
0x9a: {  	[hbm:s0@s30], [sflag:s4] =	dma.strided [spmem:s6@s31], $0x13EC, s23, $0x4   }
0x9b: {  	_ =	swait.ge [sflag:s5], $0x13EC  }
0x9c: {  	[sflag:s5] =	ssyncset.done $0x0  }
0x9d: {  	s13 =	rddreg [dreg:$0x4];
	[sflag:s5] =	ssyncadd.s32 $0xFFFFEC14  }
0x9e: {  	[spmem:s6], [sflag:s4] =	dma.local [hbm:s13], $0x13EC  }
0x9f: {  	_ =	swait.ge [sflag:s5], $0x13EC  }
0xa0: {  	[sflag:s5] =	ssyncset.done $0x0  }
0xa1: {  	s14 =	rddreg [dreg:$0x5];
	[sflag:s5] =	ssyncadd.s32 $0xFFFFEC14  }
0xa2: {  	[tilespmem:s3], [sflag:$0x2] =	stream.linear.gather [hbm4b:s14+s3], $0xA00, $0x38;
	[tilespmem:$0x1E960] =	vst v63  }
0xa3: {  	_ =	swait.ge [sflag:s5], $0xA00  }
0xa4: {  	s15 =	rddreg [dreg:$0x9]  }
0xa5: {  	s9 =	rddreg [dreg:$0x6];
	[sflag:s5] =	ssyncset.done $0x0  }
0xa6: {  	s10 =	rddreg [dreg:$0x8];
	[sflag:s5] =	ssyncadd.s32 $0xFFFFF600  }
0xa7: {  	[tilespmem:s7], [sflag:$0x2] =	stream.strided.gather [hbm4b:s9+s10], $0x14000, s15, s10, $0x38;
	[tilespmem:$0x1E960] =	vst v63  }
0xa8: {  	_ =	swait.ge [sflag:s5], $0x14000  }
0xa9: {  	[sflag:s5] =	ssyncset.done $0x0  }
0xaa: {  	[sflag:s5] =	ssyncadd.s32 $0xFFFEC000  }
0xab: {  	[bflag:$0x0] =	sbarrier.arrive $0xFFFF  }
0xac: {  	s0 =	rddreg [dreg:$0xd]  }
0xad: {  	s9 =	rddreg [dreg:$0x18]  }
0xae: {  	s10 =	rddreg [dreg:$0x10]  }
0xaf: {  	s11 =	rddreg [dreg:$0x16]  }
0xb0: {  	s12 =	rddreg [dreg:$0x14]  }
0xb1: {  	s13 =	rddreg [dreg:$0xc]  }
0xb2: {  	s14 =	rddreg [dreg:$0xf]  }
0xb3: {  	[spmem:s2] =	stream.indirect.scatter.add.f32 [tilespmem:s7], [sflag:$0x1], $0x20, s3, s8, $0xb8;
	[tilespmem:$0x1E960] =	vst v63  }
0xb4: {  	s15 =	rddreg [dreg:$0xa]  }
0xb5: {  	s16 =	rddreg [dreg:$0xb]  }
0xb6: {  	[spmem:s2] =	stream.indirect.scatter.add.f32 [tilespmem:s15], [sflag:$0x1], $0x20, s8, s8, $0xb8;
	[tilespmem:$0x1E960] =	vst v63  }
0xb7: {  	s17 =	rddreg [dreg:$0xe]  }
0xb8: {  	[spmem:s2] =	stream.indirect.scatter.add.f32 [tilespmem:s13], [sflag:$0x1], $0x20, s16, s8, $0xb8;
	[tilespmem:$0x1E960] =	vst v63  }
0xb9: {  	s15 =	rddreg [dreg:$0x12]  }
0xba: {  	[spmem:s2] =	stream.indirect.scatter.add.f32 [tilespmem:s17], [sflag:$0x1], $0x20, s0, s8, $0xb8;
	[tilespmem:$0x1E960] =	vst v63  }
0xbb: {  	s13 =	rddreg [dreg:$0x11]  }
0xbc: {  	[spmem:s2] =	stream.indirect.scatter.add.f32 [tilespmem:s10], [sflag:$0x1], $0x20, s14, s8, $0xb8;
	[tilespmem:$0x1E960] =	vst v63  }
0xbd: {  	s16 =	rddreg [dreg:$0x15]  }
0xbe: {  	[spmem:s2] =	stream.indirect.scatter.add.f32 [tilespmem:s15], [sflag:$0x1], $0x20, s13, s8, $0xb8;
	[tilespmem:$0x1E960] =	vst v63  }
0xbf: {  	s0 =	rddreg [dreg:$0x13]  }
0xc0: {  	[spmem:s2] =	stream.indirect.scatter.add.f32 [tilespmem:s12], [sflag:$0x1], $0x20, s0, s8, $0xb8;
	[tilespmem:$0x1E960] =	vst v63  }
0xc1: {  	s17 =	rddreg [dreg:$0x17]  }
0xc2: {  	[spmem:s2] =	stream.indirect.scatter.add.f32 [tilespmem:s11], [sflag:$0x1], $0x20, s16, s8, $0xb8;
	[tilespmem:$0x1E960] =	vst v63  }
0xc3: {  	s14 =	rddreg [dreg:$0x1a]  }
0xc4: {  	[spmem:s2] =	stream.indirect.scatter.add.f32 [tilespmem:s9], [sflag:$0x1], $0x20, s17, s8, $0xb8;
	[tilespmem:$0x1E960] =	vst v63  }
0xc5: {  	s15 =	rddreg [dreg:$0x19]  }
0xc6: {  	[spmem:s2] =	stream.indirect.scatter.add.f32 [tilespmem:s14], [sflag:$0x1], $0x20, s15, s8, $0xb8;
	[tilespmem:$0x1E960] =	vst v63  }
0xc7: {  	s16 =	rddreg [dreg:$0x1b];
	s17 =	simm.s32 $0xAA00  }
0xc8: {  	[spmem:s2] =	stream.indirect.scatter.add.f32 [tilespmem:s17], [sflag:$0x1], $0x20, s16, s8, $0xb8;
	[tilespmem:$0x1E960] =	vst v63  }
0xc9: {  	s10 =	simm.s32 $0x580;
	s11 =	simm.s32 $0xBA00  }
0xca: {  	[spmem:s2] =	stream.indirect.scatter.add.f32 [tilespmem:s11], [sflag:$0x1], $0x20, s10, s8, $0xb8;
	[tilespmem:$0x1E960] =	vst v63  }
0xcb: {  	s13 =	simm.s32 $0xCA00;
	s12 =	simm.s32 $0x600  }
0xcc: {  	[spmem:s2] =	stream.indirect.scatter.add.f32 [tilespmem:s13], [sflag:$0x1], $0x20, s12, s8, $0xb8;
	[tilespmem:$0x1E960] =	vst v63  }
0xcd: {  	s14 =	simm.s32 $0x680;
	s15 =	simm.s32 $0xDA00  }
0xce: {  	[spmem:s2] =	stream.indirect.scatter.add.f32 [tilespmem:s15], [sflag:$0x1], $0x20, s14, s8, $0xb8;
	[tilespmem:$0x1E960] =	vst v63  }
0xcf: {  	s16 =	simm.s32 $0x700;
	s17 =	simm.s32 $0xEA00  }
0xd0: {  	[spmem:s2] =	stream.indirect.scatter.add.f32 [tilespmem:s17], [sflag:$0x1], $0x20, s16, s8, $0xb8;
	[tilespmem:$0x1E960] =	vst v63  }
0xd1: {  	_ = 	snop  }
0xd2: {  	[spmem:s2] =	stream.indirect.scatter.add.f32 [tilespmem:s19], [sflag:$0x1], $0x20, s18, s8, $0xb8;
	[tilespmem:$0x1E960] =	vst v63  }
0xd3: {  	_ = 	snop  }
0xd4: {  	[spmem:s2] =	stream.indirect.scatter.add.f32 [tilespmem:s21], [sflag:$0x1], $0x20, s20, s8, $0xb8;
	[tilespmem:$0x1E960] =	vst v63  }
0xd5: {  	_ = 	snop  }
0xd6: {  	[spmem:s2] =	stream.indirect.scatter.add.f32 [tilespmem:s24], [sflag:$0x1], $0x20, s22, s8, $0xb8;
	[tilespmem:$0x1E960] =	vst v63  }
0xd7: {  	_ = 	snop  }
0xd8: {  	[spmem:s2] =	stream.indirect.scatter.add.f32 [tilespmem:s26], [sflag:$0x1], $0x20, s25, s8, $0xb8;
	[tilespmem:$0x1E960] =	vst v63  }
0xd9: {  	_ = 	snop  }
0xda: {  	[spmem:s2] =	stream.indirect.scatter.add.f32 [tilespmem:s29], [sflag:$0x1], $0x20, s28, s8, $0xb8;
	[tilespmem:$0x1E960] =	vst v63  }
0xdb: {  	_ =	swait.ge [sflag:s23], $0x1000  }
0xdc: {  	[sflag:s23] =	ssyncset.done $0x0  }
0xdd: {  	[sflag:s23] =	ssyncadd.s32 $0xFFFFF000  }
0xde: {  	_ =	swait.ge [sflag:s23], $0x1000  }
0xdf: {  	[sflag:s23] =	ssyncset.done $0x0  }
0xe0: {  	[sflag:s23] =	ssyncadd.s32 $0xFFFFF000  }
0xe1: {  	_ =	swait.ge [sflag:s23], $0x1000  }
0xe2: {  	[sflag:s23] =	ssyncset.done $0x0  }
0xe3: {  	[sflag:s23] =	ssyncadd.s32 $0xFFFFF000  }
0xe4: {  	_ =	swait.ge [sflag:s23], $0x1000  }
0xe5: {  	[sflag:s23] =	ssyncset.done $0x0  }
0xe6: {  	[sflag:s23] =	ssyncadd.s32 $0xFFFFF000  }
0xe7: {  	_ =	swait.ge [sflag:s23], $0x1000  }
0xe8: {  	[sflag:s23] =	ssyncset.done $0x0  }
0xe9: {  	[sflag:s23] =	ssyncadd.s32 $0xFFFFF000  }
0xea: {  	_ =	swait.ge [sflag:s23], $0x1000  }
0xeb: {  	[sflag:s23] =	ssyncset.done $0x0  }
0xec: {  	[sflag:s23] =	ssyncadd.s32 $0xFFFFF000  }
0xed: {  	_ =	swait.ge [sflag:s23], $0x1000  }
0xee: {  	[sflag:s23] =	ssyncset.done $0x0  }
0xef: {  	[sflag:s23] =	ssyncadd.s32 $0xFFFFF000  }
0xf0: {  	_ =	swait.ge [sflag:s23], $0x1000  }
0xf1: {  	[sflag:s23] =	ssyncset.done $0x0  }
0xf2: {  	[sflag:s23] =	ssyncadd.s32 $0xFFFFF000  }
0xf3: {  	_ =	swait.ge [sflag:s23], $0x1000  }
0xf4: {  	[sflag:s23] =	ssyncset.done $0x0  }
0xf5: {  	[sflag:s23] =	ssyncadd.s32 $0xFFFFF000  }
0xf6: {  	_ =	swait.ge [sflag:s23], $0x1000  }
0xf7: {  	[sflag:s23] =	ssyncset.done $0x0  }
0xf8: {  	[sflag:s23] =	ssyncadd.s32 $0xFFFFF000  }
0xf9: {  	_ =	swait.ge [sflag:s23], $0x1000  }
0xfa: {  	[sflag:s23] =	ssyncset.done $0x0  }
0xfb: {  	[sflag:s23] =	ssyncadd.s32 $0xFFFFF000  }
0xfc: {  	_ =	swait.ge [sflag:s23], $0x1000  }
0xfd: {  	[sflag:s23] =	ssyncset.done $0x0  }
0xfe: {  	[sflag:s23] =	ssyncadd.s32 $0xFFFFF000  }
0xff: {  	_ =	swait.ge [sflag:s23], $0x1000  }
0x100: {  	[sflag:s23] =	ssyncset.done $0x0  }
0x101: {  	[sflag:s23] =	ssyncadd.s32 $0xFFFFF000  }
0x102: {  	_ =	swait.ge [sflag:s23], $0x1000  }
0x103: {  	[sflag:s23] =	ssyncset.done $0x0  }
0x104: {  	[sflag:s23] =	ssyncadd.s32 $0xFFFFF000  }
0x105: {  	_ =	swait.ge [sflag:s23], $0x1000  }
0x106: {  	[sflag:s23] =	ssyncset.done $0x0  }
0x107: {  	[sflag:s23] =	ssyncadd.s32 $0xFFFFF000  }
0x108: {  	_ =	swait.ge [sflag:s23], $0x1000  }
0x109: {  	[sflag:s23] =	ssyncset.done $0x0  }
0x10a: {  	[sflag:s23] =	ssyncadd.s32 $0xFFFFF000  }
0x10b: {  	_ =	swait.ge [sflag:s23], $0x1000  }
0x10c: {  	p0 =	sne.s32 s1, $0x1;
	[sflag:s23] =	ssyncset.done $0x0  }
.Ltmp1:
0x10d: {  	[sflag:s23] =	ssyncadd.s32 $0xFFFFF000;
	(pc) =	sbr.rel @p0 .LBB2_1-.Ltmp1, $4  }
0x10e: {  	_ =	swait.ge [sflag:s23], $0x1000  }
0x10f: {  	[sflag:s23] =	ssyncset.done $0x0  }
0x110: {  	[sflag:s23] =	ssyncadd.s32 $0xFFFFF000  }
0x111: {  	s1 =	sadd.s32 $0xFFFFFFFF, s1;
	_ =	swait.ge [sflag:s23], $0x1000  }
.LBB2_2:
0x112: {  	[sflag:s23] =	ssyncset.done $0x0  }
0x113: {  	[sflag:s23] =	ssyncadd.s32 $0xFFFFF000  }
0x114: {  	_ =	swait.ge [sflag:s23], $0x1000  }
0x115: {  	[sflag:s23] =	ssyncset.done $0x0  }
0x116: {  	[sflag:s23] =	ssyncadd.s32 $0xFFFFF000  }
0x117: {  	[bflag:$0x0] =	sbarrier.arrive $0xFFFF  }
0x118: {  	s0 =	rddreg [dreg:$0x7]  }
0x119: {  	[hbm:s0@s30], [sflag:s4] =	dma.strided [spmem:s6@s31], $0x13EC, s23, $0x4   }
0x11a: {  	_ =	swait.ge [sflag:s5], $0x13EC  }
0x11b: {  	[sflag:s5] =	ssyncset.done $0x0  }
0x11c: {  	[sflag:s5] =	ssyncadd.s32 $0xFFFFEC14  }
0x11d: {  	_ =	sfence.sel $0x180000  }
0x11e: {  	[bflag:$0x0] =	sbarrier.arrive $0xFFFF  }
0x11f: {  	_ =	strace $0x90000053  }
0x120: {  	s31 =	stileid.u32;
	[bflag:$0x2] =	sbarrier.arrive $0xFFFF  }
0x121: {  	p0 =	sne.s32 s31, $0x0;
	s0 =	rddreg [dreg:$0x3]  }
0x122: {  	s0 =	sadd.s32 @!p0 $0x100000, s0  }
0x123: {  	[sflag:s0] =	ssyncadd.tile.s32 @!p0 $0x1;
	_ =	shalt  }
.Lfunc_end2:
_tile_overlayer_lowered:
.L_overlay_start_2:
0x124: {  	(tag) =	ssettag $0x2  }
0x125: {  	s0 =	rddreg [dreg:$0x0];
	s2 =	stileid.u32  }
0x126: {  	s1 =	rddreg [dreg:$0x1];
	p0 =	sne.s32 s2, $0x0  }
0x127: {  	s3 =	rddreg [dreg:$0x2];
	[bflag:$0x3] =	sbarrier.arrive $0xFFFF;
	s2 =	simm.s32 @!p0 $0x1C02  }
0x128: {  	[timem:s3], [sflag:s2] =	dma.local @!p0 [hbm:s0], s1  }
0x129: {  	s0 =	simm.s32 @!p0 $0x2  }
0x12a: {  	_ =	swait.ge @!p0 [sflag:s0], s1  }
0x12b: {  	s1 =	ssub.s32 @!p0 $0x0, s1;
	[sflag:s0] =	ssyncset.done @!p0 $0x0  }
0x12c: {  	[sflag:s0] =	ssyncadd.s32 @!p0 s1  }
0x12d: {  	[bflag:$0x3] =	sbarrier.arrive $0xFFFF  }
0x12e: {  	_ =	shalt  }

// kernel: kernel.3.cloned.1.call-start
scs
__scs_entry_jumppad:
0x0: {  	(pc) =	sbr.rel $0x88, $3  }
0x1: {  	(tag) =	ssettag $0x0;
	lr =	simm.s32 $0x1  }
0x2: {  	[smem:$0x3F94] =	sst lr;
	_ =	strace $0xD0000000  }
0x3: {  	_ = 	snop  }
0x4: {  	_ = 	snop  }
0x5: {  	_ = 	snop  }
0x6: {  	_ = 	snop  }
0x7: {  	_ = 	snop  }
__scs_overlays_trampoline_lowered:
0x8: {  	[smem:$0x3FA3] =	sst s0  }
0x9: {  	[smem:$0x3FA4] =	sst s1  }
0xa: {  	[smem:$0x3FA5] =	sst s2  }
0xb: {  	[smem:$0x3FA6] =	sst s3  }
0xc: {  	[smem:$0x3FA7] =	sst s4  }
0xd: {  	[smem:$0x3FA8] =	sst s5  }
0xe: {  	[smem:$0x3FA9] =	sst s6  }
0xf: {  	[smem:$0x3FAA] =	sst s7  }
0x10: {  	[smem:$0x3FAB] =	sst s8  }
0x11: {  	[smem:$0x3FAC] =	sst s9;
	s0 =	simm.s32 @!p0 $0x0  }
0x12: {  	s1 =	sld [smem:$0x3F92];
	s0 =	simm.s32 @p0 $0x1  }
0x13: {  	[smem:$0x3FAD] =	sst s0;
	s0 =	simm.s32 @!p1 $0x0  }
0x14: {  	s2 =	sld [smem:$0x3F91];
	s0 =	simm.s32 @p1 $0x1  }
0x15: {  	[smem:$0x3FAE] =	sst s0;
	s0 =	simm.s32 @!p2 $0x0  }
0x16: {  	s3 =	sld [smem:$0x3FDB];
	s0 =	simm.s32 @p2 $0x1  }
0x17: {  	s4 =	simm.s32 $0x1BF5;
	[smem:$0x3FB0] =	sst s0  }
0x18: {  	s0 =	sld [smem:$0x3F93];
	_ =	swait.ge [sflag:s4], $0x0  }
0x19: {  	s7 =	sld [smem:$0x3F94]  }
0x1a: {  	s8 =	sadd.s32 $0xFFFFE003, lr  }
0x1b: {  	s9 =	sadd.s32 $0xFFFFFEF7, lr;
	s5 =	simm.s32 $0xFFFFFFFF;
	p2 =	slt.u32 s8, $0xFFFFF086  }
0x1c: {  	p1 =	slt.u32 s9, $0xF7A;
	s5 =	simm.s32 @!p2 $0x0  }
0x1d: {  	s5 =	simm.s32 @p1 $0x1;
	p0 =	seq.s32 s7, s2  }
0x1e: {  	s7 =	smul.u32 @!p0 $0xF7A, s2;
	p2 =	seq.s32 @!p0 s5, $0x0  }
0x1f: {  	s9 =	smul.u32 $0xF7A, s1;
	s8 =	simm.s32 @!p0 $0x1BF5;
	p2 =	por !p2, p0  }
0x20: {  	[sflag:s8] =	ssyncset.s32 @!p0 $0xFFFFF086;
	s6 =	sadd.s32 @!p0 s3, s7;
	s7 =	simm.s32 @!p0 $0x108  }
0x21: {  	s3 =	sadd.s32 s3, s9;
	s6 =	sadd.s32 @!p0 $0x88, s6;
	s7 =	simm.s32 @p2 $0x1082  }
0x22: {  	[simem:s7], [sflag:s8] =	dma.local @!p0 [hbm:s6], $0xF7A  }
0x23: {  	s9 =	sor.u32 $0xD0000000, s2;
	s6 =	simm.s32 $0x108;
	_ =	swait.ge @!p0 [sflag:s8], $0x0  }
0x24: {  	s3 =	sadd.s32 $0x88, s3;
	s6 =	simm.s32 @!p1 $0x1082;
	[sflag:s4] =	ssyncset.s32 $0xFFFFF086  }
0x25: {  	[simem:s6], [sflag:s4] =	dma.local [hbm:s3], $0xF7A  }
0x26: {  	[smem:$0x3F94] =	sst s1;
	(tag) =	ssettag s2;
	_ =	strace s9  }
0x27: {  	s1 =	sld [smem:$0x3FA4]  }
0x28: {  	s2 =	sld [smem:$0x3FA5]  }
0x29: {  	s4 =	sld [smem:$0x3FA7]  }
0x2a: {  	p0 =	seq.s32 s5, $0x0;
	s5 =	sld [smem:$0x3FA8]  }
0x2b: {  	s6 =	sld [smem:$0x3FA9]  }
0x2c: {  	s7 =	sld [smem:$0x3FAA]  }
0x2d: {  	s3 =	simm.s32 $0x108;
	s8 =	sld [smem:$0x3FAB]  }
0x2e: {  	s3 =	simm.s32 @!p0 $0x1082;
	s9 =	sld [smem:$0x3FAC]  }
0x2f: {  	lr =	sadd.s32 s0, s3;
	s0 =	sld [smem:$0x3FA3]  }
0x30: {  	s3 =	sld [smem:$0x3FA6]  }
0x31: {  	[smem:$0x3FAF] =	sst s10  }
0x32: {  	s10 =	sld [smem:$0x3FAD];
	_ =	sdelay $0x3  }
0x33: {  	p0 =	seq.s32 s10, $0x1;
	s10 =	sld [smem:$0x3FAF];
	_ =	sdelay $0x3  }
0x34: {  	[smem:$0x3FAF] =	sst s10  }
0x35: {  	s10 =	sld [smem:$0x3FAE];
	_ =	sdelay $0x3  }
0x36: {  	p1 =	seq.s32 s10, $0x1;
	s10 =	sld [smem:$0x3FAF];
	_ =	sdelay $0x3  }
0x37: {  	[smem:$0x3FAF] =	sst s10  }
0x38: {  	s10 =	sld [smem:$0x3FB0]  }
0x39: {  	_ = 	snop;
	(pc) =	sbr.ind lr, $3  }
0x3a: {  	_ = 	snop  }
0x3b: {  	_ = 	snop  }
0x3c: {  	p2 =	seq.s32 s10, $0x1;
	s10 =	sld [smem:$0x3FAF]  }
0x3d: {  	_ =	shalt  }
0x3e: {  	_ =	shalt  }
0x3f: {  	_ =	shalt  }
0x40: {  	_ =	shalt  }
0x41: {  	_ =	shalt  }
0x42: {  	_ =	shalt  }
0x43: {  	_ =	shalt  }
0x44: {  	_ =	shalt  }
0x45: {  	_ =	shalt  }
0x46: {  	_ =	shalt  }
0x47: {  	_ =	shalt  }
0x48: {  	_ =	shalt  }
0x49: {  	_ =	shalt  }
0x4a: {  	_ =	shalt  }
0x4b: {  	_ =	shalt  }
0x4c: {  	_ =	shalt  }
0x4d: {  	_ =	shalt  }
0x4e: {  	_ =	shalt  }
0x4f: {  	_ =	shalt  }
0x50: {  	_ =	shalt  }
0x51: {  	_ =	shalt  }
0x52: {  	_ =	shalt  }
0x53: {  	_ =	shalt  }
0x54: {  	_ =	shalt  }
0x55: {  	_ =	shalt  }
0x56: {  	_ =	shalt  }
0x57: {  	_ =	shalt  }
0x58: {  	_ =	shalt  }
0x59: {  	_ =	shalt  }
0x5a: {  	_ =	shalt  }
0x5b: {  	_ =	shalt  }
0x5c: {  	_ =	shalt  }
0x5d: {  	_ =	shalt  }
0x5e: {  	_ =	shalt  }
0x5f: {  	_ =	shalt  }
0x60: {  	_ =	shalt  }
0x61: {  	_ =	shalt  }
0x62: {  	_ =	shalt  }
0x63: {  	_ =	shalt  }
0x64: {  	_ =	shalt  }
0x65: {  	_ =	shalt  }
0x66: {  	_ =	shalt  }
0x67: {  	_ =	shalt  }
0x68: {  	_ =	shalt  }
0x69: {  	_ =	shalt  }
0x6a: {  	_ =	shalt  }
0x6b: {  	_ =	shalt  }
0x6c: {  	_ =	shalt  }
0x6d: {  	_ =	shalt  }
0x6e: {  	_ =	shalt  }
0x6f: {  	_ =	shalt  }
0x70: {  	_ =	shalt  }
0x71: {  	_ =	shalt  }
0x72: {  	_ =	shalt  }
0x73: {  	_ =	shalt  }
0x74: {  	_ =	shalt  }
0x75: {  	_ =	shalt  }
0x76: {  	_ =	shalt  }
0x77: {  	_ =	shalt  }
0x78: {  	_ =	shalt  }
0x79: {  	_ =	shalt  }
0x7a: {  	_ =	shalt  }
0x7b: {  	_ =	shalt  }
0x7c: {  	_ =	shalt  }
0x7d: {  	_ =	shalt  }
0x7e: {  	_ =	shalt  }
0x7f: {  	_ =	shalt  }
0x80: {  	_ =	shalt  }
0x81: {  	_ =	shalt  }
0x82: {  	_ =	shalt  }
0x83: {  	_ =	shalt  }
0x84: {  	_ =	shalt  }
0x85: {  	_ =	shalt  }
0x86: {  	_ =	shalt  }
0x87: {  	_ =	shalt  }
.Lfunc_end0:
.L_simem_size_0:
called_computation.4_lowered:
.L_overlay_start_0:
0x88: {  	s2 =	sld [smem:$0x3FD9]  }
0x89: {  	s3 =	sld [smem:$0x3FFE];
	_ =	sdelay $0x1  }
0x8a: {  	s1 =	srdreg.scid  }
0x8b: {  	s0 =	sand.u32 $0x1, s1  }
0x8c: {  	s17 =	sshll.u32 s0, $0xA;
	s2 =	sadd.s32 s3, s2  }
0x8d: {  	s2 =	sadd.s32 s2, s17  }
0x8e: {  	[smem:$0x3FBB] =	sst s2  }
0x8f: {  	_ = 	snop  }
0x90: {  	s2 =	sld [smem:$0x3FD0];
	(tm) =	ssettm $0x1  }
0x91: {  	s18 =	sld [smem:$0x3FFB];
	_ =	sdelay $0x3  }
0x92: {  	_ =	strace s18  }
0x93: {  	s3 =	sld [smem:$0x3FFC];
	_ =	sdelay $0x3  }
0x94: {  	_ =	strace s3  }
0x95: {  	s3 =	sld [smem:$0x3FFD];
	_ =	sdelay $0x3  }
0x96: {  	_ =	strace s3  }
0x97: {  	_ =	strace $0x8FFFFFFF  }
0x98: {  	s19 =	sld [smem:$0x3FDB];
	_ =	sdelay $0x1  }
0x99: {  	s4 =	simm.s32 $_scs_section_size  }
0x9a: {  	s5 =	simm.s32 $_size__tile_overlayer_lowered;
	s6 =	simm.s32 $_tile_overlayer_lowered  }
0x9b: {  	s22 =	simm.s32 $0x1BFF;
	s21 =	sshll.u32 s6, $0x1;
	s3 =	sadd.s32 s4, s19  }
0x9c: {  	s7 =	simm.s32 $0x0;
	s20 =	sshll.u32 s5, $0x1;
	s5 =	sadd.s32 s21, s3  }
0x9d: {  	[timem:s7], [sflag:s22] =	dma.local [hbm:s5], s20  }
0x9e: {  	_ =	swait.ge [sflag:s22], s20  }
0x9f: {  	s4 =	ssub.s32 $0x0, s20;
	[sflag:s22] =	ssyncset.done $0x0  }
0xa0: {  	[sflag:s22] =	ssyncadd.s32 s4;
	_ =	sdelay $0x1  }
0xa1: {  	s23 =	simm.s32 $0x1B8B  }
0xa2: {  	_ =	swait.ge [sflag:s23], $0x1  }
0xa3: {  	[sflag:s23] =	ssyncset.done $0x0  }
0xa4: {  	s25 =	simm.s32 $0x1B8E;
	s24 =	sld [smem:$0x3FFE];
	[sflag:s23] =	ssyncadd.s32 $0xFFFFFFFF  }
0xa5: {  	s26 =	simm.s32 $execute0_lowered;
	[smem:$0x3FD2] =	sst s25  }
0xa6: {  	s5 =	sshll.u32 s26, $0x1;
	_ =	strace $0x80000046;
	[dreg:$0x1] =	wrdreg $0xFFFFFFFF  }
0xa7: {  	s28 =	simm.s32 $_size_execute0_lowered;
	s3 =	sadd.s32 s3, s5;
	[dreg:$0x0] =	wrdreg $0x0  }
0xa8: {  	s5 =	sshll.u32 s28, $0x1;
	[dreg:$0x2] =	wrdreg s3  }
0xa9: {  	[dreg:$0x3] =	wrdreg s5  }
0xaa: {  	[dreg:$0x4] =	wrdreg $0xC0  }
0xab: {  	_ =	task [dreg:s7], $0x5FFFF  }
0xac: {  	[dreg:$0x1] =	wrdreg $0xFFFFFFFF  }
0xad: {  	[dreg:$0x0] =	wrdreg $0x60  }
0xae: {  	[dreg:$0x2] =	wrdreg s24  }
0xaf: {  	[dreg:$0x3] =	wrdreg s2  }
0xb0: {  	[dreg:$0x4] =	wrdreg $0x9000  }
0xb1: {  	[dreg:$0x5] =	wrdreg $0x9  }
0xb2: {  	_ =	task.clear_ibuf [dreg:s7], $0x6FFFF;
	_ =	strace $0x90000046  }
0xb3: {  	s29 =	simm.s32 $0x9;
	_ =	strace $0x80000048  }
0xb4: {  	_ =	swait.ge [sflag:s29], $0x1  }
0xb5: {  	[sflag:s29] =	ssyncadd.s32 $0xFFFFFFFF  }
0xb6: {  	_ =	strace $0x90000048  }
0xb7: {  	_ =	sfence  }
0xb8: {  	s30 =	sld [smem:$0x0];
	_ =	sdelay $0x2  }
0xb9: {  	s31 =	sshll.u32 s1, $0xD;
	s1 =	sshrl.u32 s1, $0x2  }
0xba: {  	s3 =	sand.u32 $0x4000, s31;
	s1 =	sadd.s32 s1, s30  }
0xbb: {  	s0 =	sor.u32 s3, s0;
	s1 =	sshll.u32 s1, $0x11  }
0xbc: {  	s0 =	sor.u32 s1, s0  }
0xbd: {  	s0 =	sadd.s32 $0x8F2B, s0  }
0xbe: {  	[sflag:s0] =	ssyncadd.remote.s32 $0x1  }
0xbf: {  	_ =	sfence.sel $0xFFFF  }
0xc0: {  	[dreg:$0x0] =	wrdreg $0xFFFFFFFF;
	(pc) =	sbr.abs _section_cstart, $3  }
0xc1: {  	[dreg:$0x1] =	wrdreg $0xFFFFFFFF  }
0xc2: {  	_ =	task.clear_ibuf [dreg:s7], $0x2FFFF;
	_ =	strace $0x9FFFFFFF  }
0xc3: {  	(tm) =	ssettm $0x7FFFFFFF  }
tec
execute0_lowered:
.L_overlay_start_1:
0x0: {  	(tag) =	ssettag $0x1  }
0x1: {  	s22 =	rddreg [dreg:$0x0]  }
0x2: {  	s4 =	rddreg [dreg:$0x1]  }
0x3: {  	s2 =	rddreg [dreg:$0x2];
	s1 =	stileid.u32  }
0x4: {  	s0 =	rddreg [dreg:$0x3];
	s3 =	simm.s32 $0x0;
	s5 =	smul.u32 $0x9F60, s1  }
0x5: {  	s6 =	srdreg.scid;
	s9 =	simm.s32 $0x4;
	s10 =	smul.u32 $0x140, s1  }
0x6: {  	s8 =	simm.s32 $0x2;
	[smem:$0x7FF] =	sst s3;
	s7 =	smul.u32 $0x13EC, s1  }
0x7: {  	s23 =	sand.u32 $0x1, s6;
	s29 =	sshll.u32 s1, $0x6;
	s5 =	sshrl.u32 s5, $0x2  }
0x8: {  	_ =	strace $0x80000047;
	s4 =	sadd.s32 s4, s7;
	s28 =	sadd.s32 s5, s2  }
0x9: {  	s7 =	simm.s32 $0x1;
	s5 =	sor.u32 $0x1C02, s29;
	s6 =	sshrl.u32 s28, $0x3  }
0xa: {  	[spmem:s6@s7], [sflag:s5] =	dma.strided [hbm:s4@s9], $0x4FB, s7, $0x1   }
0xb: {  	s11 =	smul.u32 $0xA0, s23;
	s10 =	sadd.s32 s10, s22;
	_ =	swait.ge [sflag:s8], $0x4FB  }
0xc: {  	s10 =	sadd.s32 $0x5200, s10;
	[sflag:s8] =	ssyncset.done $0x0  }
0xd: {  	s10 =	sadd.s32 s11, s10;
	[sflag:s8] =	ssyncadd.s32 $0xFFFFFB05  }
0xe: {  	[tilespmem:s3], [sflag:$0x2] =	stream.linear.gather [hbm4b:s10+s3], $0x500, $0x38;
	[tilespmem:$0x30D8] =	vst v63  }
0xf: {  	_ =	swait.ge [sflag:s8], $0x500  }
0x10: {  	[sflag:s8] =	ssyncset.done $0x0  }
0x11: {  	s12 =	simm.s32 $0x500;
	s11 =	sadd.s32 $0x6600, s22;
	[sflag:s8] =	ssyncadd.s32 $0xFFFFFB00  }
0x12: {  	[tilespmem:s12], [sflag:$0x2] =	stream.linear.gather [hbm4b:s11+s3], $0x400, $0x38;
	[tilespmem:$0x30D8] =	vst v63  }
0x13: {  	_ =	swait.ge [sflag:s8], $0x400  }
0x14: {  	[sflag:s8] =	ssyncset.done $0x0  }
0x15: {  	[sflag:s8] =	ssyncadd.s32 $0xFFFFFC00  }
0x16: {  	s13 =	simm.s32 $0x80;
	[bflag:$0x0] =	sbarrier.arrive $0xFFFF  }
0x17: {  	[spmem:s2] =	stream.indirect.scatter.add.f32 [tilespmem:s12], [sflag:$0x1], $0x8, s3, s13, $0xb8;
	[tilespmem:$0x30D8] =	vst v63  }
0x18: {  	_ = 	snop  }
0x19: {  	[spmem:s2] =	stream.indirect.scatter.add.f32 [tilespmem:s12], [sflag:$0x1], $0x8, s13, s13, $0xb8;
	[tilespmem:$0x30D8] =	vst v63  }
0x1a: {  	s14 =	simm.s32 $0x100  }
0x1b: {  	[spmem:s2] =	stream.indirect.scatter.add.f32 [tilespmem:s12], [sflag:$0x1], $0x8, s14, s13, $0xb8;
	[tilespmem:$0x30D8] =	vst v63  }
0x1c: {  	s15 =	simm.s32 $0x180  }
0x1d: {  	[spmem:s2] =	stream.indirect.scatter.add.f32 [tilespmem:s12], [sflag:$0x1], $0x8, s15, s13, $0xb8;
	[tilespmem:$0x30D8] =	vst v63  }
0x1e: {  	s16 =	simm.s32 $0x200  }
0x1f: {  	[spmem:s2] =	stream.indirect.scatter.add.f32 [tilespmem:s12], [sflag:$0x1], $0x8, s16, s13, $0xb8;
	[tilespmem:$0x30D8] =	vst v63  }
0x20: {  	s17 =	simm.s32 $0x280  }
0x21: {  	[spmem:s2] =	stream.indirect.scatter.add.f32 [tilespmem:s12], [sflag:$0x1], $0x8, s17, s13, $0xb8;
	[tilespmem:$0x30D8] =	vst v63  }
0x22: {  	s18 =	simm.s32 $0x300  }
0x23: {  	[spmem:s2] =	stream.indirect.scatter.add.f32 [tilespmem:s12], [sflag:$0x1], $0x8, s18, s13, $0xb8;
	[tilespmem:$0x30D8] =	vst v63  }
0x24: {  	s19 =	simm.s32 $0x380  }
0x25: {  	[spmem:s2] =	stream.indirect.scatter.add.f32 [tilespmem:s12], [sflag:$0x1], $0x8, s19, s13, $0xb8;
	[tilespmem:$0x30D8] =	vst v63  }
0x26: {  	s20 =	simm.s32 $0x400  }
0x27: {  	[spmem:s2] =	stream.indirect.scatter.add.f32 [tilespmem:s12], [sflag:$0x1], $0x8, s20, s13, $0xb8;
	[tilespmem:$0x30D8] =	vst v63  }
0x28: {  	s21 =	simm.s32 $0x480  }
0x29: {  	[spmem:s2] =	stream.indirect.scatter.add.f32 [tilespmem:s12], [sflag:$0x1], $0x8, s21, s13, $0xb8;
	[tilespmem:$0x30D8] =	vst v63  }
0x2a: {  	_ =	swait.ge [sflag:s7], $0x400  }
0x2b: {  	[sflag:s7] =	ssyncset.done $0x0  }
0x2c: {  	[sflag:s7] =	ssyncadd.s32 $0xFFFFFC00  }
0x2d: {  	_ =	swait.ge [sflag:s7], $0x400  }
0x2e: {  	[sflag:s7] =	ssyncset.done $0x0  }
0x2f: {  	[sflag:s7] =	ssyncadd.s32 $0xFFFFFC00  }
0x30: {  	_ =	swait.ge [sflag:s7], $0x400  }
0x31: {  	[sflag:s7] =	ssyncset.done $0x0  }
0x32: {  	[sflag:s7] =	ssyncadd.s32 $0xFFFFFC00  }
0x33: {  	_ =	swait.ge [sflag:s7], $0x400  }
0x34: {  	[sflag:s7] =	ssyncset.done $0x0  }
0x35: {  	[sflag:s7] =	ssyncadd.s32 $0xFFFFFC00  }
0x36: {  	_ =	swait.ge [sflag:s7], $0x400  }
0x37: {  	[sflag:s7] =	ssyncset.done $0x0  }
0x38: {  	[sflag:s7] =	ssyncadd.s32 $0xFFFFFC00  }
0x39: {  	_ =	swait.ge [sflag:s7], $0x400  }
0x3a: {  	[sflag:s7] =	ssyncset.done $0x0  }
0x3b: {  	[sflag:s7] =	ssyncadd.s32 $0xFFFFFC00  }
0x3c: {  	_ =	swait.ge [sflag:s7], $0x400  }
0x3d: {  	[sflag:s7] =	ssyncset.done $0x0  }
0x3e: {  	[sflag:s7] =	ssyncadd.s32 $0xFFFFFC00  }
0x3f: {  	_ =	swait.ge [sflag:s7], $0x400  }
0x40: {  	[sflag:s7] =	ssyncset.done $0x0  }
0x41: {  	[sflag:s7] =	ssyncadd.s32 $0xFFFFFC00  }
0x42: {  	s24 =	smul.u32 $0x4FB, s1;
	s25 =	ssub.s32 $0x2, s23;
	_ =	swait.ge [sflag:s7], $0x400  }
0x43: {  	s30 =	sshrl.u32 s25, $0x1;
	[sflag:s7] =	ssyncset.done $0x0  }
0x44: {  	s22 =	sadd.s32 s24, s22;
	s24 =	ssub.s32 s25, s30;
	[sflag:s7] =	ssyncadd.s32 $0xFFFFFC00  }
0x45: {  	s23 =	smul.u32 $0x4FB0, s23;
	s31 =	smax.u32 s24, $0x1;
	_ =	swait.ge [sflag:s7], $0x400  }
0x46: {  	p0 =	sne.s32 s31, $0x1;
	[sflag:s7] =	ssyncset.done $0x0  }
.Ltmp0:
0x47: {  	s22 =	sadd.s32 s23, s22;
	[sflag:s7] =	ssyncadd.s32 $0xFFFFFC00;
	(pc) =	sbr.rel @!p0 .LBB2_2-.Ltmp0, $4  }
0x48: {  	s22 =	sadd.s32 $0x6800, s22;
	[bflag:$0x0] =	sbarrier.arrive $0xFFFF  }
0x49: {  	[hbm:s22], [sflag:s5] =	dma.local [spmem:s6], $0x4FB  }
0x4a: {  	_ =	swait.ge [sflag:s8], $0x4FB  }
0x4b: {  	s23 =	sadd.s32 $0xFFFFFFFF, s31;
	[sflag:s8] =	ssyncset.done $0x0  }
.LBB2_1:
0x4c: {  	p0 =	sne.s32 s23, $0x1;
	s23 =	sadd.s32 $0xFFFFFFFF, s23;
	[sflag:s8] =	ssyncadd.s32 $0xFFFFFB05  }
0x4d: {  	[spmem:s6@s7], [sflag:s5] =	dma.strided [hbm:s4@s9], $0x4FB, s7, $0x1   }
0x4e: {  	_ =	swait.ge [sflag:s8], $0x4FB  }
0x4f: {  	[sflag:s8] =	ssyncset.done $0x0  }
0x50: {  	[sflag:s8] =	ssyncadd.s32 $0xFFFFFB05  }
0x51: {  	[tilespmem:s3], [sflag:$0x2] =	stream.linear.gather [hbm4b:s10+s3], $0x500, $0x38;
	[tilespmem:$0x30D8] =	vst v63  }
0x52: {  	_ =	swait.ge [sflag:s8], $0x500  }
0x53: {  	[sflag:s8] =	ssyncset.done $0x0  }
0x54: {  	[sflag:s8] =	ssyncadd.s32 $0xFFFFFB00  }
0x55: {  	[tilespmem:s12], [sflag:$0x2] =	stream.linear.gather [hbm4b:s11+s3], $0x400, $0x38;
	[tilespmem:$0x30D8] =	vst v63  }
0x56: {  	_ =	swait.ge [sflag:s8], $0x400  }
0x57: {  	[sflag:s8] =	ssyncset.done $0x0  }
0x58: {  	[sflag:s8] =	ssyncadd.s32 $0xFFFFFC00  }
0x59: {  	[bflag:$0x0] =	sbarrier.arrive $0xFFFF  }
0x5a: {  	[spmem:s2] =	stream.indirect.scatter.add.f32 [tilespmem:s12], [sflag:$0x1], $0x8, s3, s13, $0xb8;
	[tilespmem:$0x30D8] =	vst v63  }
0x5b: {  	_ = 	snop  }
0x5c: {  	[spmem:s2] =	stream.indirect.scatter.add.f32 [tilespmem:s12], [sflag:$0x1], $0x8, s13, s13, $0xb8;
	[tilespmem:$0x30D8] =	vst v63  }
0x5d: {  	_ = 	snop  }
0x5e: {  	[spmem:s2] =	stream.indirect.scatter.add.f32 [tilespmem:s12], [sflag:$0x1], $0x8, s14, s13, $0xb8;
	[tilespmem:$0x30D8] =	vst v63  }
0x5f: {  	_ = 	snop  }
0x60: {  	[spmem:s2] =	stream.indirect.scatter.add.f32 [tilespmem:s12], [sflag:$0x1], $0x8, s15, s13, $0xb8;
	[tilespmem:$0x30D8] =	vst v63  }
0x61: {  	_ = 	snop  }
0x62: {  	[spmem:s2] =	stream.indirect.scatter.add.f32 [tilespmem:s12], [sflag:$0x1], $0x8, s16, s13, $0xb8;
	[tilespmem:$0x30D8] =	vst v63  }
0x63: {  	_ = 	snop  }
0x64: {  	[spmem:s2] =	stream.indirect.scatter.add.f32 [tilespmem:s12], [sflag:$0x1], $0x8, s17, s13, $0xb8;
	[tilespmem:$0x30D8] =	vst v63  }
0x65: {  	_ = 	snop  }
0x66: {  	[spmem:s2] =	stream.indirect.scatter.add.f32 [tilespmem:s12], [sflag:$0x1], $0x8, s18, s13, $0xb8;
	[tilespmem:$0x30D8] =	vst v63  }
0x67: {  	_ = 	snop  }
0x68: {  	[spmem:s2] =	stream.indirect.scatter.add.f32 [tilespmem:s12], [sflag:$0x1], $0x8, s19, s13, $0xb8;
	[tilespmem:$0x30D8] =	vst v63  }
0x69: {  	_ = 	snop  }
0x6a: {  	[spmem:s2] =	stream.indirect.scatter.add.f32 [tilespmem:s12], [sflag:$0x1], $0x8, s20, s13, $0xb8;
	[tilespmem:$0x30D8] =	vst v63  }
0x6b: {  	_ = 	snop  }
0x6c: {  	[spmem:s2] =	stream.indirect.scatter.add.f32 [tilespmem:s12], [sflag:$0x1], $0x8, s21, s13, $0xb8;
	[tilespmem:$0x30D8] =	vst v63  }
0x6d: {  	_ =	swait.ge [sflag:s7], $0x400  }
0x6e: {  	[sflag:s7] =	ssyncset.done $0x0  }
0x6f: {  	[sflag:s7] =	ssyncadd.s32 $0xFFFFFC00  }
0x70: {  	_ =	swait.ge [sflag:s7], $0x400  }
0x71: {  	[sflag:s7] =	ssyncset.done $0x0  }
0x72: {  	[sflag:s7] =	ssyncadd.s32 $0xFFFFFC00  }
0x73: {  	_ =	swait.ge [sflag:s7], $0x400  }
0x74: {  	[sflag:s7] =	ssyncset.done $0x0  }
0x75: {  	[sflag:s7] =	ssyncadd.s32 $0xFFFFFC00  }
0x76: {  	_ =	swait.ge [sflag:s7], $0x400  }
0x77: {  	[sflag:s7] =	ssyncset.done $0x0  }
0x78: {  	[sflag:s7] =	ssyncadd.s32 $0xFFFFFC00  }
0x79: {  	_ =	swait.ge [sflag:s7], $0x400  }
0x7a: {  	[sflag:s7] =	ssyncset.done $0x0  }
0x7b: {  	[sflag:s7] =	ssyncadd.s32 $0xFFFFFC00  }
0x7c: {  	_ =	swait.ge [sflag:s7], $0x400  }
0x7d: {  	[sflag:s7] =	ssyncset.done $0x0  }
0x7e: {  	[sflag:s7] =	ssyncadd.s32 $0xFFFFFC00  }
0x7f: {  	_ =	swait.ge [sflag:s7], $0x400  }
0x80: {  	[sflag:s7] =	ssyncset.done $0x0  }
0x81: {  	[sflag:s7] =	ssyncadd.s32 $0xFFFFFC00  }
0x82: {  	_ =	swait.ge [sflag:s7], $0x400  }
0x83: {  	[sflag:s7] =	ssyncset.done $0x0  }
0x84: {  	[sflag:s7] =	ssyncadd.s32 $0xFFFFFC00  }
0x85: {  	_ =	swait.ge [sflag:s7], $0x400  }
0x86: {  	[sflag:s7] =	ssyncset.done $0x0  }
0x87: {  	[sflag:s7] =	ssyncadd.s32 $0xFFFFFC00  }
0x88: {  	_ =	swait.ge [sflag:s7], $0x400  }
0x89: {  	[sflag:s7] =	ssyncset.done $0x0  }
.Ltmp1:
0x8a: {  	[sflag:s7] =	ssyncadd.s32 $0xFFFFFC00;
	(pc) =	sbr.rel @p0 .LBB2_1-.Ltmp1, $4  }
0x8b: {  	[bflag:$0x0] =	sbarrier.arrive $0xFFFF  }
0x8c: {  	[hbm:s22], [sflag:s5] =	dma.local [spmem:s6], $0x4FB  }
0x8d: {  	_ =	swait.ge [sflag:s8], $0x4FB  }
0x8e: {  	[sflag:s8] =	ssyncset.done $0x0  }
.LBB2_2:
0x8f: {  	[sflag:s8] =	ssyncadd.s32 $0xFFFFFB05  }
0x90: {  	_ =	sfence.sel $0x180000  }
0x91: {  	[bflag:$0x0] =	sbarrier.arrive $0xFFFF  }
0x92: {  	p0 =	sne.s32 s1, $0x0;
	_ =	strace $0x90000047  }
0x93: {  	s0 =	sadd.s32 @!p0 $0x100000, s0;
	[bflag:$0x2] =	sbarrier.arrive $0xFFFF  }
0x94: {  	[sflag:s0] =	ssyncadd.tile.s32 @!p0 $0x1;
	_ =	shalt  }
.Lfunc_end2:
_tile_overlayer_lowered:
.L_overlay_start_2:
0x95: {  	(tag) =	ssettag $0x2  }
0x96: {  	s0 =	rddreg [dreg:$0x0];
	s2 =	stileid.u32  }
0x97: {  	s1 =	rddreg [dreg:$0x1];
	p0 =	sne.s32 s2, $0x0  }
0x98: {  	s3 =	rddreg [dreg:$0x2];
	[bflag:$0x3] =	sbarrier.arrive $0xFFFF;
	s2 =	simm.s32 @!p0 $0x1C02  }
0x99: {  	[timem:s3], [sflag:s2] =	dma.local @!p0 [hbm:s0], s1  }
0x9a: {  	s0 =	simm.s32 @!p0 $0x2  }
0x9b: {  	_ =	swait.ge @!p0 [sflag:s0], s1  }
0x9c: {  	s1 =	ssub.s32 @!p0 $0x0, s1;
	[sflag:s0] =	ssyncset.done @!p0 $0x0  }
0x9d: {  	[sflag:s0] =	ssyncadd.s32 @!p0 s1  }
0x9e: {  	[bflag:$0x3] =	sbarrier.arrive $0xFFFF  }
0x9f: {  	_ =	shalt  }

</sc_bundles>
